<compile_context>
chip_gen: v7x
topology: tpu7x:2x2x1
jax: 0.10.2.dev20260603
libtpu: 0.0.44.dev20260713+nightly
codegen_flags: <defaults>
</compile_context>

<pallas_src>
import functools

import jax
import jax.numpy as jnp
import numpy as np
from jax import lax
from jax.experimental import pallas as pl
from jax.experimental.pallas import tpu as pltpu
from jax.experimental.pallas import tpu_sc as plsc

_BF = 96.0
_DIST = np.array([0.5, 1, 1.5, 2, 5, 10, 20, 30, 50, 100], dtype=np.float64)
_INV = _BF / _DIST
_NB = 10
_TLO = float(_INV[-1])
_THI = float(_INV[0])
_LN2 = float(np.log(2.0))

_af = np.zeros(_NB); _bf = np.zeros(_NB)
_ar = np.zeros(_NB); _br = np.zeros(_NB)
for _j in range(_NB):
    if _j <= _NB - 2:
        _s = 1.0 / (_INV[_j] - _INV[_j + 1])
        _af[_j] = _s
        _bf[_j] = -_INV[_j + 1] * _s
    else:
        _af[_j] = 0.0
        _bf[_j] = 1.0
    if _j >= 1:
        _s = 1.0 / (_INV[_j - 1] - _INV[_j])
        _ar[_j] = -_s
        _br[_j] = _INV[_j - 1] * _s
    else:
        _ar[_j] = 0.0
        _br[_j] = 1.0

_CAF = np.broadcast_to(_af[:, None], (_NB, 128)).astype(np.float32).copy()
_CBF = np.broadcast_to(_bf[:, None], (_NB, 128)).astype(np.float32).copy()
_CAR = np.broadcast_to(_ar[:, None], (_NB, 128)).astype(np.float32).copy()
_CBR = np.broadcast_to(_br[:, None], (_NB, 128)).astype(np.float32).copy()

_PA = np.zeros(_NB - 1); _PB = np.zeros(_NB - 1)
for _k in range(_NB - 1):
    _s = 1.0 / (_INV[_k] - _INV[_k + 1])
    _PA[_k] = -_s
    _PB[_k] = _INV[_k] * _s

_mm = np.linspace(1.0, 2.0, 4001)
_L2P = np.polyfit(_mm, np.log2(_mm), 4).astype(np.float32)

_BR = 128
_TCBLK = 128 * _BR



def _tc_body(p_ref, t_ref, af_ref, bf_ref, ar_ref, br_ref, o_ref, acc_ref):
    i = pl.program_id(0)
    ni = pl.num_programs(0)

    @pl.when(i == 0)
    def _():
        acc_ref[...] = jnp.zeros_like(acc_ref)

    af = af_ref[...]
    bf = bf_ref[...]
    ar = ar_ref[...]
    br = br_ref[...]
    tc = jnp.clip(t_ref[...], _TLO, _THI)
    accs = [jnp.zeros((_NB, 128), jnp.float32) for _ in range(4)]
    for k in range(_BR):
        tk = tc[k:k + 1, :]
        w = jnp.maximum(jnp.minimum(af * tk + bf, ar * tk + br), 0.0)
        p = p_ref[:, 128 * k:128 * (k + 1)]
        g1 = jnp.log2(p)
        g0 = jnp.log2(1.0 - p)
        accs[k % 4] = accs[k % 4] + (g0 + w * (g1 - g0))
    acc_ref[...] += (accs[0] + accs[1]) + (accs[2] + accs[3])

    @pl.when(i == ni - 1)
    def _():
        o_ref[0, 0] = jnp.sum(acc_ref[...])


def _tc_sum(pt, t2, tc_lanes):
    return pl.pallas_call(
        _tc_body,
        grid=(tc_lanes // _TCBLK,),
        in_specs=[
            pl.BlockSpec((_NB, _TCBLK), lambda i: (0, i)),
            pl.BlockSpec((_BR, 128), lambda i: (i, 0)),
            pl.BlockSpec((_NB, 128), lambda i: (0, 0)),
            pl.BlockSpec((_NB, 128), lambda i: (0, 0)),
            pl.BlockSpec((_NB, 128), lambda i: (0, 0)),
            pl.BlockSpec((_NB, 128), lambda i: (0, 0)),
        ],
        out_specs=pl.BlockSpec(
            (1, 1), lambda i: (0, 0), memory_space=pltpu.SMEM),
        out_shape=jax.ShapeDtypeStruct((1, 1), jnp.float32),
        scratch_shapes=[pltpu.VMEM((_NB, 128), jnp.float32)],
    )(pt, t2, jnp.asarray(_CAF), jnp.asarray(_CBF),
      jnp.asarray(_CAR), jnp.asarray(_CBR))



_NW = 32


def _sclog2(x):
    bits = lax.bitcast_convert_type(x, jnp.int32)
    e = lax.shift_right_arithmetic(bits, 23) - 127
    m = lax.bitcast_convert_type(
        (bits & 0x007FFFFF) | 0x3F800000, jnp.float32)
    r = jnp.full((16,), float(_L2P[0]), jnp.float32)
    for c in _L2P[1:]:
        r = r * m + jnp.float32(c)
    return e.astype(jnp.float32) + r


def _make_sc_sum(sc_lanes, sc_base):
    mw = sc_lanes // _NW
    scmesh = plsc.VectorSubcoreMesh(core_axis_name="c", subcore_axis_name="s")

    @functools.partial(
        pl.kernel,
        out_type=jax.ShapeDtypeStruct((_NW, 16), jnp.float32),
        mesh=scmesh,
        scratch_types=[
            pltpu.VMEM((8, mw), jnp.float32),
            pltpu.VMEM((2, mw), jnp.float32),
            pltpu.VMEM((mw,), jnp.float32),
            pltpu.VMEM((16,), jnp.float32),
        ],
    )
    def sc_sum(pred_hbm, t_hbm, out_hbm, p8, p2, tb, ob):
        wid = lax.axis_index("s") * 2 + lax.axis_index("c")
        base = sc_base + wid * mw
        pltpu.sync_copy(t_hbm.at[pl.ds(base, mw)], tb)
        pltpu.sync_copy(pred_hbm.at[0:8, pl.ds(base, mw)], p8)
        pltpu.sync_copy(pred_hbm.at[8:10, pl.ds(base, mw)], p2)

        def group(i, acc):
            tv = jnp.clip(tb[pl.ds(i * 16, 16)], _TLO, _THI)
            pos = jnp.zeros((16,), jnp.float32)
            for k in range(_NB - 1):
                seg = jnp.float32(_PA[k]) * tv + jnp.float32(_PB[k])
                pos = pos + jnp.minimum(jnp.maximum(seg, 0.0), 1.0)
            acc2 = acc
            for j in range(_NB):
                src = p8 if j < 8 else p2
                pv = src.at[j if j < 8 else j - 8][pl.ds(i * 16, 16)]
                g1 = _sclog2(pv)
                g0 = _sclog2(1.0 - pv)
                w = jnp.maximum(1.0 - jnp.abs(pos - jnp.float32(j)), 0.0)
                acc2 = acc2 + (g0 + w * (g1 - g0))
            return acc2

        acc = lax.fori_loop(0, mw // 16, group, jnp.zeros((16,), jnp.float32))
        ob[...] = acc
        pltpu.sync_copy(ob, out_hbm.at[wid])

    return sc_sum




def kernel(pred_cost, inv_dist_true):
    n, ncol = pred_cost.shape
    pt = pred_cost.T
    t2 = inv_dist_true.reshape(n // 128, 128)
    tf = inv_dist_true.reshape(-1)
    nblk = n // _TCBLK
    sc_blk = (nblk * 11 + 32) // 64
    sc_lanes = sc_blk * _TCBLK
    tc_lanes = n - sc_lanes
    tc_out = _tc_sum(pt, t2, tc_lanes)
    sc_part = _make_sc_sum(sc_lanes, tc_lanes)(pt, tf)
    total = tc_out[0, 0] + jnp.sum(sc_part)
    return total * jnp.float32(-_LN2) / jnp.float32(n * ncol)

# --- scband reference (transcript-rebuilt; emitter-appended) ---
"""Pipeline reference for scband-volume-cross-entropy-28535762715153 (READ-ONLY COPY).

The authoritative reference and input builder live on the scoring server;
editing this copy changes nothing except your own understanding.
"""

import jax, jax.numpy as jnp
import numpy as np

BF = 96.0
DIST = np.array([0.5, 1, 1.5, 2, 5, 10, 20, 30, 50, 100], dtype=np.float32)
INV = (BF / DIST).astype(np.float32)            # descending, len 10
INV_FLIP = INV[::-1].copy()                      # ascending
WIDTHS = np.diff(INV).astype(np.float32)         # len 9, negative

N = 1048576

def setup_inputs(seed: int = 0) -> dict:
    key = jax.random.key(seed)
    k1, k2 = jax.random.split(key)
    # pred_cost must be a valid probability in (0,1) for BCE; keep away from exact 0/1
    pred_cost = jax.random.uniform(k1, (N, 10), dtype=jnp.float32, minval=1e-6, maxval=1.0 - 1e-6)
    # inv_dist_true spans the bucket range [0.96, 192]; uniform scaled to [0, 200), clamped in forward
    inv_dist_true = jax.random.uniform(k2, (N, 1), dtype=jnp.float32) * 200.0
    return {"pred_cost": pred_cost, "inv_dist_true": inv_dist_true}

def reference(pred_cost, inv_dist_true):
    inv_list = jnp.asarray(INV)
    inv_flip = jnp.asarray(INV_FLIP)
    widths = jnp.asarray(WIDTHS)
    nbins = inv_list.shape[0]
    t = jnp.clip(inv_dist_true, inv_list[-1], inv_list[0])
    # torch.bucketize(v, boundaries, right=False) == searchsorted(boundaries, v, side='left')
    bin_idx = nbins - jnp.searchsorted(inv_flip, t, side='left')
    bin_idx = jnp.clip(bin_idx - 1, 0, nbins - 2).astype(jnp.int32)
    lb = inv_list[bin_idx]
    bw = widths[bin_idx]
    d = (t - lb) / bw
    n = pred_cost.shape[0]
    rows = jnp.arange(n)[:, None]
    true_cost = jnp.zeros_like(pred_cost)
    true_cost = true_cost.at[rows, bin_idx].set(1.0 - d)
    true_cost = true_cost.at[rows, bin_idx + 1].set(d)
    # F.binary_cross_entropy clamps log terms at -100
    log_p = jnp.clip(jnp.log(pred_cost), -100.0, None)
    log_1mp = jnp.clip(jnp.log(1.0 - pred_cost), -100.0, None)
    loss = jnp.mean(-(true_cost * log_p + (1.0 - true_cost) * log_1mp))
    return loss

if __name__ == "__main__":
    import jax
    _d = setup_inputs()
    print(jax.jit(kernel)(*tuple(_d.values())))

</pallas_src>

<mosaic_0001>
#map = affine_map<(d0, d1) -> (0, 0)>
#map1 = affine_map<(d0, d1) -> (0)>
module attributes {stable_mosaic.version = 14 : i64} {
  func.func @sc_sum(%arg0: i32, %arg1: i32, %arg2: memref<10x1048576xf32, #tpu.memory_space<hbm>>, %arg3: memref<1048576xf32, #tpu.memory_space<hbm>>, %arg4: memref<32x16xf32, #tpu.memory_space<hbm>>, %arg5: memref<8x5632xf32, #tpu.memory_space<vmem>>, %arg6: memref<2x5632xf32, #tpu.memory_space<vmem>>, %arg7: memref<5632xf32, #tpu.memory_space<vmem>>, %arg8: memref<16xf32, #tpu.memory_space<vmem>>) attributes {dimension_semantics = [#tpu.dimension_semantics<core_parallel>, #tpu.dimension_semantics<subcore_parallel>], iteration_bounds = array<i64: 2, 16>, scalar_prefetch = 0 : i64, scratch_operands = 4 : i64, tpu.core_type = #tpu.core_type<sc_vector_subcore>, window_params = [{transform_indices = #map}, {transform_indices = #map1}, {transform_indices = #map}]} {
    %mul3A = arith.constant 2 : i32
    %mul3A_0 = arith.muli %arg1, %mul3A : i32
    %add3A = arith.addi %mul3A_0, %arg0 : i32
    %mul3A_1 = arith.constant 5632 : i32
    %mul3A_2 = arith.muli %add3A, %mul3A_1 : i32
    %add3A_3 = arith.constant 868352 : i32
    %add3A_4 = arith.addi %add3A_3, %mul3A_2 : i32
    "tpu.region"() ({
      %run_scoped3A = tpu.sem_alloc : memref<!tpu.dma_semaphore, #tpu.memory_space<semaphore_mem>>
      %dma_start3A = tpu.memref_slice %arg3[%add3A_4] : memref<1048576xf32, #tpu.memory_space<hbm>> -> memref<5632xf32, #tpu.memory_space<hbm>>
      %dma_start3A_14 = tpu.memref_slice %arg3[%add3A_4] : memref<1048576xf32, #tpu.memory_space<hbm>> -> memref<5632xf32, #tpu.memory_space<hbm>>
      tpu.enqueue_dma source(%dma_start3A_14 : memref<5632xf32, #tpu.memory_space<hbm>>) target(%arg7 : memref<5632xf32, #tpu.memory_space<vmem>>) target_semaphore(%run_scoped3A : memref<!tpu.dma_semaphore, #tpu.memory_space<semaphore_mem>>)
      %dma_wait3A = tpu.memref_slice %arg3[%add3A_4] : memref<1048576xf32, #tpu.memory_space<hbm>> -> memref<5632xf32, #tpu.memory_space<hbm>>
      %dma_wait3A_15 = tpu.memref_slice %arg3[%add3A_4] : memref<1048576xf32, #tpu.memory_space<hbm>> -> memref<5632xf32, #tpu.memory_space<hbm>>
      tpu.wait_dma2 semaphore(%run_scoped3A : memref<!tpu.dma_semaphore, #tpu.memory_space<semaphore_mem>>) src(%dma_wait3A_15 : memref<5632xf32, #tpu.memory_space<hbm>>) dst(%arg7 : memref<5632xf32, #tpu.memory_space<vmem>>)
      tpu.yield
    }) : () -> ()
    "tpu.region"() ({
      %run_scoped3A = tpu.sem_alloc : memref<!tpu.dma_semaphore, #tpu.memory_space<semaphore_mem>>
      %dma_start3A = arith.constant 0 : i32
      %dma_start3A_14 = tpu.memref_slice %arg2[%dma_start3A, %add3A_4] : memref<10x1048576xf32, #tpu.memory_space<hbm>> -> memref<8x5632xf32, #tpu.memory_space<hbm>>
      %dma_start3A_15 = arith.constant 0 : i32
      %dma_start3A_16 = tpu.memref_slice %arg2[%dma_start3A_15, %add3A_4] : memref<10x1048576xf32, #tpu.memory_space<hbm>> -> memref<8x5632xf32, #tpu.memory_space<hbm>>
      tpu.enqueue_dma source(%dma_start3A_16 : memref<8x5632xf32, #tpu.memory_space<hbm>>) target(%arg5 : memref<8x5632xf32, #tpu.memory_space<vmem>>) target_semaphore(%run_scoped3A : memref<!tpu.dma_semaphore, #tpu.memory_space<semaphore_mem>>)
      %dma_wait3A = arith.constant 0 : i32
      %dma_wait3A_17 = tpu.memref_slice %arg2[%dma_wait3A, %add3A_4] : memref<10x1048576xf32, #tpu.memory_space<hbm>> -> memref<8x5632xf32, #tpu.memory_space<hbm>>
      %dma_wait3A_18 = arith.constant 0 : i32
      %dma_wait3A_19 = tpu.memref_slice %arg2[%dma_wait3A_18, %add3A_4] : memref<10x1048576xf32, #tpu.memory_space<hbm>> -> memref<8x5632xf32, #tpu.memory_space<hbm>>
      tpu.wait_dma2 semaphore(%run_scoped3A : memref<!tpu.dma_semaphore, #tpu.memory_space<semaphore_mem>>) src(%dma_wait3A_19 : memref<8x5632xf32, #tpu.memory_space<hbm>>) dst(%arg5 : memref<8x5632xf32, #tpu.memory_space<vmem>>)
      tpu.yield
    }) : () -> ()
    "tpu.region"() ({
      %run_scoped3A = tpu.sem_alloc : memref<!tpu.dma_semaphore, #tpu.memory_space<semaphore_mem>>
      %dma_start3A = arith.constant 8 : i32
      %dma_start3A_14 = tpu.memref_slice %arg2[%dma_start3A, %add3A_4] : memref<10x1048576xf32, #tpu.memory_space<hbm>> -> memref<2x5632xf32, #tpu.memory_space<hbm>>
      %dma_start3A_15 = arith.constant 8 : i32
      %dma_start3A_16 = tpu.memref_slice %arg2[%dma_start3A_15, %add3A_4] : memref<10x1048576xf32, #tpu.memory_space<hbm>> -> memref<2x5632xf32, #tpu.memory_space<hbm>>
      tpu.enqueue_dma source(%dma_start3A_16 : memref<2x5632xf32, #tpu.memory_space<hbm>>) target(%arg6 : memref<2x5632xf32, #tpu.memory_space<vmem>>) target_semaphore(%run_scoped3A : memref<!tpu.dma_semaphore, #tpu.memory_space<semaphore_mem>>)
      %dma_wait3A = arith.constant 8 : i32
      %dma_wait3A_17 = tpu.memref_slice %arg2[%dma_wait3A, %add3A_4] : memref<10x1048576xf32, #tpu.memory_space<hbm>> -> memref<2x5632xf32, #tpu.memory_space<hbm>>
      %dma_wait3A_18 = arith.constant 8 : i32
      %dma_wait3A_19 = tpu.memref_slice %arg2[%dma_wait3A_18, %add3A_4] : memref<10x1048576xf32, #tpu.memory_space<hbm>> -> memref<2x5632xf32, #tpu.memory_space<hbm>>
      tpu.wait_dma2 semaphore(%run_scoped3A : memref<!tpu.dma_semaphore, #tpu.memory_space<semaphore_mem>>) src(%dma_wait3A_19 : memref<2x5632xf32, #tpu.memory_space<hbm>>) dst(%arg6 : memref<2x5632xf32, #tpu.memory_space<vmem>>)
      tpu.yield
    }) : () -> ()
    %broadcast_in_dim3A = arith.constant 0.000000e+00 : f32
    %broadcast_in_dim3A_5 = vector.broadcast %broadcast_in_dim3A : f32 to vector<16xf32>
    %scan3A = arith.constant 0 : i32
    %scan3A_6 = arith.constant 352 : i32
    %scan3A_7 = arith.addi %scan3A, %scan3A_6 : i32
    %scan3A_8 = arith.constant 1 : i32
    %scan3A_9 = scf.for %scan3A_14 = %scan3A to %scan3A_7 step %scan3A_8 iter_args(%scan3A_15 = %broadcast_in_dim3A_5) -> (vector<16xf32>)  : i32 {
      %mul3A_16 = arith.constant 16 : i32
      %mul3A_17 = arith.muli %scan3A_14, %mul3A_16 : i32
      %get3A = arith.index_cast %mul3A_17 : i32 to index
      %get3A_18 = tpu.vector_load %arg7[%get3A] {strides = array<i32>} : memref<5632xf32, #tpu.memory_space<vmem>>, vector<16xf32>,
      %get3A_19 = vector.shape_cast %get3A_18 : vector<16xf32> to vector<16xf32>
      %jit3A = arith.constant 0.959999978 : f32
      %jit3A_20 = arith.constant 1.920000e+02 : f32
      %max3A = vector.broadcast %jit3A : f32 to vector<16xf32>
      %max3A_21 = arith.maximumf %max3A, %get3A_19 : vector<16xf32>
      %min3A = vector.broadcast %jit3A_20 : f32 to vector<16xf32>
      %min3A_22 = arith.minimumf %min3A, %max3A_21 : vector<16xf32>
      %broadcast_in_dim3A_23 = arith.constant 0.000000e+00 : f32
      %broadcast_in_dim3A_24 = vector.broadcast %broadcast_in_dim3A_23 : f32 to vector<16xf32>
      %mul3A_25 = arith.constant -0.010416667 : f32
      %mul3A_26 = vector.broadcast %mul3A_25 : f32 to vector<16xf32>
      %mul3A_27 = arith.mulf %mul3A_26, %min3A_22 : vector<16xf32>
      %add3A_28 = arith.constant 2.000000e+00 : f32
      %add3A_29 = vector.broadcast %add3A_28 : f32 to vector<16xf32>
      %add3A_30 = arith.addf %mul3A_27, %add3A_29 : vector<16xf32>
      %max3A_31 = arith.constant 0.000000e+00 : f32
      %max3A_32 = vector.broadcast %max3A_31 : f32 to vector<16xf32>
      %max3A_33 = arith.maximumf %add3A_30, %max3A_32 : vector<16xf32>
      %min3A_34 = arith.constant 1.000000e+00 : f32
      %min3A_35 = vector.broadcast %min3A_34 : f32 to vector<16xf32>
      %min3A_36 = arith.minimumf %max3A_33, %min3A_35 : vector<16xf32>
      %add3A_37 = arith.addf %broadcast_in_dim3A_24, %min3A_36 : vector<16xf32>
      %mul3A_38 = arith.constant -3.125000e-02 : f32
      %mul3A_39 = vector.broadcast %mul3A_38 : f32 to vector<16xf32>
      %mul3A_40 = arith.mulf %mul3A_39, %min3A_22 : vector<16xf32>
      %add3A_41 = arith.constant 3.000000e+00 : f32
      %add3A_42 = vector.broadcast %add3A_41 : f32 to vector<16xf32>
      %add3A_43 = arith.addf %mul3A_40, %add3A_42 : vector<16xf32>
      %max3A_44 = arith.constant 0.000000e+00 : f32
      %max3A_45 = vector.broadcast %max3A_44 : f32 to vector<16xf32>
      %max3A_46 = arith.maximumf %add3A_43, %max3A_45 : vector<16xf32>
      %min3A_47 = arith.constant 1.000000e+00 : f32
      %min3A_48 = vector.broadcast %min3A_47 : f32 to vector<16xf32>
      %min3A_49 = arith.minimumf %max3A_46, %min3A_48 : vector<16xf32>
      %add3A_50 = arith.addf %add3A_37, %min3A_49 : vector<16xf32>
      %mul3A_51 = arith.constant -6.250000e-02 : f32
      %mul3A_52 = vector.broadcast %mul3A_51 : f32 to vector<16xf32>
      %mul3A_53 = arith.mulf %mul3A_52, %min3A_22 : vector<16xf32>
      %add3A_54 = arith.constant 4.000000e+00 : f32
      %add3A_55 = vector.broadcast %add3A_54 : f32 to vector<16xf32>
      %add3A_56 = arith.addf %mul3A_53, %add3A_55 : vector<16xf32>
      %max3A_57 = arith.constant 0.000000e+00 : f32
      %max3A_58 = vector.broadcast %max3A_57 : f32 to vector<16xf32>
      %max3A_59 = arith.maximumf %add3A_56, %max3A_58 : vector<16xf32>
      %min3A_60 = arith.constant 1.000000e+00 : f32
      %min3A_61 = vector.broadcast %min3A_60 : f32 to vector<16xf32>
      %min3A_62 = arith.minimumf %max3A_59, %min3A_61 : vector<16xf32>
      %add3A_63 = arith.addf %add3A_50, %min3A_62 : vector<16xf32>
      %mul3A_64 = arith.constant -0.0347222239 : f32
      %mul3A_65 = vector.broadcast %mul3A_64 : f32 to vector<16xf32>
      %mul3A_66 = arith.mulf %mul3A_65, %min3A_22 : vector<16xf32>
      %add3A_67 = arith.constant 1.66666663 : f32
      %add3A_68 = vector.broadcast %add3A_67 : f32 to vector<16xf32>
      %add3A_69 = arith.addf %mul3A_66, %add3A_68 : vector<16xf32>
      %max3A_70 = arith.constant 0.000000e+00 : f32
      %max3A_71 = vector.broadcast %max3A_70 : f32 to vector<16xf32>
      %max3A_72 = arith.maximumf %add3A_69, %max3A_71 : vector<16xf32>
      %min3A_73 = arith.constant 1.000000e+00 : f32
      %min3A_74 = vector.broadcast %min3A_73 : f32 to vector<16xf32>
      %min3A_75 = arith.minimumf %max3A_72, %min3A_74 : vector<16xf32>
      %add3A_76 = arith.addf %add3A_63, %min3A_75 : vector<16xf32>
      %mul3A_77 = arith.constant -0.104166664 : f32
      %mul3A_78 = vector.broadcast %mul3A_77 : f32 to vector<16xf32>
      %mul3A_79 = arith.mulf %mul3A_78, %min3A_22 : vector<16xf32>
      %add3A_80 = arith.constant 2.000000e+00 : f32
      %add3A_81 = vector.broadcast %add3A_80 : f32 to vector<16xf32>
      %add3A_82 = arith.addf %mul3A_79, %add3A_81 : vector<16xf32>
      %max3A_83 = arith.constant 0.000000e+00 : f32
      %max3A_84 = vector.broadcast %max3A_83 : f32 to vector<16xf32>
      %max3A_85 = arith.maximumf %add3A_82, %max3A_84 : vector<16xf32>
      %min3A_86 = arith.constant 1.000000e+00 : f32
      %min3A_87 = vector.broadcast %min3A_86 : f32 to vector<16xf32>
      %min3A_88 = arith.minimumf %max3A_85, %min3A_87 : vector<16xf32>
      %add3A_89 = arith.addf %add3A_76, %min3A_88 : vector<16xf32>
      %mul3A_90 = arith.constant -0.208333328 : f32
      %mul3A_91 = vector.broadcast %mul3A_90 : f32 to vector<16xf32>
      %mul3A_92 = arith.mulf %mul3A_91, %min3A_22 : vector<16xf32>
      %add3A_93 = arith.constant 2.000000e+00 : f32
      %add3A_94 = vector.broadcast %add3A_93 : f32 to vector<16xf32>
      %add3A_95 = arith.addf %mul3A_92, %add3A_94 : vector<16xf32>
      %max3A_96 = arith.constant 0.000000e+00 : f32
      %max3A_97 = vector.broadcast %max3A_96 : f32 to vector<16xf32>
      %max3A_98 = arith.maximumf %add3A_95, %max3A_97 : vector<16xf32>
      %min3A_99 = arith.constant 1.000000e+00 : f32
      %min3A_100 = vector.broadcast %min3A_99 : f32 to vector<16xf32>
      %min3A_101 = arith.minimumf %max3A_98, %min3A_100 : vector<16xf32>
      %add3A_102 = arith.addf %add3A_89, %min3A_101 : vector<16xf32>
      %mul3A_103 = arith.constant -6.250000e-01 : f32
      %mul3A_104 = vector.broadcast %mul3A_103 : f32 to vector<16xf32>
      %mul3A_105 = arith.mulf %mul3A_104, %min3A_22 : vector<16xf32>
      %add3A_106 = arith.constant 3.000000e+00 : f32
      %add3A_107 = vector.broadcast %add3A_106 : f32 to vector<16xf32>
      %add3A_108 = arith.addf %mul3A_105, %add3A_107 : vector<16xf32>
      %max3A_109 = arith.constant 0.000000e+00 : f32
      %max3A_110 = vector.broadcast %max3A_109 : f32 to vector<16xf32>
      %max3A_111 = arith.maximumf %add3A_108, %max3A_110 : vector<16xf32>
      %min3A_112 = arith.constant 1.000000e+00 : f32
      %min3A_113 = vector.broadcast %min3A_112 : f32 to vector<16xf32>
      %min3A_114 = arith.minimumf %max3A_111, %min3A_113 : vector<16xf32>
      %add3A_115 = arith.addf %add3A_102, %min3A_114 : vector<16xf32>
      %mul3A_116 = arith.constant -7.812500e-01 : f32
      %mul3A_117 = vector.broadcast %mul3A_116 : f32 to vector<16xf32>
      %mul3A_118 = arith.mulf %mul3A_117, %min3A_22 : vector<16xf32>
      %add3A_119 = arith.constant 2.500000e+00 : f32
      %add3A_120 = vector.broadcast %add3A_119 : f32 to vector<16xf32>
      %add3A_121 = arith.addf %mul3A_118, %add3A_120 : vector<16xf32>
      %max3A_122 = arith.constant 0.000000e+00 : f32
      %max3A_123 = vector.broadcast %max3A_122 : f32 to vector<16xf32>
      %max3A_124 = arith.maximumf %add3A_121, %max3A_123 : vector<16xf32>
      %min3A_125 = arith.constant 1.000000e+00 : f32
      %min3A_126 = vector.broadcast %min3A_125 : f32 to vector<16xf32>
      %min3A_127 = arith.minimumf %max3A_124, %min3A_126 : vector<16xf32>
      %add3A_128 = arith.addf %add3A_115, %min3A_127 : vector<16xf32>
      %mul3A_129 = arith.constant -1.04166663 : f32
      %mul3A_130 = vector.broadcast %mul3A_129 : f32 to vector<16xf32>
      %mul3A_131 = arith.mulf %mul3A_130, %min3A_22 : vector<16xf32>
      %add3A_132 = arith.constant 2.000000e+00 : f32
      %add3A_133 = vector.broadcast %add3A_132 : f32 to vector<16xf32>
      %add3A_134 = arith.addf %mul3A_131, %add3A_133 : vector<16xf32>
      %max3A_135 = arith.constant 0.000000e+00 : f32
      %max3A_136 = vector.broadcast %max3A_135 : f32 to vector<16xf32>
      %max3A_137 = arith.maximumf %add3A_134, %max3A_136 : vector<16xf32>
      %min3A_138 = arith.constant 1.000000e+00 : f32
      %min3A_139 = vector.broadcast %min3A_138 : f32 to vector<16xf32>
      %min3A_140 = arith.minimumf %max3A_137, %min3A_139 : vector<16xf32>
      %add3A_141 = arith.addf %add3A_128, %min3A_140 : vector<16xf32>
      %mul3A_142 = arith.constant 16 : i32
      %mul3A_143 = arith.muli %scan3A_14, %mul3A_142 : i32
      %get3A_144 = arith.constant 0 : i32
      %get3A_145 = arith.constant 0 : i32
      %get3A_146 = tpu.memref_slice %arg5[%get3A_144, %get3A_145] : memref<8x5632xf32, #tpu.memory_space<vmem>> -> memref<1x5632xf32, #tpu.memory_space<vmem>>
      %get3A_147 = tpu.memref_squeeze %get3A_146 : memref<1x5632xf32, #tpu.memory_space<vmem>> -> memref<5632xf32, #tpu.memory_space<vmem>>
      %get3A_148 = arith.index_cast %mul3A_143 : i32 to index
      %get3A_149 = tpu.vector_load %get3A_147[%get3A_148] {strides = array<i32>} : memref<5632xf32, #tpu.memory_space<vmem>>, vector<16xf32>,
      %get3A_150 = vector.shape_cast %get3A_149 : vector<16xf32> to vector<16xf32>
      %bitcast_convert_type3A = tpu.bitcast %get3A_150 : vector<16xf32> -> vector<16xi32>
      %shift_right_arithmetic3A = arith.constant 23 : i32
      %shift_right_arithmetic3A_151 = vector.broadcast %shift_right_arithmetic3A : i32 to vector<16xi32>
      %shift_right_arithmetic3A_152 = arith.shrsi %bitcast_convert_type3A, %shift_right_arithmetic3A_151 : vector<16xi32>
      %sub3A = arith.constant 127 : i32
      %sub3A_153 = vector.broadcast %sub3A : i32 to vector<16xi32>
      %sub3A_154 = arith.subi %shift_right_arithmetic3A_152, %sub3A_153 : vector<16xi32>
      %and3A = arith.constant 8388607 : i32
      %and3A_155 = vector.broadcast %and3A : i32 to vector<16xi32>
      %and3A_156 = arith.andi %bitcast_convert_type3A, %and3A_155 : vector<16xi32>
      %or3A = arith.constant 1065353216 : i32
      %or3A_157 = vector.broadcast %or3A : i32 to vector<16xi32>
      %or3A_158 = arith.ori %and3A_156, %or3A_157 : vector<16xi32>
      %bitcast_convert_type3A_159 = tpu.bitcast %or3A_158 : vector<16xi32> -> vector<16xf32>
      %broadcast_in_dim3A_160 = arith.constant -0.0791538357 : f32
      %broadcast_in_dim3A_161 = vector.broadcast %broadcast_in_dim3A_160 : f32 to vector<16xf32>
      %mul3A_162 = arith.mulf %broadcast_in_dim3A_161, %bitcast_convert_type3A_159 : vector<16xf32>
      %add3A_163 = arith.constant 0.628841459 : f32
      %add3A_164 = vector.broadcast %add3A_163 : f32 to vector<16xf32>
      %add3A_165 = arith.addf %mul3A_162, %add3A_164 : vector<16xf32>
      %mul3A_166 = arith.mulf %add3A_165, %bitcast_convert_type3A_159 : vector<16xf32>
      %add3A_167 = arith.constant -2.0811286 : f32
      %add3A_168 = vector.broadcast %add3A_167 : f32 to vector<16xf32>
      %add3A_169 = arith.addf %mul3A_166, %add3A_168 : vector<16xf32>
      %mul3A_170 = arith.mulf %add3A_169, %bitcast_convert_type3A_159 : vector<16xf32>
      %add3A_171 = arith.constant 4.02845049 : f32
      %add3A_172 = vector.broadcast %add3A_171 : f32 to vector<16xf32>
      %add3A_173 = arith.addf %mul3A_170, %add3A_172 : vector<16xf32>
      %mul3A_174 = arith.mulf %add3A_173, %bitcast_convert_type3A_159 : vector<16xf32>
      %add3A_175 = arith.constant -2.49680591 : f32
      %add3A_176 = vector.broadcast %add3A_175 : f32 to vector<16xf32>
      %add3A_177 = arith.addf %mul3A_174, %add3A_176 : vector<16xf32>
      %convert_element_type3A = arith.sitofp %sub3A_154 : vector<16xi32> to vector<16xf32>
      %add3A_178 = arith.addf %convert_element_type3A, %add3A_177 : vector<16xf32>
      %sub3A_179 = arith.constant 1.000000e+00 : f32
      %sub3A_180 = vector.broadcast %sub3A_179 : f32 to vector<16xf32>
      %sub3A_181 = arith.subf %sub3A_180, %get3A_150 : vector<16xf32>
      %bitcast_convert_type3A_182 = tpu.bitcast %sub3A_181 : vector<16xf32> -> vector<16xi32>
      %shift_right_arithmetic3A_183 = arith.constant 23 : i32
      %shift_right_arithmetic3A_184 = vector.broadcast %shift_right_arithmetic3A_183 : i32 to vector<16xi32>
      %shift_right_arithmetic3A_185 = arith.shrsi %bitcast_convert_type3A_182, %shift_right_arithmetic3A_184 : vector<16xi32>
      %sub3A_186 = arith.constant 127 : i32
      %sub3A_187 = vector.broadcast %sub3A_186 : i32 to vector<16xi32>
      %sub3A_188 = arith.subi %shift_right_arithmetic3A_185, %sub3A_187 : vector<16xi32>
      %and3A_189 = arith.constant 8388607 : i32
      %and3A_190 = vector.broadcast %and3A_189 : i32 to vector<16xi32>
      %and3A_191 = arith.andi %bitcast_convert_type3A_182, %and3A_190 : vector<16xi32>
      %or3A_192 = arith.constant 1065353216 : i32
      %or3A_193 = vector.broadcast %or3A_192 : i32 to vector<16xi32>
      %or3A_194 = arith.ori %and3A_191, %or3A_193 : vector<16xi32>
      %bitcast_convert_type3A_195 = tpu.bitcast %or3A_194 : vector<16xi32> -> vector<16xf32>
      %broadcast_in_dim3A_196 = arith.constant -0.0791538357 : f32
      %broadcast_in_dim3A_197 = vector.broadcast %broadcast_in_dim3A_196 : f32 to vector<16xf32>
      %mul3A_198 = arith.mulf %broadcast_in_dim3A_197, %bitcast_convert_type3A_195 : vector<16xf32>
      %add3A_199 = arith.constant 0.628841459 : f32
      %add3A_200 = vector.broadcast %add3A_199 : f32 to vector<16xf32>
      %add3A_201 = arith.addf %mul3A_198, %add3A_200 : vector<16xf32>
      %mul3A_202 = arith.mulf %add3A_201, %bitcast_convert_type3A_195 : vector<16xf32>
      %add3A_203 = arith.constant -2.0811286 : f32
      %add3A_204 = vector.broadcast %add3A_203 : f32 to vector<16xf32>
      %add3A_205 = arith.addf %mul3A_202, %add3A_204 : vector<16xf32>
      %mul3A_206 = arith.mulf %add3A_205, %bitcast_convert_type3A_195 : vector<16xf32>
      %add3A_207 = arith.constant 4.02845049 : f32
      %add3A_208 = vector.broadcast %add3A_207 : f32 to vector<16xf32>
      %add3A_209 = arith.addf %mul3A_206, %add3A_208 : vector<16xf32>
      %mul3A_210 = arith.mulf %add3A_209, %bitcast_convert_type3A_195 : vector<16xf32>
      %add3A_211 = arith.constant -2.49680591 : f32
      %add3A_212 = vector.broadcast %add3A_211 : f32 to vector<16xf32>
      %add3A_213 = arith.addf %mul3A_210, %add3A_212 : vector<16xf32>
      %convert_element_type3A_214 = arith.sitofp %sub3A_188 : vector<16xi32> to vector<16xf32>
      %add3A_215 = arith.addf %convert_element_type3A_214, %add3A_213 : vector<16xf32>
      %sub3A_216 = arith.constant 0.000000e+00 : f32
      %sub3A_217 = vector.broadcast %sub3A_216 : f32 to vector<16xf32>
      %sub3A_218 = arith.subf %add3A_141, %sub3A_217 : vector<16xf32>
      %abs3A = math.absf %sub3A_218 : vector<16xf32>
      %sub3A_219 = arith.constant 1.000000e+00 : f32
      %sub3A_220 = vector.broadcast %sub3A_219 : f32 to vector<16xf32>
      %sub3A_221 = arith.subf %sub3A_220, %abs3A : vector<16xf32>
      %max3A_222 = arith.constant 0.000000e+00 : f32
      %max3A_223 = vector.broadcast %max3A_222 : f32 to vector<16xf32>
      %max3A_224 = arith.maximumf %sub3A_221, %max3A_223 : vector<16xf32>
      %sub3A_225 = arith.subf %add3A_178, %add3A_215 : vector<16xf32>
      %mul3A_226 = arith.mulf %max3A_224, %sub3A_225 : vector<16xf32>
      %add3A_227 = arith.addf %add3A_215, %mul3A_226 : vector<16xf32>
      %add3A_228 = arith.addf %scan3A_15, %add3A_227 : vector<16xf32>
      %mul3A_229 = arith.constant 16 : i32
      %mul3A_230 = arith.muli %scan3A_14, %mul3A_229 : i32
      %get3A_231 = arith.constant 1 : i32
      %get3A_232 = arith.constant 0 : i32
      %get3A_233 = tpu.memref_slice %arg5[%get3A_231, %get3A_232] : memref<8x5632xf32, #tpu.memory_space<vmem>> -> memref<1x5632xf32, #tpu.memory_space<vmem>>
      %get3A_234 = tpu.memref_squeeze %get3A_233 : memref<1x5632xf32, #tpu.memory_space<vmem>> -> memref<5632xf32, #tpu.memory_space<vmem>>
      %get3A_235 = arith.index_cast %mul3A_230 : i32 to index
      %get3A_236 = tpu.vector_load %get3A_234[%get3A_235] {strides = array<i32>} : memref<5632xf32, #tpu.memory_space<vmem>>, vector<16xf32>,
      %get3A_237 = vector.shape_cast %get3A_236 : vector<16xf32> to vector<16xf32>
      %bitcast_convert_type3A_238 = tpu.bitcast %get3A_237 : vector<16xf32> -> vector<16xi32>
      %shift_right_arithmetic3A_239 = arith.constant 23 : i32
      %shift_right_arithmetic3A_240 = vector.broadcast %shift_right_arithmetic3A_239 : i32 to vector<16xi32>
      %shift_right_arithmetic3A_241 = arith.shrsi %bitcast_convert_type3A_238, %shift_right_arithmetic3A_240 : vector<16xi32>
      %sub3A_242 = arith.constant 127 : i32
      %sub3A_243 = vector.broadcast %sub3A_242 : i32 to vector<16xi32>
      %sub3A_244 = arith.subi %shift_right_arithmetic3A_241, %sub3A_243 : vector<16xi32>
      %and3A_245 = arith.constant 8388607 : i32
      %and3A_246 = vector.broadcast %and3A_245 : i32 to vector<16xi32>
      %and3A_247 = arith.andi %bitcast_convert_type3A_238, %and3A_246 : vector<16xi32>
      %or3A_248 = arith.constant 1065353216 : i32
      %or3A_249 = vector.broadcast %or3A_248 : i32 to vector<16xi32>
      %or3A_250 = arith.ori %and3A_247, %or3A_249 : vector<16xi32>
      %bitcast_convert_type3A_251 = tpu.bitcast %or3A_250 : vector<16xi32> -> vector<16xf32>
      %broadcast_in_dim3A_252 = arith.constant -0.0791538357 : f32
      %broadcast_in_dim3A_253 = vector.broadcast %broadcast_in_dim3A_252 : f32 to vector<16xf32>
      %mul3A_254 = arith.mulf %broadcast_in_dim3A_253, %bitcast_convert_type3A_251 : vector<16xf32>
      %add3A_255 = arith.constant 0.628841459 : f32
      %add3A_256 = vector.broadcast %add3A_255 : f32 to vector<16xf32>
      %add3A_257 = arith.addf %mul3A_254, %add3A_256 : vector<16xf32>
      %mul3A_258 = arith.mulf %add3A_257, %bitcast_convert_type3A_251 : vector<16xf32>
      %add3A_259 = arith.constant -2.0811286 : f32
      %add3A_260 = vector.broadcast %add3A_259 : f32 to vector<16xf32>
      %add3A_261 = arith.addf %mul3A_258, %add3A_260 : vector<16xf32>
      %mul3A_262 = arith.mulf %add3A_261, %bitcast_convert_type3A_251 : vector<16xf32>
      %add3A_263 = arith.constant 4.02845049 : f32
      %add3A_264 = vector.broadcast %add3A_263 : f32 to vector<16xf32>
      %add3A_265 = arith.addf %mul3A_262, %add3A_264 : vector<16xf32>
      %mul3A_266 = arith.mulf %add3A_265, %bitcast_convert_type3A_251 : vector<16xf32>
      %add3A_267 = arith.constant -2.49680591 : f32
      %add3A_268 = vector.broadcast %add3A_267 : f32 to vector<16xf32>
      %add3A_269 = arith.addf %mul3A_266, %add3A_268 : vector<16xf32>
      %convert_element_type3A_270 = arith.sitofp %sub3A_244 : vector<16xi32> to vector<16xf32>
      %add3A_271 = arith.addf %convert_element_type3A_270, %add3A_269 : vector<16xf32>
      %sub3A_272 = arith.constant 1.000000e+00 : f32
      %sub3A_273 = vector.broadcast %sub3A_272 : f32 to vector<16xf32>
      %sub3A_274 = arith.subf %sub3A_273, %get3A_237 : vector<16xf32>
      %bitcast_convert_type3A_275 = tpu.bitcast %sub3A_274 : vector<16xf32> -> vector<16xi32>
      %shift_right_arithmetic3A_276 = arith.constant 23 : i32
      %shift_right_arithmetic3A_277 = vector.broadcast %shift_right_arithmetic3A_276 : i32 to vector<16xi32>
      %shift_right_arithmetic3A_278 = arith.shrsi %bitcast_convert_type3A_275, %shift_right_arithmetic3A_277 : vector<16xi32>
      %sub3A_279 = arith.constant 127 : i32
      %sub3A_280 = vector.broadcast %sub3A_279 : i32 to vector<16xi32>
      %sub3A_281 = arith.subi %shift_right_arithmetic3A_278, %sub3A_280 : vector<16xi32>
      %and3A_282 = arith.constant 8388607 : i32
      %and3A_283 = vector.broadcast %and3A_282 : i32 to vector<16xi32>
      %and3A_284 = arith.andi %bitcast_convert_type3A_275, %and3A_283 : vector<16xi32>
      %or3A_285 = arith.constant 1065353216 : i32
      %or3A_286 = vector.broadcast %or3A_285 : i32 to vector<16xi32>
      %or3A_287 = arith.ori %and3A_284, %or3A_286 : vector<16xi32>
      %bitcast_convert_type3A_288 = tpu.bitcast %or3A_287 : vector<16xi32> -> vector<16xf32>
      %broadcast_in_dim3A_289 = arith.constant -0.0791538357 : f32
      %broadcast_in_dim3A_290 = vector.broadcast %broadcast_in_dim3A_289 : f32 to vector<16xf32>
      %mul3A_291 = arith.mulf %broadcast_in_dim3A_290, %bitcast_convert_type3A_288 : vector<16xf32>
      %add3A_292 = arith.constant 0.628841459 : f32
      %add3A_293 = vector.broadcast %add3A_292 : f32 to vector<16xf32>
      %add3A_294 = arith.addf %mul3A_291, %add3A_293 : vector<16xf32>
      %mul3A_295 = arith.mulf %add3A_294, %bitcast_convert_type3A_288 : vector<16xf32>
      %add3A_296 = arith.constant -2.0811286 : f32
      %add3A_297 = vector.broadcast %add3A_296 : f32 to vector<16xf32>
      %add3A_298 = arith.addf %mul3A_295, %add3A_297 : vector<16xf32>
      %mul3A_299 = arith.mulf %add3A_298, %bitcast_convert_type3A_288 : vector<16xf32>
      %add3A_300 = arith.constant 4.02845049 : f32
      %add3A_301 = vector.broadcast %add3A_300 : f32 to vector<16xf32>
      %add3A_302 = arith.addf %mul3A_299, %add3A_301 : vector<16xf32>
      %mul3A_303 = arith.mulf %add3A_302, %bitcast_convert_type3A_288 : vector<16xf32>
      %add3A_304 = arith.constant -2.49680591 : f32
      %add3A_305 = vector.broadcast %add3A_304 : f32 to vector<16xf32>
      %add3A_306 = arith.addf %mul3A_303, %add3A_305 : vector<16xf32>
      %convert_element_type3A_307 = arith.sitofp %sub3A_281 : vector<16xi32> to vector<16xf32>
      %add3A_308 = arith.addf %convert_element_type3A_307, %add3A_306 : vector<16xf32>
      %sub3A_309 = arith.constant 1.000000e+00 : f32
      %sub3A_310 = vector.broadcast %sub3A_309 : f32 to vector<16xf32>
      %sub3A_311 = arith.subf %add3A_141, %sub3A_310 : vector<16xf32>
      %abs3A_312 = math.absf %sub3A_311 : vector<16xf32>
      %sub3A_313 = arith.constant 1.000000e+00 : f32
      %sub3A_314 = vector.broadcast %sub3A_313 : f32 to vector<16xf32>
      %sub3A_315 = arith.subf %sub3A_314, %abs3A_312 : vector<16xf32>
      %max3A_316 = arith.constant 0.000000e+00 : f32
      %max3A_317 = vector.broadcast %max3A_316 : f32 to vector<16xf32>
      %max3A_318 = arith.maximumf %sub3A_315, %max3A_317 : vector<16xf32>
      %sub3A_319 = arith.subf %add3A_271, %add3A_308 : vector<16xf32>
      %mul3A_320 = arith.mulf %max3A_318, %sub3A_319 : vector<16xf32>
      %add3A_321 = arith.addf %add3A_308, %mul3A_320 : vector<16xf32>
      %add3A_322 = arith.addf %add3A_228, %add3A_321 : vector<16xf32>
      %mul3A_323 = arith.constant 16 : i32
      %mul3A_324 = arith.muli %scan3A_14, %mul3A_323 : i32
      %get3A_325 = arith.constant 2 : i32
      %get3A_326 = arith.constant 0 : i32
      %get3A_327 = tpu.memref_slice %arg5[%get3A_325, %get3A_326] : memref<8x5632xf32, #tpu.memory_space<vmem>> -> memref<1x5632xf32, #tpu.memory_space<vmem>>
      %get3A_328 = tpu.memref_squeeze %get3A_327 : memref<1x5632xf32, #tpu.memory_space<vmem>> -> memref<5632xf32, #tpu.memory_space<vmem>>
      %get3A_329 = arith.index_cast %mul3A_324 : i32 to index
      %get3A_330 = tpu.vector_load %get3A_328[%get3A_329] {strides = array<i32>} : memref<5632xf32, #tpu.memory_space<vmem>>, vector<16xf32>,
      %get3A_331 = vector.shape_cast %get3A_330 : vector<16xf32> to vector<16xf32>
      %bitcast_convert_type3A_332 = tpu.bitcast %get3A_331 : vector<16xf32> -> vector<16xi32>
      %shift_right_arithmetic3A_333 = arith.constant 23 : i32
      %shift_right_arithmetic3A_334 = vector.broadcast %shift_right_arithmetic3A_333 : i32 to vector<16xi32>
      %shift_right_arithmetic3A_335 = arith.shrsi %bitcast_convert_type3A_332, %shift_right_arithmetic3A_334 : vector<16xi32>
      %sub3A_336 = arith.constant 127 : i32
      %sub3A_337 = vector.broadcast %sub3A_336 : i32 to vector<16xi32>
      %sub3A_338 = arith.subi %shift_right_arithmetic3A_335, %sub3A_337 : vector<16xi32>
      %and3A_339 = arith.constant 8388607 : i32
      %and3A_340 = vector.broadcast %and3A_339 : i32 to vector<16xi32>
      %and3A_341 = arith.andi %bitcast_convert_type3A_332, %and3A_340 : vector<16xi32>
      %or3A_342 = arith.constant 1065353216 : i32
      %or3A_343 = vector.broadcast %or3A_342 : i32 to vector<16xi32>
      %or3A_344 = arith.ori %and3A_341, %or3A_343 : vector<16xi32>
      %bitcast_convert_type3A_345 = tpu.bitcast %or3A_344 : vector<16xi32> -> vector<16xf32>
      %broadcast_in_dim3A_346 = arith.constant -0.0791538357 : f32
      %broadcast_in_dim3A_347 = vector.broadcast %broadcast_in_dim3A_346 : f32 to vector<16xf32>
      %mul3A_348 = arith.mulf %broadcast_in_dim3A_347, %bitcast_convert_type3A_345 : vector<16xf32>
      %add3A_349 = arith.constant 0.628841459 : f32
      %add3A_350 = vector.broadcast %add3A_349 : f32 to vector<16xf32>
      %add3A_351 = arith.addf %mul3A_348, %add3A_350 : vector<16xf32>
      %mul3A_352 = arith.mulf %add3A_351, %bitcast_convert_type3A_345 : vector<16xf32>
      %add3A_353 = arith.constant -2.0811286 : f32
      %add3A_354 = vector.broadcast %add3A_353 : f32 to vector<16xf32>
      %add3A_355 = arith.addf %mul3A_352, %add3A_354 : vector<16xf32>
      %mul3A_356 = arith.mulf %add3A_355, %bitcast_convert_type3A_345 : vector<16xf32>
      %add3A_357 = arith.constant 4.02845049 : f32
      %add3A_358 = vector.broadcast %add3A_357 : f32 to vector<16xf32>
      %add3A_359 = arith.addf %mul3A_356, %add3A_358 : vector<16xf32>
      %mul3A_360 = arith.mulf %add3A_359, %bitcast_convert_type3A_345 : vector<16xf32>
      %add3A_361 = arith.constant -2.49680591 : f32
      %add3A_362 = vector.broadcast %add3A_361 : f32 to vector<16xf32>
      %add3A_363 = arith.addf %mul3A_360, %add3A_362 : vector<16xf32>
      %convert_element_type3A_364 = arith.sitofp %sub3A_338 : vector<16xi32> to vector<16xf32>
      %add3A_365 = arith.addf %convert_element_type3A_364, %add3A_363 : vector<16xf32>
      %sub3A_366 = arith.constant 1.000000e+00 : f32
      %sub3A_367 = vector.broadcast %sub3A_366 : f32 to vector<16xf32>
      %sub3A_368 = arith.subf %sub3A_367, %get3A_331 : vector<16xf32>
      %bitcast_convert_type3A_369 = tpu.bitcast %sub3A_368 : vector<16xf32> -> vector<16xi32>
      %shift_right_arithmetic3A_370 = arith.constant 23 : i32
      %shift_right_arithmetic3A_371 = vector.broadcast %shift_right_arithmetic3A_370 : i32 to vector<16xi32>
      %shift_right_arithmetic3A_372 = arith.shrsi %bitcast_convert_type3A_369, %shift_right_arithmetic3A_371 : vector<16xi32>
      %sub3A_373 = arith.constant 127 : i32
      %sub3A_374 = vector.broadcast %sub3A_373 : i32 to vector<16xi32>
      %sub3A_375 = arith.subi %shift_right_arithmetic3A_372, %sub3A_374 : vector<16xi32>
      %and3A_376 = arith.constant 8388607 : i32
      %and3A_377 = vector.broadcast %and3A_376 : i32 to vector<16xi32>
      %and3A_378 = arith.andi %bitcast_convert_type3A_369, %and3A_377 : vector<16xi32>
      %or3A_379 = arith.constant 1065353216 : i32
      %or3A_380 = vector.broadcast %or3A_379 : i32 to vector<16xi32>
      %or3A_381 = arith.ori %and3A_378, %or3A_380 : vector<16xi32>
      %bitcast_convert_type3A_382 = tpu.bitcast %or3A_381 : vector<16xi32> -> vector<16xf32>
      %broadcast_in_dim3A_383 = arith.constant -0.0791538357 : f32
      %broadcast_in_dim3A_384 = vector.broadcast %broadcast_in_dim3A_383 : f32 to vector<16xf32>
      %mul3A_385 = arith.mulf %broadcast_in_dim3A_384, %bitcast_convert_type3A_382 : vector<16xf32>
      %add3A_386 = arith.constant 0.628841459 : f32
      %add3A_387 = vector.broadcast %add3A_386 : f32 to vector<16xf32>
      %add3A_388 = arith.addf %mul3A_385, %add3A_387 : vector<16xf32>
      %mul3A_389 = arith.mulf %add3A_388, %bitcast_convert_type3A_382 : vector<16xf32>
      %add3A_390 = arith.constant -2.0811286 : f32
      %add3A_391 = vector.broadcast %add3A_390 : f32 to vector<16xf32>
      %add3A_392 = arith.addf %mul3A_389, %add3A_391 : vector<16xf32>
      %mul3A_393 = arith.mulf %add3A_392, %bitcast_convert_type3A_382 : vector<16xf32>
      %add3A_394 = arith.constant 4.02845049 : f32
      %add3A_395 = vector.broadcast %add3A_394 : f32 to vector<16xf32>
      %add3A_396 = arith.addf %mul3A_393, %add3A_395 : vector<16xf32>
      %mul3A_397 = arith.mulf %add3A_396, %bitcast_convert_type3A_382 : vector<16xf32>
      %add3A_398 = arith.constant -2.49680591 : f32
      %add3A_399 = vector.broadcast %add3A_398 : f32 to vector<16xf32>
      %add3A_400 = arith.addf %mul3A_397, %add3A_399 : vector<16xf32>
      %convert_element_type3A_401 = arith.sitofp %sub3A_375 : vector<16xi32> to vector<16xf32>
      %add3A_402 = arith.addf %convert_element_type3A_401, %add3A_400 : vector<16xf32>
      %sub3A_403 = arith.constant 2.000000e+00 : f32
      %sub3A_404 = vector.broadcast %sub3A_403 : f32 to vector<16xf32>
      %sub3A_405 = arith.subf %add3A_141, %sub3A_404 : vector<16xf32>
      %abs3A_406 = math.absf %sub3A_405 : vector<16xf32>
      %sub3A_407 = arith.constant 1.000000e+00 : f32
      %sub3A_408 = vector.broadcast %sub3A_407 : f32 to vector<16xf32>
      %sub3A_409 = arith.subf %sub3A_408, %abs3A_406 : vector<16xf32>
      %max3A_410 = arith.constant 0.000000e+00 : f32
      %max3A_411 = vector.broadcast %max3A_410 : f32 to vector<16xf32>
      %max3A_412 = arith.maximumf %sub3A_409, %max3A_411 : vector<16xf32>
      %sub3A_413 = arith.subf %add3A_365, %add3A_402 : vector<16xf32>
      %mul3A_414 = arith.mulf %max3A_412, %sub3A_413 : vector<16xf32>
      %add3A_415 = arith.addf %add3A_402, %mul3A_414 : vector<16xf32>
      %add3A_416 = arith.addf %add3A_322, %add3A_415 : vector<16xf32>
      %mul3A_417 = arith.constant 16 : i32
      %mul3A_418 = arith.muli %scan3A_14, %mul3A_417 : i32
      %get3A_419 = arith.constant 3 : i32
      %get3A_420 = arith.constant 0 : i32
      %get3A_421 = tpu.memref_slice %arg5[%get3A_419, %get3A_420] : memref<8x5632xf32, #tpu.memory_space<vmem>> -> memref<1x5632xf32, #tpu.memory_space<vmem>>
      %get3A_422 = tpu.memref_squeeze %get3A_421 : memref<1x5632xf32, #tpu.memory_space<vmem>> -> memref<5632xf32, #tpu.memory_space<vmem>>
      %get3A_423 = arith.index_cast %mul3A_418 : i32 to index
      %get3A_424 = tpu.vector_load %get3A_422[%get3A_423] {strides = array<i32>} : memref<5632xf32, #tpu.memory_space<vmem>>, vector<16xf32>,
      %get3A_425 = vector.shape_cast %get3A_424 : vector<16xf32> to vector<16xf32>
      %bitcast_convert_type3A_426 = tpu.bitcast %get3A_425 : vector<16xf32> -> vector<16xi32>
      %shift_right_arithmetic3A_427 = arith.constant 23 : i32
      %shift_right_arithmetic3A_428 = vector.broadcast %shift_right_arithmetic3A_427 : i32 to vector<16xi32>
      %shift_right_arithmetic3A_429 = arith.shrsi %bitcast_convert_type3A_426, %shift_right_arithmetic3A_428 : vector<16xi32>
      %sub3A_430 = arith.constant 127 : i32
      %sub3A_431 = vector.broadcast %sub3A_430 : i32 to vector<16xi32>
      %sub3A_432 = arith.subi %shift_right_arithmetic3A_429, %sub3A_431 : vector<16xi32>
      %and3A_433 = arith.constant 8388607 : i32
      %and3A_434 = vector.broadcast %and3A_433 : i32 to vector<16xi32>
      %and3A_435 = arith.andi %bitcast_convert_type3A_426, %and3A_434 : vector<16xi32>
      %or3A_436 = arith.constant 1065353216 : i32
      %or3A_437 = vector.broadcast %or3A_436 : i32 to vector<16xi32>
      %or3A_438 = arith.ori %and3A_435, %or3A_437 : vector<16xi32>
      %bitcast_convert_type3A_439 = tpu.bitcast %or3A_438 : vector<16xi32> -> vector<16xf32>
      %broadcast_in_dim3A_440 = arith.constant -0.0791538357 : f32
      %broadcast_in_dim3A_441 = vector.broadcast %broadcast_in_dim3A_440 : f32 to vector<16xf32>
      %mul3A_442 = arith.mulf %broadcast_in_dim3A_441, %bitcast_convert_type3A_439 : vector<16xf32>
      %add3A_443 = arith.constant 0.628841459 : f32
      %add3A_444 = vector.broadcast %add3A_443 : f32 to vector<16xf32>
      %add3A_445 = arith.addf %mul3A_442, %add3A_444 : vector<16xf32>
      %mul3A_446 = arith.mulf %add3A_445, %bitcast_convert_type3A_439 : vector<16xf32>
      %add3A_447 = arith.constant -2.0811286 : f32
      %add3A_448 = vector.broadcast %add3A_447 : f32 to vector<16xf32>
      %add3A_449 = arith.addf %mul3A_446, %add3A_448 : vector<16xf32>
      %mul3A_450 = arith.mulf %add3A_449, %bitcast_convert_type3A_439 : vector<16xf32>
      %add3A_451 = arith.constant 4.02845049 : f32
      %add3A_452 = vector.broadcast %add3A_451 : f32 to vector<16xf32>
      %add3A_453 = arith.addf %mul3A_450, %add3A_452 : vector<16xf32>
      %mul3A_454 = arith.mulf %add3A_453, %bitcast_convert_type3A_439 : vector<16xf32>
      %add3A_455 = arith.constant -2.49680591 : f32
      %add3A_456 = vector.broadcast %add3A_455 : f32 to vector<16xf32>
      %add3A_457 = arith.addf %mul3A_454, %add3A_456 : vector<16xf32>
      %convert_element_type3A_458 = arith.sitofp %sub3A_432 : vector<16xi32> to vector<16xf32>
      %add3A_459 = arith.addf %convert_element_type3A_458, %add3A_457 : vector<16xf32>
      %sub3A_460 = arith.constant 1.000000e+00 : f32
      %sub3A_461 = vector.broadcast %sub3A_460 : f32 to vector<16xf32>
      %sub3A_462 = arith.subf %sub3A_461, %get3A_425 : vector<16xf32>
      %bitcast_convert_type3A_463 = tpu.bitcast %sub3A_462 : vector<16xf32> -> vector<16xi32>
      %shift_right_arithmetic3A_464 = arith.constant 23 : i32
      %shift_right_arithmetic3A_465 = vector.broadcast %shift_right_arithmetic3A_464 : i32 to vector<16xi32>
      %shift_right_arithmetic3A_466 = arith.shrsi %bitcast_convert_type3A_463, %shift_right_arithmetic3A_465 : vector<16xi32>
      %sub3A_467 = arith.constant 127 : i32
      %sub3A_468 = vector.broadcast %sub3A_467 : i32 to vector<16xi32>
      %sub3A_469 = arith.subi %shift_right_arithmetic3A_466, %sub3A_468 : vector<16xi32>
      %and3A_470 = arith.constant 8388607 : i32
      %and3A_471 = vector.broadcast %and3A_470 : i32 to vector<16xi32>
      %and3A_472 = arith.andi %bitcast_convert_type3A_463, %and3A_471 : vector<16xi32>
      %or3A_473 = arith.constant 1065353216 : i32
      %or3A_474 = vector.broadcast %or3A_473 : i32 to vector<16xi32>
      %or3A_475 = arith.ori %and3A_472, %or3A_474 : vector<16xi32>
      %bitcast_convert_type3A_476 = tpu.bitcast %or3A_475 : vector<16xi32> -> vector<16xf32>
      %broadcast_in_dim3A_477 = arith.constant -0.0791538357 : f32
      %broadcast_in_dim3A_478 = vector.broadcast %broadcast_in_dim3A_477 : f32 to vector<16xf32>
      %mul3A_479 = arith.mulf %broadcast_in_dim3A_478, %bitcast_convert_type3A_476 : vector<16xf32>
      %add3A_480 = arith.constant 0.628841459 : f32
      %add3A_481 = vector.broadcast %add3A_480 : f32 to vector<16xf32>
      %add3A_482 = arith.addf %mul3A_479, %add3A_481 : vector<16xf32>
      %mul3A_483 = arith.mulf %add3A_482, %bitcast_convert_type3A_476 : vector<16xf32>
      %add3A_484 = arith.constant -2.0811286 : f32
      %add3A_485 = vector.broadcast %add3A_484 : f32 to vector<16xf32>
      %add3A_486 = arith.addf %mul3A_483, %add3A_485 : vector<16xf32>
      %mul3A_487 = arith.mulf %add3A_486, %bitcast_convert_type3A_476 : vector<16xf32>
      %add3A_488 = arith.constant 4.02845049 : f32
      %add3A_489 = vector.broadcast %add3A_488 : f32 to vector<16xf32>
      %add3A_490 = arith.addf %mul3A_487, %add3A_489 : vector<16xf32>
      %mul3A_491 = arith.mulf %add3A_490, %bitcast_convert_type3A_476 : vector<16xf32>
      %add3A_492 = arith.constant -2.49680591 : f32
      %add3A_493 = vector.broadcast %add3A_492 : f32 to vector<16xf32>
      %add3A_494 = arith.addf %mul3A_491, %add3A_493 : vector<16xf32>
      %convert_element_type3A_495 = arith.sitofp %sub3A_469 : vector<16xi32> to vector<16xf32>
      %add3A_496 = arith.addf %convert_element_type3A_495, %add3A_494 : vector<16xf32>
      %sub3A_497 = arith.constant 3.000000e+00 : f32
      %sub3A_498 = vector.broadcast %sub3A_497 : f32 to vector<16xf32>
      %sub3A_499 = arith.subf %add3A_141, %sub3A_498 : vector<16xf32>
      %abs3A_500 = math.absf %sub3A_499 : vector<16xf32>
      %sub3A_501 = arith.constant 1.000000e+00 : f32
      %sub3A_502 = vector.broadcast %sub3A_501 : f32 to vector<16xf32>
      %sub3A_503 = arith.subf %sub3A_502, %abs3A_500 : vector<16xf32>
      %max3A_504 = arith.constant 0.000000e+00 : f32
      %max3A_505 = vector.broadcast %max3A_504 : f32 to vector<16xf32>
      %max3A_506 = arith.maximumf %sub3A_503, %max3A_505 : vector<16xf32>
      %sub3A_507 = arith.subf %add3A_459, %add3A_496 : vector<16xf32>
      %mul3A_508 = arith.mulf %max3A_506, %sub3A_507 : vector<16xf32>
      %add3A_509 = arith.addf %add3A_496, %mul3A_508 : vector<16xf32>
      %add3A_510 = arith.addf %add3A_416, %add3A_509 : vector<16xf32>
      %mul3A_511 = arith.constant 16 : i32
      %mul3A_512 = arith.muli %scan3A_14, %mul3A_511 : i32
      %get3A_513 = arith.constant 4 : i32
      %get3A_514 = arith.constant 0 : i32
      %get3A_515 = tpu.memref_slice %arg5[%get3A_513, %get3A_514] : memref<8x5632xf32, #tpu.memory_space<vmem>> -> memref<1x5632xf32, #tpu.memory_space<vmem>>
      %get3A_516 = tpu.memref_squeeze %get3A_515 : memref<1x5632xf32, #tpu.memory_space<vmem>> -> memref<5632xf32, #tpu.memory_space<vmem>>
      %get3A_517 = arith.index_cast %mul3A_512 : i32 to index
      %get3A_518 = tpu.vector_load %get3A_516[%get3A_517] {strides = array<i32>} : memref<5632xf32, #tpu.memory_space<vmem>>, vector<16xf32>,
      %get3A_519 = vector.shape_cast %get3A_518 : vector<16xf32> to vector<16xf32>
      %bitcast_convert_type3A_520 = tpu.bitcast %get3A_519 : vector<16xf32> -> vector<16xi32>
      %shift_right_arithmetic3A_521 = arith.constant 23 : i32
      %shift_right_arithmetic3A_522 = vector.broadcast %shift_right_arithmetic3A_521 : i32 to vector<16xi32>
      %shift_right_arithmetic3A_523 = arith.shrsi %bitcast_convert_type3A_520, %shift_right_arithmetic3A_522 : vector<16xi32>
      %sub3A_524 = arith.constant 127 : i32
      %sub3A_525 = vector.broadcast %sub3A_524 : i32 to vector<16xi32>
      %sub3A_526 = arith.subi %shift_right_arithmetic3A_523, %sub3A_525 : vector<16xi32>
      %and3A_527 = arith.constant 8388607 : i32
      %and3A_528 = vector.broadcast %and3A_527 : i32 to vector<16xi32>
      %and3A_529 = arith.andi %bitcast_convert_type3A_520, %and3A_528 : vector<16xi32>
      %or3A_530 = arith.constant 1065353216 : i32
      %or3A_531 = vector.broadcast %or3A_530 : i32 to vector<16xi32>
      %or3A_532 = arith.ori %and3A_529, %or3A_531 : vector<16xi32>
      %bitcast_convert_type3A_533 = tpu.bitcast %or3A_532 : vector<16xi32> -> vector<16xf32>
      %broadcast_in_dim3A_534 = arith.constant -0.0791538357 : f32
      %broadcast_in_dim3A_535 = vector.broadcast %broadcast_in_dim3A_534 : f32 to vector<16xf32>
      %mul3A_536 = arith.mulf %broadcast_in_dim3A_535, %bitcast_convert_type3A_533 : vector<16xf32>
      %add3A_537 = arith.constant 0.628841459 : f32
      %add3A_538 = vector.broadcast %add3A_537 : f32 to vector<16xf32>
      %add3A_539 = arith.addf %mul3A_536, %add3A_538 : vector<16xf32>
      %mul3A_540 = arith.mulf %add3A_539, %bitcast_convert_type3A_533 : vector<16xf32>
      %add3A_541 = arith.constant -2.0811286 : f32
      %add3A_542 = vector.broadcast %add3A_541 : f32 to vector<16xf32>
      %add3A_543 = arith.addf %mul3A_540, %add3A_542 : vector<16xf32>
      %mul3A_544 = arith.mulf %add3A_543, %bitcast_convert_type3A_533 : vector<16xf32>
      %add3A_545 = arith.constant 4.02845049 : f32
      %add3A_546 = vector.broadcast %add3A_545 : f32 to vector<16xf32>
      %add3A_547 = arith.addf %mul3A_544, %add3A_546 : vector<16xf32>
      %mul3A_548 = arith.mulf %add3A_547, %bitcast_convert_type3A_533 : vector<16xf32>
      %add3A_549 = arith.constant -2.49680591 : f32
      %add3A_550 = vector.broadcast %add3A_549 : f32 to vector<16xf32>
      %add3A_551 = arith.addf %mul3A_548, %add3A_550 : vector<16xf32>
      %convert_element_type3A_552 = arith.sitofp %sub3A_526 : vector<16xi32> to vector<16xf32>
      %add3A_553 = arith.addf %convert_element_type3A_552, %add3A_551 : vector<16xf32>
      %sub3A_554 = arith.constant 1.000000e+00 : f32
      %sub3A_555 = vector.broadcast %sub3A_554 : f32 to vector<16xf32>
      %sub3A_556 = arith.subf %sub3A_555, %get3A_519 : vector<16xf32>
      %bitcast_convert_type3A_557 = tpu.bitcast %sub3A_556 : vector<16xf32> -> vector<16xi32>
      %shift_right_arithmetic3A_558 = arith.constant 23 : i32
      %shift_right_arithmetic3A_559 = vector.broadcast %shift_right_arithmetic3A_558 : i32 to vector<16xi32>
      %shift_right_arithmetic3A_560 = arith.shrsi %bitcast_convert_type3A_557, %shift_right_arithmetic3A_559 : vector<16xi32>
      %sub3A_561 = arith.constant 127 : i32
      %sub3A_562 = vector.broadcast %sub3A_561 : i32 to vector<16xi32>
      %sub3A_563 = arith.subi %shift_right_arithmetic3A_560, %sub3A_562 : vector<16xi32>
      %and3A_564 = arith.constant 8388607 : i32
      %and3A_565 = vector.broadcast %and3A_564 : i32 to vector<16xi32>
      %and3A_566 = arith.andi %bitcast_convert_type3A_557, %and3A_565 : vector<16xi32>
      %or3A_567 = arith.constant 1065353216 : i32
      %or3A_568 = vector.broadcast %or3A_567 : i32 to vector<16xi32>
      %or3A_569 = arith.ori %and3A_566, %or3A_568 : vector<16xi32>
      %bitcast_convert_type3A_570 = tpu.bitcast %or3A_569 : vector<16xi32> -> vector<16xf32>
      %broadcast_in_dim3A_571 = arith.constant -0.0791538357 : f32
      %broadcast_in_dim3A_572 = vector.broadcast %broadcast_in_dim3A_571 : f32 to vector<16xf32>
      %mul3A_573 = arith.mulf %broadcast_in_dim3A_572, %bitcast_convert_type3A_570 : vector<16xf32>
      %add3A_574 = arith.constant 0.628841459 : f32
      %add3A_575 = vector.broadcast %add3A_574 : f32 to vector<16xf32>
      %add3A_576 = arith.addf %mul3A_573, %add3A_575 : vector<16xf32>
      %mul3A_577 = arith.mulf %add3A_576, %bitcast_convert_type3A_570 : vector<16xf32>
      %add3A_578 = arith.constant -2.0811286 : f32
      %add3A_579 = vector.broadcast %add3A_578 : f32 to vector<16xf32>
      %add3A_580 = arith.addf %mul3A_577, %add3A_579 : vector<16xf32>
      %mul3A_581 = arith.mulf %add3A_580, %bitcast_convert_type3A_570 : vector<16xf32>
      %add3A_582 = arith.constant 4.02845049 : f32
      %add3A_583 = vector.broadcast %add3A_582 : f32 to vector<16xf32>
      %add3A_584 = arith.addf %mul3A_581, %add3A_583 : vector<16xf32>
      %mul3A_585 = arith.mulf %add3A_584, %bitcast_convert_type3A_570 : vector<16xf32>
      %add3A_586 = arith.constant -2.49680591 : f32
      %add3A_587 = vector.broadcast %add3A_586 : f32 to vector<16xf32>
      %add3A_588 = arith.addf %mul3A_585, %add3A_587 : vector<16xf32>
      %convert_element_type3A_589 = arith.sitofp %sub3A_563 : vector<16xi32> to vector<16xf32>
      %add3A_590 = arith.addf %convert_element_type3A_589, %add3A_588 : vector<16xf32>
      %sub3A_591 = arith.constant 4.000000e+00 : f32
      %sub3A_592 = vector.broadcast %sub3A_591 : f32 to vector<16xf32>
      %sub3A_593 = arith.subf %add3A_141, %sub3A_592 : vector<16xf32>
      %abs3A_594 = math.absf %sub3A_593 : vector<16xf32>
      %sub3A_595 = arith.constant 1.000000e+00 : f32
      %sub3A_596 = vector.broadcast %sub3A_595 : f32 to vector<16xf32>
      %sub3A_597 = arith.subf %sub3A_596, %abs3A_594 : vector<16xf32>
      %max3A_598 = arith.constant 0.000000e+00 : f32
      %max3A_599 = vector.broadcast %max3A_598 : f32 to vector<16xf32>
      %max3A_600 = arith.maximumf %sub3A_597, %max3A_599 : vector<16xf32>
      %sub3A_601 = arith.subf %add3A_553, %add3A_590 : vector<16xf32>
      %mul3A_602 = arith.mulf %max3A_600, %sub3A_601 : vector<16xf32>
      %add3A_603 = arith.addf %add3A_590, %mul3A_602 : vector<16xf32>
      %add3A_604 = arith.addf %add3A_510, %add3A_603 : vector<16xf32>
      %mul3A_605 = arith.constant 16 : i32
      %mul3A_606 = arith.muli %scan3A_14, %mul3A_605 : i32
      %get3A_607 = arith.constant 5 : i32
      %get3A_608 = arith.constant 0 : i32
      %get3A_609 = tpu.memref_slice %arg5[%get3A_607, %get3A_608] : memref<8x5632xf32, #tpu.memory_space<vmem>> -> memref<1x5632xf32, #tpu.memory_space<vmem>>
      %get3A_610 = tpu.memref_squeeze %get3A_609 : memref<1x5632xf32, #tpu.memory_space<vmem>> -> memref<5632xf32, #tpu.memory_space<vmem>>
      %get3A_611 = arith.index_cast %mul3A_606 : i32 to index
      %get3A_612 = tpu.vector_load %get3A_610[%get3A_611] {strides = array<i32>} : memref<5632xf32, #tpu.memory_space<vmem>>, vector<16xf32>,
      %get3A_613 = vector.shape_cast %get3A_612 : vector<16xf32> to vector<16xf32>
      %bitcast_convert_type3A_614 = tpu.bitcast %get3A_613 : vector<16xf32> -> vector<16xi32>
      %shift_right_arithmetic3A_615 = arith.constant 23 : i32
      %shift_right_arithmetic3A_616 = vector.broadcast %shift_right_arithmetic3A_615 : i32 to vector<16xi32>
      %shift_right_arithmetic3A_617 = arith.shrsi %bitcast_convert_type3A_614, %shift_right_arithmetic3A_616 : vector<16xi32>
      %sub3A_618 = arith.constant 127 : i32
      %sub3A_619 = vector.broadcast %sub3A_618 : i32 to vector<16xi32>
      %sub3A_620 = arith.subi %shift_right_arithmetic3A_617, %sub3A_619 : vector<16xi32>
      %and3A_621 = arith.constant 8388607 : i32
      %and3A_622 = vector.broadcast %and3A_621 : i32 to vector<16xi32>
      %and3A_623 = arith.andi %bitcast_convert_type3A_614, %and3A_622 : vector<16xi32>
      %or3A_624 = arith.constant 1065353216 : i32
      %or3A_625 = vector.broadcast %or3A_624 : i32 to vector<16xi32>
      %or3A_626 = arith.ori %and3A_623, %or3A_625 : vector<16xi32>
      %bitcast_convert_type3A_627 = tpu.bitcast %or3A_626 : vector<16xi32> -> vector<16xf32>
      %broadcast_in_dim3A_628 = arith.constant -0.0791538357 : f32
      %broadcast_in_dim3A_629 = vector.broadcast %broadcast_in_dim3A_628 : f32 to vector<16xf32>
      %mul3A_630 = arith.mulf %broadcast_in_dim3A_629, %bitcast_convert_type3A_627 : vector<16xf32>
      %add3A_631 = arith.constant 0.628841459 : f32
      %add3A_632 = vector.broadcast %add3A_631 : f32 to vector<16xf32>
      %add3A_633 = arith.addf %mul3A_630, %add3A_632 : vector<16xf32>
      %mul3A_634 = arith.mulf %add3A_633, %bitcast_convert_type3A_627 : vector<16xf32>
      %add3A_635 = arith.constant -2.0811286 : f32
      %add3A_636 = vector.broadcast %add3A_635 : f32 to vector<16xf32>
      %add3A_637 = arith.addf %mul3A_634, %add3A_636 : vector<16xf32>
      %mul3A_638 = arith.mulf %add3A_637, %bitcast_convert_type3A_627 : vector<16xf32>
      %add3A_639 = arith.constant 4.02845049 : f32
      %add3A_640 = vector.broadcast %add3A_639 : f32 to vector<16xf32>
      %add3A_641 = arith.addf %mul3A_638, %add3A_640 : vector<16xf32>
      %mul3A_642 = arith.mulf %add3A_641, %bitcast_convert_type3A_627 : vector<16xf32>
      %add3A_643 = arith.constant -2.49680591 : f32
      %add3A_644 = vector.broadcast %add3A_643 : f32 to vector<16xf32>
      %add3A_645 = arith.addf %mul3A_642, %add3A_644 : vector<16xf32>
      %convert_element_type3A_646 = arith.sitofp %sub3A_620 : vector<16xi32> to vector<16xf32>
      %add3A_647 = arith.addf %convert_element_type3A_646, %add3A_645 : vector<16xf32>
      %sub3A_648 = arith.constant 1.000000e+00 : f32
      %sub3A_649 = vector.broadcast %sub3A_648 : f32 to vector<16xf32>
      %sub3A_650 = arith.subf %sub3A_649, %get3A_613 : vector<16xf32>
      %bitcast_convert_type3A_651 = tpu.bitcast %sub3A_650 : vector<16xf32> -> vector<16xi32>
      %shift_right_arithmetic3A_652 = arith.constant 23 : i32
      %shift_right_arithmetic3A_653 = vector.broadcast %shift_right_arithmetic3A_652 : i32 to vector<16xi32>
      %shift_right_arithmetic3A_654 = arith.shrsi %bitcast_convert_type3A_651, %shift_right_arithmetic3A_653 : vector<16xi32>
      %sub3A_655 = arith.constant 127 : i32
      %sub3A_656 = vector.broadcast %sub3A_655 : i32 to vector<16xi32>
      %sub3A_657 = arith.subi %shift_right_arithmetic3A_654, %sub3A_656 : vector<16xi32>
      %and3A_658 = arith.constant 8388607 : i32
      %and3A_659 = vector.broadcast %and3A_658 : i32 to vector<16xi32>
      %and3A_660 = arith.andi %bitcast_convert_type3A_651, %and3A_659 : vector<16xi32>
      %or3A_661 = arith.constant 1065353216 : i32
      %or3A_662 = vector.broadcast %or3A_661 : i32 to vector<16xi32>
      %or3A_663 = arith.ori %and3A_660, %or3A_662 : vector<16xi32>
      %bitcast_convert_type3A_664 = tpu.bitcast %or3A_663 : vector<16xi32> -> vector<16xf32>
      %broadcast_in_dim3A_665 = arith.constant -0.0791538357 : f32
      %broadcast_in_dim3A_666 = vector.broadcast %broadcast_in_dim3A_665 : f32 to vector<16xf32>
      %mul3A_667 = arith.mulf %broadcast_in_dim3A_666, %bitcast_convert_type3A_664 : vector<16xf32>
      %add3A_668 = arith.constant 0.628841459 : f32
      %add3A_669 = vector.broadcast %add3A_668 : f32 to vector<16xf32>
      %add3A_670 = arith.addf %mul3A_667, %add3A_669 : vector<16xf32>
      %mul3A_671 = arith.mulf %add3A_670, %bitcast_convert_type3A_664 : vector<16xf32>
      %add3A_672 = arith.constant -2.0811286 : f32
      %add3A_673 = vector.broadcast %add3A_672 : f32 to vector<16xf32>
      %add3A_674 = arith.addf %mul3A_671, %add3A_673 : vector<16xf32>
      %mul3A_675 = arith.mulf %add3A_674, %bitcast_convert_type3A_664 : vector<16xf32>
      %add3A_676 = arith.constant 4.02845049 : f32
      %add3A_677 = vector.broadcast %add3A_676 : f32 to vector<16xf32>
      %add3A_678 = arith.addf %mul3A_675, %add3A_677 : vector<16xf32>
      %mul3A_679 = arith.mulf %add3A_678, %bitcast_convert_type3A_664 : vector<16xf32>
      %add3A_680 = arith.constant -2.49680591 : f32
      %add3A_681 = vector.broadcast %add3A_680 : f32 to vector<16xf32>
      %add3A_682 = arith.addf %mul3A_679, %add3A_681 : vector<16xf32>
      %convert_element_type3A_683 = arith.sitofp %sub3A_657 : vector<16xi32> to vector<16xf32>
      %add3A_684 = arith.addf %convert_element_type3A_683, %add3A_682 : vector<16xf32>
      %sub3A_685 = arith.constant 5.000000e+00 : f32
      %sub3A_686 = vector.broadcast %sub3A_685 : f32 to vector<16xf32>
      %sub3A_687 = arith.subf %add3A_141, %sub3A_686 : vector<16xf32>
      %abs3A_688 = math.absf %sub3A_687 : vector<16xf32>
      %sub3A_689 = arith.constant 1.000000e+00 : f32
      %sub3A_690 = vector.broadcast %sub3A_689 : f32 to vector<16xf32>
      %sub3A_691 = arith.subf %sub3A_690, %abs3A_688 : vector<16xf32>
      %max3A_692 = arith.constant 0.000000e+00 : f32
      %max3A_693 = vector.broadcast %max3A_692 : f32 to vector<16xf32>
      %max3A_694 = arith.maximumf %sub3A_691, %max3A_693 : vector<16xf32>
      %sub3A_695 = arith.subf %add3A_647, %add3A_684 : vector<16xf32>
      %mul3A_696 = arith.mulf %max3A_694, %sub3A_695 : vector<16xf32>
      %add3A_697 = arith.addf %add3A_684, %mul3A_696 : vector<16xf32>
      %add3A_698 = arith.addf %add3A_604, %add3A_697 : vector<16xf32>
      %mul3A_699 = arith.constant 16 : i32
      %mul3A_700 = arith.muli %scan3A_14, %mul3A_699 : i32
      %get3A_701 = arith.constant 6 : i32
      %get3A_702 = arith.constant 0 : i32
      %get3A_703 = tpu.memref_slice %arg5[%get3A_701, %get3A_702] : memref<8x5632xf32, #tpu.memory_space<vmem>> -> memref<1x5632xf32, #tpu.memory_space<vmem>>
      %get3A_704 = tpu.memref_squeeze %get3A_703 : memref<1x5632xf32, #tpu.memory_space<vmem>> -> memref<5632xf32, #tpu.memory_space<vmem>>
      %get3A_705 = arith.index_cast %mul3A_700 : i32 to index
      %get3A_706 = tpu.vector_load %get3A_704[%get3A_705] {strides = array<i32>} : memref<5632xf32, #tpu.memory_space<vmem>>, vector<16xf32>,
      %get3A_707 = vector.shape_cast %get3A_706 : vector<16xf32> to vector<16xf32>
      %bitcast_convert_type3A_708 = tpu.bitcast %get3A_707 : vector<16xf32> -> vector<16xi32>
      %shift_right_arithmetic3A_709 = arith.constant 23 : i32
      %shift_right_arithmetic3A_710 = vector.broadcast %shift_right_arithmetic3A_709 : i32 to vector<16xi32>
      %shift_right_arithmetic3A_711 = arith.shrsi %bitcast_convert_type3A_708, %shift_right_arithmetic3A_710 : vector<16xi32>
      %sub3A_712 = arith.constant 127 : i32
      %sub3A_713 = vector.broadcast %sub3A_712 : i32 to vector<16xi32>
      %sub3A_714 = arith.subi %shift_right_arithmetic3A_711, %sub3A_713 : vector<16xi32>
      %and3A_715 = arith.constant 8388607 : i32
      %and3A_716 = vector.broadcast %and3A_715 : i32 to vector<16xi32>
      %and3A_717 = arith.andi %bitcast_convert_type3A_708, %and3A_716 : vector<16xi32>
      %or3A_718 = arith.constant 1065353216 : i32
      %or3A_719 = vector.broadcast %or3A_718 : i32 to vector<16xi32>
      %or3A_720 = arith.ori %and3A_717, %or3A_719 : vector<16xi32>
      %bitcast_convert_type3A_721 = tpu.bitcast %or3A_720 : vector<16xi32> -> vector<16xf32>
      %broadcast_in_dim3A_722 = arith.constant -0.0791538357 : f32
      %broadcast_in_dim3A_723 = vector.broadcast %broadcast_in_dim3A_722 : f32 to vector<16xf32>
      %mul3A_724 = arith.mulf %broadcast_in_dim3A_723, %bitcast_convert_type3A_721 : vector<16xf32>
      %add3A_725 = arith.constant 0.628841459 : f32
      %add3A_726 = vector.broadcast %add3A_725 : f32 to vector<16xf32>
      %add3A_727 = arith.addf %mul3A_724, %add3A_726 : vector<16xf32>
      %mul3A_728 = arith.mulf %add3A_727, %bitcast_convert_type3A_721 : vector<16xf32>
      %add3A_729 = arith.constant -2.0811286 : f32
      %add3A_730 = vector.broadcast %add3A_729 : f32 to vector<16xf32>
      %add3A_731 = arith.addf %mul3A_728, %add3A_730 : vector<16xf32>
      %mul3A_732 = arith.mulf %add3A_731, %bitcast_convert_type3A_721 : vector<16xf32>
      %add3A_733 = arith.constant 4.02845049 : f32
      %add3A_734 = vector.broadcast %add3A_733 : f32 to vector<16xf32>
      %add3A_735 = arith.addf %mul3A_732, %add3A_734 : vector<16xf32>
      %mul3A_736 = arith.mulf %add3A_735, %bitcast_convert_type3A_721 : vector<16xf32>
      %add3A_737 = arith.constant -2.49680591 : f32
      %add3A_738 = vector.broadcast %add3A_737 : f32 to vector<16xf32>
      %add3A_739 = arith.addf %mul3A_736, %add3A_738 : vector<16xf32>
      %convert_element_type3A_740 = arith.sitofp %sub3A_714 : vector<16xi32> to vector<16xf32>
      %add3A_741 = arith.addf %convert_element_type3A_740, %add3A_739 : vector<16xf32>
      %sub3A_742 = arith.constant 1.000000e+00 : f32
      %sub3A_743 = vector.broadcast %sub3A_742 : f32 to vector<16xf32>
      %sub3A_744 = arith.subf %sub3A_743, %get3A_707 : vector<16xf32>
      %bitcast_convert_type3A_745 = tpu.bitcast %sub3A_744 : vector<16xf32> -> vector<16xi32>
      %shift_right_arithmetic3A_746 = arith.constant 23 : i32
      %shift_right_arithmetic3A_747 = vector.broadcast %shift_right_arithmetic3A_746 : i32 to vector<16xi32>
      %shift_right_arithmetic3A_748 = arith.shrsi %bitcast_convert_type3A_745, %shift_right_arithmetic3A_747 : vector<16xi32>
      %sub3A_749 = arith.constant 127 : i32
      %sub3A_750 = vector.broadcast %sub3A_749 : i32 to vector<16xi32>
      %sub3A_751 = arith.subi %shift_right_arithmetic3A_748, %sub3A_750 : vector<16xi32>
      %and3A_752 = arith.constant 8388607 : i32
      %and3A_753 = vector.broadcast %and3A_752 : i32 to vector<16xi32>
      %and3A_754 = arith.andi %bitcast_convert_type3A_745, %and3A_753 : vector<16xi32>
      %or3A_755 = arith.constant 1065353216 : i32
      %or3A_756 = vector.broadcast %or3A_755 : i32 to vector<16xi32>
      %or3A_757 = arith.ori %and3A_754, %or3A_756 : vector<16xi32>
      %bitcast_convert_type3A_758 = tpu.bitcast %or3A_757 : vector<16xi32> -> vector<16xf32>
      %broadcast_in_dim3A_759 = arith.constant -0.0791538357 : f32
      %broadcast_in_dim3A_760 = vector.broadcast %broadcast_in_dim3A_759 : f32 to vector<16xf32>
      %mul3A_761 = arith.mulf %broadcast_in_dim3A_760, %bitcast_convert_type3A_758 : vector<16xf32>
      %add3A_762 = arith.constant 0.628841459 : f32
      %add3A_763 = vector.broadcast %add3A_762 : f32 to vector<16xf32>
      %add3A_764 = arith.addf %mul3A_761, %add3A_763 : vector<16xf32>
      %mul3A_765 = arith.mulf %add3A_764, %bitcast_convert_type3A_758 : vector<16xf32>
      %add3A_766 = arith.constant -2.0811286 : f32
      %add3A_767 = vector.broadcast %add3A_766 : f32 to vector<16xf32>
      %add3A_768 = arith.addf %mul3A_765, %add3A_767 : vector<16xf32>
      %mul3A_769 = arith.mulf %add3A_768, %bitcast_convert_type3A_758 : vector<16xf32>
      %add3A_770 = arith.constant 4.02845049 : f32
      %add3A_771 = vector.broadcast %add3A_770 : f32 to vector<16xf32>
      %add3A_772 = arith.addf %mul3A_769, %add3A_771 : vector<16xf32>
      %mul3A_773 = arith.mulf %add3A_772, %bitcast_convert_type3A_758 : vector<16xf32>
      %add3A_774 = arith.constant -2.49680591 : f32
      %add3A_775 = vector.broadcast %add3A_774 : f32 to vector<16xf32>
      %add3A_776 = arith.addf %mul3A_773, %add3A_775 : vector<16xf32>
      %convert_element_type3A_777 = arith.sitofp %sub3A_751 : vector<16xi32> to vector<16xf32>
      %add3A_778 = arith.addf %convert_element_type3A_777, %add3A_776 : vector<16xf32>
      %sub3A_779 = arith.constant 6.000000e+00 : f32
      %sub3A_780 = vector.broadcast %sub3A_779 : f32 to vector<16xf32>
      %sub3A_781 = arith.subf %add3A_141, %sub3A_780 : vector<16xf32>
      %abs3A_782 = math.absf %sub3A_781 : vector<16xf32>
      %sub3A_783 = arith.constant 1.000000e+00 : f32
      %sub3A_784 = vector.broadcast %sub3A_783 : f32 to vector<16xf32>
      %sub3A_785 = arith.subf %sub3A_784, %abs3A_782 : vector<16xf32>
      %max3A_786 = arith.constant 0.000000e+00 : f32
      %max3A_787 = vector.broadcast %max3A_786 : f32 to vector<16xf32>
      %max3A_788 = arith.maximumf %sub3A_785, %max3A_787 : vector<16xf32>
      %sub3A_789 = arith.subf %add3A_741, %add3A_778 : vector<16xf32>
      %mul3A_790 = arith.mulf %max3A_788, %sub3A_789 : vector<16xf32>
      %add3A_791 = arith.addf %add3A_778, %mul3A_790 : vector<16xf32>
      %add3A_792 = arith.addf %add3A_698, %add3A_791 : vector<16xf32>
      %mul3A_793 = arith.constant 16 : i32
      %mul3A_794 = arith.muli %scan3A_14, %mul3A_793 : i32
      %get3A_795 = arith.constant 7 : i32
      %get3A_796 = arith.constant 0 : i32
      %get3A_797 = tpu.memref_slice %arg5[%get3A_795, %get3A_796] : memref<8x5632xf32, #tpu.memory_space<vmem>> -> memref<1x5632xf32, #tpu.memory_space<vmem>>
      %get3A_798 = tpu.memref_squeeze %get3A_797 : memref<1x5632xf32, #tpu.memory_space<vmem>> -> memref<5632xf32, #tpu.memory_space<vmem>>
      %get3A_799 = arith.index_cast %mul3A_794 : i32 to index
      %get3A_800 = tpu.vector_load %get3A_798[%get3A_799] {strides = array<i32>} : memref<5632xf32, #tpu.memory_space<vmem>>, vector<16xf32>,
      %get3A_801 = vector.shape_cast %get3A_800 : vector<16xf32> to vector<16xf32>
      %bitcast_convert_type3A_802 = tpu.bitcast %get3A_801 : vector<16xf32> -> vector<16xi32>
      %shift_right_arithmetic3A_803 = arith.constant 23 : i32
      %shift_right_arithmetic3A_804 = vector.broadcast %shift_right_arithmetic3A_803 : i32 to vector<16xi32>
      %shift_right_arithmetic3A_805 = arith.shrsi %bitcast_convert_type3A_802, %shift_right_arithmetic3A_804 : vector<16xi32>
      %sub3A_806 = arith.constant 127 : i32
      %sub3A_807 = vector.broadcast %sub3A_806 : i32 to vector<16xi32>
      %sub3A_808 = arith.subi %shift_right_arithmetic3A_805, %sub3A_807 : vector<16xi32>
      %and3A_809 = arith.constant 8388607 : i32
      %and3A_810 = vector.broadcast %and3A_809 : i32 to vector<16xi32>
      %and3A_811 = arith.andi %bitcast_convert_type3A_802, %and3A_810 : vector<16xi32>
      %or3A_812 = arith.constant 1065353216 : i32
      %or3A_813 = vector.broadcast %or3A_812 : i32 to vector<16xi32>
      %or3A_814 = arith.ori %and3A_811, %or3A_813 : vector<16xi32>
      %bitcast_convert_type3A_815 = tpu.bitcast %or3A_814 : vector<16xi32> -> vector<16xf32>
      %broadcast_in_dim3A_816 = arith.constant -0.0791538357 : f32
      %broadcast_in_dim3A_817 = vector.broadcast %broadcast_in_dim3A_816 : f32 to vector<16xf32>
      %mul3A_818 = arith.mulf %broadcast_in_dim3A_817, %bitcast_convert_type3A_815 : vector<16xf32>
      %add3A_819 = arith.constant 0.628841459 : f32
      %add3A_820 = vector.broadcast %add3A_819 : f32 to vector<16xf32>
      %add3A_821 = arith.addf %mul3A_818, %add3A_820 : vector<16xf32>
      %mul3A_822 = arith.mulf %add3A_821, %bitcast_convert_type3A_815 : vector<16xf32>
      %add3A_823 = arith.constant -2.0811286 : f32
      %add3A_824 = vector.broadcast %add3A_823 : f32 to vector<16xf32>
      %add3A_825 = arith.addf %mul3A_822, %add3A_824 : vector<16xf32>
      %mul3A_826 = arith.mulf %add3A_825, %bitcast_convert_type3A_815 : vector<16xf32>
      %add3A_827 = arith.constant 4.02845049 : f32
      %add3A_828 = vector.broadcast %add3A_827 : f32 to vector<16xf32>
      %add3A_829 = arith.addf %mul3A_826, %add3A_828 : vector<16xf32>
      %mul3A_830 = arith.mulf %add3A_829, %bitcast_convert_type3A_815 : vector<16xf32>
      %add3A_831 = arith.constant -2.49680591 : f32
      %add3A_832 = vector.broadcast %add3A_831 : f32 to vector<16xf32>
      %add3A_833 = arith.addf %mul3A_830, %add3A_832 : vector<16xf32>
      %convert_element_type3A_834 = arith.sitofp %sub3A_808 : vector<16xi32> to vector<16xf32>
      %add3A_835 = arith.addf %convert_element_type3A_834, %add3A_833 : vector<16xf32>
      %sub3A_836 = arith.constant 1.000000e+00 : f32
      %sub3A_837 = vector.broadcast %sub3A_836 : f32 to vector<16xf32>
      %sub3A_838 = arith.subf %sub3A_837, %get3A_801 : vector<16xf32>
      %bitcast_convert_type3A_839 = tpu.bitcast %sub3A_838 : vector<16xf32> -> vector<16xi32>
      %shift_right_arithmetic3A_840 = arith.constant 23 : i32
      %shift_right_arithmetic3A_841 = vector.broadcast %shift_right_arithmetic3A_840 : i32 to vector<16xi32>
      %shift_right_arithmetic3A_842 = arith.shrsi %bitcast_convert_type3A_839, %shift_right_arithmetic3A_841 : vector<16xi32>
      %sub3A_843 = arith.constant 127 : i32
      %sub3A_844 = vector.broadcast %sub3A_843 : i32 to vector<16xi32>
      %sub3A_845 = arith.subi %shift_right_arithmetic3A_842, %sub3A_844 : vector<16xi32>
      %and3A_846 = arith.constant 8388607 : i32
      %and3A_847 = vector.broadcast %and3A_846 : i32 to vector<16xi32>
      %and3A_848 = arith.andi %bitcast_convert_type3A_839, %and3A_847 : vector<16xi32>
      %or3A_849 = arith.constant 1065353216 : i32
      %or3A_850 = vector.broadcast %or3A_849 : i32 to vector<16xi32>
      %or3A_851 = arith.ori %and3A_848, %or3A_850 : vector<16xi32>
      %bitcast_convert_type3A_852 = tpu.bitcast %or3A_851 : vector<16xi32> -> vector<16xf32>
      %broadcast_in_dim3A_853 = arith.constant -0.0791538357 : f32
      %broadcast_in_dim3A_854 = vector.broadcast %broadcast_in_dim3A_853 : f32 to vector<16xf32>
      %mul3A_855 = arith.mulf %broadcast_in_dim3A_854, %bitcast_convert_type3A_852 : vector<16xf32>
      %add3A_856 = arith.constant 0.628841459 : f32
      %add3A_857 = vector.broadcast %add3A_856 : f32 to vector<16xf32>
      %add3A_858 = arith.addf %mul3A_855, %add3A_857 : vector<16xf32>
      %mul3A_859 = arith.mulf %add3A_858, %bitcast_convert_type3A_852 : vector<16xf32>
      %add3A_860 = arith.constant -2.0811286 : f32
      %add3A_861 = vector.broadcast %add3A_860 : f32 to vector<16xf32>
      %add3A_862 = arith.addf %mul3A_859, %add3A_861 : vector<16xf32>
      %mul3A_863 = arith.mulf %add3A_862, %bitcast_convert_type3A_852 : vector<16xf32>
      %add3A_864 = arith.constant 4.02845049 : f32
      %add3A_865 = vector.broadcast %add3A_864 : f32 to vector<16xf32>
      %add3A_866 = arith.addf %mul3A_863, %add3A_865 : vector<16xf32>
      %mul3A_867 = arith.mulf %add3A_866, %bitcast_convert_type3A_852 : vector<16xf32>
      %add3A_868 = arith.constant -2.49680591 : f32
      %add3A_869 = vector.broadcast %add3A_868 : f32 to vector<16xf32>
      %add3A_870 = arith.addf %mul3A_867, %add3A_869 : vector<16xf32>
      %convert_element_type3A_871 = arith.sitofp %sub3A_845 : vector<16xi32> to vector<16xf32>
      %add3A_872 = arith.addf %convert_element_type3A_871, %add3A_870 : vector<16xf32>
      %sub3A_873 = arith.constant 7.000000e+00 : f32
      %sub3A_874 = vector.broadcast %sub3A_873 : f32 to vector<16xf32>
      %sub3A_875 = arith.subf %add3A_141, %sub3A_874 : vector<16xf32>
      %abs3A_876 = math.absf %sub3A_875 : vector<16xf32>
      %sub3A_877 = arith.constant 1.000000e+00 : f32
      %sub3A_878 = vector.broadcast %sub3A_877 : f32 to vector<16xf32>
      %sub3A_879 = arith.subf %sub3A_878, %abs3A_876 : vector<16xf32>
      %max3A_880 = arith.constant 0.000000e+00 : f32
      %max3A_881 = vector.broadcast %max3A_880 : f32 to vector<16xf32>
      %max3A_882 = arith.maximumf %sub3A_879, %max3A_881 : vector<16xf32>
      %sub3A_883 = arith.subf %add3A_835, %add3A_872 : vector<16xf32>
      %mul3A_884 = arith.mulf %max3A_882, %sub3A_883 : vector<16xf32>
      %add3A_885 = arith.addf %add3A_872, %mul3A_884 : vector<16xf32>
      %add3A_886 = arith.addf %add3A_792, %add3A_885 : vector<16xf32>
      %mul3A_887 = arith.constant 16 : i32
      %mul3A_888 = arith.muli %scan3A_14, %mul3A_887 : i32
      %get3A_889 = arith.constant 0 : i32
      %get3A_890 = arith.constant 0 : i32
      %get3A_891 = tpu.memref_slice %arg6[%get3A_889, %get3A_890] : memref<2x5632xf32, #tpu.memory_space<vmem>> -> memref<1x5632xf32, #tpu.memory_space<vmem>>
      %get3A_892 = tpu.memref_squeeze %get3A_891 : memref<1x5632xf32, #tpu.memory_space<vmem>> -> memref<5632xf32, #tpu.memory_space<vmem>>
      %get3A_893 = arith.index_cast %mul3A_888 : i32 to index
      %get3A_894 = tpu.vector_load %get3A_892[%get3A_893] {strides = array<i32>} : memref<5632xf32, #tpu.memory_space<vmem>>, vector<16xf32>,
      %get3A_895 = vector.shape_cast %get3A_894 : vector<16xf32> to vector<16xf32>
      %bitcast_convert_type3A_896 = tpu.bitcast %get3A_895 : vector<16xf32> -> vector<16xi32>
      %shift_right_arithmetic3A_897 = arith.constant 23 : i32
      %shift_right_arithmetic3A_898 = vector.broadcast %shift_right_arithmetic3A_897 : i32 to vector<16xi32>
      %shift_right_arithmetic3A_899 = arith.shrsi %bitcast_convert_type3A_896, %shift_right_arithmetic3A_898 : vector<16xi32>
      %sub3A_900 = arith.constant 127 : i32
      %sub3A_901 = vector.broadcast %sub3A_900 : i32 to vector<16xi32>
      %sub3A_902 = arith.subi %shift_right_arithmetic3A_899, %sub3A_901 : vector<16xi32>
      %and3A_903 = arith.constant 8388607 : i32
      %and3A_904 = vector.broadcast %and3A_903 : i32 to vector<16xi32>
      %and3A_905 = arith.andi %bitcast_convert_type3A_896, %and3A_904 : vector<16xi32>
      %or3A_906 = arith.constant 1065353216 : i32
      %or3A_907 = vector.broadcast %or3A_906 : i32 to vector<16xi32>
      %or3A_908 = arith.ori %and3A_905, %or3A_907 : vector<16xi32>
      %bitcast_convert_type3A_909 = tpu.bitcast %or3A_908 : vector<16xi32> -> vector<16xf32>
      %broadcast_in_dim3A_910 = arith.constant -0.0791538357 : f32
      %broadcast_in_dim3A_911 = vector.broadcast %broadcast_in_dim3A_910 : f32 to vector<16xf32>
      %mul3A_912 = arith.mulf %broadcast_in_dim3A_911, %bitcast_convert_type3A_909 : vector<16xf32>
      %add3A_913 = arith.constant 0.628841459 : f32
      %add3A_914 = vector.broadcast %add3A_913 : f32 to vector<16xf32>
      %add3A_915 = arith.addf %mul3A_912, %add3A_914 : vector<16xf32>
      %mul3A_916 = arith.mulf %add3A_915, %bitcast_convert_type3A_909 : vector<16xf32>
      %add3A_917 = arith.constant -2.0811286 : f32
      %add3A_918 = vector.broadcast %add3A_917 : f32 to vector<16xf32>
      %add3A_919 = arith.addf %mul3A_916, %add3A_918 : vector<16xf32>
      %mul3A_920 = arith.mulf %add3A_919, %bitcast_convert_type3A_909 : vector<16xf32>
      %add3A_921 = arith.constant 4.02845049 : f32
      %add3A_922 = vector.broadcast %add3A_921 : f32 to vector<16xf32>
      %add3A_923 = arith.addf %mul3A_920, %add3A_922 : vector<16xf32>
      %mul3A_924 = arith.mulf %add3A_923, %bitcast_convert_type3A_909 : vector<16xf32>
      %add3A_925 = arith.constant -2.49680591 : f32
      %add3A_926 = vector.broadcast %add3A_925 : f32 to vector<16xf32>
      %add3A_927 = arith.addf %mul3A_924, %add3A_926 : vector<16xf32>
      %convert_element_type3A_928 = arith.sitofp %sub3A_902 : vector<16xi32> to vector<16xf32>
      %add3A_929 = arith.addf %convert_element_type3A_928, %add3A_927 : vector<16xf32>
      %sub3A_930 = arith.constant 1.000000e+00 : f32
      %sub3A_931 = vector.broadcast %sub3A_930 : f32 to vector<16xf32>
      %sub3A_932 = arith.subf %sub3A_931, %get3A_895 : vector<16xf32>
      %bitcast_convert_type3A_933 = tpu.bitcast %sub3A_932 : vector<16xf32> -> vector<16xi32>
      %shift_right_arithmetic3A_934 = arith.constant 23 : i32
      %shift_right_arithmetic3A_935 = vector.broadcast %shift_right_arithmetic3A_934 : i32 to vector<16xi32>
      %shift_right_arithmetic3A_936 = arith.shrsi %bitcast_convert_type3A_933, %shift_right_arithmetic3A_935 : vector<16xi32>
      %sub3A_937 = arith.constant 127 : i32
      %sub3A_938 = vector.broadcast %sub3A_937 : i32 to vector<16xi32>
      %sub3A_939 = arith.subi %shift_right_arithmetic3A_936, %sub3A_938 : vector<16xi32>
      %and3A_940 = arith.constant 8388607 : i32
      %and3A_941 = vector.broadcast %and3A_940 : i32 to vector<16xi32>
      %and3A_942 = arith.andi %bitcast_convert_type3A_933, %and3A_941 : vector<16xi32>
      %or3A_943 = arith.constant 1065353216 : i32
      %or3A_944 = vector.broadcast %or3A_943 : i32 to vector<16xi32>
      %or3A_945 = arith.ori %and3A_942, %or3A_944 : vector<16xi32>
      %bitcast_convert_type3A_946 = tpu.bitcast %or3A_945 : vector<16xi32> -> vector<16xf32>
      %broadcast_in_dim3A_947 = arith.constant -0.0791538357 : f32
      %broadcast_in_dim3A_948 = vector.broadcast %broadcast_in_dim3A_947 : f32 to vector<16xf32>
      %mul3A_949 = arith.mulf %broadcast_in_dim3A_948, %bitcast_convert_type3A_946 : vector<16xf32>
      %add3A_950 = arith.constant 0.628841459 : f32
      %add3A_951 = vector.broadcast %add3A_950 : f32 to vector<16xf32>
      %add3A_952 = arith.addf %mul3A_949, %add3A_951 : vector<16xf32>
      %mul3A_953 = arith.mulf %add3A_952, %bitcast_convert_type3A_946 : vector<16xf32>
      %add3A_954 = arith.constant -2.0811286 : f32
      %add3A_955 = vector.broadcast %add3A_954 : f32 to vector<16xf32>
      %add3A_956 = arith.addf %mul3A_953, %add3A_955 : vector<16xf32>
      %mul3A_957 = arith.mulf %add3A_956, %bitcast_convert_type3A_946 : vector<16xf32>
      %add3A_958 = arith.constant 4.02845049 : f32
      %add3A_959 = vector.broadcast %add3A_958 : f32 to vector<16xf32>
      %add3A_960 = arith.addf %mul3A_957, %add3A_959 : vector<16xf32>
      %mul3A_961 = arith.mulf %add3A_960, %bitcast_convert_type3A_946 : vector<16xf32>
      %add3A_962 = arith.constant -2.49680591 : f32
      %add3A_963 = vector.broadcast %add3A_962 : f32 to vector<16xf32>
      %add3A_964 = arith.addf %mul3A_961, %add3A_963 : vector<16xf32>
      %convert_element_type3A_965 = arith.sitofp %sub3A_939 : vector<16xi32> to vector<16xf32>
      %add3A_966 = arith.addf %convert_element_type3A_965, %add3A_964 : vector<16xf32>
      %sub3A_967 = arith.constant 8.000000e+00 : f32
      %sub3A_968 = vector.broadcast %sub3A_967 : f32 to vector<16xf32>
      %sub3A_969 = arith.subf %add3A_141, %sub3A_968 : vector<16xf32>
      %abs3A_970 = math.absf %sub3A_969 : vector<16xf32>
      %sub3A_971 = arith.constant 1.000000e+00 : f32
      %sub3A_972 = vector.broadcast %sub3A_971 : f32 to vector<16xf32>
      %sub3A_973 = arith.subf %sub3A_972, %abs3A_970 : vector<16xf32>
      %max3A_974 = arith.constant 0.000000e+00 : f32
      %max3A_975 = vector.broadcast %max3A_974 : f32 to vector<16xf32>
      %max3A_976 = arith.maximumf %sub3A_973, %max3A_975 : vector<16xf32>
      %sub3A_977 = arith.subf %add3A_929, %add3A_966 : vector<16xf32>
      %mul3A_978 = arith.mulf %max3A_976, %sub3A_977 : vector<16xf32>
      %add3A_979 = arith.addf %add3A_966, %mul3A_978 : vector<16xf32>
      %add3A_980 = arith.addf %add3A_886, %add3A_979 : vector<16xf32>
      %mul3A_981 = arith.constant 16 : i32
      %mul3A_982 = arith.muli %scan3A_14, %mul3A_981 : i32
      %get3A_983 = arith.constant 1 : i32
      %get3A_984 = arith.constant 0 : i32
      %get3A_985 = tpu.memref_slice %arg6[%get3A_983, %get3A_984] : memref<2x5632xf32, #tpu.memory_space<vmem>> -> memref<1x5632xf32, #tpu.memory_space<vmem>>
      %get3A_986 = tpu.memref_squeeze %get3A_985 : memref<1x5632xf32, #tpu.memory_space<vmem>> -> memref<5632xf32, #tpu.memory_space<vmem>>
      %get3A_987 = arith.index_cast %mul3A_982 : i32 to index
      %get3A_988 = tpu.vector_load %get3A_986[%get3A_987] {strides = array<i32>} : memref<5632xf32, #tpu.memory_space<vmem>>, vector<16xf32>,
      %get3A_989 = vector.shape_cast %get3A_988 : vector<16xf32> to vector<16xf32>
      %bitcast_convert_type3A_990 = tpu.bitcast %get3A_989 : vector<16xf32> -> vector<16xi32>
      %shift_right_arithmetic3A_991 = arith.constant 23 : i32
      %shift_right_arithmetic3A_992 = vector.broadcast %shift_right_arithmetic3A_991 : i32 to vector<16xi32>
      %shift_right_arithmetic3A_993 = arith.shrsi %bitcast_convert_type3A_990, %shift_right_arithmetic3A_992 : vector<16xi32>
      %sub3A_994 = arith.constant 127 : i32
      %sub3A_995 = vector.broadcast %sub3A_994 : i32 to vector<16xi32>
      %sub3A_996 = arith.subi %shift_right_arithmetic3A_993, %sub3A_995 : vector<16xi32>
      %and3A_997 = arith.constant 8388607 : i32
      %and3A_998 = vector.broadcast %and3A_997 : i32 to vector<16xi32>
      %and3A_999 = arith.andi %bitcast_convert_type3A_990, %and3A_998 : vector<16xi32>
      %or3A_1000 = arith.constant 1065353216 : i32
      %or3A_1001 = vector.broadcast %or3A_1000 : i32 to vector<16xi32>
      %or3A_1002 = arith.ori %and3A_999, %or3A_1001 : vector<16xi32>
      %bitcast_convert_type3A_1003 = tpu.bitcast %or3A_1002 : vector<16xi32> -> vector<16xf32>
      %broadcast_in_dim3A_1004 = arith.constant -0.0791538357 : f32
      %broadcast_in_dim3A_1005 = vector.broadcast %broadcast_in_dim3A_1004 : f32 to vector<16xf32>
      %mul3A_1006 = arith.mulf %broadcast_in_dim3A_1005, %bitcast_convert_type3A_1003 : vector<16xf32>
      %add3A_1007 = arith.constant 0.628841459 : f32
      %add3A_1008 = vector.broadcast %add3A_1007 : f32 to vector<16xf32>
      %add3A_1009 = arith.addf %mul3A_1006, %add3A_1008 : vector<16xf32>
      %mul3A_1010 = arith.mulf %add3A_1009, %bitcast_convert_type3A_1003 : vector<16xf32>
      %add3A_1011 = arith.constant -2.0811286 : f32
      %add3A_1012 = vector.broadcast %add3A_1011 : f32 to vector<16xf32>
      %add3A_1013 = arith.addf %mul3A_1010, %add3A_1012 : vector<16xf32>
      %mul3A_1014 = arith.mulf %add3A_1013, %bitcast_convert_type3A_1003 : vector<16xf32>
      %add3A_1015 = arith.constant 4.02845049 : f32
      %add3A_1016 = vector.broadcast %add3A_1015 : f32 to vector<16xf32>
      %add3A_1017 = arith.addf %mul3A_1014, %add3A_1016 : vector<16xf32>
      %mul3A_1018 = arith.mulf %add3A_1017, %bitcast_convert_type3A_1003 : vector<16xf32>
      %add3A_1019 = arith.constant -2.49680591 : f32
      %add3A_1020 = vector.broadcast %add3A_1019 : f32 to vector<16xf32>
      %add3A_1021 = arith.addf %mul3A_1018, %add3A_1020 : vector<16xf32>
      %convert_element_type3A_1022 = arith.sitofp %sub3A_996 : vector<16xi32> to vector<16xf32>
      %add3A_1023 = arith.addf %convert_element_type3A_1022, %add3A_1021 : vector<16xf32>
      %sub3A_1024 = arith.constant 1.000000e+00 : f32
      %sub3A_1025 = vector.broadcast %sub3A_1024 : f32 to vector<16xf32>
      %sub3A_1026 = arith.subf %sub3A_1025, %get3A_989 : vector<16xf32>
      %bitcast_convert_type3A_1027 = tpu.bitcast %sub3A_1026 : vector<16xf32> -> vector<16xi32>
      %shift_right_arithmetic3A_1028 = arith.constant 23 : i32
      %shift_right_arithmetic3A_1029 = vector.broadcast %shift_right_arithmetic3A_1028 : i32 to vector<16xi32>
      %shift_right_arithmetic3A_1030 = arith.shrsi %bitcast_convert_type3A_1027, %shift_right_arithmetic3A_1029 : vector<16xi32>
      %sub3A_1031 = arith.constant 127 : i32
      %sub3A_1032 = vector.broadcast %sub3A_1031 : i32 to vector<16xi32>
      %sub3A_1033 = arith.subi %shift_right_arithmetic3A_1030, %sub3A_1032 : vector<16xi32>
      %and3A_1034 = arith.constant 8388607 : i32
      %and3A_1035 = vector.broadcast %and3A_1034 : i32 to vector<16xi32>
      %and3A_1036 = arith.andi %bitcast_convert_type3A_1027, %and3A_1035 : vector<16xi32>
      %or3A_1037 = arith.constant 1065353216 : i32
      %or3A_1038 = vector.broadcast %or3A_1037 : i32 to vector<16xi32>
      %or3A_1039 = arith.ori %and3A_1036, %or3A_1038 : vector<16xi32>
      %bitcast_convert_type3A_1040 = tpu.bitcast %or3A_1039 : vector<16xi32> -> vector<16xf32>
      %broadcast_in_dim3A_1041 = arith.constant -0.0791538357 : f32
      %broadcast_in_dim3A_1042 = vector.broadcast %broadcast_in_dim3A_1041 : f32 to vector<16xf32>
      %mul3A_1043 = arith.mulf %broadcast_in_dim3A_1042, %bitcast_convert_type3A_1040 : vector<16xf32>
      %add3A_1044 = arith.constant 0.628841459 : f32
      %add3A_1045 = vector.broadcast %add3A_1044 : f32 to vector<16xf32>
      %add3A_1046 = arith.addf %mul3A_1043, %add3A_1045 : vector<16xf32>
      %mul3A_1047 = arith.mulf %add3A_1046, %bitcast_convert_type3A_1040 : vector<16xf32>
      %add3A_1048 = arith.constant -2.0811286 : f32
      %add3A_1049 = vector.broadcast %add3A_1048 : f32 to vector<16xf32>
      %add3A_1050 = arith.addf %mul3A_1047, %add3A_1049 : vector<16xf32>
      %mul3A_1051 = arith.mulf %add3A_1050, %bitcast_convert_type3A_1040 : vector<16xf32>
      %add3A_1052 = arith.constant 4.02845049 : f32
      %add3A_1053 = vector.broadcast %add3A_1052 : f32 to vector<16xf32>
      %add3A_1054 = arith.addf %mul3A_1051, %add3A_1053 : vector<16xf32>
      %mul3A_1055 = arith.mulf %add3A_1054, %bitcast_convert_type3A_1040 : vector<16xf32>
      %add3A_1056 = arith.constant -2.49680591 : f32
      %add3A_1057 = vector.broadcast %add3A_1056 : f32 to vector<16xf32>
      %add3A_1058 = arith.addf %mul3A_1055, %add3A_1057 : vector<16xf32>
      %convert_element_type3A_1059 = arith.sitofp %sub3A_1033 : vector<16xi32> to vector<16xf32>
      %add3A_1060 = arith.addf %convert_element_type3A_1059, %add3A_1058 : vector<16xf32>
      %sub3A_1061 = arith.constant 9.000000e+00 : f32
      %sub3A_1062 = vector.broadcast %sub3A_1061 : f32 to vector<16xf32>
      %sub3A_1063 = arith.subf %add3A_141, %sub3A_1062 : vector<16xf32>
      %abs3A_1064 = math.absf %sub3A_1063 : vector<16xf32>
      %sub3A_1065 = arith.constant 1.000000e+00 : f32
      %sub3A_1066 = vector.broadcast %sub3A_1065 : f32 to vector<16xf32>
      %sub3A_1067 = arith.subf %sub3A_1066, %abs3A_1064 : vector<16xf32>
      %max3A_1068 = arith.constant 0.000000e+00 : f32
      %max3A_1069 = vector.broadcast %max3A_1068 : f32 to vector<16xf32>
      %max3A_1070 = arith.maximumf %sub3A_1067, %max3A_1069 : vector<16xf32>
      %sub3A_1071 = arith.subf %add3A_1023, %add3A_1060 : vector<16xf32>
      %mul3A_1072 = arith.mulf %max3A_1070, %sub3A_1071 : vector<16xf32>
      %add3A_1073 = arith.addf %add3A_1060, %mul3A_1072 : vector<16xf32>
      %add3A_1074 = arith.addf %add3A_980, %add3A_1073 : vector<16xf32>
      scf.yield %add3A_1074 : vector<16xf32>
    }
    %scan3A_10 = arith.constant 352 : i32
    %swap3A = arith.constant 0 : index
    %swap3A_11 = tpu.vector_load %arg8[%swap3A] {strides = array<i32>} : memref<16xf32, #tpu.memory_space<vmem>>, vector<16xf32>,
    %swap3A_12 = vector.shape_cast %swap3A_11 : vector<16xf32> to vector<16xf32>
    %swap3A_13 = vector.shape_cast %scan3A_9 : vector<16xf32> to vector<16xf32>
    tpu.vector_store %arg8[%swap3A], %swap3A_13 {strides = array<i32>} : memref<16xf32, #tpu.memory_space<vmem>>, vector<16xf32>,
    "tpu.region"() ({
      %run_scoped3A = tpu.sem_alloc : memref<!tpu.dma_semaphore, #tpu.memory_space<semaphore_mem>>
      %dma_start3A = arith.constant 0 : i32
      %dma_start3A_14 = tpu.memref_slice %arg4[%add3A, %dma_start3A] : memref<32x16xf32, #tpu.memory_space<hbm>> -> memref<1x16xf32, #tpu.memory_space<hbm>>
      %dma_start3A_15 = tpu.memref_squeeze %dma_start3A_14 : memref<1x16xf32, #tpu.memory_space<hbm>> -> memref<16xf32, #tpu.memory_space<hbm>>
      %dma_start3A_16 = arith.constant 0 : i32
      %dma_start3A_17 = tpu.memref_slice %arg4[%add3A, %dma_start3A_16] : memref<32x16xf32, #tpu.memory_space<hbm>> -> memref<1x16xf32, #tpu.memory_space<hbm>>
      %dma_start3A_18 = tpu.memref_squeeze %dma_start3A_17 : memref<1x16xf32, #tpu.memory_space<hbm>> -> memref<16xf32, #tpu.memory_space<hbm>>
      tpu.enqueue_dma source(%arg8 : memref<16xf32, #tpu.memory_space<vmem>>) target(%dma_start3A_18 : memref<16xf32, #tpu.memory_space<hbm>>) target_semaphore(%run_scoped3A : memref<!tpu.dma_semaphore, #tpu.memory_space<semaphore_mem>>)
      %dma_wait3A = arith.constant 0 : i32
      %dma_wait3A_19 = tpu.memref_slice %arg4[%add3A, %dma_wait3A] : memref<32x16xf32, #tpu.memory_space<hbm>> -> memref<1x16xf32, #tpu.memory_space<hbm>>
      %dma_wait3A_20 = tpu.memref_squeeze %dma_wait3A_19 : memref<1x16xf32, #tpu.memory_space<hbm>> -> memref<16xf32, #tpu.memory_space<hbm>>
      %dma_wait3A_21 = arith.constant 0 : i32
      %dma_wait3A_22 = tpu.memref_slice %arg4[%add3A, %dma_wait3A_21] : memref<32x16xf32, #tpu.memory_space<hbm>> -> memref<1x16xf32, #tpu.memory_space<hbm>>
      %dma_wait3A_23 = tpu.memref_squeeze %dma_wait3A_22 : memref<1x16xf32, #tpu.memory_space<hbm>> -> memref<16xf32, #tpu.memory_space<hbm>>
      tpu.wait_dma2 semaphore(%run_scoped3A : memref<!tpu.dma_semaphore, #tpu.memory_space<semaphore_mem>>) src(%arg8 : memref<16xf32, #tpu.memory_space<vmem>>) dst(%dma_wait3A_23 : memref<16xf32, #tpu.memory_space<hbm>>)
      tpu.yield
    }) : () -> ()
    return
  }
}

module attributes {stable_mosaic.version = 14 : i64} {
  func.func @_tc_body(%arg0: i32, %arg1: memref<10x16384xf32, #tpu.memory_space<vmem>>, %arg2: memref<128x128xf32, #tpu.memory_space<vmem>>, %arg3: memref<10x128xf32, #tpu.memory_space<vmem>>, %arg4: memref<10x128xf32, #tpu.memory_space<vmem>>, %arg5: memref<10x128xf32, #tpu.memory_space<vmem>>, %arg6: memref<10x128xf32, #tpu.memory_space<vmem>>, %arg7: memref<1x1xf32, #tpu.memory_space<smem>>, %arg8: memref<10x128xf32, #tpu.memory_space<vmem>>) attributes {dimension_semantics = [#tpu.dimension_semantics<arbitrary>], iteration_bounds = array<i64: 53>, scalar_prefetch = 0 : i64, scratch_operands = 1 : i64, tpu.core_type = #tpu.core_type<tc>, window_params = [{transform_indices = @transform_0, window_bounds = array<i64: 10, 16384>}, {transform_indices = @transform_1, window_bounds = array<i64: 128, 128>}, {pipeline_mode = #tpu.pipeline_mode<synchronous>, transform_indices = @transform_2, window_bounds = array<i64: 10, 128>}, {pipeline_mode = #tpu.pipeline_mode<synchronous>, transform_indices = @transform_3, window_bounds = array<i64: 10, 128>}, {pipeline_mode = #tpu.pipeline_mode<synchronous>, transform_indices = @transform_4, window_bounds = array<i64: 10, 128>}, {pipeline_mode = #tpu.pipeline_mode<synchronous>, transform_indices = @transform_5, window_bounds = array<i64: 10, 128>}, {transform_indices = @transform_6, window_bounds = array<i64: 1, 1>}]} {
    %eq3A = arith.constant 0 : i32
    %eq3A_0 = arith.cmpi eq, %arg0, %eq3A : i32
    %convert_element_type3A = arith.extui %eq3A_0 : i1 to i32
    %cond3A = arith.constant 0 : i32
    %cond3A_1 = arith.cmpi ne, %convert_element_type3A, %cond3A : i32
    scf.if %cond3A_1 {
      %broadcast_in_dim3A_4002 = arith.constant 0.000000e+00 : f32
      %broadcast_in_dim3A_4003 = vector.broadcast %broadcast_in_dim3A_4002 : f32 to vector<10x128xf32>
      %swap3A_4004 = arith.constant 0 : index
      %swap3A_4005 = arith.constant 0 : index
      %swap3A_4006 = vector.load %arg8[%swap3A_4004, %swap3A_4005] : memref<10x128xf32, #tpu.memory_space<vmem>>, vector<10x128xf32>
      tpu.vector_store %arg8[%swap3A_4004, %swap3A_4005], %broadcast_in_dim3A_4003 {strides = array<i32>} : memref<10x128xf32, #tpu.memory_space<vmem>>, vector<10x128xf32>,
    } else {
    }
    %get3A = arith.constant 0 : index
    %get3A_2 = arith.constant 0 : index
    %get3A_3 = vector.load %arg3[%get3A, %get3A_2] : memref<10x128xf32, #tpu.memory_space<vmem>>, vector<10x128xf32>
    %get3A_4 = arith.constant 0 : index
    %get3A_5 = arith.constant 0 : index
    %get3A_6 = vector.load %arg4[%get3A_4, %get3A_5] : memref<10x128xf32, #tpu.memory_space<vmem>>, vector<10x128xf32>
    %get3A_7 = arith.constant 0 : index
    %get3A_8 = arith.constant 0 : index
    %get3A_9 = vector.load %arg5[%get3A_7, %get3A_8] : memref<10x128xf32, #tpu.memory_space<vmem>>, vector<10x128xf32>
    %get3A_10 = arith.constant 0 : index
    %get3A_11 = arith.constant 0 : index
    %get3A_12 = vector.load %arg6[%get3A_10, %get3A_11] : memref<10x128xf32, #tpu.memory_space<vmem>>, vector<10x128xf32>
    %get3A_13 = arith.constant 0 : index
    %get3A_14 = arith.constant 0 : index
    %get3A_15 = vector.load %arg2[%get3A_13, %get3A_14] : memref<128x128xf32, #tpu.memory_space<vmem>>, vector<128x128xf32>
    %jit3A = arith.constant 0.959999978 : f32
    %jit3A_16 = arith.constant 1.920000e+02 : f32
    %max3A = vector.broadcast %jit3A : f32 to vector<128x128xf32>
    %max3A_17 = arith.maximumf %max3A, %get3A_15 : vector<128x128xf32>
    %min3A = vector.broadcast %jit3A_16 : f32 to vector<128x128xf32>
    %min3A_18 = arith.minimumf %min3A, %max3A_17 : vector<128x128xf32>
    %broadcast_in_dim3A = arith.constant 0.000000e+00 : f32
    %broadcast_in_dim3A_19 = vector.broadcast %broadcast_in_dim3A : f32 to vector<10x128xf32>
    %broadcast_in_dim3A_20 = arith.constant 0.000000e+00 : f32
    %broadcast_in_dim3A_21 = vector.broadcast %broadcast_in_dim3A_20 : f32 to vector<10x128xf32>
    %broadcast_in_dim3A_22 = arith.constant 0.000000e+00 : f32
    %broadcast_in_dim3A_23 = vector.broadcast %broadcast_in_dim3A_22 : f32 to vector<10x128xf32>
    %broadcast_in_dim3A_24 = arith.constant 0.000000e+00 : f32
    %broadcast_in_dim3A_25 = vector.broadcast %broadcast_in_dim3A_24 : f32 to vector<10x128xf32>
    %slice3A = vector.extract_strided_slice %min3A_18 {offsets = [0, 0], sizes = [1, 128], strides = [1, 1]} : vector<128x128xf32> to vector<1x128xf32>
    %mul3A = vector.broadcast %slice3A : vector<1x128xf32> to vector<10x128xf32>
    %mul3A_26 = arith.mulf %get3A_3, %mul3A : vector<10x128xf32>
    %add3A = arith.addf %mul3A_26, %get3A_6 : vector<10x128xf32>
    %mul3A_27 = vector.broadcast %slice3A : vector<1x128xf32> to vector<10x128xf32>
    %mul3A_28 = arith.mulf %get3A_9, %mul3A_27 : vector<10x128xf32>
    %add3A_29 = arith.addf %mul3A_28, %get3A_12 : vector<10x128xf32>
    %min3A_30 = arith.minimumf %add3A, %add3A_29 : vector<10x128xf32>
    %max3A_31 = arith.constant 0.000000e+00 : f32
    %max3A_32 = vector.broadcast %max3A_31 : f32 to vector<10x128xf32>
    %max3A_33 = arith.maximumf %min3A_30, %max3A_32 : vector<10x128xf32>
    %get3A_34 = arith.constant 0 : index
    %get3A_35 = arith.constant 0 : index
    %get3A_36 = vector.load %arg1[%get3A_34, %get3A_35] : memref<10x16384xf32, #tpu.memory_space<vmem>>, vector<10x128xf32>
    %log3A = math.log %get3A_36 : vector<10x128xf32>
    %log3A_37 = arith.constant 2.000000e+00 : f32
    %log3A_38 = math.log %log3A_37 : f32
    %div3A = vector.broadcast %log3A_38 : f32 to vector<10x128xf32>
    %div3A_39 = arith.divf %log3A, %div3A : vector<10x128xf32>
    %sub3A = arith.constant 1.000000e+00 : f32
    %sub3A_40 = vector.broadcast %sub3A : f32 to vector<10x128xf32>
    %sub3A_41 = arith.subf %sub3A_40, %get3A_36 : vector<10x128xf32>
    %log3A_42 = math.log %sub3A_41 : vector<10x128xf32>
    %log3A_43 = arith.constant 2.000000e+00 : f32
    %log3A_44 = math.log %log3A_43 : f32
    %div3A_45 = vector.broadcast %log3A_44 : f32 to vector<10x128xf32>
    %div3A_46 = arith.divf %log3A_42, %div3A_45 : vector<10x128xf32>
    %sub3A_47 = arith.subf %div3A_39, %div3A_46 : vector<10x128xf32>
    %mul3A_48 = arith.mulf %max3A_33, %sub3A_47 : vector<10x128xf32>
    %add3A_49 = arith.addf %div3A_46, %mul3A_48 : vector<10x128xf32>
    %add3A_50 = arith.addf %broadcast_in_dim3A_19, %add3A_49 : vector<10x128xf32>
    %slice3A_51 = vector.extract_strided_slice %min3A_18 {offsets = [1, 0], sizes = [1, 128], strides = [1, 1]} : vector<128x128xf32> to vector<1x128xf32>
    %mul3A_52 = vector.broadcast %slice3A_51 : vector<1x128xf32> to vector<10x128xf32>
    %mul3A_53 = arith.mulf %get3A_3, %mul3A_52 : vector<10x128xf32>
    %add3A_54 = arith.addf %mul3A_53, %get3A_6 : vector<10x128xf32>
    %mul3A_55 = vector.broadcast %slice3A_51 : vector<1x128xf32> to vector<10x128xf32>
    %mul3A_56 = arith.mulf %get3A_9, %mul3A_55 : vector<10x128xf32>
    %add3A_57 = arith.addf %mul3A_56, %get3A_12 : vector<10x128xf32>
    %min3A_58 = arith.minimumf %add3A_54, %add3A_57 : vector<10x128xf32>
    %max3A_59 = arith.constant 0.000000e+00 : f32
    %max3A_60 = vector.broadcast %max3A_59 : f32 to vector<10x128xf32>
    %max3A_61 = arith.maximumf %min3A_58, %max3A_60 : vector<10x128xf32>
    %get3A_62 = arith.constant 0 : index
    %get3A_63 = arith.constant 128 : index
    %get3A_64 = vector.load %arg1[%get3A_62, %get3A_63] : memref<10x16384xf32, #tpu.memory_space<vmem>>, vector<10x128xf32>
    %log3A_65 = math.log %get3A_64 : vector<10x128xf32>
    %log3A_66 = arith.constant 2.000000e+00 : f32
    %log3A_67 = math.log %log3A_66 : f32
    %div3A_68 = vector.broadcast %log3A_67 : f32 to vector<10x128xf32>
    %div3A_69 = arith.divf %log3A_65, %div3A_68 : vector<10x128xf32>
    %sub3A_70 = arith.constant 1.000000e+00 : f32
    %sub3A_71 = vector.broadcast %sub3A_70 : f32 to vector<10x128xf32>
    %sub3A_72 = arith.subf %sub3A_71, %get3A_64 : vector<10x128xf32>
    %log3A_73 = math.log %sub3A_72 : vector<10x128xf32>
    %log3A_74 = arith.constant 2.000000e+00 : f32
    %log3A_75 = math.log %log3A_74 : f32
    %div3A_76 = vector.broadcast %log3A_75 : f32 to vector<10x128xf32>
    %div3A_77 = arith.divf %log3A_73, %div3A_76 : vector<10x128xf32>
    %sub3A_78 = arith.subf %div3A_69, %div3A_77 : vector<10x128xf32>
    %mul3A_79 = arith.mulf %max3A_61, %sub3A_78 : vector<10x128xf32>
    %add3A_80 = arith.addf %div3A_77, %mul3A_79 : vector<10x128xf32>
    %add3A_81 = arith.addf %broadcast_in_dim3A_21, %add3A_80 : vector<10x128xf32>
    %slice3A_82 = vector.extract_strided_slice %min3A_18 {offsets = [2, 0], sizes = [1, 128], strides = [1, 1]} : vector<128x128xf32> to vector<1x128xf32>
    %mul3A_83 = vector.broadcast %slice3A_82 : vector<1x128xf32> to vector<10x128xf32>
    %mul3A_84 = arith.mulf %get3A_3, %mul3A_83 : vector<10x128xf32>
    %add3A_85 = arith.addf %mul3A_84, %get3A_6 : vector<10x128xf32>
    %mul3A_86 = vector.broadcast %slice3A_82 : vector<1x128xf32> to vector<10x128xf32>
    %mul3A_87 = arith.mulf %get3A_9, %mul3A_86 : vector<10x128xf32>
    %add3A_88 = arith.addf %mul3A_87, %get3A_12 : vector<10x128xf32>
    %min3A_89 = arith.minimumf %add3A_85, %add3A_88 : vector<10x128xf32>
    %max3A_90 = arith.constant 0.000000e+00 : f32
    %max3A_91 = vector.broadcast %max3A_90 : f32 to vector<10x128xf32>
    %max3A_92 = arith.maximumf %min3A_89, %max3A_91 : vector<10x128xf32>
    %get3A_93 = arith.constant 0 : index
    %get3A_94 = arith.constant 256 : index
    %get3A_95 = vector.load %arg1[%get3A_93, %get3A_94] : memref<10x16384xf32, #tpu.memory_space<vmem>>, vector<10x128xf32>
    %log3A_96 = math.log %get3A_95 : vector<10x128xf32>
    %log3A_97 = arith.constant 2.000000e+00 : f32
    %log3A_98 = math.log %log3A_97 : f32
    %div3A_99 = vector.broadcast %log3A_98 : f32 to vector<10x128xf32>
    %div3A_100 = arith.divf %log3A_96, %div3A_99 : vector<10x128xf32>
    %sub3A_101 = arith.constant 1.000000e+00 : f32
    %sub3A_102 = vector.broadcast %sub3A_101 : f32 to vector<10x128xf32>
    %sub3A_103 = arith.subf %sub3A_102, %get3A_95 : vector<10x128xf32>
    %log3A_104 = math.log %sub3A_103 : vector<10x128xf32>
    %log3A_105 = arith.constant 2.000000e+00 : f32
    %log3A_106 = math.log %log3A_105 : f32
    %div3A_107 = vector.broadcast %log3A_106 : f32 to vector<10x128xf32>
    %div3A_108 = arith.divf %log3A_104, %div3A_107 : vector<10x128xf32>
    %sub3A_109 = arith.subf %div3A_100, %div3A_108 : vector<10x128xf32>
    %mul3A_110 = arith.mulf %max3A_92, %sub3A_109 : vector<10x128xf32>
    %add3A_111 = arith.addf %div3A_108, %mul3A_110 : vector<10x128xf32>
    %add3A_112 = arith.addf %broadcast_in_dim3A_23, %add3A_111 : vector<10x128xf32>
    %slice3A_113 = vector.extract_strided_slice %min3A_18 {offsets = [3, 0], sizes = [1, 128], strides = [1, 1]} : vector<128x128xf32> to vector<1x128xf32>
    %mul3A_114 = vector.broadcast %slice3A_113 : vector<1x128xf32> to vector<10x128xf32>
    %mul3A_115 = arith.mulf %get3A_3, %mul3A_114 : vector<10x128xf32>
    %add3A_116 = arith.addf %mul3A_115, %get3A_6 : vector<10x128xf32>
    %mul3A_117 = vector.broadcast %slice3A_113 : vector<1x128xf32> to vector<10x128xf32>
    %mul3A_118 = arith.mulf %get3A_9, %mul3A_117 : vector<10x128xf32>
    %add3A_119 = arith.addf %mul3A_118, %get3A_12 : vector<10x128xf32>
    %min3A_120 = arith.minimumf %add3A_116, %add3A_119 : vector<10x128xf32>
    %max3A_121 = arith.constant 0.000000e+00 : f32
    %max3A_122 = vector.broadcast %max3A_121 : f32 to vector<10x128xf32>
    %max3A_123 = arith.maximumf %min3A_120, %max3A_122 : vector<10x128xf32>
    %get3A_124 = arith.constant 0 : index
    %get3A_125 = arith.constant 384 : index
    %get3A_126 = vector.load %arg1[%get3A_124, %get3A_125] : memref<10x16384xf32, #tpu.memory_space<vmem>>, vector<10x128xf32>
    %log3A_127 = math.log %get3A_126 : vector<10x128xf32>
    %log3A_128 = arith.constant 2.000000e+00 : f32
    %log3A_129 = math.log %log3A_128 : f32
    %div3A_130 = vector.broadcast %log3A_129 : f32 to vector<10x128xf32>
    %div3A_131 = arith.divf %log3A_127, %div3A_130 : vector<10x128xf32>
    %sub3A_132 = arith.constant 1.000000e+00 : f32
    %sub3A_133 = vector.broadcast %sub3A_132 : f32 to vector<10x128xf32>
    %sub3A_134 = arith.subf %sub3A_133, %get3A_126 : vector<10x128xf32>
    %log3A_135 = math.log %sub3A_134 : vector<10x128xf32>
    %log3A_136 = arith.constant 2.000000e+00 : f32
    %log3A_137 = math.log %log3A_136 : f32
    %div3A_138 = vector.broadcast %log3A_137 : f32 to vector<10x128xf32>
    %div3A_139 = arith.divf %log3A_135, %div3A_138 : vector<10x128xf32>
    %sub3A_140 = arith.subf %div3A_131, %div3A_139 : vector<10x128xf32>
    %mul3A_141 = arith.mulf %max3A_123, %sub3A_140 : vector<10x128xf32>
    %add3A_142 = arith.addf %div3A_139, %mul3A_141 : vector<10x128xf32>
    %add3A_143 = arith.addf %broadcast_in_dim3A_25, %add3A_142 : vector<10x128xf32>
    %slice3A_144 = vector.extract_strided_slice %min3A_18 {offsets = [4, 0], sizes = [1, 128], strides = [1, 1]} : vector<128x128xf32> to vector<1x128xf32>
    %mul3A_145 = vector.broadcast %slice3A_144 : vector<1x128xf32> to vector<10x128xf32>
    %mul3A_146 = arith.mulf %get3A_3, %mul3A_145 : vector<10x128xf32>
    %add3A_147 = arith.addf %mul3A_146, %get3A_6 : vector<10x128xf32>
    %mul3A_148 = vector.broadcast %slice3A_144 : vector<1x128xf32> to vector<10x128xf32>
    %mul3A_149 = arith.mulf %get3A_9, %mul3A_148 : vector<10x128xf32>
    %add3A_150 = arith.addf %mul3A_149, %get3A_12 : vector<10x128xf32>
    %min3A_151 = arith.minimumf %add3A_147, %add3A_150 : vector<10x128xf32>
    %max3A_152 = arith.constant 0.000000e+00 : f32
    %max3A_153 = vector.broadcast %max3A_152 : f32 to vector<10x128xf32>
    %max3A_154 = arith.maximumf %min3A_151, %max3A_153 : vector<10x128xf32>
    %get3A_155 = arith.constant 0 : index
    %get3A_156 = arith.constant 512 : index
    %get3A_157 = vector.load %arg1[%get3A_155, %get3A_156] : memref<10x16384xf32, #tpu.memory_space<vmem>>, vector<10x128xf32>
    %log3A_158 = math.log %get3A_157 : vector<10x128xf32>
    %log3A_159 = arith.constant 2.000000e+00 : f32
    %log3A_160 = math.log %log3A_159 : f32
    %div3A_161 = vector.broadcast %log3A_160 : f32 to vector<10x128xf32>
    %div3A_162 = arith.divf %log3A_158, %div3A_161 : vector<10x128xf32>
    %sub3A_163 = arith.constant 1.000000e+00 : f32
    %sub3A_164 = vector.broadcast %sub3A_163 : f32 to vector<10x128xf32>
    %sub3A_165 = arith.subf %sub3A_164, %get3A_157 : vector<10x128xf32>
    %log3A_166 = math.log %sub3A_165 : vector<10x128xf32>
    %log3A_167 = arith.constant 2.000000e+00 : f32
    %log3A_168 = math.log %log3A_167 : f32
    %div3A_169 = vector.broadcast %log3A_168 : f32 to vector<10x128xf32>
    %div3A_170 = arith.divf %log3A_166, %div3A_169 : vector<10x128xf32>
    %sub3A_171 = arith.subf %div3A_162, %div3A_170 : vector<10x128xf32>
    %mul3A_172 = arith.mulf %max3A_154, %sub3A_171 : vector<10x128xf32>
    %add3A_173 = arith.addf %div3A_170, %mul3A_172 : vector<10x128xf32>
    %add3A_174 = arith.addf %add3A_50, %add3A_173 : vector<10x128xf32>
    %slice3A_175 = vector.extract_strided_slice %min3A_18 {offsets = [5, 0], sizes = [1, 128], strides = [1, 1]} : vector<128x128xf32> to vector<1x128xf32>
    %mul3A_176 = vector.broadcast %slice3A_175 : vector<1x128xf32> to vector<10x128xf32>
    %mul3A_177 = arith.mulf %get3A_3, %mul3A_176 : vector<10x128xf32>
    %add3A_178 = arith.addf %mul3A_177, %get3A_6 : vector<10x128xf32>
    %mul3A_179 = vector.broadcast %slice3A_175 : vector<1x128xf32> to vector<10x128xf32>
    %mul3A_180 = arith.mulf %get3A_9, %mul3A_179 : vector<10x128xf32>
    %add3A_181 = arith.addf %mul3A_180, %get3A_12 : vector<10x128xf32>
    %min3A_182 = arith.minimumf %add3A_178, %add3A_181 : vector<10x128xf32>
    %max3A_183 = arith.constant 0.000000e+00 : f32
    %max3A_184 = vector.broadcast %max3A_183 : f32 to vector<10x128xf32>
    %max3A_185 = arith.maximumf %min3A_182, %max3A_184 : vector<10x128xf32>
    %get3A_186 = arith.constant 0 : index
    %get3A_187 = arith.constant 640 : index
    %get3A_188 = vector.load %arg1[%get3A_186, %get3A_187] : memref<10x16384xf32, #tpu.memory_space<vmem>>, vector<10x128xf32>
    %log3A_189 = math.log %get3A_188 : vector<10x128xf32>
    %log3A_190 = arith.constant 2.000000e+00 : f32
    %log3A_191 = math.log %log3A_190 : f32
    %div3A_192 = vector.broadcast %log3A_191 : f32 to vector<10x128xf32>
    %div3A_193 = arith.divf %log3A_189, %div3A_192 : vector<10x128xf32>
    %sub3A_194 = arith.constant 1.000000e+00 : f32
    %sub3A_195 = vector.broadcast %sub3A_194 : f32 to vector<10x128xf32>
    %sub3A_196 = arith.subf %sub3A_195, %get3A_188 : vector<10x128xf32>
    %log3A_197 = math.log %sub3A_196 : vector<10x128xf32>
    %log3A_198 = arith.constant 2.000000e+00 : f32
    %log3A_199 = math.log %log3A_198 : f32
    %div3A_200 = vector.broadcast %log3A_199 : f32 to vector<10x128xf32>
    %div3A_201 = arith.divf %log3A_197, %div3A_200 : vector<10x128xf32>
    %sub3A_202 = arith.subf %div3A_193, %div3A_201 : vector<10x128xf32>
    %mul3A_203 = arith.mulf %max3A_185, %sub3A_202 : vector<10x128xf32>
    %add3A_204 = arith.addf %div3A_201, %mul3A_203 : vector<10x128xf32>
    %add3A_205 = arith.addf %add3A_81, %add3A_204 : vector<10x128xf32>
    %slice3A_206 = vector.extract_strided_slice %min3A_18 {offsets = [6, 0], sizes = [1, 128], strides = [1, 1]} : vector<128x128xf32> to vector<1x128xf32>
    %mul3A_207 = vector.broadcast %slice3A_206 : vector<1x128xf32> to vector<10x128xf32>
    %mul3A_208 = arith.mulf %get3A_3, %mul3A_207 : vector<10x128xf32>
    %add3A_209 = arith.addf %mul3A_208, %get3A_6 : vector<10x128xf32>
    %mul3A_210 = vector.broadcast %slice3A_206 : vector<1x128xf32> to vector<10x128xf32>
    %mul3A_211 = arith.mulf %get3A_9, %mul3A_210 : vector<10x128xf32>
    %add3A_212 = arith.addf %mul3A_211, %get3A_12 : vector<10x128xf32>
    %min3A_213 = arith.minimumf %add3A_209, %add3A_212 : vector<10x128xf32>
    %max3A_214 = arith.constant 0.000000e+00 : f32
    %max3A_215 = vector.broadcast %max3A_214 : f32 to vector<10x128xf32>
    %max3A_216 = arith.maximumf %min3A_213, %max3A_215 : vector<10x128xf32>
    %get3A_217 = arith.constant 0 : index
    %get3A_218 = arith.constant 768 : index
    %get3A_219 = vector.load %arg1[%get3A_217, %get3A_218] : memref<10x16384xf32, #tpu.memory_space<vmem>>, vector<10x128xf32>
    %log3A_220 = math.log %get3A_219 : vector<10x128xf32>
    %log3A_221 = arith.constant 2.000000e+00 : f32
    %log3A_222 = math.log %log3A_221 : f32
    %div3A_223 = vector.broadcast %log3A_222 : f32 to vector<10x128xf32>
    %div3A_224 = arith.divf %log3A_220, %div3A_223 : vector<10x128xf32>
    %sub3A_225 = arith.constant 1.000000e+00 : f32
    %sub3A_226 = vector.broadcast %sub3A_225 : f32 to vector<10x128xf32>
    %sub3A_227 = arith.subf %sub3A_226, %get3A_219 : vector<10x128xf32>
    %log3A_228 = math.log %sub3A_227 : vector<10x128xf32>
    %log3A_229 = arith.constant 2.000000e+00 : f32
    %log3A_230 = math.log %log3A_229 : f32
    %div3A_231 = vector.broadcast %log3A_230 : f32 to vector<10x128xf32>
    %div3A_232 = arith.divf %log3A_228, %div3A_231 : vector<10x128xf32>
    %sub3A_233 = arith.subf %div3A_224, %div3A_232 : vector<10x128xf32>
    %mul3A_234 = arith.mulf %max3A_216, %sub3A_233 : vector<10x128xf32>
    %add3A_235 = arith.addf %div3A_232, %mul3A_234 : vector<10x128xf32>
    %add3A_236 = arith.addf %add3A_112, %add3A_235 : vector<10x128xf32>
    %slice3A_237 = vector.extract_strided_slice %min3A_18 {offsets = [7, 0], sizes = [1, 128], strides = [1, 1]} : vector<128x128xf32> to vector<1x128xf32>
    %mul3A_238 = vector.broadcast %slice3A_237 : vector<1x128xf32> to vector<10x128xf32>
    %mul3A_239 = arith.mulf %get3A_3, %mul3A_238 : vector<10x128xf32>
    %add3A_240 = arith.addf %mul3A_239, %get3A_6 : vector<10x128xf32>
    %mul3A_241 = vector.broadcast %slice3A_237 : vector<1x128xf32> to vector<10x128xf32>
    %mul3A_242 = arith.mulf %get3A_9, %mul3A_241 : vector<10x128xf32>
    %add3A_243 = arith.addf %mul3A_242, %get3A_12 : vector<10x128xf32>
    %min3A_244 = arith.minimumf %add3A_240, %add3A_243 : vector<10x128xf32>
    %max3A_245 = arith.constant 0.000000e+00 : f32
    %max3A_246 = vector.broadcast %max3A_245 : f32 to vector<10x128xf32>
    %max3A_247 = arith.maximumf %min3A_244, %max3A_246 : vector<10x128xf32>
    %get3A_248 = arith.constant 0 : index
    %get3A_249 = arith.constant 896 : index
    %get3A_250 = vector.load %arg1[%get3A_248, %get3A_249] : memref<10x16384xf32, #tpu.memory_space<vmem>>, vector<10x128xf32>
    %log3A_251 = math.log %get3A_250 : vector<10x128xf32>
    %log3A_252 = arith.constant 2.000000e+00 : f32
    %log3A_253 = math.log %log3A_252 : f32
    %div3A_254 = vector.broadcast %log3A_253 : f32 to vector<10x128xf32>
    %div3A_255 = arith.divf %log3A_251, %div3A_254 : vector<10x128xf32>
    %sub3A_256 = arith.constant 1.000000e+00 : f32
    %sub3A_257 = vector.broadcast %sub3A_256 : f32 to vector<10x128xf32>
    %sub3A_258 = arith.subf %sub3A_257, %get3A_250 : vector<10x128xf32>
    %log3A_259 = math.log %sub3A_258 : vector<10x128xf32>
    %log3A_260 = arith.constant 2.000000e+00 : f32
    %log3A_261 = math.log %log3A_260 : f32
    %div3A_262 = vector.broadcast %log3A_261 : f32 to vector<10x128xf32>
    %div3A_263 = arith.divf %log3A_259, %div3A_262 : vector<10x128xf32>
    %sub3A_264 = arith.subf %div3A_255, %div3A_263 : vector<10x128xf32>
    %mul3A_265 = arith.mulf %max3A_247, %sub3A_264 : vector<10x128xf32>
    %add3A_266 = arith.addf %div3A_263, %mul3A_265 : vector<10x128xf32>
    %add3A_267 = arith.addf %add3A_143, %add3A_266 : vector<10x128xf32>
    %slice3A_268 = vector.extract_strided_slice %min3A_18 {offsets = [8, 0], sizes = [1, 128], strides = [1, 1]} : vector<128x128xf32> to vector<1x128xf32>
    %mul3A_269 = vector.broadcast %slice3A_268 : vector<1x128xf32> to vector<10x128xf32>
    %mul3A_270 = arith.mulf %get3A_3, %mul3A_269 : vector<10x128xf32>
    %add3A_271 = arith.addf %mul3A_270, %get3A_6 : vector<10x128xf32>
    %mul3A_272 = vector.broadcast %slice3A_268 : vector<1x128xf32> to vector<10x128xf32>
    %mul3A_273 = arith.mulf %get3A_9, %mul3A_272 : vector<10x128xf32>
    %add3A_274 = arith.addf %mul3A_273, %get3A_12 : vector<10x128xf32>
    %min3A_275 = arith.minimumf %add3A_271, %add3A_274 : vector<10x128xf32>
    %max3A_276 = arith.constant 0.000000e+00 : f32
    %max3A_277 = vector.broadcast %max3A_276 : f32 to vector<10x128xf32>
    %max3A_278 = arith.maximumf %min3A_275, %max3A_277 : vector<10x128xf32>
    %get3A_279 = arith.constant 0 : index
    %get3A_280 = arith.constant 1024 : index
    %get3A_281 = vector.load %arg1[%get3A_279, %get3A_280] : memref<10x16384xf32, #tpu.memory_space<vmem>>, vector<10x128xf32>
    %log3A_282 = math.log %get3A_281 : vector<10x128xf32>
    %log3A_283 = arith.constant 2.000000e+00 : f32
    %log3A_284 = math.log %log3A_283 : f32
    %div3A_285 = vector.broadcast %log3A_284 : f32 to vector<10x128xf32>
    %div3A_286 = arith.divf %log3A_282, %div3A_285 : vector<10x128xf32>
    %sub3A_287 = arith.constant 1.000000e+00 : f32
    %sub3A_288 = vector.broadcast %sub3A_287 : f32 to vector<10x128xf32>
    %sub3A_289 = arith.subf %sub3A_288, %get3A_281 : vector<10x128xf32>
    %log3A_290 = math.log %sub3A_289 : vector<10x128xf32>
    %log3A_291 = arith.constant 2.000000e+00 : f32
    %log3A_292 = math.log %log3A_291 : f32
    %div3A_293 = vector.broadcast %log3A_292 : f32 to vector<10x128xf32>
    %div3A_294 = arith.divf %log3A_290, %div3A_293 : vector<10x128xf32>
    %sub3A_295 = arith.subf %div3A_286, %div3A_294 : vector<10x128xf32>
    %mul3A_296 = arith.mulf %max3A_278, %sub3A_295 : vector<10x128xf32>
    %add3A_297 = arith.addf %div3A_294, %mul3A_296 : vector<10x128xf32>
    %add3A_298 = arith.addf %add3A_174, %add3A_297 : vector<10x128xf32>
    %slice3A_299 = vector.extract_strided_slice %min3A_18 {offsets = [9, 0], sizes = [1, 128], strides = [1, 1]} : vector<128x128xf32> to vector<1x128xf32>
    %mul3A_300 = vector.broadcast %slice3A_299 : vector<1x128xf32> to vector<10x128xf32>
    %mul3A_301 = arith.mulf %get3A_3, %mul3A_300 : vector<10x128xf32>
    %add3A_302 = arith.addf %mul3A_301, %get3A_6 : vector<10x128xf32>
    %mul3A_303 = vector.broadcast %slice3A_299 : vector<1x128xf32> to vector<10x128xf32>
    %mul3A_304 = arith.mulf %get3A_9, %mul3A_303 : vector<10x128xf32>
    %add3A_305 = arith.addf %mul3A_304, %get3A_12 : vector<10x128xf32>
    %min3A_306 = arith.minimumf %add3A_302, %add3A_305 : vector<10x128xf32>
    %max3A_307 = arith.constant 0.000000e+00 : f32
    %max3A_308 = vector.broadcast %max3A_307 : f32 to vector<10x128xf32>
    %max3A_309 = arith.maximumf %min3A_306, %max3A_308 : vector<10x128xf32>
    %get3A_310 = arith.constant 0 : index
    %get3A_311 = arith.constant 1152 : index
    %get3A_312 = vector.load %arg1[%get3A_310, %get3A_311] : memref<10x16384xf32, #tpu.memory_space<vmem>>, vector<10x128xf32>
    %log3A_313 = math.log %get3A_312 : vector<10x128xf32>
    %log3A_314 = arith.constant 2.000000e+00 : f32
    %log3A_315 = math.log %log3A_314 : f32
    %div3A_316 = vector.broadcast %log3A_315 : f32 to vector<10x128xf32>
    %div3A_317 = arith.divf %log3A_313, %div3A_316 : vector<10x128xf32>
    %sub3A_318 = arith.constant 1.000000e+00 : f32
    %sub3A_319 = vector.broadcast %sub3A_318 : f32 to vector<10x128xf32>
    %sub3A_320 = arith.subf %sub3A_319, %get3A_312 : vector<10x128xf32>
    %log3A_321 = math.log %sub3A_320 : vector<10x128xf32>
    %log3A_322 = arith.constant 2.000000e+00 : f32
    %log3A_323 = math.log %log3A_322 : f32
    %div3A_324 = vector.broadcast %log3A_323 : f32 to vector<10x128xf32>
    %div3A_325 = arith.divf %log3A_321, %div3A_324 : vector<10x128xf32>
    %sub3A_326 = arith.subf %div3A_317, %div3A_325 : vector<10x128xf32>
    %mul3A_327 = arith.mulf %max3A_309, %sub3A_326 : vector<10x128xf32>
    %add3A_328 = arith.addf %div3A_325, %mul3A_327 : vector<10x128xf32>
    %add3A_329 = arith.addf %add3A_205, %add3A_328 : vector<10x128xf32>
    %slice3A_330 = vector.extract_strided_slice %min3A_18 {offsets = [10, 0], sizes = [1, 128], strides = [1, 1]} : vector<128x128xf32> to vector<1x128xf32>
    %mul3A_331 = vector.broadcast %slice3A_330 : vector<1x128xf32> to vector<10x128xf32>
    %mul3A_332 = arith.mulf %get3A_3, %mul3A_331 : vector<10x128xf32>
    %add3A_333 = arith.addf %mul3A_332, %get3A_6 : vector<10x128xf32>
    %mul3A_334 = vector.broadcast %slice3A_330 : vector<1x128xf32> to vector<10x128xf32>
    %mul3A_335 = arith.mulf %get3A_9, %mul3A_334 : vector<10x128xf32>
    %add3A_336 = arith.addf %mul3A_335, %get3A_12 : vector<10x128xf32>
    %min3A_337 = arith.minimumf %add3A_333, %add3A_336 : vector<10x128xf32>
    %max3A_338 = arith.constant 0.000000e+00 : f32
    %max3A_339 = vector.broadcast %max3A_338 : f32 to vector<10x128xf32>
    %max3A_340 = arith.maximumf %min3A_337, %max3A_339 : vector<10x128xf32>
    %get3A_341 = arith.constant 0 : index
    %get3A_342 = arith.constant 1280 : index
    %get3A_343 = vector.load %arg1[%get3A_341, %get3A_342] : memref<10x16384xf32, #tpu.memory_space<vmem>>, vector<10x128xf32>
    %log3A_344 = math.log %get3A_343 : vector<10x128xf32>
    %log3A_345 = arith.constant 2.000000e+00 : f32
    %log3A_346 = math.log %log3A_345 : f32
    %div3A_347 = vector.broadcast %log3A_346 : f32 to vector<10x128xf32>
    %div3A_348 = arith.divf %log3A_344, %div3A_347 : vector<10x128xf32>
    %sub3A_349 = arith.constant 1.000000e+00 : f32
    %sub3A_350 = vector.broadcast %sub3A_349 : f32 to vector<10x128xf32>
    %sub3A_351 = arith.subf %sub3A_350, %get3A_343 : vector<10x128xf32>
    %log3A_352 = math.log %sub3A_351 : vector<10x128xf32>
    %log3A_353 = arith.constant 2.000000e+00 : f32
    %log3A_354 = math.log %log3A_353 : f32
    %div3A_355 = vector.broadcast %log3A_354 : f32 to vector<10x128xf32>
    %div3A_356 = arith.divf %log3A_352, %div3A_355 : vector<10x128xf32>
    %sub3A_357 = arith.subf %div3A_348, %div3A_356 : vector<10x128xf32>
    %mul3A_358 = arith.mulf %max3A_340, %sub3A_357 : vector<10x128xf32>
    %add3A_359 = arith.addf %div3A_356, %mul3A_358 : vector<10x128xf32>
    %add3A_360 = arith.addf %add3A_236, %add3A_359 : vector<10x128xf32>
    %slice3A_361 = vector.extract_strided_slice %min3A_18 {offsets = [11, 0], sizes = [1, 128], strides = [1, 1]} : vector<128x128xf32> to vector<1x128xf32>
    %mul3A_362 = vector.broadcast %slice3A_361 : vector<1x128xf32> to vector<10x128xf32>
    %mul3A_363 = arith.mulf %get3A_3, %mul3A_362 : vector<10x128xf32>
    %add3A_364 = arith.addf %mul3A_363, %get3A_6 : vector<10x128xf32>
    %mul3A_365 = vector.broadcast %slice3A_361 : vector<1x128xf32> to vector<10x128xf32>
    %mul3A_366 = arith.mulf %get3A_9, %mul3A_365 : vector<10x128xf32>
    %add3A_367 = arith.addf %mul3A_366, %get3A_12 : vector<10x128xf32>
    %min3A_368 = arith.minimumf %add3A_364, %add3A_367 : vector<10x128xf32>
    %max3A_369 = arith.constant 0.000000e+00 : f32
    %max3A_370 = vector.broadcast %max3A_369 : f32 to vector<10x128xf32>
    %max3A_371 = arith.maximumf %min3A_368, %max3A_370 : vector<10x128xf32>
    %get3A_372 = arith.constant 0 : index
    %get3A_373 = arith.constant 1408 : index
    %get3A_374 = vector.load %arg1[%get3A_372, %get3A_373] : memref<10x16384xf32, #tpu.memory_space<vmem>>, vector<10x128xf32>
    %log3A_375 = math.log %get3A_374 : vector<10x128xf32>
    %log3A_376 = arith.constant 2.000000e+00 : f32
    %log3A_377 = math.log %log3A_376 : f32
    %div3A_378 = vector.broadcast %log3A_377 : f32 to vector<10x128xf32>
    %div3A_379 = arith.divf %log3A_375, %div3A_378 : vector<10x128xf32>
    %sub3A_380 = arith.constant 1.000000e+00 : f32
    %sub3A_381 = vector.broadcast %sub3A_380 : f32 to vector<10x128xf32>
    %sub3A_382 = arith.subf %sub3A_381, %get3A_374 : vector<10x128xf32>
    %log3A_383 = math.log %sub3A_382 : vector<10x128xf32>
    %log3A_384 = arith.constant 2.000000e+00 : f32
    %log3A_385 = math.log %log3A_384 : f32
    %div3A_386 = vector.broadcast %log3A_385 : f32 to vector<10x128xf32>
    %div3A_387 = arith.divf %log3A_383, %div3A_386 : vector<10x128xf32>
    %sub3A_388 = arith.subf %div3A_379, %div3A_387 : vector<10x128xf32>
    %mul3A_389 = arith.mulf %max3A_371, %sub3A_388 : vector<10x128xf32>
    %add3A_390 = arith.addf %div3A_387, %mul3A_389 : vector<10x128xf32>
    %add3A_391 = arith.addf %add3A_267, %add3A_390 : vector<10x128xf32>
    %slice3A_392 = vector.extract_strided_slice %min3A_18 {offsets = [12, 0], sizes = [1, 128], strides = [1, 1]} : vector<128x128xf32> to vector<1x128xf32>
    %mul3A_393 = vector.broadcast %slice3A_392 : vector<1x128xf32> to vector<10x128xf32>
    %mul3A_394 = arith.mulf %get3A_3, %mul3A_393 : vector<10x128xf32>
    %add3A_395 = arith.addf %mul3A_394, %get3A_6 : vector<10x128xf32>
    %mul3A_396 = vector.broadcast %slice3A_392 : vector<1x128xf32> to vector<10x128xf32>
    %mul3A_397 = arith.mulf %get3A_9, %mul3A_396 : vector<10x128xf32>
    %add3A_398 = arith.addf %mul3A_397, %get3A_12 : vector<10x128xf32>
    %min3A_399 = arith.minimumf %add3A_395, %add3A_398 : vector<10x128xf32>
    %max3A_400 = arith.constant 0.000000e+00 : f32
    %max3A_401 = vector.broadcast %max3A_400 : f32 to vector<10x128xf32>
    %max3A_402 = arith.maximumf %min3A_399, %max3A_401 : vector<10x128xf32>
    %get3A_403 = arith.constant 0 : index
    %get3A_404 = arith.constant 1536 : index
    %get3A_405 = vector.load %arg1[%get3A_403, %get3A_404] : memref<10x16384xf32, #tpu.memory_space<vmem>>, vector<10x128xf32>
    %log3A_406 = math.log %get3A_405 : vector<10x128xf32>
    %log3A_407 = arith.constant 2.000000e+00 : f32
    %log3A_408 = math.log %log3A_407 : f32
    %div3A_409 = vector.broadcast %log3A_408 : f32 to vector<10x128xf32>
    %div3A_410 = arith.divf %log3A_406, %div3A_409 : vector<10x128xf32>
    %sub3A_411 = arith.constant 1.000000e+00 : f32
    %sub3A_412 = vector.broadcast %sub3A_411 : f32 to vector<10x128xf32>
    %sub3A_413 = arith.subf %sub3A_412, %get3A_405 : vector<10x128xf32>
    %log3A_414 = math.log %sub3A_413 : vector<10x128xf32>
    %log3A_415 = arith.constant 2.000000e+00 : f32
    %log3A_416 = math.log %log3A_415 : f32
    %div3A_417 = vector.broadcast %log3A_416 : f32 to vector<10x128xf32>
    %div3A_418 = arith.divf %log3A_414, %div3A_417 : vector<10x128xf32>
    %sub3A_419 = arith.subf %div3A_410, %div3A_418 : vector<10x128xf32>
    %mul3A_420 = arith.mulf %max3A_402, %sub3A_419 : vector<10x128xf32>
    %add3A_421 = arith.addf %div3A_418, %mul3A_420 : vector<10x128xf32>
    %add3A_422 = arith.addf %add3A_298, %add3A_421 : vector<10x128xf32>
    %slice3A_423 = vector.extract_strided_slice %min3A_18 {offsets = [13, 0], sizes = [1, 128], strides = [1, 1]} : vector<128x128xf32> to vector<1x128xf32>
    %mul3A_424 = vector.broadcast %slice3A_423 : vector<1x128xf32> to vector<10x128xf32>
    %mul3A_425 = arith.mulf %get3A_3, %mul3A_424 : vector<10x128xf32>
    %add3A_426 = arith.addf %mul3A_425, %get3A_6 : vector<10x128xf32>
    %mul3A_427 = vector.broadcast %slice3A_423 : vector<1x128xf32> to vector<10x128xf32>
    %mul3A_428 = arith.mulf %get3A_9, %mul3A_427 : vector<10x128xf32>
    %add3A_429 = arith.addf %mul3A_428, %get3A_12 : vector<10x128xf32>
    %min3A_430 = arith.minimumf %add3A_426, %add3A_429 : vector<10x128xf32>
    %max3A_431 = arith.constant 0.000000e+00 : f32
    %max3A_432 = vector.broadcast %max3A_431 : f32 to vector<10x128xf32>
    %max3A_433 = arith.maximumf %min3A_430, %max3A_432 : vector<10x128xf32>
    %get3A_434 = arith.constant 0 : index
    %get3A_435 = arith.constant 1664 : index
    %get3A_436 = vector.load %arg1[%get3A_434, %get3A_435] : memref<10x16384xf32, #tpu.memory_space<vmem>>, vector<10x128xf32>
    %log3A_437 = math.log %get3A_436 : vector<10x128xf32>
    %log3A_438 = arith.constant 2.000000e+00 : f32
    %log3A_439 = math.log %log3A_438 : f32
    %div3A_440 = vector.broadcast %log3A_439 : f32 to vector<10x128xf32>
    %div3A_441 = arith.divf %log3A_437, %div3A_440 : vector<10x128xf32>
    %sub3A_442 = arith.constant 1.000000e+00 : f32
    %sub3A_443 = vector.broadcast %sub3A_442 : f32 to vector<10x128xf32>
    %sub3A_444 = arith.subf %sub3A_443, %get3A_436 : vector<10x128xf32>
    %log3A_445 = math.log %sub3A_444 : vector<10x128xf32>
    %log3A_446 = arith.constant 2.000000e+00 : f32
    %log3A_447 = math.log %log3A_446 : f32
    %div3A_448 = vector.broadcast %log3A_447 : f32 to vector<10x128xf32>
    %div3A_449 = arith.divf %log3A_445, %div3A_448 : vector<10x128xf32>
    %sub3A_450 = arith.subf %div3A_441, %div3A_449 : vector<10x128xf32>
    %mul3A_451 = arith.mulf %max3A_433, %sub3A_450 : vector<10x128xf32>
    %add3A_452 = arith.addf %div3A_449, %mul3A_451 : vector<10x128xf32>
    %add3A_453 = arith.addf %add3A_329, %add3A_452 : vector<10x128xf32>
    %slice3A_454 = vector.extract_strided_slice %min3A_18 {offsets = [14, 0], sizes = [1, 128], strides = [1, 1]} : vector<128x128xf32> to vector<1x128xf32>
    %mul3A_455 = vector.broadcast %slice3A_454 : vector<1x128xf32> to vector<10x128xf32>
    %mul3A_456 = arith.mulf %get3A_3, %mul3A_455 : vector<10x128xf32>
    %add3A_457 = arith.addf %mul3A_456, %get3A_6 : vector<10x128xf32>
    %mul3A_458 = vector.broadcast %slice3A_454 : vector<1x128xf32> to vector<10x128xf32>
    %mul3A_459 = arith.mulf %get3A_9, %mul3A_458 : vector<10x128xf32>
    %add3A_460 = arith.addf %mul3A_459, %get3A_12 : vector<10x128xf32>
    %min3A_461 = arith.minimumf %add3A_457, %add3A_460 : vector<10x128xf32>
    %max3A_462 = arith.constant 0.000000e+00 : f32
    %max3A_463 = vector.broadcast %max3A_462 : f32 to vector<10x128xf32>
    %max3A_464 = arith.maximumf %min3A_461, %max3A_463 : vector<10x128xf32>
    %get3A_465 = arith.constant 0 : index
    %get3A_466 = arith.constant 1792 : index
    %get3A_467 = vector.load %arg1[%get3A_465, %get3A_466] : memref<10x16384xf32, #tpu.memory_space<vmem>>, vector<10x128xf32>
    %log3A_468 = math.log %get3A_467 : vector<10x128xf32>
    %log3A_469 = arith.constant 2.000000e+00 : f32
    %log3A_470 = math.log %log3A_469 : f32
    %div3A_471 = vector.broadcast %log3A_470 : f32 to vector<10x128xf32>
    %div3A_472 = arith.divf %log3A_468, %div3A_471 : vector<10x128xf32>
    %sub3A_473 = arith.constant 1.000000e+00 : f32
    %sub3A_474 = vector.broadcast %sub3A_473 : f32 to vector<10x128xf32>
    %sub3A_475 = arith.subf %sub3A_474, %get3A_467 : vector<10x128xf32>
    %log3A_476 = math.log %sub3A_475 : vector<10x128xf32>
    %log3A_477 = arith.constant 2.000000e+00 : f32
    %log3A_478 = math.log %log3A_477 : f32
    %div3A_479 = vector.broadcast %log3A_478 : f32 to vector<10x128xf32>
    %div3A_480 = arith.divf %log3A_476, %div3A_479 : vector<10x128xf32>
    %sub3A_481 = arith.subf %div3A_472, %div3A_480 : vector<10x128xf32>
    %mul3A_482 = arith.mulf %max3A_464, %sub3A_481 : vector<10x128xf32>
    %add3A_483 = arith.addf %div3A_480, %mul3A_482 : vector<10x128xf32>
    %add3A_484 = arith.addf %add3A_360, %add3A_483 : vector<10x128xf32>
    %slice3A_485 = vector.extract_strided_slice %min3A_18 {offsets = [15, 0], sizes = [1, 128], strides = [1, 1]} : vector<128x128xf32> to vector<1x128xf32>
    %mul3A_486 = vector.broadcast %slice3A_485 : vector<1x128xf32> to vector<10x128xf32>
    %mul3A_487 = arith.mulf %get3A_3, %mul3A_486 : vector<10x128xf32>
    %add3A_488 = arith.addf %mul3A_487, %get3A_6 : vector<10x128xf32>
    %mul3A_489 = vector.broadcast %slice3A_485 : vector<1x128xf32> to vector<10x128xf32>
    %mul3A_490 = arith.mulf %get3A_9, %mul3A_489 : vector<10x128xf32>
    %add3A_491 = arith.addf %mul3A_490, %get3A_12 : vector<10x128xf32>
    %min3A_492 = arith.minimumf %add3A_488, %add3A_491 : vector<10x128xf32>
    %max3A_493 = arith.constant 0.000000e+00 : f32
    %max3A_494 = vector.broadcast %max3A_493 : f32 to vector<10x128xf32>
    %max3A_495 = arith.maximumf %min3A_492, %max3A_494 : vector<10x128xf32>
    %get3A_496 = arith.constant 0 : index
    %get3A_497 = arith.constant 1920 : index
    %get3A_498 = vector.load %arg1[%get3A_496, %get3A_497] : memref<10x16384xf32, #tpu.memory_space<vmem>>, vector<10x128xf32>
    %log3A_499 = math.log %get3A_498 : vector<10x128xf32>
    %log3A_500 = arith.constant 2.000000e+00 : f32
    %log3A_501 = math.log %log3A_500 : f32
    %div3A_502 = vector.broadcast %log3A_501 : f32 to vector<10x128xf32>
    %div3A_503 = arith.divf %log3A_499, %div3A_502 : vector<10x128xf32>
    %sub3A_504 = arith.constant 1.000000e+00 : f32
    %sub3A_505 = vector.broadcast %sub3A_504 : f32 to vector<10x128xf32>
    %sub3A_506 = arith.subf %sub3A_505, %get3A_498 : vector<10x128xf32>
    %log3A_507 = math.log %sub3A_506 : vector<10x128xf32>
    %log3A_508 = arith.constant 2.000000e+00 : f32
    %log3A_509 = math.log %log3A_508 : f32
    %div3A_510 = vector.broadcast %log3A_509 : f32 to vector<10x128xf32>
    %div3A_511 = arith.divf %log3A_507, %div3A_510 : vector<10x128xf32>
    %sub3A_512 = arith.subf %div3A_503, %div3A_511 : vector<10x128xf32>
    %mul3A_513 = arith.mulf %max3A_495, %sub3A_512 : vector<10x128xf32>
    %add3A_514 = arith.addf %div3A_511, %mul3A_513 : vector<10x128xf32>
    %add3A_515 = arith.addf %add3A_391, %add3A_514 : vector<10x128xf32>
    %slice3A_516 = vector.extract_strided_slice %min3A_18 {offsets = [16, 0], sizes = [1, 128], strides = [1, 1]} : vector<128x128xf32> to vector<1x128xf32>
    %mul3A_517 = vector.broadcast %slice3A_516 : vector<1x128xf32> to vector<10x128xf32>
    %mul3A_518 = arith.mulf %get3A_3, %mul3A_517 : vector<10x128xf32>
    %add3A_519 = arith.addf %mul3A_518, %get3A_6 : vector<10x128xf32>
    %mul3A_520 = vector.broadcast %slice3A_516 : vector<1x128xf32> to vector<10x128xf32>
    %mul3A_521 = arith.mulf %get3A_9, %mul3A_520 : vector<10x128xf32>
    %add3A_522 = arith.addf %mul3A_521, %get3A_12 : vector<10x128xf32>
    %min3A_523 = arith.minimumf %add3A_519, %add3A_522 : vector<10x128xf32>
    %max3A_524 = arith.constant 0.000000e+00 : f32
    %max3A_525 = vector.broadcast %max3A_524 : f32 to vector<10x128xf32>
    %max3A_526 = arith.maximumf %min3A_523, %max3A_525 : vector<10x128xf32>
    %get3A_527 = arith.constant 0 : index
    %get3A_528 = arith.constant 2048 : index
    %get3A_529 = vector.load %arg1[%get3A_527, %get3A_528] : memref<10x16384xf32, #tpu.memory_space<vmem>>, vector<10x128xf32>
    %log3A_530 = math.log %get3A_529 : vector<10x128xf32>
    %log3A_531 = arith.constant 2.000000e+00 : f32
    %log3A_532 = math.log %log3A_531 : f32
    %div3A_533 = vector.broadcast %log3A_532 : f32 to vector<10x128xf32>
    %div3A_534 = arith.divf %log3A_530, %div3A_533 : vector<10x128xf32>
    %sub3A_535 = arith.constant 1.000000e+00 : f32
    %sub3A_536 = vector.broadcast %sub3A_535 : f32 to vector<10x128xf32>
    %sub3A_537 = arith.subf %sub3A_536, %get3A_529 : vector<10x128xf32>
    %log3A_538 = math.log %sub3A_537 : vector<10x128xf32>
    %log3A_539 = arith.constant 2.000000e+00 : f32
    %log3A_540 = math.log %log3A_539 : f32
    %div3A_541 = vector.broadcast %log3A_540 : f32 to vector<10x128xf32>
    %div3A_542 = arith.divf %log3A_538, %div3A_541 : vector<10x128xf32>
    %sub3A_543 = arith.subf %div3A_534, %div3A_542 : vector<10x128xf32>
    %mul3A_544 = arith.mulf %max3A_526, %sub3A_543 : vector<10x128xf32>
    %add3A_545 = arith.addf %div3A_542, %mul3A_544 : vector<10x128xf32>
    %add3A_546 = arith.addf %add3A_422, %add3A_545 : vector<10x128xf32>
    %slice3A_547 = vector.extract_strided_slice %min3A_18 {offsets = [17, 0], sizes = [1, 128], strides = [1, 1]} : vector<128x128xf32> to vector<1x128xf32>
    %mul3A_548 = vector.broadcast %slice3A_547 : vector<1x128xf32> to vector<10x128xf32>
    %mul3A_549 = arith.mulf %get3A_3, %mul3A_548 : vector<10x128xf32>
    %add3A_550 = arith.addf %mul3A_549, %get3A_6 : vector<10x128xf32>
    %mul3A_551 = vector.broadcast %slice3A_547 : vector<1x128xf32> to vector<10x128xf32>
    %mul3A_552 = arith.mulf %get3A_9, %mul3A_551 : vector<10x128xf32>
    %add3A_553 = arith.addf %mul3A_552, %get3A_12 : vector<10x128xf32>
    %min3A_554 = arith.minimumf %add3A_550, %add3A_553 : vector<10x128xf32>
    %max3A_555 = arith.constant 0.000000e+00 : f32
    %max3A_556 = vector.broadcast %max3A_555 : f32 to vector<10x128xf32>
    %max3A_557 = arith.maximumf %min3A_554, %max3A_556 : vector<10x128xf32>
    %get3A_558 = arith.constant 0 : index
    %get3A_559 = arith.constant 2176 : index
    %get3A_560 = vector.load %arg1[%get3A_558, %get3A_559] : memref<10x16384xf32, #tpu.memory_space<vmem>>, vector<10x128xf32>
    %log3A_561 = math.log %get3A_560 : vector<10x128xf32>
    %log3A_562 = arith.constant 2.000000e+00 : f32
    %log3A_563 = math.log %log3A_562 : f32
    %div3A_564 = vector.broadcast %log3A_563 : f32 to vector<10x128xf32>
    %div3A_565 = arith.divf %log3A_561, %div3A_564 : vector<10x128xf32>
    %sub3A_566 = arith.constant 1.000000e+00 : f32
    %sub3A_567 = vector.broadcast %sub3A_566 : f32 to vector<10x128xf32>
    %sub3A_568 = arith.subf %sub3A_567, %get3A_560 : vector<10x128xf32>
    %log3A_569 = math.log %sub3A_568 : vector<10x128xf32>
    %log3A_570 = arith.constant 2.000000e+00 : f32
    %log3A_571 = math.log %log3A_570 : f32
    %div3A_572 = vector.broadcast %log3A_571 : f32 to vector<10x128xf32>
    %div3A_573 = arith.divf %log3A_569, %div3A_572 : vector<10x128xf32>
    %sub3A_574 = arith.subf %div3A_565, %div3A_573 : vector<10x128xf32>
    %mul3A_575 = arith.mulf %max3A_557, %sub3A_574 : vector<10x128xf32>
    %add3A_576 = arith.addf %div3A_573, %mul3A_575 : vector<10x128xf32>
    %add3A_577 = arith.addf %add3A_453, %add3A_576 : vector<10x128xf32>
    %slice3A_578 = vector.extract_strided_slice %min3A_18 {offsets = [18, 0], sizes = [1, 128], strides = [1, 1]} : vector<128x128xf32> to vector<1x128xf32>
    %mul3A_579 = vector.broadcast %slice3A_578 : vector<1x128xf32> to vector<10x128xf32>
    %mul3A_580 = arith.mulf %get3A_3, %mul3A_579 : vector<10x128xf32>
    %add3A_581 = arith.addf %mul3A_580, %get3A_6 : vector<10x128xf32>
    %mul3A_582 = vector.broadcast %slice3A_578 : vector<1x128xf32> to vector<10x128xf32>
    %mul3A_583 = arith.mulf %get3A_9, %mul3A_582 : vector<10x128xf32>
    %add3A_584 = arith.addf %mul3A_583, %get3A_12 : vector<10x128xf32>
    %min3A_585 = arith.minimumf %add3A_581, %add3A_584 : vector<10x128xf32>
    %max3A_586 = arith.constant 0.000000e+00 : f32
    %max3A_587 = vector.broadcast %max3A_586 : f32 to vector<10x128xf32>
    %max3A_588 = arith.maximumf %min3A_585, %max3A_587 : vector<10x128xf32>
    %get3A_589 = arith.constant 0 : index
    %get3A_590 = arith.constant 2304 : index
    %get3A_591 = vector.load %arg1[%get3A_589, %get3A_590] : memref<10x16384xf32, #tpu.memory_space<vmem>>, vector<10x128xf32>
    %log3A_592 = math.log %get3A_591 : vector<10x128xf32>
    %log3A_593 = arith.constant 2.000000e+00 : f32
    %log3A_594 = math.log %log3A_593 : f32
    %div3A_595 = vector.broadcast %log3A_594 : f32 to vector<10x128xf32>
    %div3A_596 = arith.divf %log3A_592, %div3A_595 : vector<10x128xf32>
    %sub3A_597 = arith.constant 1.000000e+00 : f32
    %sub3A_598 = vector.broadcast %sub3A_597 : f32 to vector<10x128xf32>
    %sub3A_599 = arith.subf %sub3A_598, %get3A_591 : vector<10x128xf32>
    %log3A_600 = math.log %sub3A_599 : vector<10x128xf32>
    %log3A_601 = arith.constant 2.000000e+00 : f32
    %log3A_602 = math.log %log3A_601 : f32
    %div3A_603 = vector.broadcast %log3A_602 : f32 to vector<10x128xf32>
    %div3A_604 = arith.divf %log3A_600, %div3A_603 : vector<10x128xf32>
    %sub3A_605 = arith.subf %div3A_596, %div3A_604 : vector<10x128xf32>
    %mul3A_606 = arith.mulf %max3A_588, %sub3A_605 : vector<10x128xf32>
    %add3A_607 = arith.addf %div3A_604, %mul3A_606 : vector<10x128xf32>
    %add3A_608 = arith.addf %add3A_484, %add3A_607 : vector<10x128xf32>
    %slice3A_609 = vector.extract_strided_slice %min3A_18 {offsets = [19, 0], sizes = [1, 128], strides = [1, 1]} : vector<128x128xf32> to vector<1x128xf32>
    %mul3A_610 = vector.broadcast %slice3A_609 : vector<1x128xf32> to vector<10x128xf32>
    %mul3A_611 = arith.mulf %get3A_3, %mul3A_610 : vector<10x128xf32>
    %add3A_612 = arith.addf %mul3A_611, %get3A_6 : vector<10x128xf32>
    %mul3A_613 = vector.broadcast %slice3A_609 : vector<1x128xf32> to vector<10x128xf32>
    %mul3A_614 = arith.mulf %get3A_9, %mul3A_613 : vector<10x128xf32>
    %add3A_615 = arith.addf %mul3A_614, %get3A_12 : vector<10x128xf32>
    %min3A_616 = arith.minimumf %add3A_612, %add3A_615 : vector<10x128xf32>
    %max3A_617 = arith.constant 0.000000e+00 : f32
    %max3A_618 = vector.broadcast %max3A_617 : f32 to vector<10x128xf32>
    %max3A_619 = arith.maximumf %min3A_616, %max3A_618 : vector<10x128xf32>
    %get3A_620 = arith.constant 0 : index
    %get3A_621 = arith.constant 2432 : index
    %get3A_622 = vector.load %arg1[%get3A_620, %get3A_621] : memref<10x16384xf32, #tpu.memory_space<vmem>>, vector<10x128xf32>
    %log3A_623 = math.log %get3A_622 : vector<10x128xf32>
    %log3A_624 = arith.constant 2.000000e+00 : f32
    %log3A_625 = math.log %log3A_624 : f32
    %div3A_626 = vector.broadcast %log3A_625 : f32 to vector<10x128xf32>
    %div3A_627 = arith.divf %log3A_623, %div3A_626 : vector<10x128xf32>
    %sub3A_628 = arith.constant 1.000000e+00 : f32
    %sub3A_629 = vector.broadcast %sub3A_628 : f32 to vector<10x128xf32>
    %sub3A_630 = arith.subf %sub3A_629, %get3A_622 : vector<10x128xf32>
    %log3A_631 = math.log %sub3A_630 : vector<10x128xf32>
    %log3A_632 = arith.constant 2.000000e+00 : f32
    %log3A_633 = math.log %log3A_632 : f32
    %div3A_634 = vector.broadcast %log3A_633 : f32 to vector<10x128xf32>
    %div3A_635 = arith.divf %log3A_631, %div3A_634 : vector<10x128xf32>
    %sub3A_636 = arith.subf %div3A_627, %div3A_635 : vector<10x128xf32>
    %mul3A_637 = arith.mulf %max3A_619, %sub3A_636 : vector<10x128xf32>
    %add3A_638 = arith.addf %div3A_635, %mul3A_637 : vector<10x128xf32>
    %add3A_639 = arith.addf %add3A_515, %add3A_638 : vector<10x128xf32>
    %slice3A_640 = vector.extract_strided_slice %min3A_18 {offsets = [20, 0], sizes = [1, 128], strides = [1, 1]} : vector<128x128xf32> to vector<1x128xf32>
    %mul3A_641 = vector.broadcast %slice3A_640 : vector<1x128xf32> to vector<10x128xf32>
    %mul3A_642 = arith.mulf %get3A_3, %mul3A_641 : vector<10x128xf32>
    %add3A_643 = arith.addf %mul3A_642, %get3A_6 : vector<10x128xf32>
    %mul3A_644 = vector.broadcast %slice3A_640 : vector<1x128xf32> to vector<10x128xf32>
    %mul3A_645 = arith.mulf %get3A_9, %mul3A_644 : vector<10x128xf32>
    %add3A_646 = arith.addf %mul3A_645, %get3A_12 : vector<10x128xf32>
    %min3A_647 = arith.minimumf %add3A_643, %add3A_646 : vector<10x128xf32>
    %max3A_648 = arith.constant 0.000000e+00 : f32
    %max3A_649 = vector.broadcast %max3A_648 : f32 to vector<10x128xf32>
    %max3A_650 = arith.maximumf %min3A_647, %max3A_649 : vector<10x128xf32>
    %get3A_651 = arith.constant 0 : index
    %get3A_652 = arith.constant 2560 : index
    %get3A_653 = vector.load %arg1[%get3A_651, %get3A_652] : memref<10x16384xf32, #tpu.memory_space<vmem>>, vector<10x128xf32>
    %log3A_654 = math.log %get3A_653 : vector<10x128xf32>
    %log3A_655 = arith.constant 2.000000e+00 : f32
    %log3A_656 = math.log %log3A_655 : f32
    %div3A_657 = vector.broadcast %log3A_656 : f32 to vector<10x128xf32>
    %div3A_658 = arith.divf %log3A_654, %div3A_657 : vector<10x128xf32>
    %sub3A_659 = arith.constant 1.000000e+00 : f32
    %sub3A_660 = vector.broadcast %sub3A_659 : f32 to vector<10x128xf32>
    %sub3A_661 = arith.subf %sub3A_660, %get3A_653 : vector<10x128xf32>
    %log3A_662 = math.log %sub3A_661 : vector<10x128xf32>
    %log3A_663 = arith.constant 2.000000e+00 : f32
    %log3A_664 = math.log %log3A_663 : f32
    %div3A_665 = vector.broadcast %log3A_664 : f32 to vector<10x128xf32>
    %div3A_666 = arith.divf %log3A_662, %div3A_665 : vector<10x128xf32>
    %sub3A_667 = arith.subf %div3A_658, %div3A_666 : vector<10x128xf32>
    %mul3A_668 = arith.mulf %max3A_650, %sub3A_667 : vector<10x128xf32>
    %add3A_669 = arith.addf %div3A_666, %mul3A_668 : vector<10x128xf32>
    %add3A_670 = arith.addf %add3A_546, %add3A_669 : vector<10x128xf32>
    %slice3A_671 = vector.extract_strided_slice %min3A_18 {offsets = [21, 0], sizes = [1, 128], strides = [1, 1]} : vector<128x128xf32> to vector<1x128xf32>
    %mul3A_672 = vector.broadcast %slice3A_671 : vector<1x128xf32> to vector<10x128xf32>
    %mul3A_673 = arith.mulf %get3A_3, %mul3A_672 : vector<10x128xf32>
    %add3A_674 = arith.addf %mul3A_673, %get3A_6 : vector<10x128xf32>
    %mul3A_675 = vector.broadcast %slice3A_671 : vector<1x128xf32> to vector<10x128xf32>
    %mul3A_676 = arith.mulf %get3A_9, %mul3A_675 : vector<10x128xf32>
    %add3A_677 = arith.addf %mul3A_676, %get3A_12 : vector<10x128xf32>
    %min3A_678 = arith.minimumf %add3A_674, %add3A_677 : vector<10x128xf32>
    %max3A_679 = arith.constant 0.000000e+00 : f32
    %max3A_680 = vector.broadcast %max3A_679 : f32 to vector<10x128xf32>
    %max3A_681 = arith.maximumf %min3A_678, %max3A_680 : vector<10x128xf32>
    %get3A_682 = arith.constant 0 : index
    %get3A_683 = arith.constant 2688 : index
    %get3A_684 = vector.load %arg1[%get3A_682, %get3A_683] : memref<10x16384xf32, #tpu.memory_space<vmem>>, vector<10x128xf32>
    %log3A_685 = math.log %get3A_684 : vector<10x128xf32>
    %log3A_686 = arith.constant 2.000000e+00 : f32
    %log3A_687 = math.log %log3A_686 : f32
    %div3A_688 = vector.broadcast %log3A_687 : f32 to vector<10x128xf32>
    %div3A_689 = arith.divf %log3A_685, %div3A_688 : vector<10x128xf32>
    %sub3A_690 = arith.constant 1.000000e+00 : f32
    %sub3A_691 = vector.broadcast %sub3A_690 : f32 to vector<10x128xf32>
    %sub3A_692 = arith.subf %sub3A_691, %get3A_684 : vector<10x128xf32>
    %log3A_693 = math.log %sub3A_692 : vector<10x128xf32>
    %log3A_694 = arith.constant 2.000000e+00 : f32
    %log3A_695 = math.log %log3A_694 : f32
    %div3A_696 = vector.broadcast %log3A_695 : f32 to vector<10x128xf32>
    %div3A_697 = arith.divf %log3A_693, %div3A_696 : vector<10x128xf32>
    %sub3A_698 = arith.subf %div3A_689, %div3A_697 : vector<10x128xf32>
    %mul3A_699 = arith.mulf %max3A_681, %sub3A_698 : vector<10x128xf32>
    %add3A_700 = arith.addf %div3A_697, %mul3A_699 : vector<10x128xf32>
    %add3A_701 = arith.addf %add3A_577, %add3A_700 : vector<10x128xf32>
    %slice3A_702 = vector.extract_strided_slice %min3A_18 {offsets = [22, 0], sizes = [1, 128], strides = [1, 1]} : vector<128x128xf32> to vector<1x128xf32>
    %mul3A_703 = vector.broadcast %slice3A_702 : vector<1x128xf32> to vector<10x128xf32>
    %mul3A_704 = arith.mulf %get3A_3, %mul3A_703 : vector<10x128xf32>
    %add3A_705 = arith.addf %mul3A_704, %get3A_6 : vector<10x128xf32>
    %mul3A_706 = vector.broadcast %slice3A_702 : vector<1x128xf32> to vector<10x128xf32>
    %mul3A_707 = arith.mulf %get3A_9, %mul3A_706 : vector<10x128xf32>
    %add3A_708 = arith.addf %mul3A_707, %get3A_12 : vector<10x128xf32>
    %min3A_709 = arith.minimumf %add3A_705, %add3A_708 : vector<10x128xf32>
    %max3A_710 = arith.constant 0.000000e+00 : f32
    %max3A_711 = vector.broadcast %max3A_710 : f32 to vector<10x128xf32>
    %max3A_712 = arith.maximumf %min3A_709, %max3A_711 : vector<10x128xf32>
    %get3A_713 = arith.constant 0 : index
    %get3A_714 = arith.constant 2816 : index
    %get3A_715 = vector.load %arg1[%get3A_713, %get3A_714] : memref<10x16384xf32, #tpu.memory_space<vmem>>, vector<10x128xf32>
    %log3A_716 = math.log %get3A_715 : vector<10x128xf32>
    %log3A_717 = arith.constant 2.000000e+00 : f32
    %log3A_718 = math.log %log3A_717 : f32
    %div3A_719 = vector.broadcast %log3A_718 : f32 to vector<10x128xf32>
    %div3A_720 = arith.divf %log3A_716, %div3A_719 : vector<10x128xf32>
    %sub3A_721 = arith.constant 1.000000e+00 : f32
    %sub3A_722 = vector.broadcast %sub3A_721 : f32 to vector<10x128xf32>
    %sub3A_723 = arith.subf %sub3A_722, %get3A_715 : vector<10x128xf32>
    %log3A_724 = math.log %sub3A_723 : vector<10x128xf32>
    %log3A_725 = arith.constant 2.000000e+00 : f32
    %log3A_726 = math.log %log3A_725 : f32
    %div3A_727 = vector.broadcast %log3A_726 : f32 to vector<10x128xf32>
    %div3A_728 = arith.divf %log3A_724, %div3A_727 : vector<10x128xf32>
    %sub3A_729 = arith.subf %div3A_720, %div3A_728 : vector<10x128xf32>
    %mul3A_730 = arith.mulf %max3A_712, %sub3A_729 : vector<10x128xf32>
    %add3A_731 = arith.addf %div3A_728, %mul3A_730 : vector<10x128xf32>
    %add3A_732 = arith.addf %add3A_608, %add3A_731 : vector<10x128xf32>
    %slice3A_733 = vector.extract_strided_slice %min3A_18 {offsets = [23, 0], sizes = [1, 128], strides = [1, 1]} : vector<128x128xf32> to vector<1x128xf32>
    %mul3A_734 = vector.broadcast %slice3A_733 : vector<1x128xf32> to vector<10x128xf32>
    %mul3A_735 = arith.mulf %get3A_3, %mul3A_734 : vector<10x128xf32>
    %add3A_736 = arith.addf %mul3A_735, %get3A_6 : vector<10x128xf32>
    %mul3A_737 = vector.broadcast %slice3A_733 : vector<1x128xf32> to vector<10x128xf32>
    %mul3A_738 = arith.mulf %get3A_9, %mul3A_737 : vector<10x128xf32>
    %add3A_739 = arith.addf %mul3A_738, %get3A_12 : vector<10x128xf32>
    %min3A_740 = arith.minimumf %add3A_736, %add3A_739 : vector<10x128xf32>
    %max3A_741 = arith.constant 0.000000e+00 : f32
    %max3A_742 = vector.broadcast %max3A_741 : f32 to vector<10x128xf32>
    %max3A_743 = arith.maximumf %min3A_740, %max3A_742 : vector<10x128xf32>
    %get3A_744 = arith.constant 0 : index
    %get3A_745 = arith.constant 2944 : index
    %get3A_746 = vector.load %arg1[%get3A_744, %get3A_745] : memref<10x16384xf32, #tpu.memory_space<vmem>>, vector<10x128xf32>
    %log3A_747 = math.log %get3A_746 : vector<10x128xf32>
    %log3A_748 = arith.constant 2.000000e+00 : f32
    %log3A_749 = math.log %log3A_748 : f32
    %div3A_750 = vector.broadcast %log3A_749 : f32 to vector<10x128xf32>
    %div3A_751 = arith.divf %log3A_747, %div3A_750 : vector<10x128xf32>
    %sub3A_752 = arith.constant 1.000000e+00 : f32
    %sub3A_753 = vector.broadcast %sub3A_752 : f32 to vector<10x128xf32>
    %sub3A_754 = arith.subf %sub3A_753, %get3A_746 : vector<10x128xf32>
    %log3A_755 = math.log %sub3A_754 : vector<10x128xf32>
    %log3A_756 = arith.constant 2.000000e+00 : f32
    %log3A_757 = math.log %log3A_756 : f32
    %div3A_758 = vector.broadcast %log3A_757 : f32 to vector<10x128xf32>
    %div3A_759 = arith.divf %log3A_755, %div3A_758 : vector<10x128xf32>
    %sub3A_760 = arith.subf %div3A_751, %div3A_759 : vector<10x128xf32>
    %mul3A_761 = arith.mulf %max3A_743, %sub3A_760 : vector<10x128xf32>
    %add3A_762 = arith.addf %div3A_759, %mul3A_761 : vector<10x128xf32>
    %add3A_763 = arith.addf %add3A_639, %add3A_762 : vector<10x128xf32>
    %slice3A_764 = vector.extract_strided_slice %min3A_18 {offsets = [24, 0], sizes = [1, 128], strides = [1, 1]} : vector<128x128xf32> to vector<1x128xf32>
    %mul3A_765 = vector.broadcast %slice3A_764 : vector<1x128xf32> to vector<10x128xf32>
    %mul3A_766 = arith.mulf %get3A_3, %mul3A_765 : vector<10x128xf32>
    %add3A_767 = arith.addf %mul3A_766, %get3A_6 : vector<10x128xf32>
    %mul3A_768 = vector.broadcast %slice3A_764 : vector<1x128xf32> to vector<10x128xf32>
    %mul3A_769 = arith.mulf %get3A_9, %mul3A_768 : vector<10x128xf32>
    %add3A_770 = arith.addf %mul3A_769, %get3A_12 : vector<10x128xf32>
    %min3A_771 = arith.minimumf %add3A_767, %add3A_770 : vector<10x128xf32>
    %max3A_772 = arith.constant 0.000000e+00 : f32
    %max3A_773 = vector.broadcast %max3A_772 : f32 to vector<10x128xf32>
    %max3A_774 = arith.maximumf %min3A_771, %max3A_773 : vector<10x128xf32>
    %get3A_775 = arith.constant 0 : index
    %get3A_776 = arith.constant 3072 : index
    %get3A_777 = vector.load %arg1[%get3A_775, %get3A_776] : memref<10x16384xf32, #tpu.memory_space<vmem>>, vector<10x128xf32>
    %log3A_778 = math.log %get3A_777 : vector<10x128xf32>
    %log3A_779 = arith.constant 2.000000e+00 : f32
    %log3A_780 = math.log %log3A_779 : f32
    %div3A_781 = vector.broadcast %log3A_780 : f32 to vector<10x128xf32>
    %div3A_782 = arith.divf %log3A_778, %div3A_781 : vector<10x128xf32>
    %sub3A_783 = arith.constant 1.000000e+00 : f32
    %sub3A_784 = vector.broadcast %sub3A_783 : f32 to vector<10x128xf32>
    %sub3A_785 = arith.subf %sub3A_784, %get3A_777 : vector<10x128xf32>
    %log3A_786 = math.log %sub3A_785 : vector<10x128xf32>
    %log3A_787 = arith.constant 2.000000e+00 : f32
    %log3A_788 = math.log %log3A_787 : f32
    %div3A_789 = vector.broadcast %log3A_788 : f32 to vector<10x128xf32>
    %div3A_790 = arith.divf %log3A_786, %div3A_789 : vector<10x128xf32>
    %sub3A_791 = arith.subf %div3A_782, %div3A_790 : vector<10x128xf32>
    %mul3A_792 = arith.mulf %max3A_774, %sub3A_791 : vector<10x128xf32>
    %add3A_793 = arith.addf %div3A_790, %mul3A_792 : vector<10x128xf32>
    %add3A_794 = arith.addf %add3A_670, %add3A_793 : vector<10x128xf32>
    %slice3A_795 = vector.extract_strided_slice %min3A_18 {offsets = [25, 0], sizes = [1, 128], strides = [1, 1]} : vector<128x128xf32> to vector<1x128xf32>
    %mul3A_796 = vector.broadcast %slice3A_795 : vector<1x128xf32> to vector<10x128xf32>
    %mul3A_797 = arith.mulf %get3A_3, %mul3A_796 : vector<10x128xf32>
    %add3A_798 = arith.addf %mul3A_797, %get3A_6 : vector<10x128xf32>
    %mul3A_799 = vector.broadcast %slice3A_795 : vector<1x128xf32> to vector<10x128xf32>
    %mul3A_800 = arith.mulf %get3A_9, %mul3A_799 : vector<10x128xf32>
    %add3A_801 = arith.addf %mul3A_800, %get3A_12 : vector<10x128xf32>
    %min3A_802 = arith.minimumf %add3A_798, %add3A_801 : vector<10x128xf32>
    %max3A_803 = arith.constant 0.000000e+00 : f32
    %max3A_804 = vector.broadcast %max3A_803 : f32 to vector<10x128xf32>
    %max3A_805 = arith.maximumf %min3A_802, %max3A_804 : vector<10x128xf32>
    %get3A_806 = arith.constant 0 : index
    %get3A_807 = arith.constant 3200 : index
    %get3A_808 = vector.load %arg1[%get3A_806, %get3A_807] : memref<10x16384xf32, #tpu.memory_space<vmem>>, vector<10x128xf32>
    %log3A_809 = math.log %get3A_808 : vector<10x128xf32>
    %log3A_810 = arith.constant 2.000000e+00 : f32
    %log3A_811 = math.log %log3A_810 : f32
    %div3A_812 = vector.broadcast %log3A_811 : f32 to vector<10x128xf32>
    %div3A_813 = arith.divf %log3A_809, %div3A_812 : vector<10x128xf32>
    %sub3A_814 = arith.constant 1.000000e+00 : f32
    %sub3A_815 = vector.broadcast %sub3A_814 : f32 to vector<10x128xf32>
    %sub3A_816 = arith.subf %sub3A_815, %get3A_808 : vector<10x128xf32>
    %log3A_817 = math.log %sub3A_816 : vector<10x128xf32>
    %log3A_818 = arith.constant 2.000000e+00 : f32
    %log3A_819 = math.log %log3A_818 : f32
    %div3A_820 = vector.broadcast %log3A_819 : f32 to vector<10x128xf32>
    %div3A_821 = arith.divf %log3A_817, %div3A_820 : vector<10x128xf32>
    %sub3A_822 = arith.subf %div3A_813, %div3A_821 : vector<10x128xf32>
    %mul3A_823 = arith.mulf %max3A_805, %sub3A_822 : vector<10x128xf32>
    %add3A_824 = arith.addf %div3A_821, %mul3A_823 : vector<10x128xf32>
    %add3A_825 = arith.addf %add3A_701, %add3A_824 : vector<10x128xf32>
    %slice3A_826 = vector.extract_strided_slice %min3A_18 {offsets = [26, 0], sizes = [1, 128], strides = [1, 1]} : vector<128x128xf32> to vector<1x128xf32>
    %mul3A_827 = vector.broadcast %slice3A_826 : vector<1x128xf32> to vector<10x128xf32>
    %mul3A_828 = arith.mulf %get3A_3, %mul3A_827 : vector<10x128xf32>
    %add3A_829 = arith.addf %mul3A_828, %get3A_6 : vector<10x128xf32>
    %mul3A_830 = vector.broadcast %slice3A_826 : vector<1x128xf32> to vector<10x128xf32>
    %mul3A_831 = arith.mulf %get3A_9, %mul3A_830 : vector<10x128xf32>
    %add3A_832 = arith.addf %mul3A_831, %get3A_12 : vector<10x128xf32>
    %min3A_833 = arith.minimumf %add3A_829, %add3A_832 : vector<10x128xf32>
    %max3A_834 = arith.constant 0.000000e+00 : f32
    %max3A_835 = vector.broadcast %max3A_834 : f32 to vector<10x128xf32>
    %max3A_836 = arith.maximumf %min3A_833, %max3A_835 : vector<10x128xf32>
    %get3A_837 = arith.constant 0 : index
    %get3A_838 = arith.constant 3328 : index
    %get3A_839 = vector.load %arg1[%get3A_837, %get3A_838] : memref<10x16384xf32, #tpu.memory_space<vmem>>, vector<10x128xf32>
    %log3A_840 = math.log %get3A_839 : vector<10x128xf32>
    %log3A_841 = arith.constant 2.000000e+00 : f32
    %log3A_842 = math.log %log3A_841 : f32
    %div3A_843 = vector.broadcast %log3A_842 : f32 to vector<10x128xf32>
    %div3A_844 = arith.divf %log3A_840, %div3A_843 : vector<10x128xf32>
    %sub3A_845 = arith.constant 1.000000e+00 : f32
    %sub3A_846 = vector.broadcast %sub3A_845 : f32 to vector<10x128xf32>
    %sub3A_847 = arith.subf %sub3A_846, %get3A_839 : vector<10x128xf32>
    %log3A_848 = math.log %sub3A_847 : vector<10x128xf32>
    %log3A_849 = arith.constant 2.000000e+00 : f32
    %log3A_850 = math.log %log3A_849 : f32
    %div3A_851 = vector.broadcast %log3A_850 : f32 to vector<10x128xf32>
    %div3A_852 = arith.divf %log3A_848, %div3A_851 : vector<10x128xf32>
    %sub3A_853 = arith.subf %div3A_844, %div3A_852 : vector<10x128xf32>
    %mul3A_854 = arith.mulf %max3A_836, %sub3A_853 : vector<10x128xf32>
    %add3A_855 = arith.addf %div3A_852, %mul3A_854 : vector<10x128xf32>
    %add3A_856 = arith.addf %add3A_732, %add3A_855 : vector<10x128xf32>
    %slice3A_857 = vector.extract_strided_slice %min3A_18 {offsets = [27, 0], sizes = [1, 128], strides = [1, 1]} : vector<128x128xf32> to vector<1x128xf32>
    %mul3A_858 = vector.broadcast %slice3A_857 : vector<1x128xf32> to vector<10x128xf32>
    %mul3A_859 = arith.mulf %get3A_3, %mul3A_858 : vector<10x128xf32>
    %add3A_860 = arith.addf %mul3A_859, %get3A_6 : vector<10x128xf32>
    %mul3A_861 = vector.broadcast %slice3A_857 : vector<1x128xf32> to vector<10x128xf32>
    %mul3A_862 = arith.mulf %get3A_9, %mul3A_861 : vector<10x128xf32>
    %add3A_863 = arith.addf %mul3A_862, %get3A_12 : vector<10x128xf32>
    %min3A_864 = arith.minimumf %add3A_860, %add3A_863 : vector<10x128xf32>
    %max3A_865 = arith.constant 0.000000e+00 : f32
    %max3A_866 = vector.broadcast %max3A_865 : f32 to vector<10x128xf32>
    %max3A_867 = arith.maximumf %min3A_864, %max3A_866 : vector<10x128xf32>
    %get3A_868 = arith.constant 0 : index
    %get3A_869 = arith.constant 3456 : index
    %get3A_870 = vector.load %arg1[%get3A_868, %get3A_869] : memref<10x16384xf32, #tpu.memory_space<vmem>>, vector<10x128xf32>
    %log3A_871 = math.log %get3A_870 : vector<10x128xf32>
    %log3A_872 = arith.constant 2.000000e+00 : f32
    %log3A_873 = math.log %log3A_872 : f32
    %div3A_874 = vector.broadcast %log3A_873 : f32 to vector<10x128xf32>
    %div3A_875 = arith.divf %log3A_871, %div3A_874 : vector<10x128xf32>
    %sub3A_876 = arith.constant 1.000000e+00 : f32
    %sub3A_877 = vector.broadcast %sub3A_876 : f32 to vector<10x128xf32>
    %sub3A_878 = arith.subf %sub3A_877, %get3A_870 : vector<10x128xf32>
    %log3A_879 = math.log %sub3A_878 : vector<10x128xf32>
    %log3A_880 = arith.constant 2.000000e+00 : f32
    %log3A_881 = math.log %log3A_880 : f32
    %div3A_882 = vector.broadcast %log3A_881 : f32 to vector<10x128xf32>
    %div3A_883 = arith.divf %log3A_879, %div3A_882 : vector<10x128xf32>
    %sub3A_884 = arith.subf %div3A_875, %div3A_883 : vector<10x128xf32>
    %mul3A_885 = arith.mulf %max3A_867, %sub3A_884 : vector<10x128xf32>
    %add3A_886 = arith.addf %div3A_883, %mul3A_885 : vector<10x128xf32>
    %add3A_887 = arith.addf %add3A_763, %add3A_886 : vector<10x128xf32>
    %slice3A_888 = vector.extract_strided_slice %min3A_18 {offsets = [28, 0], sizes = [1, 128], strides = [1, 1]} : vector<128x128xf32> to vector<1x128xf32>
    %mul3A_889 = vector.broadcast %slice3A_888 : vector<1x128xf32> to vector<10x128xf32>
    %mul3A_890 = arith.mulf %get3A_3, %mul3A_889 : vector<10x128xf32>
    %add3A_891 = arith.addf %mul3A_890, %get3A_6 : vector<10x128xf32>
    %mul3A_892 = vector.broadcast %slice3A_888 : vector<1x128xf32> to vector<10x128xf32>
    %mul3A_893 = arith.mulf %get3A_9, %mul3A_892 : vector<10x128xf32>
    %add3A_894 = arith.addf %mul3A_893, %get3A_12 : vector<10x128xf32>
    %min3A_895 = arith.minimumf %add3A_891, %add3A_894 : vector<10x128xf32>
    %max3A_896 = arith.constant 0.000000e+00 : f32
    %max3A_897 = vector.broadcast %max3A_896 : f32 to vector<10x128xf32>
    %max3A_898 = arith.maximumf %min3A_895, %max3A_897 : vector<10x128xf32>
    %get3A_899 = arith.constant 0 : index
    %get3A_900 = arith.constant 3584 : index
    %get3A_901 = vector.load %arg1[%get3A_899, %get3A_900] : memref<10x16384xf32, #tpu.memory_space<vmem>>, vector<10x128xf32>
    %log3A_902 = math.log %get3A_901 : vector<10x128xf32>
    %log3A_903 = arith.constant 2.000000e+00 : f32
    %log3A_904 = math.log %log3A_903 : f32
    %div3A_905 = vector.broadcast %log3A_904 : f32 to vector<10x128xf32>
    %div3A_906 = arith.divf %log3A_902, %div3A_905 : vector<10x128xf32>
    %sub3A_907 = arith.constant 1.000000e+00 : f32
    %sub3A_908 = vector.broadcast %sub3A_907 : f32 to vector<10x128xf32>
    %sub3A_909 = arith.subf %sub3A_908, %get3A_901 : vector<10x128xf32>
    %log3A_910 = math.log %sub3A_909 : vector<10x128xf32>
    %log3A_911 = arith.constant 2.000000e+00 : f32
    %log3A_912 = math.log %log3A_911 : f32
    %div3A_913 = vector.broadcast %log3A_912 : f32 to vector<10x128xf32>
    %div3A_914 = arith.divf %log3A_910, %div3A_913 : vector<10x128xf32>
    %sub3A_915 = arith.subf %div3A_906, %div3A_914 : vector<10x128xf32>
    %mul3A_916 = arith.mulf %max3A_898, %sub3A_915 : vector<10x128xf32>
    %add3A_917 = arith.addf %div3A_914, %mul3A_916 : vector<10x128xf32>
    %add3A_918 = arith.addf %add3A_794, %add3A_917 : vector<10x128xf32>
    %slice3A_919 = vector.extract_strided_slice %min3A_18 {offsets = [29, 0], sizes = [1, 128], strides = [1, 1]} : vector<128x128xf32> to vector<1x128xf32>
    %mul3A_920 = vector.broadcast %slice3A_919 : vector<1x128xf32> to vector<10x128xf32>
    %mul3A_921 = arith.mulf %get3A_3, %mul3A_920 : vector<10x128xf32>
    %add3A_922 = arith.addf %mul3A_921, %get3A_6 : vector<10x128xf32>
    %mul3A_923 = vector.broadcast %slice3A_919 : vector<1x128xf32> to vector<10x128xf32>
    %mul3A_924 = arith.mulf %get3A_9, %mul3A_923 : vector<10x128xf32>
    %add3A_925 = arith.addf %mul3A_924, %get3A_12 : vector<10x128xf32>
    %min3A_926 = arith.minimumf %add3A_922, %add3A_925 : vector<10x128xf32>
    %max3A_927 = arith.constant 0.000000e+00 : f32
    %max3A_928 = vector.broadcast %max3A_927 : f32 to vector<10x128xf32>
    %max3A_929 = arith.maximumf %min3A_926, %max3A_928 : vector<10x128xf32>
    %get3A_930 = arith.constant 0 : index
    %get3A_931 = arith.constant 3712 : index
    %get3A_932 = vector.load %arg1[%get3A_930, %get3A_931] : memref<10x16384xf32, #tpu.memory_space<vmem>>, vector<10x128xf32>
    %log3A_933 = math.log %get3A_932 : vector<10x128xf32>
    %log3A_934 = arith.constant 2.000000e+00 : f32
    %log3A_935 = math.log %log3A_934 : f32
    %div3A_936 = vector.broadcast %log3A_935 : f32 to vector<10x128xf32>
    %div3A_937 = arith.divf %log3A_933, %div3A_936 : vector<10x128xf32>
    %sub3A_938 = arith.constant 1.000000e+00 : f32
    %sub3A_939 = vector.broadcast %sub3A_938 : f32 to vector<10x128xf32>
    %sub3A_940 = arith.subf %sub3A_939, %get3A_932 : vector<10x128xf32>
    %log3A_941 = math.log %sub3A_940 : vector<10x128xf32>
    %log3A_942 = arith.constant 2.000000e+00 : f32
    %log3A_943 = math.log %log3A_942 : f32
    %div3A_944 = vector.broadcast %log3A_943 : f32 to vector<10x128xf32>
    %div3A_945 = arith.divf %log3A_941, %div3A_944 : vector<10x128xf32>
    %sub3A_946 = arith.subf %div3A_937, %div3A_945 : vector<10x128xf32>
    %mul3A_947 = arith.mulf %max3A_929, %sub3A_946 : vector<10x128xf32>
    %add3A_948 = arith.addf %div3A_945, %mul3A_947 : vector<10x128xf32>
    %add3A_949 = arith.addf %add3A_825, %add3A_948 : vector<10x128xf32>
    %slice3A_950 = vector.extract_strided_slice %min3A_18 {offsets = [30, 0], sizes = [1, 128], strides = [1, 1]} : vector<128x128xf32> to vector<1x128xf32>
    %mul3A_951 = vector.broadcast %slice3A_950 : vector<1x128xf32> to vector<10x128xf32>
    %mul3A_952 = arith.mulf %get3A_3, %mul3A_951 : vector<10x128xf32>
    %add3A_953 = arith.addf %mul3A_952, %get3A_6 : vector<10x128xf32>
    %mul3A_954 = vector.broadcast %slice3A_950 : vector<1x128xf32> to vector<10x128xf32>
    %mul3A_955 = arith.mulf %get3A_9, %mul3A_954 : vector<10x128xf32>
    %add3A_956 = arith.addf %mul3A_955, %get3A_12 : vector<10x128xf32>
    %min3A_957 = arith.minimumf %add3A_953, %add3A_956 : vector<10x128xf32>
    %max3A_958 = arith.constant 0.000000e+00 : f32
    %max3A_959 = vector.broadcast %max3A_958 : f32 to vector<10x128xf32>
    %max3A_960 = arith.maximumf %min3A_957, %max3A_959 : vector<10x128xf32>
    %get3A_961 = arith.constant 0 : index
    %get3A_962 = arith.constant 3840 : index
    %get3A_963 = vector.load %arg1[%get3A_961, %get3A_962] : memref<10x16384xf32, #tpu.memory_space<vmem>>, vector<10x128xf32>
    %log3A_964 = math.log %get3A_963 : vector<10x128xf32>
    %log3A_965 = arith.constant 2.000000e+00 : f32
    %log3A_966 = math.log %log3A_965 : f32
    %div3A_967 = vector.broadcast %log3A_966 : f32 to vector<10x128xf32>
    %div3A_968 = arith.divf %log3A_964, %div3A_967 : vector<10x128xf32>
    %sub3A_969 = arith.constant 1.000000e+00 : f32
    %sub3A_970 = vector.broadcast %sub3A_969 : f32 to vector<10x128xf32>
    %sub3A_971 = arith.subf %sub3A_970, %get3A_963 : vector<10x128xf32>
    %log3A_972 = math.log %sub3A_971 : vector<10x128xf32>
    %log3A_973 = arith.constant 2.000000e+00 : f32
    %log3A_974 = math.log %log3A_973 : f32
    %div3A_975 = vector.broadcast %log3A_974 : f32 to vector<10x128xf32>
    %div3A_976 = arith.divf %log3A_972, %div3A_975 : vector<10x128xf32>
    %sub3A_977 = arith.subf %div3A_968, %div3A_976 : vector<10x128xf32>
    %mul3A_978 = arith.mulf %max3A_960, %sub3A_977 : vector<10x128xf32>
    %add3A_979 = arith.addf %div3A_976, %mul3A_978 : vector<10x128xf32>
    %add3A_980 = arith.addf %add3A_856, %add3A_979 : vector<10x128xf32>
    %slice3A_981 = vector.extract_strided_slice %min3A_18 {offsets = [31, 0], sizes = [1, 128], strides = [1, 1]} : vector<128x128xf32> to vector<1x128xf32>
    %mul3A_982 = vector.broadcast %slice3A_981 : vector<1x128xf32> to vector<10x128xf32>
    %mul3A_983 = arith.mulf %get3A_3, %mul3A_982 : vector<10x128xf32>
    %add3A_984 = arith.addf %mul3A_983, %get3A_6 : vector<10x128xf32>
    %mul3A_985 = vector.broadcast %slice3A_981 : vector<1x128xf32> to vector<10x128xf32>
    %mul3A_986 = arith.mulf %get3A_9, %mul3A_985 : vector<10x128xf32>
    %add3A_987 = arith.addf %mul3A_986, %get3A_12 : vector<10x128xf32>
    %min3A_988 = arith.minimumf %add3A_984, %add3A_987 : vector<10x128xf32>
    %max3A_989 = arith.constant 0.000000e+00 : f32
    %max3A_990 = vector.broadcast %max3A_989 : f32 to vector<10x128xf32>
    %max3A_991 = arith.maximumf %min3A_988, %max3A_990 : vector<10x128xf32>
    %get3A_992 = arith.constant 0 : index
    %get3A_993 = arith.constant 3968 : index
    %get3A_994 = vector.load %arg1[%get3A_992, %get3A_993] : memref<10x16384xf32, #tpu.memory_space<vmem>>, vector<10x128xf32>
    %log3A_995 = math.log %get3A_994 : vector<10x128xf32>
    %log3A_996 = arith.constant 2.000000e+00 : f32
    %log3A_997 = math.log %log3A_996 : f32
    %div3A_998 = vector.broadcast %log3A_997 : f32 to vector<10x128xf32>
    %div3A_999 = arith.divf %log3A_995, %div3A_998 : vector<10x128xf32>
    %sub3A_1000 = arith.constant 1.000000e+00 : f32
    %sub3A_1001 = vector.broadcast %sub3A_1000 : f32 to vector<10x128xf32>
    %sub3A_1002 = arith.subf %sub3A_1001, %get3A_994 : vector<10x128xf32>
    %log3A_1003 = math.log %sub3A_1002 : vector<10x128xf32>
    %log3A_1004 = arith.constant 2.000000e+00 : f32
    %log3A_1005 = math.log %log3A_1004 : f32
    %div3A_1006 = vector.broadcast %log3A_1005 : f32 to vector<10x128xf32>
    %div3A_1007 = arith.divf %log3A_1003, %div3A_1006 : vector<10x128xf32>
    %sub3A_1008 = arith.subf %div3A_999, %div3A_1007 : vector<10x128xf32>
    %mul3A_1009 = arith.mulf %max3A_991, %sub3A_1008 : vector<10x128xf32>
    %add3A_1010 = arith.addf %div3A_1007, %mul3A_1009 : vector<10x128xf32>
    %add3A_1011 = arith.addf %add3A_887, %add3A_1010 : vector<10x128xf32>
    %slice3A_1012 = vector.extract_strided_slice %min3A_18 {offsets = [32, 0], sizes = [1, 128], strides = [1, 1]} : vector<128x128xf32> to vector<1x128xf32>
    %mul3A_1013 = vector.broadcast %slice3A_1012 : vector<1x128xf32> to vector<10x128xf32>
    %mul3A_1014 = arith.mulf %get3A_3, %mul3A_1013 : vector<10x128xf32>
    %add3A_1015 = arith.addf %mul3A_1014, %get3A_6 : vector<10x128xf32>
    %mul3A_1016 = vector.broadcast %slice3A_1012 : vector<1x128xf32> to vector<10x128xf32>
    %mul3A_1017 = arith.mulf %get3A_9, %mul3A_1016 : vector<10x128xf32>
    %add3A_1018 = arith.addf %mul3A_1017, %get3A_12 : vector<10x128xf32>
    %min3A_1019 = arith.minimumf %add3A_1015, %add3A_1018 : vector<10x128xf32>
    %max3A_1020 = arith.constant 0.000000e+00 : f32
    %max3A_1021 = vector.broadcast %max3A_1020 : f32 to vector<10x128xf32>
    %max3A_1022 = arith.maximumf %min3A_1019, %max3A_1021 : vector<10x128xf32>
    %get3A_1023 = arith.constant 0 : index
    %get3A_1024 = arith.constant 4096 : index
    %get3A_1025 = vector.load %arg1[%get3A_1023, %get3A_1024] : memref<10x16384xf32, #tpu.memory_space<vmem>>, vector<10x128xf32>
    %log3A_1026 = math.log %get3A_1025 : vector<10x128xf32>
    %log3A_1027 = arith.constant 2.000000e+00 : f32
    %log3A_1028 = math.log %log3A_1027 : f32
    %div3A_1029 = vector.broadcast %log3A_1028 : f32 to vector<10x128xf32>
    %div3A_1030 = arith.divf %log3A_1026, %div3A_1029 : vector<10x128xf32>
    %sub3A_1031 = arith.constant 1.000000e+00 : f32
    %sub3A_1032 = vector.broadcast %sub3A_1031 : f32 to vector<10x128xf32>
    %sub3A_1033 = arith.subf %sub3A_1032, %get3A_1025 : vector<10x128xf32>
    %log3A_1034 = math.log %sub3A_1033 : vector<10x128xf32>
    %log3A_1035 = arith.constant 2.000000e+00 : f32
    %log3A_1036 = math.log %log3A_1035 : f32
    %div3A_1037 = vector.broadcast %log3A_1036 : f32 to vector<10x128xf32>
    %div3A_1038 = arith.divf %log3A_1034, %div3A_1037 : vector<10x128xf32>
    %sub3A_1039 = arith.subf %div3A_1030, %div3A_1038 : vector<10x128xf32>
    %mul3A_1040 = arith.mulf %max3A_1022, %sub3A_1039 : vector<10x128xf32>
    %add3A_1041 = arith.addf %div3A_1038, %mul3A_1040 : vector<10x128xf32>
    %add3A_1042 = arith.addf %add3A_918, %add3A_1041 : vector<10x128xf32>
    %slice3A_1043 = vector.extract_strided_slice %min3A_18 {offsets = [33, 0], sizes = [1, 128], strides = [1, 1]} : vector<128x128xf32> to vector<1x128xf32>
    %mul3A_1044 = vector.broadcast %slice3A_1043 : vector<1x128xf32> to vector<10x128xf32>
    %mul3A_1045 = arith.mulf %get3A_3, %mul3A_1044 : vector<10x128xf32>
    %add3A_1046 = arith.addf %mul3A_1045, %get3A_6 : vector<10x128xf32>
    %mul3A_1047 = vector.broadcast %slice3A_1043 : vector<1x128xf32> to vector<10x128xf32>
    %mul3A_1048 = arith.mulf %get3A_9, %mul3A_1047 : vector<10x128xf32>
    %add3A_1049 = arith.addf %mul3A_1048, %get3A_12 : vector<10x128xf32>
    %min3A_1050 = arith.minimumf %add3A_1046, %add3A_1049 : vector<10x128xf32>
    %max3A_1051 = arith.constant 0.000000e+00 : f32
    %max3A_1052 = vector.broadcast %max3A_1051 : f32 to vector<10x128xf32>
    %max3A_1053 = arith.maximumf %min3A_1050, %max3A_1052 : vector<10x128xf32>
    %get3A_1054 = arith.constant 0 : index
    %get3A_1055 = arith.constant 4224 : index
    %get3A_1056 = vector.load %arg1[%get3A_1054, %get3A_1055] : memref<10x16384xf32, #tpu.memory_space<vmem>>, vector<10x128xf32>
    %log3A_1057 = math.log %get3A_1056 : vector<10x128xf32>
    %log3A_1058 = arith.constant 2.000000e+00 : f32
    %log3A_1059 = math.log %log3A_1058 : f32
    %div3A_1060 = vector.broadcast %log3A_1059 : f32 to vector<10x128xf32>
    %div3A_1061 = arith.divf %log3A_1057, %div3A_1060 : vector<10x128xf32>
    %sub3A_1062 = arith.constant 1.000000e+00 : f32
    %sub3A_1063 = vector.broadcast %sub3A_1062 : f32 to vector<10x128xf32>
    %sub3A_1064 = arith.subf %sub3A_1063, %get3A_1056 : vector<10x128xf32>
    %log3A_1065 = math.log %sub3A_1064 : vector<10x128xf32>
    %log3A_1066 = arith.constant 2.000000e+00 : f32
    %log3A_1067 = math.log %log3A_1066 : f32
    %div3A_1068 = vector.broadcast %log3A_1067 : f32 to vector<10x128xf32>
    %div3A_1069 = arith.divf %log3A_1065, %div3A_1068 : vector<10x128xf32>
    %sub3A_1070 = arith.subf %div3A_1061, %div3A_1069 : vector<10x128xf32>
    %mul3A_1071 = arith.mulf %max3A_1053, %sub3A_1070 : vector<10x128xf32>
    %add3A_1072 = arith.addf %div3A_1069, %mul3A_1071 : vector<10x128xf32>
    %add3A_1073 = arith.addf %add3A_949, %add3A_1072 : vector<10x128xf32>
    %slice3A_1074 = vector.extract_strided_slice %min3A_18 {offsets = [34, 0], sizes = [1, 128], strides = [1, 1]} : vector<128x128xf32> to vector<1x128xf32>
    %mul3A_1075 = vector.broadcast %slice3A_1074 : vector<1x128xf32> to vector<10x128xf32>
    %mul3A_1076 = arith.mulf %get3A_3, %mul3A_1075 : vector<10x128xf32>
    %add3A_1077 = arith.addf %mul3A_1076, %get3A_6 : vector<10x128xf32>
    %mul3A_1078 = vector.broadcast %slice3A_1074 : vector<1x128xf32> to vector<10x128xf32>
    %mul3A_1079 = arith.mulf %get3A_9, %mul3A_1078 : vector<10x128xf32>
    %add3A_1080 = arith.addf %mul3A_1079, %get3A_12 : vector<10x128xf32>
    %min3A_1081 = arith.minimumf %add3A_1077, %add3A_1080 : vector<10x128xf32>
    %max3A_1082 = arith.constant 0.000000e+00 : f32
    %max3A_1083 = vector.broadcast %max3A_1082 : f32 to vector<10x128xf32>
    %max3A_1084 = arith.maximumf %min3A_1081, %max3A_1083 : vector<10x128xf32>
    %get3A_1085 = arith.constant 0 : index
    %get3A_1086 = arith.constant 4352 : index
    %get3A_1087 = vector.load %arg1[%get3A_1085, %get3A_1086] : memref<10x16384xf32, #tpu.memory_space<vmem>>, vector<10x128xf32>
    %log3A_1088 = math.log %get3A_1087 : vector<10x128xf32>
    %log3A_1089 = arith.constant 2.000000e+00 : f32
    %log3A_1090 = math.log %log3A_1089 : f32
    %div3A_1091 = vector.broadcast %log3A_1090 : f32 to vector<10x128xf32>
    %div3A_1092 = arith.divf %log3A_1088, %div3A_1091 : vector<10x128xf32>
    %sub3A_1093 = arith.constant 1.000000e+00 : f32
    %sub3A_1094 = vector.broadcast %sub3A_1093 : f32 to vector<10x128xf32>
    %sub3A_1095 = arith.subf %sub3A_1094, %get3A_1087 : vector<10x128xf32>
    %log3A_1096 = math.log %sub3A_1095 : vector<10x128xf32>
    %log3A_1097 = arith.constant 2.000000e+00 : f32
    %log3A_1098 = math.log %log3A_1097 : f32
    %div3A_1099 = vector.broadcast %log3A_1098 : f32 to vector<10x128xf32>
    %div3A_1100 = arith.divf %log3A_1096, %div3A_1099 : vector<10x128xf32>
    %sub3A_1101 = arith.subf %div3A_1092, %div3A_1100 : vector<10x128xf32>
    %mul3A_1102 = arith.mulf %max3A_1084, %sub3A_1101 : vector<10x128xf32>
    %add3A_1103 = arith.addf %div3A_1100, %mul3A_1102 : vector<10x128xf32>
    %add3A_1104 = arith.addf %add3A_980, %add3A_1103 : vector<10x128xf32>
    %slice3A_1105 = vector.extract_strided_slice %min3A_18 {offsets = [35, 0], sizes = [1, 128], strides = [1, 1]} : vector<128x128xf32> to vector<1x128xf32>
    %mul3A_1106 = vector.broadcast %slice3A_1105 : vector<1x128xf32> to vector<10x128xf32>
    %mul3A_1107 = arith.mulf %get3A_3, %mul3A_1106 : vector<10x128xf32>
    %add3A_1108 = arith.addf %mul3A_1107, %get3A_6 : vector<10x128xf32>
    %mul3A_1109 = vector.broadcast %slice3A_1105 : vector<1x128xf32> to vector<10x128xf32>
    %mul3A_1110 = arith.mulf %get3A_9, %mul3A_1109 : vector<10x128xf32>
    %add3A_1111 = arith.addf %mul3A_1110, %get3A_12 : vector<10x128xf32>
    %min3A_1112 = arith.minimumf %add3A_1108, %add3A_1111 : vector<10x128xf32>
    %max3A_1113 = arith.constant 0.000000e+00 : f32
    %max3A_1114 = vector.broadcast %max3A_1113 : f32 to vector<10x128xf32>
    %max3A_1115 = arith.maximumf %min3A_1112, %max3A_1114 : vector<10x128xf32>
    %get3A_1116 = arith.constant 0 : index
    %get3A_1117 = arith.constant 4480 : index
    %get3A_1118 = vector.load %arg1[%get3A_1116, %get3A_1117] : memref<10x16384xf32, #tpu.memory_space<vmem>>, vector<10x128xf32>
    %log3A_1119 = math.log %get3A_1118 : vector<10x128xf32>
    %log3A_1120 = arith.constant 2.000000e+00 : f32
    %log3A_1121 = math.log %log3A_1120 : f32
    %div3A_1122 = vector.broadcast %log3A_1121 : f32 to vector<10x128xf32>
    %div3A_1123 = arith.divf %log3A_1119, %div3A_1122 : vector<10x128xf32>
    %sub3A_1124 = arith.constant 1.000000e+00 : f32
    %sub3A_1125 = vector.broadcast %sub3A_1124 : f32 to vector<10x128xf32>
    %sub3A_1126 = arith.subf %sub3A_1125, %get3A_1118 : vector<10x128xf32>
    %log3A_1127 = math.log %sub3A_1126 : vector<10x128xf32>
    %log3A_1128 = arith.constant 2.000000e+00 : f32
    %log3A_1129 = math.log %log3A_1128 : f32
    %div3A_1130 = vector.broadcast %log3A_1129 : f32 to vector<10x128xf32>
    %div3A_1131 = arith.divf %log3A_1127, %div3A_1130 : vector<10x128xf32>
    %sub3A_1132 = arith.subf %div3A_1123, %div3A_1131 : vector<10x128xf32>
    %mul3A_1133 = arith.mulf %max3A_1115, %sub3A_1132 : vector<10x128xf32>
    %add3A_1134 = arith.addf %div3A_1131, %mul3A_1133 : vector<10x128xf32>
    %add3A_1135 = arith.addf %add3A_1011, %add3A_1134 : vector<10x128xf32>
    %slice3A_1136 = vector.extract_strided_slice %min3A_18 {offsets = [36, 0], sizes = [1, 128], strides = [1, 1]} : vector<128x128xf32> to vector<1x128xf32>
    %mul3A_1137 = vector.broadcast %slice3A_1136 : vector<1x128xf32> to vector<10x128xf32>
    %mul3A_1138 = arith.mulf %get3A_3, %mul3A_1137 : vector<10x128xf32>
    %add3A_1139 = arith.addf %mul3A_1138, %get3A_6 : vector<10x128xf32>
    %mul3A_1140 = vector.broadcast %slice3A_1136 : vector<1x128xf32> to vector<10x128xf32>
    %mul3A_1141 = arith.mulf %get3A_9, %mul3A_1140 : vector<10x128xf32>
    %add3A_1142 = arith.addf %mul3A_1141, %get3A_12 : vector<10x128xf32>
    %min3A_1143 = arith.minimumf %add3A_1139, %add3A_1142 : vector<10x128xf32>
    %max3A_1144 = arith.constant 0.000000e+00 : f32
    %max3A_1145 = vector.broadcast %max3A_1144 : f32 to vector<10x128xf32>
    %max3A_1146 = arith.maximumf %min3A_1143, %max3A_1145 : vector<10x128xf32>
    %get3A_1147 = arith.constant 0 : index
    %get3A_1148 = arith.constant 4608 : index
    %get3A_1149 = vector.load %arg1[%get3A_1147, %get3A_1148] : memref<10x16384xf32, #tpu.memory_space<vmem>>, vector<10x128xf32>
    %log3A_1150 = math.log %get3A_1149 : vector<10x128xf32>
    %log3A_1151 = arith.constant 2.000000e+00 : f32
    %log3A_1152 = math.log %log3A_1151 : f32
    %div3A_1153 = vector.broadcast %log3A_1152 : f32 to vector<10x128xf32>
    %div3A_1154 = arith.divf %log3A_1150, %div3A_1153 : vector<10x128xf32>
    %sub3A_1155 = arith.constant 1.000000e+00 : f32
    %sub3A_1156 = vector.broadcast %sub3A_1155 : f32 to vector<10x128xf32>
    %sub3A_1157 = arith.subf %sub3A_1156, %get3A_1149 : vector<10x128xf32>
    %log3A_1158 = math.log %sub3A_1157 : vector<10x128xf32>
    %log3A_1159 = arith.constant 2.000000e+00 : f32
    %log3A_1160 = math.log %log3A_1159 : f32
    %div3A_1161 = vector.broadcast %log3A_1160 : f32 to vector<10x128xf32>
    %div3A_1162 = arith.divf %log3A_1158, %div3A_1161 : vector<10x128xf32>
    %sub3A_1163 = arith.subf %div3A_1154, %div3A_1162 : vector<10x128xf32>
    %mul3A_1164 = arith.mulf %max3A_1146, %sub3A_1163 : vector<10x128xf32>
    %add3A_1165 = arith.addf %div3A_1162, %mul3A_1164 : vector<10x128xf32>
    %add3A_1166 = arith.addf %add3A_1042, %add3A_1165 : vector<10x128xf32>
    %slice3A_1167 = vector.extract_strided_slice %min3A_18 {offsets = [37, 0], sizes = [1, 128], strides = [1, 1]} : vector<128x128xf32> to vector<1x128xf32>
    %mul3A_1168 = vector.broadcast %slice3A_1167 : vector<1x128xf32> to vector<10x128xf32>
    %mul3A_1169 = arith.mulf %get3A_3, %mul3A_1168 : vector<10x128xf32>
    %add3A_1170 = arith.addf %mul3A_1169, %get3A_6 : vector<10x128xf32>
    %mul3A_1171 = vector.broadcast %slice3A_1167 : vector<1x128xf32> to vector<10x128xf32>
    %mul3A_1172 = arith.mulf %get3A_9, %mul3A_1171 : vector<10x128xf32>
    %add3A_1173 = arith.addf %mul3A_1172, %get3A_12 : vector<10x128xf32>
    %min3A_1174 = arith.minimumf %add3A_1170, %add3A_1173 : vector<10x128xf32>
    %max3A_1175 = arith.constant 0.000000e+00 : f32
    %max3A_1176 = vector.broadcast %max3A_1175 : f32 to vector<10x128xf32>
    %max3A_1177 = arith.maximumf %min3A_1174, %max3A_1176 : vector<10x128xf32>
    %get3A_1178 = arith.constant 0 : index
    %get3A_1179 = arith.constant 4736 : index
    %get3A_1180 = vector.load %arg1[%get3A_1178, %get3A_1179] : memref<10x16384xf32, #tpu.memory_space<vmem>>, vector<10x128xf32>
    %log3A_1181 = math.log %get3A_1180 : vector<10x128xf32>
    %log3A_1182 = arith.constant 2.000000e+00 : f32
    %log3A_1183 = math.log %log3A_1182 : f32
    %div3A_1184 = vector.broadcast %log3A_1183 : f32 to vector<10x128xf32>
    %div3A_1185 = arith.divf %log3A_1181, %div3A_1184 : vector<10x128xf32>
    %sub3A_1186 = arith.constant 1.000000e+00 : f32
    %sub3A_1187 = vector.broadcast %sub3A_1186 : f32 to vector<10x128xf32>
    %sub3A_1188 = arith.subf %sub3A_1187, %get3A_1180 : vector<10x128xf32>
    %log3A_1189 = math.log %sub3A_1188 : vector<10x128xf32>
    %log3A_1190 = arith.constant 2.000000e+00 : f32
    %log3A_1191 = math.log %log3A_1190 : f32
    %div3A_1192 = vector.broadcast %log3A_1191 : f32 to vector<10x128xf32>
    %div3A_1193 = arith.divf %log3A_1189, %div3A_1192 : vector<10x128xf32>
    %sub3A_1194 = arith.subf %div3A_1185, %div3A_1193 : vector<10x128xf32>
    %mul3A_1195 = arith.mulf %max3A_1177, %sub3A_1194 : vector<10x128xf32>
    %add3A_1196 = arith.addf %div3A_1193, %mul3A_1195 : vector<10x128xf32>
    %add3A_1197 = arith.addf %add3A_1073, %add3A_1196 : vector<10x128xf32>
    %slice3A_1198 = vector.extract_strided_slice %min3A_18 {offsets = [38, 0], sizes = [1, 128], strides = [1, 1]} : vector<128x128xf32> to vector<1x128xf32>
    %mul3A_1199 = vector.broadcast %slice3A_1198 : vector<1x128xf32> to vector<10x128xf32>
    %mul3A_1200 = arith.mulf %get3A_3, %mul3A_1199 : vector<10x128xf32>
    %add3A_1201 = arith.addf %mul3A_1200, %get3A_6 : vector<10x128xf32>
    %mul3A_1202 = vector.broadcast %slice3A_1198 : vector<1x128xf32> to vector<10x128xf32>
    %mul3A_1203 = arith.mulf %get3A_9, %mul3A_1202 : vector<10x128xf32>
    %add3A_1204 = arith.addf %mul3A_1203, %get3A_12 : vector<10x128xf32>
    %min3A_1205 = arith.minimumf %add3A_1201, %add3A_1204 : vector<10x128xf32>
    %max3A_1206 = arith.constant 0.000000e+00 : f32
    %max3A_1207 = vector.broadcast %max3A_1206 : f32 to vector<10x128xf32>
    %max3A_1208 = arith.maximumf %min3A_1205, %max3A_1207 : vector<10x128xf32>
    %get3A_1209 = arith.constant 0 : index
    %get3A_1210 = arith.constant 4864 : index
    %get3A_1211 = vector.load %arg1[%get3A_1209, %get3A_1210] : memref<10x16384xf32, #tpu.memory_space<vmem>>, vector<10x128xf32>
    %log3A_1212 = math.log %get3A_1211 : vector<10x128xf32>
    %log3A_1213 = arith.constant 2.000000e+00 : f32
    %log3A_1214 = math.log %log3A_1213 : f32
    %div3A_1215 = vector.broadcast %log3A_1214 : f32 to vector<10x128xf32>
    %div3A_1216 = arith.divf %log3A_1212, %div3A_1215 : vector<10x128xf32>
    %sub3A_1217 = arith.constant 1.000000e+00 : f32
    %sub3A_1218 = vector.broadcast %sub3A_1217 : f32 to vector<10x128xf32>
    %sub3A_1219 = arith.subf %sub3A_1218, %get3A_1211 : vector<10x128xf32>
    %log3A_1220 = math.log %sub3A_1219 : vector<10x128xf32>
    %log3A_1221 = arith.constant 2.000000e+00 : f32
    %log3A_1222 = math.log %log3A_1221 : f32
    %div3A_1223 = vector.broadcast %log3A_1222 : f32 to vector<10x128xf32>
    %div3A_1224 = arith.divf %log3A_1220, %div3A_1223 : vector<10x128xf32>
    %sub3A_1225 = arith.subf %div3A_1216, %div3A_1224 : vector<10x128xf32>
    %mul3A_1226 = arith.mulf %max3A_1208, %sub3A_1225 : vector<10x128xf32>
    %add3A_1227 = arith.addf %div3A_1224, %mul3A_1226 : vector<10x128xf32>
    %add3A_1228 = arith.addf %add3A_1104, %add3A_1227 : vector<10x128xf32>
    %slice3A_1229 = vector.extract_strided_slice %min3A_18 {offsets = [39, 0], sizes = [1, 128], strides = [1, 1]} : vector<128x128xf32> to vector<1x128xf32>
    %mul3A_1230 = vector.broadcast %slice3A_1229 : vector<1x128xf32> to vector<10x128xf32>
    %mul3A_1231 = arith.mulf %get3A_3, %mul3A_1230 : vector<10x128xf32>
    %add3A_1232 = arith.addf %mul3A_1231, %get3A_6 : vector<10x128xf32>
    %mul3A_1233 = vector.broadcast %slice3A_1229 : vector<1x128xf32> to vector<10x128xf32>
    %mul3A_1234 = arith.mulf %get3A_9, %mul3A_1233 : vector<10x128xf32>
    %add3A_1235 = arith.addf %mul3A_1234, %get3A_12 : vector<10x128xf32>
    %min3A_1236 = arith.minimumf %add3A_1232, %add3A_1235 : vector<10x128xf32>
    %max3A_1237 = arith.constant 0.000000e+00 : f32
    %max3A_1238 = vector.broadcast %max3A_1237 : f32 to vector<10x128xf32>
    %max3A_1239 = arith.maximumf %min3A_1236, %max3A_1238 : vector<10x128xf32>
    %get3A_1240 = arith.constant 0 : index
    %get3A_1241 = arith.constant 4992 : index
    %get3A_1242 = vector.load %arg1[%get3A_1240, %get3A_1241] : memref<10x16384xf32, #tpu.memory_space<vmem>>, vector<10x128xf32>
    %log3A_1243 = math.log %get3A_1242 : vector<10x128xf32>
    %log3A_1244 = arith.constant 2.000000e+00 : f32
    %log3A_1245 = math.log %log3A_1244 : f32
    %div3A_1246 = vector.broadcast %log3A_1245 : f32 to vector<10x128xf32>
    %div3A_1247 = arith.divf %log3A_1243, %div3A_1246 : vector<10x128xf32>
    %sub3A_1248 = arith.constant 1.000000e+00 : f32
    %sub3A_1249 = vector.broadcast %sub3A_1248 : f32 to vector<10x128xf32>
    %sub3A_1250 = arith.subf %sub3A_1249, %get3A_1242 : vector<10x128xf32>
    %log3A_1251 = math.log %sub3A_1250 : vector<10x128xf32>
    %log3A_1252 = arith.constant 2.000000e+00 : f32
    %log3A_1253 = math.log %log3A_1252 : f32
    %div3A_1254 = vector.broadcast %log3A_1253 : f32 to vector<10x128xf32>
    %div3A_1255 = arith.divf %log3A_1251, %div3A_1254 : vector<10x128xf32>
    %sub3A_1256 = arith.subf %div3A_1247, %div3A_1255 : vector<10x128xf32>
    %mul3A_1257 = arith.mulf %max3A_1239, %sub3A_1256 : vector<10x128xf32>
    %add3A_1258 = arith.addf %div3A_1255, %mul3A_1257 : vector<10x128xf32>
    %add3A_1259 = arith.addf %add3A_1135, %add3A_1258 : vector<10x128xf32>
    %slice3A_1260 = vector.extract_strided_slice %min3A_18 {offsets = [40, 0], sizes = [1, 128], strides = [1, 1]} : vector<128x128xf32> to vector<1x128xf32>
    %mul3A_1261 = vector.broadcast %slice3A_1260 : vector<1x128xf32> to vector<10x128xf32>
    %mul3A_1262 = arith.mulf %get3A_3, %mul3A_1261 : vector<10x128xf32>
    %add3A_1263 = arith.addf %mul3A_1262, %get3A_6 : vector<10x128xf32>
    %mul3A_1264 = vector.broadcast %slice3A_1260 : vector<1x128xf32> to vector<10x128xf32>
    %mul3A_1265 = arith.mulf %get3A_9, %mul3A_1264 : vector<10x128xf32>
    %add3A_1266 = arith.addf %mul3A_1265, %get3A_12 : vector<10x128xf32>
    %min3A_1267 = arith.minimumf %add3A_1263, %add3A_1266 : vector<10x128xf32>
    %max3A_1268 = arith.constant 0.000000e+00 : f32
    %max3A_1269 = vector.broadcast %max3A_1268 : f32 to vector<10x128xf32>
    %max3A_1270 = arith.maximumf %min3A_1267, %max3A_1269 : vector<10x128xf32>
    %get3A_1271 = arith.constant 0 : index
    %get3A_1272 = arith.constant 5120 : index
    %get3A_1273 = vector.load %arg1[%get3A_1271, %get3A_1272] : memref<10x16384xf32, #tpu.memory_space<vmem>>, vector<10x128xf32>
    %log3A_1274 = math.log %get3A_1273 : vector<10x128xf32>
    %log3A_1275 = arith.constant 2.000000e+00 : f32
    %log3A_1276 = math.log %log3A_1275 : f32
    %div3A_1277 = vector.broadcast %log3A_1276 : f32 to vector<10x128xf32>
    %div3A_1278 = arith.divf %log3A_1274, %div3A_1277 : vector<10x128xf32>
    %sub3A_1279 = arith.constant 1.000000e+00 : f32
    %sub3A_1280 = vector.broadcast %sub3A_1279 : f32 to vector<10x128xf32>
    %sub3A_1281 = arith.subf %sub3A_1280, %get3A_1273 : vector<10x128xf32>
    %log3A_1282 = math.log %sub3A_1281 : vector<10x128xf32>
    %log3A_1283 = arith.constant 2.000000e+00 : f32
    %log3A_1284 = math.log %log3A_1283 : f32
    %div3A_1285 = vector.broadcast %log3A_1284 : f32 to vector<10x128xf32>
    %div3A_1286 = arith.divf %log3A_1282, %div3A_1285 : vector<10x128xf32>
    %sub3A_1287 = arith.subf %div3A_1278, %div3A_1286 : vector<10x128xf32>
    %mul3A_1288 = arith.mulf %max3A_1270, %sub3A_1287 : vector<10x128xf32>
    %add3A_1289 = arith.addf %div3A_1286, %mul3A_1288 : vector<10x128xf32>
    %add3A_1290 = arith.addf %add3A_1166, %add3A_1289 : vector<10x128xf32>
    %slice3A_1291 = vector.extract_strided_slice %min3A_18 {offsets = [41, 0], sizes = [1, 128], strides = [1, 1]} : vector<128x128xf32> to vector<1x128xf32>
    %mul3A_1292 = vector.broadcast %slice3A_1291 : vector<1x128xf32> to vector<10x128xf32>
    %mul3A_1293 = arith.mulf %get3A_3, %mul3A_1292 : vector<10x128xf32>
    %add3A_1294 = arith.addf %mul3A_1293, %get3A_6 : vector<10x128xf32>
    %mul3A_1295 = vector.broadcast %slice3A_1291 : vector<1x128xf32> to vector<10x128xf32>
    %mul3A_1296 = arith.mulf %get3A_9, %mul3A_1295 : vector<10x128xf32>
    %add3A_1297 = arith.addf %mul3A_1296, %get3A_12 : vector<10x128xf32>
    %min3A_1298 = arith.minimumf %add3A_1294, %add3A_1297 : vector<10x128xf32>
    %max3A_1299 = arith.constant 0.000000e+00 : f32
    %max3A_1300 = vector.broadcast %max3A_1299 : f32 to vector<10x128xf32>
    %max3A_1301 = arith.maximumf %min3A_1298, %max3A_1300 : vector<10x128xf32>
    %get3A_1302 = arith.constant 0 : index
    %get3A_1303 = arith.constant 5248 : index
    %get3A_1304 = vector.load %arg1[%get3A_1302, %get3A_1303] : memref<10x16384xf32, #tpu.memory_space<vmem>>, vector<10x128xf32>
    %log3A_1305 = math.log %get3A_1304 : vector<10x128xf32>
    %log3A_1306 = arith.constant 2.000000e+00 : f32
    %log3A_1307 = math.log %log3A_1306 : f32
    %div3A_1308 = vector.broadcast %log3A_1307 : f32 to vector<10x128xf32>
    %div3A_1309 = arith.divf %log3A_1305, %div3A_1308 : vector<10x128xf32>
    %sub3A_1310 = arith.constant 1.000000e+00 : f32
    %sub3A_1311 = vector.broadcast %sub3A_1310 : f32 to vector<10x128xf32>
    %sub3A_1312 = arith.subf %sub3A_1311, %get3A_1304 : vector<10x128xf32>
    %log3A_1313 = math.log %sub3A_1312 : vector<10x128xf32>
    %log3A_1314 = arith.constant 2.000000e+00 : f32
    %log3A_1315 = math.log %log3A_1314 : f32
    %div3A_1316 = vector.broadcast %log3A_1315 : f32 to vector<10x128xf32>
    %div3A_1317 = arith.divf %log3A_1313, %div3A_1316 : vector<10x128xf32>
    %sub3A_1318 = arith.subf %div3A_1309, %div3A_1317 : vector<10x128xf32>
    %mul3A_1319 = arith.mulf %max3A_1301, %sub3A_1318 : vector<10x128xf32>
    %add3A_1320 = arith.addf %div3A_1317, %mul3A_1319 : vector<10x128xf32>
    %add3A_1321 = arith.addf %add3A_1197, %add3A_1320 : vector<10x128xf32>
    %slice3A_1322 = vector.extract_strided_slice %min3A_18 {offsets = [42, 0], sizes = [1, 128], strides = [1, 1]} : vector<128x128xf32> to vector<1x128xf32>
    %mul3A_1323 = vector.broadcast %slice3A_1322 : vector<1x128xf32> to vector<10x128xf32>
    %mul3A_1324 = arith.mulf %get3A_3, %mul3A_1323 : vector<10x128xf32>
    %add3A_1325 = arith.addf %mul3A_1324, %get3A_6 : vector<10x128xf32>
    %mul3A_1326 = vector.broadcast %slice3A_1322 : vector<1x128xf32> to vector<10x128xf32>
    %mul3A_1327 = arith.mulf %get3A_9, %mul3A_1326 : vector<10x128xf32>
    %add3A_1328 = arith.addf %mul3A_1327, %get3A_12 : vector<10x128xf32>
    %min3A_1329 = arith.minimumf %add3A_1325, %add3A_1328 : vector<10x128xf32>
    %max3A_1330 = arith.constant 0.000000e+00 : f32
    %max3A_1331 = vector.broadcast %max3A_1330 : f32 to vector<10x128xf32>
    %max3A_1332 = arith.maximumf %min3A_1329, %max3A_1331 : vector<10x128xf32>
    %get3A_1333 = arith.constant 0 : index
    %get3A_1334 = arith.constant 5376 : index
    %get3A_1335 = vector.load %arg1[%get3A_1333, %get3A_1334] : memref<10x16384xf32, #tpu.memory_space<vmem>>, vector<10x128xf32>
    %log3A_1336 = math.log %get3A_1335 : vector<10x128xf32>
    %log3A_1337 = arith.constant 2.000000e+00 : f32
    %log3A_1338 = math.log %log3A_1337 : f32
    %div3A_1339 = vector.broadcast %log3A_1338 : f32 to vector<10x128xf32>
    %div3A_1340 = arith.divf %log3A_1336, %div3A_1339 : vector<10x128xf32>
    %sub3A_1341 = arith.constant 1.000000e+00 : f32
    %sub3A_1342 = vector.broadcast %sub3A_1341 : f32 to vector<10x128xf32>
    %sub3A_1343 = arith.subf %sub3A_1342, %get3A_1335 : vector<10x128xf32>
    %log3A_1344 = math.log %sub3A_1343 : vector<10x128xf32>
    %log3A_1345 = arith.constant 2.000000e+00 : f32
    %log3A_1346 = math.log %log3A_1345 : f32
    %div3A_1347 = vector.broadcast %log3A_1346 : f32 to vector<10x128xf32>
    %div3A_1348 = arith.divf %log3A_1344, %div3A_1347 : vector<10x128xf32>
    %sub3A_1349 = arith.subf %div3A_1340, %div3A_1348 : vector<10x128xf32>
    %mul3A_1350 = arith.mulf %max3A_1332, %sub3A_1349 : vector<10x128xf32>
    %add3A_1351 = arith.addf %div3A_1348, %mul3A_1350 : vector<10x128xf32>
    %add3A_1352 = arith.addf %add3A_1228, %add3A_1351 : vector<10x128xf32>
    %slice3A_1353 = vector.extract_strided_slice %min3A_18 {offsets = [43, 0], sizes = [1, 128], strides = [1, 1]} : vector<128x128xf32> to vector<1x128xf32>
    %mul3A_1354 = vector.broadcast %slice3A_1353 : vector<1x128xf32> to vector<10x128xf32>
    %mul3A_1355 = arith.mulf %get3A_3, %mul3A_1354 : vector<10x128xf32>
    %add3A_1356 = arith.addf %mul3A_1355, %get3A_6 : vector<10x128xf32>
    %mul3A_1357 = vector.broadcast %slice3A_1353 : vector<1x128xf32> to vector<10x128xf32>
    %mul3A_1358 = arith.mulf %get3A_9, %mul3A_1357 : vector<10x128xf32>
    %add3A_1359 = arith.addf %mul3A_1358, %get3A_12 : vector<10x128xf32>
    %min3A_1360 = arith.minimumf %add3A_1356, %add3A_1359 : vector<10x128xf32>
    %max3A_1361 = arith.constant 0.000000e+00 : f32
    %max3A_1362 = vector.broadcast %max3A_1361 : f32 to vector<10x128xf32>
    %max3A_1363 = arith.maximumf %min3A_1360, %max3A_1362 : vector<10x128xf32>
    %get3A_1364 = arith.constant 0 : index
    %get3A_1365 = arith.constant 5504 : index
    %get3A_1366 = vector.load %arg1[%get3A_1364, %get3A_1365] : memref<10x16384xf32, #tpu.memory_space<vmem>>, vector<10x128xf32>
    %log3A_1367 = math.log %get3A_1366 : vector<10x128xf32>
    %log3A_1368 = arith.constant 2.000000e+00 : f32
    %log3A_1369 = math.log %log3A_1368 : f32
    %div3A_1370 = vector.broadcast %log3A_1369 : f32 to vector<10x128xf32>
    %div3A_1371 = arith.divf %log3A_1367, %div3A_1370 : vector<10x128xf32>
    %sub3A_1372 = arith.constant 1.000000e+00 : f32
    %sub3A_1373 = vector.broadcast %sub3A_1372 : f32 to vector<10x128xf32>
    %sub3A_1374 = arith.subf %sub3A_1373, %get3A_1366 : vector<10x128xf32>
    %log3A_1375 = math.log %sub3A_1374 : vector<10x128xf32>
    %log3A_1376 = arith.constant 2.000000e+00 : f32
    %log3A_1377 = math.log %log3A_1376 : f32
    %div3A_1378 = vector.broadcast %log3A_1377 : f32 to vector<10x128xf32>
    %div3A_1379 = arith.divf %log3A_1375, %div3A_1378 : vector<10x128xf32>
    %sub3A_1380 = arith.subf %div3A_1371, %div3A_1379 : vector<10x128xf32>
    %mul3A_1381 = arith.mulf %max3A_1363, %sub3A_1380 : vector<10x128xf32>
    %add3A_1382 = arith.addf %div3A_1379, %mul3A_1381 : vector<10x128xf32>
    %add3A_1383 = arith.addf %add3A_1259, %add3A_1382 : vector<10x128xf32>
    %slice3A_1384 = vector.extract_strided_slice %min3A_18 {offsets = [44, 0], sizes = [1, 128], strides = [1, 1]} : vector<128x128xf32> to vector<1x128xf32>
    %mul3A_1385 = vector.broadcast %slice3A_1384 : vector<1x128xf32> to vector<10x128xf32>
    %mul3A_1386 = arith.mulf %get3A_3, %mul3A_1385 : vector<10x128xf32>
    %add3A_1387 = arith.addf %mul3A_1386, %get3A_6 : vector<10x128xf32>
    %mul3A_1388 = vector.broadcast %slice3A_1384 : vector<1x128xf32> to vector<10x128xf32>
    %mul3A_1389 = arith.mulf %get3A_9, %mul3A_1388 : vector<10x128xf32>
    %add3A_1390 = arith.addf %mul3A_1389, %get3A_12 : vector<10x128xf32>
    %min3A_1391 = arith.minimumf %add3A_1387, %add3A_1390 : vector<10x128xf32>
    %max3A_1392 = arith.constant 0.000000e+00 : f32
    %max3A_1393 = vector.broadcast %max3A_1392 : f32 to vector<10x128xf32>
    %max3A_1394 = arith.maximumf %min3A_1391, %max3A_1393 : vector<10x128xf32>
    %get3A_1395 = arith.constant 0 : index
    %get3A_1396 = arith.constant 5632 : index
    %get3A_1397 = vector.load %arg1[%get3A_1395, %get3A_1396] : memref<10x16384xf32, #tpu.memory_space<vmem>>, vector<10x128xf32>
    %log3A_1398 = math.log %get3A_1397 : vector<10x128xf32>
    %log3A_1399 = arith.constant 2.000000e+00 : f32
    %log3A_1400 = math.log %log3A_1399 : f32
    %div3A_1401 = vector.broadcast %log3A_1400 : f32 to vector<10x128xf32>
    %div3A_1402 = arith.divf %log3A_1398, %div3A_1401 : vector<10x128xf32>
    %sub3A_1403 = arith.constant 1.000000e+00 : f32
    %sub3A_1404 = vector.broadcast %sub3A_1403 : f32 to vector<10x128xf32>
    %sub3A_1405 = arith.subf %sub3A_1404, %get3A_1397 : vector<10x128xf32>
    %log3A_1406 = math.log %sub3A_1405 : vector<10x128xf32>
    %log3A_1407 = arith.constant 2.000000e+00 : f32
    %log3A_1408 = math.log %log3A_1407 : f32
    %div3A_1409 = vector.broadcast %log3A_1408 : f32 to vector<10x128xf32>
    %div3A_1410 = arith.divf %log3A_1406, %div3A_1409 : vector<10x128xf32>
    %sub3A_1411 = arith.subf %div3A_1402, %div3A_1410 : vector<10x128xf32>
    %mul3A_1412 = arith.mulf %max3A_1394, %sub3A_1411 : vector<10x128xf32>
    %add3A_1413 = arith.addf %div3A_1410, %mul3A_1412 : vector<10x128xf32>
    %add3A_1414 = arith.addf %add3A_1290, %add3A_1413 : vector<10x128xf32>
    %slice3A_1415 = vector.extract_strided_slice %min3A_18 {offsets = [45, 0], sizes = [1, 128], strides = [1, 1]} : vector<128x128xf32> to vector<1x128xf32>
    %mul3A_1416 = vector.broadcast %slice3A_1415 : vector<1x128xf32> to vector<10x128xf32>
    %mul3A_1417 = arith.mulf %get3A_3, %mul3A_1416 : vector<10x128xf32>
    %add3A_1418 = arith.addf %mul3A_1417, %get3A_6 : vector<10x128xf32>
    %mul3A_1419 = vector.broadcast %slice3A_1415 : vector<1x128xf32> to vector<10x128xf32>
    %mul3A_1420 = arith.mulf %get3A_9, %mul3A_1419 : vector<10x128xf32>
    %add3A_1421 = arith.addf %mul3A_1420, %get3A_12 : vector<10x128xf32>
    %min3A_1422 = arith.minimumf %add3A_1418, %add3A_1421 : vector<10x128xf32>
    %max3A_1423 = arith.constant 0.000000e+00 : f32
    %max3A_1424 = vector.broadcast %max3A_1423 : f32 to vector<10x128xf32>
    %max3A_1425 = arith.maximumf %min3A_1422, %max3A_1424 : vector<10x128xf32>
    %get3A_1426 = arith.constant 0 : index
    %get3A_1427 = arith.constant 5760 : index
    %get3A_1428 = vector.load %arg1[%get3A_1426, %get3A_1427] : memref<10x16384xf32, #tpu.memory_space<vmem>>, vector<10x128xf32>
    %log3A_1429 = math.log %get3A_1428 : vector<10x128xf32>
    %log3A_1430 = arith.constant 2.000000e+00 : f32
    %log3A_1431 = math.log %log3A_1430 : f32
    %div3A_1432 = vector.broadcast %log3A_1431 : f32 to vector<10x128xf32>
    %div3A_1433 = arith.divf %log3A_1429, %div3A_1432 : vector<10x128xf32>
    %sub3A_1434 = arith.constant 1.000000e+00 : f32
    %sub3A_1435 = vector.broadcast %sub3A_1434 : f32 to vector<10x128xf32>
    %sub3A_1436 = arith.subf %sub3A_1435, %get3A_1428 : vector<10x128xf32>
    %log3A_1437 = math.log %sub3A_1436 : vector<10x128xf32>
    %log3A_1438 = arith.constant 2.000000e+00 : f32
    %log3A_1439 = math.log %log3A_1438 : f32
    %div3A_1440 = vector.broadcast %log3A_1439 : f32 to vector<10x128xf32>
    %div3A_1441 = arith.divf %log3A_1437, %div3A_1440 : vector<10x128xf32>
    %sub3A_1442 = arith.subf %div3A_1433, %div3A_1441 : vector<10x128xf32>
    %mul3A_1443 = arith.mulf %max3A_1425, %sub3A_1442 : vector<10x128xf32>
    %add3A_1444 = arith.addf %div3A_1441, %mul3A_1443 : vector<10x128xf32>
    %add3A_1445 = arith.addf %add3A_1321, %add3A_1444 : vector<10x128xf32>
    %slice3A_1446 = vector.extract_strided_slice %min3A_18 {offsets = [46, 0], sizes = [1, 128], strides = [1, 1]} : vector<128x128xf32> to vector<1x128xf32>
    %mul3A_1447 = vector.broadcast %slice3A_1446 : vector<1x128xf32> to vector<10x128xf32>
    %mul3A_1448 = arith.mulf %get3A_3, %mul3A_1447 : vector<10x128xf32>
    %add3A_1449 = arith.addf %mul3A_1448, %get3A_6 : vector<10x128xf32>
    %mul3A_1450 = vector.broadcast %slice3A_1446 : vector<1x128xf32> to vector<10x128xf32>
    %mul3A_1451 = arith.mulf %get3A_9, %mul3A_1450 : vector<10x128xf32>
    %add3A_1452 = arith.addf %mul3A_1451, %get3A_12 : vector<10x128xf32>
    %min3A_1453 = arith.minimumf %add3A_1449, %add3A_1452 : vector<10x128xf32>
    %max3A_1454 = arith.constant 0.000000e+00 : f32
    %max3A_1455 = vector.broadcast %max3A_1454 : f32 to vector<10x128xf32>
    %max3A_1456 = arith.maximumf %min3A_1453, %max3A_1455 : vector<10x128xf32>
    %get3A_1457 = arith.constant 0 : index
    %get3A_1458 = arith.constant 5888 : index
    %get3A_1459 = vector.load %arg1[%get3A_1457, %get3A_1458] : memref<10x16384xf32, #tpu.memory_space<vmem>>, vector<10x128xf32>
    %log3A_1460 = math.log %get3A_1459 : vector<10x128xf32>
    %log3A_1461 = arith.constant 2.000000e+00 : f32
    %log3A_1462 = math.log %log3A_1461 : f32
    %div3A_1463 = vector.broadcast %log3A_1462 : f32 to vector<10x128xf32>
    %div3A_1464 = arith.divf %log3A_1460, %div3A_1463 : vector<10x128xf32>
    %sub3A_1465 = arith.constant 1.000000e+00 : f32
    %sub3A_1466 = vector.broadcast %sub3A_1465 : f32 to vector<10x128xf32>
    %sub3A_1467 = arith.subf %sub3A_1466, %get3A_1459 : vector<10x128xf32>
    %log3A_1468 = math.log %sub3A_1467 : vector<10x128xf32>
    %log3A_1469 = arith.constant 2.000000e+00 : f32
    %log3A_1470 = math.log %log3A_1469 : f32
    %div3A_1471 = vector.broadcast %log3A_1470 : f32 to vector<10x128xf32>
    %div3A_1472 = arith.divf %log3A_1468, %div3A_1471 : vector<10x128xf32>
    %sub3A_1473 = arith.subf %div3A_1464, %div3A_1472 : vector<10x128xf32>
    %mul3A_1474 = arith.mulf %max3A_1456, %sub3A_1473 : vector<10x128xf32>
    %add3A_1475 = arith.addf %div3A_1472, %mul3A_1474 : vector<10x128xf32>
    %add3A_1476 = arith.addf %add3A_1352, %add3A_1475 : vector<10x128xf32>
    %slice3A_1477 = vector.extract_strided_slice %min3A_18 {offsets = [47, 0], sizes = [1, 128], strides = [1, 1]} : vector<128x128xf32> to vector<1x128xf32>
    %mul3A_1478 = vector.broadcast %slice3A_1477 : vector<1x128xf32> to vector<10x128xf32>
    %mul3A_1479 = arith.mulf %get3A_3, %mul3A_1478 : vector<10x128xf32>
    %add3A_1480 = arith.addf %mul3A_1479, %get3A_6 : vector<10x128xf32>
    %mul3A_1481 = vector.broadcast %slice3A_1477 : vector<1x128xf32> to vector<10x128xf32>
    %mul3A_1482 = arith.mulf %get3A_9, %mul3A_1481 : vector<10x128xf32>
    %add3A_1483 = arith.addf %mul3A_1482, %get3A_12 : vector<10x128xf32>
    %min3A_1484 = arith.minimumf %add3A_1480, %add3A_1483 : vector<10x128xf32>
    %max3A_1485 = arith.constant 0.000000e+00 : f32
    %max3A_1486 = vector.broadcast %max3A_1485 : f32 to vector<10x128xf32>
    %max3A_1487 = arith.maximumf %min3A_1484, %max3A_1486 : vector<10x128xf32>
    %get3A_1488 = arith.constant 0 : index
    %get3A_1489 = arith.constant 6016 : index
    %get3A_1490 = vector.load %arg1[%get3A_1488, %get3A_1489] : memref<10x16384xf32, #tpu.memory_space<vmem>>, vector<10x128xf32>
    %log3A_1491 = math.log %get3A_1490 : vector<10x128xf32>
    %log3A_1492 = arith.constant 2.000000e+00 : f32
    %log3A_1493 = math.log %log3A_1492 : f32
    %div3A_1494 = vector.broadcast %log3A_1493 : f32 to vector<10x128xf32>
    %div3A_1495 = arith.divf %log3A_1491, %div3A_1494 : vector<10x128xf32>
    %sub3A_1496 = arith.constant 1.000000e+00 : f32
    %sub3A_1497 = vector.broadcast %sub3A_1496 : f32 to vector<10x128xf32>
    %sub3A_1498 = arith.subf %sub3A_1497, %get3A_1490 : vector<10x128xf32>
    %log3A_1499 = math.log %sub3A_1498 : vector<10x128xf32>
    %log3A_1500 = arith.constant 2.000000e+00 : f32
    %log3A_1501 = math.log %log3A_1500 : f32
    %div3A_1502 = vector.broadcast %log3A_1501 : f32 to vector<10x128xf32>
    %div3A_1503 = arith.divf %log3A_1499, %div3A_1502 : vector<10x128xf32>
    %sub3A_1504 = arith.subf %div3A_1495, %div3A_1503 : vector<10x128xf32>
    %mul3A_1505 = arith.mulf %max3A_1487, %sub3A_1504 : vector<10x128xf32>
    %add3A_1506 = arith.addf %div3A_1503, %mul3A_1505 : vector<10x128xf32>
    %add3A_1507 = arith.addf %add3A_1383, %add3A_1506 : vector<10x128xf32>
    %slice3A_1508 = vector.extract_strided_slice %min3A_18 {offsets = [48, 0], sizes = [1, 128], strides = [1, 1]} : vector<128x128xf32> to vector<1x128xf32>
    %mul3A_1509 = vector.broadcast %slice3A_1508 : vector<1x128xf32> to vector<10x128xf32>
    %mul3A_1510 = arith.mulf %get3A_3, %mul3A_1509 : vector<10x128xf32>
    %add3A_1511 = arith.addf %mul3A_1510, %get3A_6 : vector<10x128xf32>
    %mul3A_1512 = vector.broadcast %slice3A_1508 : vector<1x128xf32> to vector<10x128xf32>
    %mul3A_1513 = arith.mulf %get3A_9, %mul3A_1512 : vector<10x128xf32>
    %add3A_1514 = arith.addf %mul3A_1513, %get3A_12 : vector<10x128xf32>
    %min3A_1515 = arith.minimumf %add3A_1511, %add3A_1514 : vector<10x128xf32>
    %max3A_1516 = arith.constant 0.000000e+00 : f32
    %max3A_1517 = vector.broadcast %max3A_1516 : f32 to vector<10x128xf32>
    %max3A_1518 = arith.maximumf %min3A_1515, %max3A_1517 : vector<10x128xf32>
    %get3A_1519 = arith.constant 0 : index
    %get3A_1520 = arith.constant 6144 : index
    %get3A_1521 = vector.load %arg1[%get3A_1519, %get3A_1520] : memref<10x16384xf32, #tpu.memory_space<vmem>>, vector<10x128xf32>
    %log3A_1522 = math.log %get3A_1521 : vector<10x128xf32>
    %log3A_1523 = arith.constant 2.000000e+00 : f32
    %log3A_1524 = math.log %log3A_1523 : f32
    %div3A_1525 = vector.broadcast %log3A_1524 : f32 to vector<10x128xf32>
    %div3A_1526 = arith.divf %log3A_1522, %div3A_1525 : vector<10x128xf32>
    %sub3A_1527 = arith.constant 1.000000e+00 : f32
    %sub3A_1528 = vector.broadcast %sub3A_1527 : f32 to vector<10x128xf32>
    %sub3A_1529 = arith.subf %sub3A_1528, %get3A_1521 : vector<10x128xf32>
    %log3A_1530 = math.log %sub3A_1529 : vector<10x128xf32>
    %log3A_1531 = arith.constant 2.000000e+00 : f32
    %log3A_1532 = math.log %log3A_1531 : f32
    %div3A_1533 = vector.broadcast %log3A_1532 : f32 to vector<10x128xf32>
    %div3A_1534 = arith.divf %log3A_1530, %div3A_1533 : vector<10x128xf32>
    %sub3A_1535 = arith.subf %div3A_1526, %div3A_1534 : vector<10x128xf32>
    %mul3A_1536 = arith.mulf %max3A_1518, %sub3A_1535 : vector<10x128xf32>
    %add3A_1537 = arith.addf %div3A_1534, %mul3A_1536 : vector<10x128xf32>
    %add3A_1538 = arith.addf %add3A_1414, %add3A_1537 : vector<10x128xf32>
    %slice3A_1539 = vector.extract_strided_slice %min3A_18 {offsets = [49, 0], sizes = [1, 128], strides = [1, 1]} : vector<128x128xf32> to vector<1x128xf32>
    %mul3A_1540 = vector.broadcast %slice3A_1539 : vector<1x128xf32> to vector<10x128xf32>
    %mul3A_1541 = arith.mulf %get3A_3, %mul3A_1540 : vector<10x128xf32>
    %add3A_1542 = arith.addf %mul3A_1541, %get3A_6 : vector<10x128xf32>
    %mul3A_1543 = vector.broadcast %slice3A_1539 : vector<1x128xf32> to vector<10x128xf32>
    %mul3A_1544 = arith.mulf %get3A_9, %mul3A_1543 : vector<10x128xf32>
    %add3A_1545 = arith.addf %mul3A_1544, %get3A_12 : vector<10x128xf32>
    %min3A_1546 = arith.minimumf %add3A_1542, %add3A_1545 : vector<10x128xf32>
    %max3A_1547 = arith.constant 0.000000e+00 : f32
    %max3A_1548 = vector.broadcast %max3A_1547 : f32 to vector<10x128xf32>
    %max3A_1549 = arith.maximumf %min3A_1546, %max3A_1548 : vector<10x128xf32>
    %get3A_1550 = arith.constant 0 : index
    %get3A_1551 = arith.constant 6272 : index
    %get3A_1552 = vector.load %arg1[%get3A_1550, %get3A_1551] : memref<10x16384xf32, #tpu.memory_space<vmem>>, vector<10x128xf32>
    %log3A_1553 = math.log %get3A_1552 : vector<10x128xf32>
    %log3A_1554 = arith.constant 2.000000e+00 : f32
    %log3A_1555 = math.log %log3A_1554 : f32
    %div3A_1556 = vector.broadcast %log3A_1555 : f32 to vector<10x128xf32>
    %div3A_1557 = arith.divf %log3A_1553, %div3A_1556 : vector<10x128xf32>
    %sub3A_1558 = arith.constant 1.000000e+00 : f32
    %sub3A_1559 = vector.broadcast %sub3A_1558 : f32 to vector<10x128xf32>
    %sub3A_1560 = arith.subf %sub3A_1559, %get3A_1552 : vector<10x128xf32>
    %log3A_1561 = math.log %sub3A_1560 : vector<10x128xf32>
    %log3A_1562 = arith.constant 2.000000e+00 : f32
    %log3A_1563 = math.log %log3A_1562 : f32
    %div3A_1564 = vector.broadcast %log3A_1563 : f32 to vector<10x128xf32>
    %div3A_1565 = arith.divf %log3A_1561, %div3A_1564 : vector<10x128xf32>
    %sub3A_1566 = arith.subf %div3A_1557, %div3A_1565 : vector<10x128xf32>
    %mul3A_1567 = arith.mulf %max3A_1549, %sub3A_1566 : vector<10x128xf32>
    %add3A_1568 = arith.addf %div3A_1565, %mul3A_1567 : vector<10x128xf32>
    %add3A_1569 = arith.addf %add3A_1445, %add3A_1568 : vector<10x128xf32>
    %slice3A_1570 = vector.extract_strided_slice %min3A_18 {offsets = [50, 0], sizes = [1, 128], strides = [1, 1]} : vector<128x128xf32> to vector<1x128xf32>
    %mul3A_1571 = vector.broadcast %slice3A_1570 : vector<1x128xf32> to vector<10x128xf32>
    %mul3A_1572 = arith.mulf %get3A_3, %mul3A_1571 : vector<10x128xf32>
    %add3A_1573 = arith.addf %mul3A_1572, %get3A_6 : vector<10x128xf32>
    %mul3A_1574 = vector.broadcast %slice3A_1570 : vector<1x128xf32> to vector<10x128xf32>
    %mul3A_1575 = arith.mulf %get3A_9, %mul3A_1574 : vector<10x128xf32>
    %add3A_1576 = arith.addf %mul3A_1575, %get3A_12 : vector<10x128xf32>
    %min3A_1577 = arith.minimumf %add3A_1573, %add3A_1576 : vector<10x128xf32>
    %max3A_1578 = arith.constant 0.000000e+00 : f32
    %max3A_1579 = vector.broadcast %max3A_1578 : f32 to vector<10x128xf32>
    %max3A_1580 = arith.maximumf %min3A_1577, %max3A_1579 : vector<10x128xf32>
    %get3A_1581 = arith.constant 0 : index
    %get3A_1582 = arith.constant 6400 : index
    %get3A_1583 = vector.load %arg1[%get3A_1581, %get3A_1582] : memref<10x16384xf32, #tpu.memory_space<vmem>>, vector<10x128xf32>
    %log3A_1584 = math.log %get3A_1583 : vector<10x128xf32>
    %log3A_1585 = arith.constant 2.000000e+00 : f32
    %log3A_1586 = math.log %log3A_1585 : f32
    %div3A_1587 = vector.broadcast %log3A_1586 : f32 to vector<10x128xf32>
    %div3A_1588 = arith.divf %log3A_1584, %div3A_1587 : vector<10x128xf32>
    %sub3A_1589 = arith.constant 1.000000e+00 : f32
    %sub3A_1590 = vector.broadcast %sub3A_1589 : f32 to vector<10x128xf32>
    %sub3A_1591 = arith.subf %sub3A_1590, %get3A_1583 : vector<10x128xf32>
    %log3A_1592 = math.log %sub3A_1591 : vector<10x128xf32>
    %log3A_1593 = arith.constant 2.000000e+00 : f32
    %log3A_1594 = math.log %log3A_1593 : f32
    %div3A_1595 = vector.broadcast %log3A_1594 : f32 to vector<10x128xf32>
    %div3A_1596 = arith.divf %log3A_1592, %div3A_1595 : vector<10x128xf32>
    %sub3A_1597 = arith.subf %div3A_1588, %div3A_1596 : vector<10x128xf32>
    %mul3A_1598 = arith.mulf %max3A_1580, %sub3A_1597 : vector<10x128xf32>
    %add3A_1599 = arith.addf %div3A_1596, %mul3A_1598 : vector<10x128xf32>
    %add3A_1600 = arith.addf %add3A_1476, %add3A_1599 : vector<10x128xf32>
    %slice3A_1601 = vector.extract_strided_slice %min3A_18 {offsets = [51, 0], sizes = [1, 128], strides = [1, 1]} : vector<128x128xf32> to vector<1x128xf32>
    %mul3A_1602 = vector.broadcast %slice3A_1601 : vector<1x128xf32> to vector<10x128xf32>
    %mul3A_1603 = arith.mulf %get3A_3, %mul3A_1602 : vector<10x128xf32>
    %add3A_1604 = arith.addf %mul3A_1603, %get3A_6 : vector<10x128xf32>
    %mul3A_1605 = vector.broadcast %slice3A_1601 : vector<1x128xf32> to vector<10x128xf32>
    %mul3A_1606 = arith.mulf %get3A_9, %mul3A_1605 : vector<10x128xf32>
    %add3A_1607 = arith.addf %mul3A_1606, %get3A_12 : vector<10x128xf32>
    %min3A_1608 = arith.minimumf %add3A_1604, %add3A_1607 : vector<10x128xf32>
    %max3A_1609 = arith.constant 0.000000e+00 : f32
    %max3A_1610 = vector.broadcast %max3A_1609 : f32 to vector<10x128xf32>
    %max3A_1611 = arith.maximumf %min3A_1608, %max3A_1610 : vector<10x128xf32>
    %get3A_1612 = arith.constant 0 : index
    %get3A_1613 = arith.constant 6528 : index
    %get3A_1614 = vector.load %arg1[%get3A_1612, %get3A_1613] : memref<10x16384xf32, #tpu.memory_space<vmem>>, vector<10x128xf32>
    %log3A_1615 = math.log %get3A_1614 : vector<10x128xf32>
    %log3A_1616 = arith.constant 2.000000e+00 : f32
    %log3A_1617 = math.log %log3A_1616 : f32
    %div3A_1618 = vector.broadcast %log3A_1617 : f32 to vector<10x128xf32>
    %div3A_1619 = arith.divf %log3A_1615, %div3A_1618 : vector<10x128xf32>
    %sub3A_1620 = arith.constant 1.000000e+00 : f32
    %sub3A_1621 = vector.broadcast %sub3A_1620 : f32 to vector<10x128xf32>
    %sub3A_1622 = arith.subf %sub3A_1621, %get3A_1614 : vector<10x128xf32>
    %log3A_1623 = math.log %sub3A_1622 : vector<10x128xf32>
    %log3A_1624 = arith.constant 2.000000e+00 : f32
    %log3A_1625 = math.log %log3A_1624 : f32
    %div3A_1626 = vector.broadcast %log3A_1625 : f32 to vector<10x128xf32>
    %div3A_1627 = arith.divf %log3A_1623, %div3A_1626 : vector<10x128xf32>
    %sub3A_1628 = arith.subf %div3A_1619, %div3A_1627 : vector<10x128xf32>
    %mul3A_1629 = arith.mulf %max3A_1611, %sub3A_1628 : vector<10x128xf32>
    %add3A_1630 = arith.addf %div3A_1627, %mul3A_1629 : vector<10x128xf32>
    %add3A_1631 = arith.addf %add3A_1507, %add3A_1630 : vector<10x128xf32>
    %slice3A_1632 = vector.extract_strided_slice %min3A_18 {offsets = [52, 0], sizes = [1, 128], strides = [1, 1]} : vector<128x128xf32> to vector<1x128xf32>
    %mul3A_1633 = vector.broadcast %slice3A_1632 : vector<1x128xf32> to vector<10x128xf32>
    %mul3A_1634 = arith.mulf %get3A_3, %mul3A_1633 : vector<10x128xf32>
    %add3A_1635 = arith.addf %mul3A_1634, %get3A_6 : vector<10x128xf32>
    %mul3A_1636 = vector.broadcast %slice3A_1632 : vector<1x128xf32> to vector<10x128xf32>
    %mul3A_1637 = arith.mulf %get3A_9, %mul3A_1636 : vector<10x128xf32>
    %add3A_1638 = arith.addf %mul3A_1637, %get3A_12 : vector<10x128xf32>
    %min3A_1639 = arith.minimumf %add3A_1635, %add3A_1638 : vector<10x128xf32>
    %max3A_1640 = arith.constant 0.000000e+00 : f32
    %max3A_1641 = vector.broadcast %max3A_1640 : f32 to vector<10x128xf32>
    %max3A_1642 = arith.maximumf %min3A_1639, %max3A_1641 : vector<10x128xf32>
    %get3A_1643 = arith.constant 0 : index
    %get3A_1644 = arith.constant 6656 : index
    %get3A_1645 = vector.load %arg1[%get3A_1643, %get3A_1644] : memref<10x16384xf32, #tpu.memory_space<vmem>>, vector<10x128xf32>
    %log3A_1646 = math.log %get3A_1645 : vector<10x128xf32>
    %log3A_1647 = arith.constant 2.000000e+00 : f32
    %log3A_1648 = math.log %log3A_1647 : f32
    %div3A_1649 = vector.broadcast %log3A_1648 : f32 to vector<10x128xf32>
    %div3A_1650 = arith.divf %log3A_1646, %div3A_1649 : vector<10x128xf32>
    %sub3A_1651 = arith.constant 1.000000e+00 : f32
    %sub3A_1652 = vector.broadcast %sub3A_1651 : f32 to vector<10x128xf32>
    %sub3A_1653 = arith.subf %sub3A_1652, %get3A_1645 : vector<10x128xf32>
    %log3A_1654 = math.log %sub3A_1653 : vector<10x128xf32>
    %log3A_1655 = arith.constant 2.000000e+00 : f32
    %log3A_1656 = math.log %log3A_1655 : f32
    %div3A_1657 = vector.broadcast %log3A_1656 : f32 to vector<10x128xf32>
    %div3A_1658 = arith.divf %log3A_1654, %div3A_1657 : vector<10x128xf32>
    %sub3A_1659 = arith.subf %div3A_1650, %div3A_1658 : vector<10x128xf32>
    %mul3A_1660 = arith.mulf %max3A_1642, %sub3A_1659 : vector<10x128xf32>
    %add3A_1661 = arith.addf %div3A_1658, %mul3A_1660 : vector<10x128xf32>
    %add3A_1662 = arith.addf %add3A_1538, %add3A_1661 : vector<10x128xf32>
    %slice3A_1663 = vector.extract_strided_slice %min3A_18 {offsets = [53, 0], sizes = [1, 128], strides = [1, 1]} : vector<128x128xf32> to vector<1x128xf32>
    %mul3A_1664 = vector.broadcast %slice3A_1663 : vector<1x128xf32> to vector<10x128xf32>
    %mul3A_1665 = arith.mulf %get3A_3, %mul3A_1664 : vector<10x128xf32>
    %add3A_1666 = arith.addf %mul3A_1665, %get3A_6 : vector<10x128xf32>
    %mul3A_1667 = vector.broadcast %slice3A_1663 : vector<1x128xf32> to vector<10x128xf32>
    %mul3A_1668 = arith.mulf %get3A_9, %mul3A_1667 : vector<10x128xf32>
    %add3A_1669 = arith.addf %mul3A_1668, %get3A_12 : vector<10x128xf32>
    %min3A_1670 = arith.minimumf %add3A_1666, %add3A_1669 : vector<10x128xf32>
    %max3A_1671 = arith.constant 0.000000e+00 : f32
    %max3A_1672 = vector.broadcast %max3A_1671 : f32 to vector<10x128xf32>
    %max3A_1673 = arith.maximumf %min3A_1670, %max3A_1672 : vector<10x128xf32>
    %get3A_1674 = arith.constant 0 : index
    %get3A_1675 = arith.constant 6784 : index
    %get3A_1676 = vector.load %arg1[%get3A_1674, %get3A_1675] : memref<10x16384xf32, #tpu.memory_space<vmem>>, vector<10x128xf32>
    %log3A_1677 = math.log %get3A_1676 : vector<10x128xf32>
    %log3A_1678 = arith.constant 2.000000e+00 : f32
    %log3A_1679 = math.log %log3A_1678 : f32
    %div3A_1680 = vector.broadcast %log3A_1679 : f32 to vector<10x128xf32>
    %div3A_1681 = arith.divf %log3A_1677, %div3A_1680 : vector<10x128xf32>
    %sub3A_1682 = arith.constant 1.000000e+00 : f32
    %sub3A_1683 = vector.broadcast %sub3A_1682 : f32 to vector<10x128xf32>
    %sub3A_1684 = arith.subf %sub3A_1683, %get3A_1676 : vector<10x128xf32>
    %log3A_1685 = math.log %sub3A_1684 : vector<10x128xf32>
    %log3A_1686 = arith.constant 2.000000e+00 : f32
    %log3A_1687 = math.log %log3A_1686 : f32
    %div3A_1688 = vector.broadcast %log3A_1687 : f32 to vector<10x128xf32>
    %div3A_1689 = arith.divf %log3A_1685, %div3A_1688 : vector<10x128xf32>
    %sub3A_1690 = arith.subf %div3A_1681, %div3A_1689 : vector<10x128xf32>
    %mul3A_1691 = arith.mulf %max3A_1673, %sub3A_1690 : vector<10x128xf32>
    %add3A_1692 = arith.addf %div3A_1689, %mul3A_1691 : vector<10x128xf32>
    %add3A_1693 = arith.addf %add3A_1569, %add3A_1692 : vector<10x128xf32>
    %slice3A_1694 = vector.extract_strided_slice %min3A_18 {offsets = [54, 0], sizes = [1, 128], strides = [1, 1]} : vector<128x128xf32> to vector<1x128xf32>
    %mul3A_1695 = vector.broadcast %slice3A_1694 : vector<1x128xf32> to vector<10x128xf32>
    %mul3A_1696 = arith.mulf %get3A_3, %mul3A_1695 : vector<10x128xf32>
    %add3A_1697 = arith.addf %mul3A_1696, %get3A_6 : vector<10x128xf32>
    %mul3A_1698 = vector.broadcast %slice3A_1694 : vector<1x128xf32> to vector<10x128xf32>
    %mul3A_1699 = arith.mulf %get3A_9, %mul3A_1698 : vector<10x128xf32>
    %add3A_1700 = arith.addf %mul3A_1699, %get3A_12 : vector<10x128xf32>
    %min3A_1701 = arith.minimumf %add3A_1697, %add3A_1700 : vector<10x128xf32>
    %max3A_1702 = arith.constant 0.000000e+00 : f32
    %max3A_1703 = vector.broadcast %max3A_1702 : f32 to vector<10x128xf32>
    %max3A_1704 = arith.maximumf %min3A_1701, %max3A_1703 : vector<10x128xf32>
    %get3A_1705 = arith.constant 0 : index
    %get3A_1706 = arith.constant 6912 : index
    %get3A_1707 = vector.load %arg1[%get3A_1705, %get3A_1706] : memref<10x16384xf32, #tpu.memory_space<vmem>>, vector<10x128xf32>
    %log3A_1708 = math.log %get3A_1707 : vector<10x128xf32>
    %log3A_1709 = arith.constant 2.000000e+00 : f32
    %log3A_1710 = math.log %log3A_1709 : f32
    %div3A_1711 = vector.broadcast %log3A_1710 : f32 to vector<10x128xf32>
    %div3A_1712 = arith.divf %log3A_1708, %div3A_1711 : vector<10x128xf32>
    %sub3A_1713 = arith.constant 1.000000e+00 : f32
    %sub3A_1714 = vector.broadcast %sub3A_1713 : f32 to vector<10x128xf32>
    %sub3A_1715 = arith.subf %sub3A_1714, %get3A_1707 : vector<10x128xf32>
    %log3A_1716 = math.log %sub3A_1715 : vector<10x128xf32>
    %log3A_1717 = arith.constant 2.000000e+00 : f32
    %log3A_1718 = math.log %log3A_1717 : f32
    %div3A_1719 = vector.broadcast %log3A_1718 : f32 to vector<10x128xf32>
    %div3A_1720 = arith.divf %log3A_1716, %div3A_1719 : vector<10x128xf32>
    %sub3A_1721 = arith.subf %div3A_1712, %div3A_1720 : vector<10x128xf32>
    %mul3A_1722 = arith.mulf %max3A_1704, %sub3A_1721 : vector<10x128xf32>
    %add3A_1723 = arith.addf %div3A_1720, %mul3A_1722 : vector<10x128xf32>
    %add3A_1724 = arith.addf %add3A_1600, %add3A_1723 : vector<10x128xf32>
    %slice3A_1725 = vector.extract_strided_slice %min3A_18 {offsets = [55, 0], sizes = [1, 128], strides = [1, 1]} : vector<128x128xf32> to vector<1x128xf32>
    %mul3A_1726 = vector.broadcast %slice3A_1725 : vector<1x128xf32> to vector<10x128xf32>
    %mul3A_1727 = arith.mulf %get3A_3, %mul3A_1726 : vector<10x128xf32>
    %add3A_1728 = arith.addf %mul3A_1727, %get3A_6 : vector<10x128xf32>
    %mul3A_1729 = vector.broadcast %slice3A_1725 : vector<1x128xf32> to vector<10x128xf32>
    %mul3A_1730 = arith.mulf %get3A_9, %mul3A_1729 : vector<10x128xf32>
    %add3A_1731 = arith.addf %mul3A_1730, %get3A_12 : vector<10x128xf32>
    %min3A_1732 = arith.minimumf %add3A_1728, %add3A_1731 : vector<10x128xf32>
    %max3A_1733 = arith.constant 0.000000e+00 : f32
    %max3A_1734 = vector.broadcast %max3A_1733 : f32 to vector<10x128xf32>
    %max3A_1735 = arith.maximumf %min3A_1732, %max3A_1734 : vector<10x128xf32>
    %get3A_1736 = arith.constant 0 : index
    %get3A_1737 = arith.constant 7040 : index
    %get3A_1738 = vector.load %arg1[%get3A_1736, %get3A_1737] : memref<10x16384xf32, #tpu.memory_space<vmem>>, vector<10x128xf32>
    %log3A_1739 = math.log %get3A_1738 : vector<10x128xf32>
    %log3A_1740 = arith.constant 2.000000e+00 : f32
    %log3A_1741 = math.log %log3A_1740 : f32
    %div3A_1742 = vector.broadcast %log3A_1741 : f32 to vector<10x128xf32>
    %div3A_1743 = arith.divf %log3A_1739, %div3A_1742 : vector<10x128xf32>
    %sub3A_1744 = arith.constant 1.000000e+00 : f32
    %sub3A_1745 = vector.broadcast %sub3A_1744 : f32 to vector<10x128xf32>
    %sub3A_1746 = arith.subf %sub3A_1745, %get3A_1738 : vector<10x128xf32>
    %log3A_1747 = math.log %sub3A_1746 : vector<10x128xf32>
    %log3A_1748 = arith.constant 2.000000e+00 : f32
    %log3A_1749 = math.log %log3A_1748 : f32
    %div3A_1750 = vector.broadcast %log3A_1749 : f32 to vector<10x128xf32>
    %div3A_1751 = arith.divf %log3A_1747, %div3A_1750 : vector<10x128xf32>
    %sub3A_1752 = arith.subf %div3A_1743, %div3A_1751 : vector<10x128xf32>
    %mul3A_1753 = arith.mulf %max3A_1735, %sub3A_1752 : vector<10x128xf32>
    %add3A_1754 = arith.addf %div3A_1751, %mul3A_1753 : vector<10x128xf32>
    %add3A_1755 = arith.addf %add3A_1631, %add3A_1754 : vector<10x128xf32>
    %slice3A_1756 = vector.extract_strided_slice %min3A_18 {offsets = [56, 0], sizes = [1, 128], strides = [1, 1]} : vector<128x128xf32> to vector<1x128xf32>
    %mul3A_1757 = vector.broadcast %slice3A_1756 : vector<1x128xf32> to vector<10x128xf32>
    %mul3A_1758 = arith.mulf %get3A_3, %mul3A_1757 : vector<10x128xf32>
    %add3A_1759 = arith.addf %mul3A_1758, %get3A_6 : vector<10x128xf32>
    %mul3A_1760 = vector.broadcast %slice3A_1756 : vector<1x128xf32> to vector<10x128xf32>
    %mul3A_1761 = arith.mulf %get3A_9, %mul3A_1760 : vector<10x128xf32>
    %add3A_1762 = arith.addf %mul3A_1761, %get3A_12 : vector<10x128xf32>
    %min3A_1763 = arith.minimumf %add3A_1759, %add3A_1762 : vector<10x128xf32>
    %max3A_1764 = arith.constant 0.000000e+00 : f32
    %max3A_1765 = vector.broadcast %max3A_1764 : f32 to vector<10x128xf32>
    %max3A_1766 = arith.maximumf %min3A_1763, %max3A_1765 : vector<10x128xf32>
    %get3A_1767 = arith.constant 0 : index
    %get3A_1768 = arith.constant 7168 : index
    %get3A_1769 = vector.load %arg1[%get3A_1767, %get3A_1768] : memref<10x16384xf32, #tpu.memory_space<vmem>>, vector<10x128xf32>
    %log3A_1770 = math.log %get3A_1769 : vector<10x128xf32>
    %log3A_1771 = arith.constant 2.000000e+00 : f32
    %log3A_1772 = math.log %log3A_1771 : f32
    %div3A_1773 = vector.broadcast %log3A_1772 : f32 to vector<10x128xf32>
    %div3A_1774 = arith.divf %log3A_1770, %div3A_1773 : vector<10x128xf32>
    %sub3A_1775 = arith.constant 1.000000e+00 : f32
    %sub3A_1776 = vector.broadcast %sub3A_1775 : f32 to vector<10x128xf32>
    %sub3A_1777 = arith.subf %sub3A_1776, %get3A_1769 : vector<10x128xf32>
    %log3A_1778 = math.log %sub3A_1777 : vector<10x128xf32>
    %log3A_1779 = arith.constant 2.000000e+00 : f32
    %log3A_1780 = math.log %log3A_1779 : f32
    %div3A_1781 = vector.broadcast %log3A_1780 : f32 to vector<10x128xf32>
    %div3A_1782 = arith.divf %log3A_1778, %div3A_1781 : vector<10x128xf32>
    %sub3A_1783 = arith.subf %div3A_1774, %div3A_1782 : vector<10x128xf32>
    %mul3A_1784 = arith.mulf %max3A_1766, %sub3A_1783 : vector<10x128xf32>
    %add3A_1785 = arith.addf %div3A_1782, %mul3A_1784 : vector<10x128xf32>
    %add3A_1786 = arith.addf %add3A_1662, %add3A_1785 : vector<10x128xf32>
    %slice3A_1787 = vector.extract_strided_slice %min3A_18 {offsets = [57, 0], sizes = [1, 128], strides = [1, 1]} : vector<128x128xf32> to vector<1x128xf32>
    %mul3A_1788 = vector.broadcast %slice3A_1787 : vector<1x128xf32> to vector<10x128xf32>
    %mul3A_1789 = arith.mulf %get3A_3, %mul3A_1788 : vector<10x128xf32>
    %add3A_1790 = arith.addf %mul3A_1789, %get3A_6 : vector<10x128xf32>
    %mul3A_1791 = vector.broadcast %slice3A_1787 : vector<1x128xf32> to vector<10x128xf32>
    %mul3A_1792 = arith.mulf %get3A_9, %mul3A_1791 : vector<10x128xf32>
    %add3A_1793 = arith.addf %mul3A_1792, %get3A_12 : vector<10x128xf32>
    %min3A_1794 = arith.minimumf %add3A_1790, %add3A_1793 : vector<10x128xf32>
    %max3A_1795 = arith.constant 0.000000e+00 : f32
    %max3A_1796 = vector.broadcast %max3A_1795 : f32 to vector<10x128xf32>
    %max3A_1797 = arith.maximumf %min3A_1794, %max3A_1796 : vector<10x128xf32>
    %get3A_1798 = arith.constant 0 : index
    %get3A_1799 = arith.constant 7296 : index
    %get3A_1800 = vector.load %arg1[%get3A_1798, %get3A_1799] : memref<10x16384xf32, #tpu.memory_space<vmem>>, vector<10x128xf32>
    %log3A_1801 = math.log %get3A_1800 : vector<10x128xf32>
    %log3A_1802 = arith.constant 2.000000e+00 : f32
    %log3A_1803 = math.log %log3A_1802 : f32
    %div3A_1804 = vector.broadcast %log3A_1803 : f32 to vector<10x128xf32>
    %div3A_1805 = arith.divf %log3A_1801, %div3A_1804 : vector<10x128xf32>
    %sub3A_1806 = arith.constant 1.000000e+00 : f32
    %sub3A_1807 = vector.broadcast %sub3A_1806 : f32 to vector<10x128xf32>
    %sub3A_1808 = arith.subf %sub3A_1807, %get3A_1800 : vector<10x128xf32>
    %log3A_1809 = math.log %sub3A_1808 : vector<10x128xf32>
    %log3A_1810 = arith.constant 2.000000e+00 : f32
    %log3A_1811 = math.log %log3A_1810 : f32
    %div3A_1812 = vector.broadcast %log3A_1811 : f32 to vector<10x128xf32>
    %div3A_1813 = arith.divf %log3A_1809, %div3A_1812 : vector<10x128xf32>
    %sub3A_1814 = arith.subf %div3A_1805, %div3A_1813 : vector<10x128xf32>
    %mul3A_1815 = arith.mulf %max3A_1797, %sub3A_1814 : vector<10x128xf32>
    %add3A_1816 = arith.addf %div3A_1813, %mul3A_1815 : vector<10x128xf32>
    %add3A_1817 = arith.addf %add3A_1693, %add3A_1816 : vector<10x128xf32>
    %slice3A_1818 = vector.extract_strided_slice %min3A_18 {offsets = [58, 0], sizes = [1, 128], strides = [1, 1]} : vector<128x128xf32> to vector<1x128xf32>
    %mul3A_1819 = vector.broadcast %slice3A_1818 : vector<1x128xf32> to vector<10x128xf32>
    %mul3A_1820 = arith.mulf %get3A_3, %mul3A_1819 : vector<10x128xf32>
    %add3A_1821 = arith.addf %mul3A_1820, %get3A_6 : vector<10x128xf32>
    %mul3A_1822 = vector.broadcast %slice3A_1818 : vector<1x128xf32> to vector<10x128xf32>
    %mul3A_1823 = arith.mulf %get3A_9, %mul3A_1822 : vector<10x128xf32>
    %add3A_1824 = arith.addf %mul3A_1823, %get3A_12 : vector<10x128xf32>
    %min3A_1825 = arith.minimumf %add3A_1821, %add3A_1824 : vector<10x128xf32>
    %max3A_1826 = arith.constant 0.000000e+00 : f32
    %max3A_1827 = vector.broadcast %max3A_1826 : f32 to vector<10x128xf32>
    %max3A_1828 = arith.maximumf %min3A_1825, %max3A_1827 : vector<10x128xf32>
    %get3A_1829 = arith.constant 0 : index
    %get3A_1830 = arith.constant 7424 : index
    %get3A_1831 = vector.load %arg1[%get3A_1829, %get3A_1830] : memref<10x16384xf32, #tpu.memory_space<vmem>>, vector<10x128xf32>
    %log3A_1832 = math.log %get3A_1831 : vector<10x128xf32>
    %log3A_1833 = arith.constant 2.000000e+00 : f32
    %log3A_1834 = math.log %log3A_1833 : f32
    %div3A_1835 = vector.broadcast %log3A_1834 : f32 to vector<10x128xf32>
    %div3A_1836 = arith.divf %log3A_1832, %div3A_1835 : vector<10x128xf32>
    %sub3A_1837 = arith.constant 1.000000e+00 : f32
    %sub3A_1838 = vector.broadcast %sub3A_1837 : f32 to vector<10x128xf32>
    %sub3A_1839 = arith.subf %sub3A_1838, %get3A_1831 : vector<10x128xf32>
    %log3A_1840 = math.log %sub3A_1839 : vector<10x128xf32>
    %log3A_1841 = arith.constant 2.000000e+00 : f32
    %log3A_1842 = math.log %log3A_1841 : f32
    %div3A_1843 = vector.broadcast %log3A_1842 : f32 to vector<10x128xf32>
    %div3A_1844 = arith.divf %log3A_1840, %div3A_1843 : vector<10x128xf32>
    %sub3A_1845 = arith.subf %div3A_1836, %div3A_1844 : vector<10x128xf32>
    %mul3A_1846 = arith.mulf %max3A_1828, %sub3A_1845 : vector<10x128xf32>
    %add3A_1847 = arith.addf %div3A_1844, %mul3A_1846 : vector<10x128xf32>
    %add3A_1848 = arith.addf %add3A_1724, %add3A_1847 : vector<10x128xf32>
    %slice3A_1849 = vector.extract_strided_slice %min3A_18 {offsets = [59, 0], sizes = [1, 128], strides = [1, 1]} : vector<128x128xf32> to vector<1x128xf32>
    %mul3A_1850 = vector.broadcast %slice3A_1849 : vector<1x128xf32> to vector<10x128xf32>
    %mul3A_1851 = arith.mulf %get3A_3, %mul3A_1850 : vector<10x128xf32>
    %add3A_1852 = arith.addf %mul3A_1851, %get3A_6 : vector<10x128xf32>
    %mul3A_1853 = vector.broadcast %slice3A_1849 : vector<1x128xf32> to vector<10x128xf32>
    %mul3A_1854 = arith.mulf %get3A_9, %mul3A_1853 : vector<10x128xf32>
    %add3A_1855 = arith.addf %mul3A_1854, %get3A_12 : vector<10x128xf32>
    %min3A_1856 = arith.minimumf %add3A_1852, %add3A_1855 : vector<10x128xf32>
    %max3A_1857 = arith.constant 0.000000e+00 : f32
    %max3A_1858 = vector.broadcast %max3A_1857 : f32 to vector<10x128xf32>
    %max3A_1859 = arith.maximumf %min3A_1856, %max3A_1858 : vector<10x128xf32>
    %get3A_1860 = arith.constant 0 : index
    %get3A_1861 = arith.constant 7552 : index
    %get3A_1862 = vector.load %arg1[%get3A_1860, %get3A_1861] : memref<10x16384xf32, #tpu.memory_space<vmem>>, vector<10x128xf32>
    %log3A_1863 = math.log %get3A_1862 : vector<10x128xf32>
    %log3A_1864 = arith.constant 2.000000e+00 : f32
    %log3A_1865 = math.log %log3A_1864 : f32
    %div3A_1866 = vector.broadcast %log3A_1865 : f32 to vector<10x128xf32>
    %div3A_1867 = arith.divf %log3A_1863, %div3A_1866 : vector<10x128xf32>
    %sub3A_1868 = arith.constant 1.000000e+00 : f32
    %sub3A_1869 = vector.broadcast %sub3A_1868 : f32 to vector<10x128xf32>
    %sub3A_1870 = arith.subf %sub3A_1869, %get3A_1862 : vector<10x128xf32>
    %log3A_1871 = math.log %sub3A_1870 : vector<10x128xf32>
    %log3A_1872 = arith.constant 2.000000e+00 : f32
    %log3A_1873 = math.log %log3A_1872 : f32
    %div3A_1874 = vector.broadcast %log3A_1873 : f32 to vector<10x128xf32>
    %div3A_1875 = arith.divf %log3A_1871, %div3A_1874 : vector<10x128xf32>
    %sub3A_1876 = arith.subf %div3A_1867, %div3A_1875 : vector<10x128xf32>
    %mul3A_1877 = arith.mulf %max3A_1859, %sub3A_1876 : vector<10x128xf32>
    %add3A_1878 = arith.addf %div3A_1875, %mul3A_1877 : vector<10x128xf32>
    %add3A_1879 = arith.addf %add3A_1755, %add3A_1878 : vector<10x128xf32>
    %slice3A_1880 = vector.extract_strided_slice %min3A_18 {offsets = [60, 0], sizes = [1, 128], strides = [1, 1]} : vector<128x128xf32> to vector<1x128xf32>
    %mul3A_1881 = vector.broadcast %slice3A_1880 : vector<1x128xf32> to vector<10x128xf32>
    %mul3A_1882 = arith.mulf %get3A_3, %mul3A_1881 : vector<10x128xf32>
    %add3A_1883 = arith.addf %mul3A_1882, %get3A_6 : vector<10x128xf32>
    %mul3A_1884 = vector.broadcast %slice3A_1880 : vector<1x128xf32> to vector<10x128xf32>
    %mul3A_1885 = arith.mulf %get3A_9, %mul3A_1884 : vector<10x128xf32>
    %add3A_1886 = arith.addf %mul3A_1885, %get3A_12 : vector<10x128xf32>
    %min3A_1887 = arith.minimumf %add3A_1883, %add3A_1886 : vector<10x128xf32>
    %max3A_1888 = arith.constant 0.000000e+00 : f32
    %max3A_1889 = vector.broadcast %max3A_1888 : f32 to vector<10x128xf32>
    %max3A_1890 = arith.maximumf %min3A_1887, %max3A_1889 : vector<10x128xf32>
    %get3A_1891 = arith.constant 0 : index
    %get3A_1892 = arith.constant 7680 : index
    %get3A_1893 = vector.load %arg1[%get3A_1891, %get3A_1892] : memref<10x16384xf32, #tpu.memory_space<vmem>>, vector<10x128xf32>
    %log3A_1894 = math.log %get3A_1893 : vector<10x128xf32>
    %log3A_1895 = arith.constant 2.000000e+00 : f32
    %log3A_1896 = math.log %log3A_1895 : f32
    %div3A_1897 = vector.broadcast %log3A_1896 : f32 to vector<10x128xf32>
    %div3A_1898 = arith.divf %log3A_1894, %div3A_1897 : vector<10x128xf32>
    %sub3A_1899 = arith.constant 1.000000e+00 : f32
    %sub3A_1900 = vector.broadcast %sub3A_1899 : f32 to vector<10x128xf32>
    %sub3A_1901 = arith.subf %sub3A_1900, %get3A_1893 : vector<10x128xf32>
    %log3A_1902 = math.log %sub3A_1901 : vector<10x128xf32>
    %log3A_1903 = arith.constant 2.000000e+00 : f32
    %log3A_1904 = math.log %log3A_1903 : f32
    %div3A_1905 = vector.broadcast %log3A_1904 : f32 to vector<10x128xf32>
    %div3A_1906 = arith.divf %log3A_1902, %div3A_1905 : vector<10x128xf32>
    %sub3A_1907 = arith.subf %div3A_1898, %div3A_1906 : vector<10x128xf32>
    %mul3A_1908 = arith.mulf %max3A_1890, %sub3A_1907 : vector<10x128xf32>
    %add3A_1909 = arith.addf %div3A_1906, %mul3A_1908 : vector<10x128xf32>
    %add3A_1910 = arith.addf %add3A_1786, %add3A_1909 : vector<10x128xf32>
    %slice3A_1911 = vector.extract_strided_slice %min3A_18 {offsets = [61, 0], sizes = [1, 128], strides = [1, 1]} : vector<128x128xf32> to vector<1x128xf32>
    %mul3A_1912 = vector.broadcast %slice3A_1911 : vector<1x128xf32> to vector<10x128xf32>
    %mul3A_1913 = arith.mulf %get3A_3, %mul3A_1912 : vector<10x128xf32>
    %add3A_1914 = arith.addf %mul3A_1913, %get3A_6 : vector<10x128xf32>
    %mul3A_1915 = vector.broadcast %slice3A_1911 : vector<1x128xf32> to vector<10x128xf32>
    %mul3A_1916 = arith.mulf %get3A_9, %mul3A_1915 : vector<10x128xf32>
    %add3A_1917 = arith.addf %mul3A_1916, %get3A_12 : vector<10x128xf32>
    %min3A_1918 = arith.minimumf %add3A_1914, %add3A_1917 : vector<10x128xf32>
    %max3A_1919 = arith.constant 0.000000e+00 : f32
    %max3A_1920 = vector.broadcast %max3A_1919 : f32 to vector<10x128xf32>
    %max3A_1921 = arith.maximumf %min3A_1918, %max3A_1920 : vector<10x128xf32>
    %get3A_1922 = arith.constant 0 : index
    %get3A_1923 = arith.constant 7808 : index
    %get3A_1924 = vector.load %arg1[%get3A_1922, %get3A_1923] : memref<10x16384xf32, #tpu.memory_space<vmem>>, vector<10x128xf32>
    %log3A_1925 = math.log %get3A_1924 : vector<10x128xf32>
    %log3A_1926 = arith.constant 2.000000e+00 : f32
    %log3A_1927 = math.log %log3A_1926 : f32
    %div3A_1928 = vector.broadcast %log3A_1927 : f32 to vector<10x128xf32>
    %div3A_1929 = arith.divf %log3A_1925, %div3A_1928 : vector<10x128xf32>
    %sub3A_1930 = arith.constant 1.000000e+00 : f32
    %sub3A_1931 = vector.broadcast %sub3A_1930 : f32 to vector<10x128xf32>
    %sub3A_1932 = arith.subf %sub3A_1931, %get3A_1924 : vector<10x128xf32>
    %log3A_1933 = math.log %sub3A_1932 : vector<10x128xf32>
    %log3A_1934 = arith.constant 2.000000e+00 : f32
    %log3A_1935 = math.log %log3A_1934 : f32
    %div3A_1936 = vector.broadcast %log3A_1935 : f32 to vector<10x128xf32>
    %div3A_1937 = arith.divf %log3A_1933, %div3A_1936 : vector<10x128xf32>
    %sub3A_1938 = arith.subf %div3A_1929, %div3A_1937 : vector<10x128xf32>
    %mul3A_1939 = arith.mulf %max3A_1921, %sub3A_1938 : vector<10x128xf32>
    %add3A_1940 = arith.addf %div3A_1937, %mul3A_1939 : vector<10x128xf32>
    %add3A_1941 = arith.addf %add3A_1817, %add3A_1940 : vector<10x128xf32>
    %slice3A_1942 = vector.extract_strided_slice %min3A_18 {offsets = [62, 0], sizes = [1, 128], strides = [1, 1]} : vector<128x128xf32> to vector<1x128xf32>
    %mul3A_1943 = vector.broadcast %slice3A_1942 : vector<1x128xf32> to vector<10x128xf32>
    %mul3A_1944 = arith.mulf %get3A_3, %mul3A_1943 : vector<10x128xf32>
    %add3A_1945 = arith.addf %mul3A_1944, %get3A_6 : vector<10x128xf32>
    %mul3A_1946 = vector.broadcast %slice3A_1942 : vector<1x128xf32> to vector<10x128xf32>
    %mul3A_1947 = arith.mulf %get3A_9, %mul3A_1946 : vector<10x128xf32>
    %add3A_1948 = arith.addf %mul3A_1947, %get3A_12 : vector<10x128xf32>
    %min3A_1949 = arith.minimumf %add3A_1945, %add3A_1948 : vector<10x128xf32>
    %max3A_1950 = arith.constant 0.000000e+00 : f32
    %max3A_1951 = vector.broadcast %max3A_1950 : f32 to vector<10x128xf32>
    %max3A_1952 = arith.maximumf %min3A_1949, %max3A_1951 : vector<10x128xf32>
    %get3A_1953 = arith.constant 0 : index
    %get3A_1954 = arith.constant 7936 : index
    %get3A_1955 = vector.load %arg1[%get3A_1953, %get3A_1954] : memref<10x16384xf32, #tpu.memory_space<vmem>>, vector<10x128xf32>
    %log3A_1956 = math.log %get3A_1955 : vector<10x128xf32>
    %log3A_1957 = arith.constant 2.000000e+00 : f32
    %log3A_1958 = math.log %log3A_1957 : f32
    %div3A_1959 = vector.broadcast %log3A_1958 : f32 to vector<10x128xf32>
    %div3A_1960 = arith.divf %log3A_1956, %div3A_1959 : vector<10x128xf32>
    %sub3A_1961 = arith.constant 1.000000e+00 : f32
    %sub3A_1962 = vector.broadcast %sub3A_1961 : f32 to vector<10x128xf32>
    %sub3A_1963 = arith.subf %sub3A_1962, %get3A_1955 : vector<10x128xf32>
    %log3A_1964 = math.log %sub3A_1963 : vector<10x128xf32>
    %log3A_1965 = arith.constant 2.000000e+00 : f32
    %log3A_1966 = math.log %log3A_1965 : f32
    %div3A_1967 = vector.broadcast %log3A_1966 : f32 to vector<10x128xf32>
    %div3A_1968 = arith.divf %log3A_1964, %div3A_1967 : vector<10x128xf32>
    %sub3A_1969 = arith.subf %div3A_1960, %div3A_1968 : vector<10x128xf32>
    %mul3A_1970 = arith.mulf %max3A_1952, %sub3A_1969 : vector<10x128xf32>
    %add3A_1971 = arith.addf %div3A_1968, %mul3A_1970 : vector<10x128xf32>
    %add3A_1972 = arith.addf %add3A_1848, %add3A_1971 : vector<10x128xf32>
    %slice3A_1973 = vector.extract_strided_slice %min3A_18 {offsets = [63, 0], sizes = [1, 128], strides = [1, 1]} : vector<128x128xf32> to vector<1x128xf32>
    %mul3A_1974 = vector.broadcast %slice3A_1973 : vector<1x128xf32> to vector<10x128xf32>
    %mul3A_1975 = arith.mulf %get3A_3, %mul3A_1974 : vector<10x128xf32>
    %add3A_1976 = arith.addf %mul3A_1975, %get3A_6 : vector<10x128xf32>
    %mul3A_1977 = vector.broadcast %slice3A_1973 : vector<1x128xf32> to vector<10x128xf32>
    %mul3A_1978 = arith.mulf %get3A_9, %mul3A_1977 : vector<10x128xf32>
    %add3A_1979 = arith.addf %mul3A_1978, %get3A_12 : vector<10x128xf32>
    %min3A_1980 = arith.minimumf %add3A_1976, %add3A_1979 : vector<10x128xf32>
    %max3A_1981 = arith.constant 0.000000e+00 : f32
    %max3A_1982 = vector.broadcast %max3A_1981 : f32 to vector<10x128xf32>
    %max3A_1983 = arith.maximumf %min3A_1980, %max3A_1982 : vector<10x128xf32>
    %get3A_1984 = arith.constant 0 : index
    %get3A_1985 = arith.constant 8064 : index
    %get3A_1986 = vector.load %arg1[%get3A_1984, %get3A_1985] : memref<10x16384xf32, #tpu.memory_space<vmem>>, vector<10x128xf32>
    %log3A_1987 = math.log %get3A_1986 : vector<10x128xf32>
    %log3A_1988 = arith.constant 2.000000e+00 : f32
    %log3A_1989 = math.log %log3A_1988 : f32
    %div3A_1990 = vector.broadcast %log3A_1989 : f32 to vector<10x128xf32>
    %div3A_1991 = arith.divf %log3A_1987, %div3A_1990 : vector<10x128xf32>
    %sub3A_1992 = arith.constant 1.000000e+00 : f32
    %sub3A_1993 = vector.broadcast %sub3A_1992 : f32 to vector<10x128xf32>
    %sub3A_1994 = arith.subf %sub3A_1993, %get3A_1986 : vector<10x128xf32>
    %log3A_1995 = math.log %sub3A_1994 : vector<10x128xf32>
    %log3A_1996 = arith.constant 2.000000e+00 : f32
    %log3A_1997 = math.log %log3A_1996 : f32
    %div3A_1998 = vector.broadcast %log3A_1997 : f32 to vector<10x128xf32>
    %div3A_1999 = arith.divf %log3A_1995, %div3A_1998 : vector<10x128xf32>
    %sub3A_2000 = arith.subf %div3A_1991, %div3A_1999 : vector<10x128xf32>
    %mul3A_2001 = arith.mulf %max3A_1983, %sub3A_2000 : vector<10x128xf32>
    %add3A_2002 = arith.addf %div3A_1999, %mul3A_2001 : vector<10x128xf32>
    %add3A_2003 = arith.addf %add3A_1879, %add3A_2002 : vector<10x128xf32>
    %slice3A_2004 = vector.extract_strided_slice %min3A_18 {offsets = [64, 0], sizes = [1, 128], strides = [1, 1]} : vector<128x128xf32> to vector<1x128xf32>
    %mul3A_2005 = vector.broadcast %slice3A_2004 : vector<1x128xf32> to vector<10x128xf32>
    %mul3A_2006 = arith.mulf %get3A_3, %mul3A_2005 : vector<10x128xf32>
    %add3A_2007 = arith.addf %mul3A_2006, %get3A_6 : vector<10x128xf32>
    %mul3A_2008 = vector.broadcast %slice3A_2004 : vector<1x128xf32> to vector<10x128xf32>
    %mul3A_2009 = arith.mulf %get3A_9, %mul3A_2008 : vector<10x128xf32>
    %add3A_2010 = arith.addf %mul3A_2009, %get3A_12 : vector<10x128xf32>
    %min3A_2011 = arith.minimumf %add3A_2007, %add3A_2010 : vector<10x128xf32>
    %max3A_2012 = arith.constant 0.000000e+00 : f32
    %max3A_2013 = vector.broadcast %max3A_2012 : f32 to vector<10x128xf32>
    %max3A_2014 = arith.maximumf %min3A_2011, %max3A_2013 : vector<10x128xf32>
    %get3A_2015 = arith.constant 0 : index
    %get3A_2016 = arith.constant 8192 : index
    %get3A_2017 = vector.load %arg1[%get3A_2015, %get3A_2016] : memref<10x16384xf32, #tpu.memory_space<vmem>>, vector<10x128xf32>
    %log3A_2018 = math.log %get3A_2017 : vector<10x128xf32>
    %log3A_2019 = arith.constant 2.000000e+00 : f32
    %log3A_2020 = math.log %log3A_2019 : f32
    %div3A_2021 = vector.broadcast %log3A_2020 : f32 to vector<10x128xf32>
    %div3A_2022 = arith.divf %log3A_2018, %div3A_2021 : vector<10x128xf32>
    %sub3A_2023 = arith.constant 1.000000e+00 : f32
    %sub3A_2024 = vector.broadcast %sub3A_2023 : f32 to vector<10x128xf32>
    %sub3A_2025 = arith.subf %sub3A_2024, %get3A_2017 : vector<10x128xf32>
    %log3A_2026 = math.log %sub3A_2025 : vector<10x128xf32>
    %log3A_2027 = arith.constant 2.000000e+00 : f32
    %log3A_2028 = math.log %log3A_2027 : f32
    %div3A_2029 = vector.broadcast %log3A_2028 : f32 to vector<10x128xf32>
    %div3A_2030 = arith.divf %log3A_2026, %div3A_2029 : vector<10x128xf32>
    %sub3A_2031 = arith.subf %div3A_2022, %div3A_2030 : vector<10x128xf32>
    %mul3A_2032 = arith.mulf %max3A_2014, %sub3A_2031 : vector<10x128xf32>
    %add3A_2033 = arith.addf %div3A_2030, %mul3A_2032 : vector<10x128xf32>
    %add3A_2034 = arith.addf %add3A_1910, %add3A_2033 : vector<10x128xf32>
    %slice3A_2035 = vector.extract_strided_slice %min3A_18 {offsets = [65, 0], sizes = [1, 128], strides = [1, 1]} : vector<128x128xf32> to vector<1x128xf32>
    %mul3A_2036 = vector.broadcast %slice3A_2035 : vector<1x128xf32> to vector<10x128xf32>
    %mul3A_2037 = arith.mulf %get3A_3, %mul3A_2036 : vector<10x128xf32>
    %add3A_2038 = arith.addf %mul3A_2037, %get3A_6 : vector<10x128xf32>
    %mul3A_2039 = vector.broadcast %slice3A_2035 : vector<1x128xf32> to vector<10x128xf32>
    %mul3A_2040 = arith.mulf %get3A_9, %mul3A_2039 : vector<10x128xf32>
    %add3A_2041 = arith.addf %mul3A_2040, %get3A_12 : vector<10x128xf32>
    %min3A_2042 = arith.minimumf %add3A_2038, %add3A_2041 : vector<10x128xf32>
    %max3A_2043 = arith.constant 0.000000e+00 : f32
    %max3A_2044 = vector.broadcast %max3A_2043 : f32 to vector<10x128xf32>
    %max3A_2045 = arith.maximumf %min3A_2042, %max3A_2044 : vector<10x128xf32>
    %get3A_2046 = arith.constant 0 : index
    %get3A_2047 = arith.constant 8320 : index
    %get3A_2048 = vector.load %arg1[%get3A_2046, %get3A_2047] : memref<10x16384xf32, #tpu.memory_space<vmem>>, vector<10x128xf32>
    %log3A_2049 = math.log %get3A_2048 : vector<10x128xf32>
    %log3A_2050 = arith.constant 2.000000e+00 : f32
    %log3A_2051 = math.log %log3A_2050 : f32
    %div3A_2052 = vector.broadcast %log3A_2051 : f32 to vector<10x128xf32>
    %div3A_2053 = arith.divf %log3A_2049, %div3A_2052 : vector<10x128xf32>
    %sub3A_2054 = arith.constant 1.000000e+00 : f32
    %sub3A_2055 = vector.broadcast %sub3A_2054 : f32 to vector<10x128xf32>
    %sub3A_2056 = arith.subf %sub3A_2055, %get3A_2048 : vector<10x128xf32>
    %log3A_2057 = math.log %sub3A_2056 : vector<10x128xf32>
    %log3A_2058 = arith.constant 2.000000e+00 : f32
    %log3A_2059 = math.log %log3A_2058 : f32
    %div3A_2060 = vector.broadcast %log3A_2059 : f32 to vector<10x128xf32>
    %div3A_2061 = arith.divf %log3A_2057, %div3A_2060 : vector<10x128xf32>
    %sub3A_2062 = arith.subf %div3A_2053, %div3A_2061 : vector<10x128xf32>
    %mul3A_2063 = arith.mulf %max3A_2045, %sub3A_2062 : vector<10x128xf32>
    %add3A_2064 = arith.addf %div3A_2061, %mul3A_2063 : vector<10x128xf32>
    %add3A_2065 = arith.addf %add3A_1941, %add3A_2064 : vector<10x128xf32>
    %slice3A_2066 = vector.extract_strided_slice %min3A_18 {offsets = [66, 0], sizes = [1, 128], strides = [1, 1]} : vector<128x128xf32> to vector<1x128xf32>
    %mul3A_2067 = vector.broadcast %slice3A_2066 : vector<1x128xf32> to vector<10x128xf32>
    %mul3A_2068 = arith.mulf %get3A_3, %mul3A_2067 : vector<10x128xf32>
    %add3A_2069 = arith.addf %mul3A_2068, %get3A_6 : vector<10x128xf32>
    %mul3A_2070 = vector.broadcast %slice3A_2066 : vector<1x128xf32> to vector<10x128xf32>
    %mul3A_2071 = arith.mulf %get3A_9, %mul3A_2070 : vector<10x128xf32>
    %add3A_2072 = arith.addf %mul3A_2071, %get3A_12 : vector<10x128xf32>
    %min3A_2073 = arith.minimumf %add3A_2069, %add3A_2072 : vector<10x128xf32>
    %max3A_2074 = arith.constant 0.000000e+00 : f32
    %max3A_2075 = vector.broadcast %max3A_2074 : f32 to vector<10x128xf32>
    %max3A_2076 = arith.maximumf %min3A_2073, %max3A_2075 : vector<10x128xf32>
    %get3A_2077 = arith.constant 0 : index
    %get3A_2078 = arith.constant 8448 : index
    %get3A_2079 = vector.load %arg1[%get3A_2077, %get3A_2078] : memref<10x16384xf32, #tpu.memory_space<vmem>>, vector<10x128xf32>
    %log3A_2080 = math.log %get3A_2079 : vector<10x128xf32>
    %log3A_2081 = arith.constant 2.000000e+00 : f32
    %log3A_2082 = math.log %log3A_2081 : f32
    %div3A_2083 = vector.broadcast %log3A_2082 : f32 to vector<10x128xf32>
    %div3A_2084 = arith.divf %log3A_2080, %div3A_2083 : vector<10x128xf32>
    %sub3A_2085 = arith.constant 1.000000e+00 : f32
    %sub3A_2086 = vector.broadcast %sub3A_2085 : f32 to vector<10x128xf32>
    %sub3A_2087 = arith.subf %sub3A_2086, %get3A_2079 : vector<10x128xf32>
    %log3A_2088 = math.log %sub3A_2087 : vector<10x128xf32>
    %log3A_2089 = arith.constant 2.000000e+00 : f32
    %log3A_2090 = math.log %log3A_2089 : f32
    %div3A_2091 = vector.broadcast %log3A_2090 : f32 to vector<10x128xf32>
    %div3A_2092 = arith.divf %log3A_2088, %div3A_2091 : vector<10x128xf32>
    %sub3A_2093 = arith.subf %div3A_2084, %div3A_2092 : vector<10x128xf32>
    %mul3A_2094 = arith.mulf %max3A_2076, %sub3A_2093 : vector<10x128xf32>
    %add3A_2095 = arith.addf %div3A_2092, %mul3A_2094 : vector<10x128xf32>
    %add3A_2096 = arith.addf %add3A_1972, %add3A_2095 : vector<10x128xf32>
    %slice3A_2097 = vector.extract_strided_slice %min3A_18 {offsets = [67, 0], sizes = [1, 128], strides = [1, 1]} : vector<128x128xf32> to vector<1x128xf32>
    %mul3A_2098 = vector.broadcast %slice3A_2097 : vector<1x128xf32> to vector<10x128xf32>
    %mul3A_2099 = arith.mulf %get3A_3, %mul3A_2098 : vector<10x128xf32>
    %add3A_2100 = arith.addf %mul3A_2099, %get3A_6 : vector<10x128xf32>
    %mul3A_2101 = vector.broadcast %slice3A_2097 : vector<1x128xf32> to vector<10x128xf32>
    %mul3A_2102 = arith.mulf %get3A_9, %mul3A_2101 : vector<10x128xf32>
    %add3A_2103 = arith.addf %mul3A_2102, %get3A_12 : vector<10x128xf32>
    %min3A_2104 = arith.minimumf %add3A_2100, %add3A_2103 : vector<10x128xf32>
    %max3A_2105 = arith.constant 0.000000e+00 : f32
    %max3A_2106 = vector.broadcast %max3A_2105 : f32 to vector<10x128xf32>
    %max3A_2107 = arith.maximumf %min3A_2104, %max3A_2106 : vector<10x128xf32>
    %get3A_2108 = arith.constant 0 : index
    %get3A_2109 = arith.constant 8576 : index
    %get3A_2110 = vector.load %arg1[%get3A_2108, %get3A_2109] : memref<10x16384xf32, #tpu.memory_space<vmem>>, vector<10x128xf32>
    %log3A_2111 = math.log %get3A_2110 : vector<10x128xf32>
    %log3A_2112 = arith.constant 2.000000e+00 : f32
    %log3A_2113 = math.log %log3A_2112 : f32
    %div3A_2114 = vector.broadcast %log3A_2113 : f32 to vector<10x128xf32>
    %div3A_2115 = arith.divf %log3A_2111, %div3A_2114 : vector<10x128xf32>
    %sub3A_2116 = arith.constant 1.000000e+00 : f32
    %sub3A_2117 = vector.broadcast %sub3A_2116 : f32 to vector<10x128xf32>
    %sub3A_2118 = arith.subf %sub3A_2117, %get3A_2110 : vector<10x128xf32>
    %log3A_2119 = math.log %sub3A_2118 : vector<10x128xf32>
    %log3A_2120 = arith.constant 2.000000e+00 : f32
    %log3A_2121 = math.log %log3A_2120 : f32
    %div3A_2122 = vector.broadcast %log3A_2121 : f32 to vector<10x128xf32>
    %div3A_2123 = arith.divf %log3A_2119, %div3A_2122 : vector<10x128xf32>
    %sub3A_2124 = arith.subf %div3A_2115, %div3A_2123 : vector<10x128xf32>
    %mul3A_2125 = arith.mulf %max3A_2107, %sub3A_2124 : vector<10x128xf32>
    %add3A_2126 = arith.addf %div3A_2123, %mul3A_2125 : vector<10x128xf32>
    %add3A_2127 = arith.addf %add3A_2003, %add3A_2126 : vector<10x128xf32>
    %slice3A_2128 = vector.extract_strided_slice %min3A_18 {offsets = [68, 0], sizes = [1, 128], strides = [1, 1]} : vector<128x128xf32> to vector<1x128xf32>
    %mul3A_2129 = vector.broadcast %slice3A_2128 : vector<1x128xf32> to vector<10x128xf32>
    %mul3A_2130 = arith.mulf %get3A_3, %mul3A_2129 : vector<10x128xf32>
    %add3A_2131 = arith.addf %mul3A_2130, %get3A_6 : vector<10x128xf32>
    %mul3A_2132 = vector.broadcast %slice3A_2128 : vector<1x128xf32> to vector<10x128xf32>
    %mul3A_2133 = arith.mulf %get3A_9, %mul3A_2132 : vector<10x128xf32>
    %add3A_2134 = arith.addf %mul3A_2133, %get3A_12 : vector<10x128xf32>
    %min3A_2135 = arith.minimumf %add3A_2131, %add3A_2134 : vector<10x128xf32>
    %max3A_2136 = arith.constant 0.000000e+00 : f32
    %max3A_2137 = vector.broadcast %max3A_2136 : f32 to vector<10x128xf32>
    %max3A_2138 = arith.maximumf %min3A_2135, %max3A_2137 : vector<10x128xf32>
    %get3A_2139 = arith.constant 0 : index
    %get3A_2140 = arith.constant 8704 : index
    %get3A_2141 = vector.load %arg1[%get3A_2139, %get3A_2140] : memref<10x16384xf32, #tpu.memory_space<vmem>>, vector<10x128xf32>
    %log3A_2142 = math.log %get3A_2141 : vector<10x128xf32>
    %log3A_2143 = arith.constant 2.000000e+00 : f32
    %log3A_2144 = math.log %log3A_2143 : f32
    %div3A_2145 = vector.broadcast %log3A_2144 : f32 to vector<10x128xf32>
    %div3A_2146 = arith.divf %log3A_2142, %div3A_2145 : vector<10x128xf32>
    %sub3A_2147 = arith.constant 1.000000e+00 : f32
    %sub3A_2148 = vector.broadcast %sub3A_2147 : f32 to vector<10x128xf32>
    %sub3A_2149 = arith.subf %sub3A_2148, %get3A_2141 : vector<10x128xf32>
    %log3A_2150 = math.log %sub3A_2149 : vector<10x128xf32>
    %log3A_2151 = arith.constant 2.000000e+00 : f32
    %log3A_2152 = math.log %log3A_2151 : f32
    %div3A_2153 = vector.broadcast %log3A_2152 : f32 to vector<10x128xf32>
    %div3A_2154 = arith.divf %log3A_2150, %div3A_2153 : vector<10x128xf32>
    %sub3A_2155 = arith.subf %div3A_2146, %div3A_2154 : vector<10x128xf32>
    %mul3A_2156 = arith.mulf %max3A_2138, %sub3A_2155 : vector<10x128xf32>
    %add3A_2157 = arith.addf %div3A_2154, %mul3A_2156 : vector<10x128xf32>
    %add3A_2158 = arith.addf %add3A_2034, %add3A_2157 : vector<10x128xf32>
    %slice3A_2159 = vector.extract_strided_slice %min3A_18 {offsets = [69, 0], sizes = [1, 128], strides = [1, 1]} : vector<128x128xf32> to vector<1x128xf32>
    %mul3A_2160 = vector.broadcast %slice3A_2159 : vector<1x128xf32> to vector<10x128xf32>
    %mul3A_2161 = arith.mulf %get3A_3, %mul3A_2160 : vector<10x128xf32>
    %add3A_2162 = arith.addf %mul3A_2161, %get3A_6 : vector<10x128xf32>
    %mul3A_2163 = vector.broadcast %slice3A_2159 : vector<1x128xf32> to vector<10x128xf32>
    %mul3A_2164 = arith.mulf %get3A_9, %mul3A_2163 : vector<10x128xf32>
    %add3A_2165 = arith.addf %mul3A_2164, %get3A_12 : vector<10x128xf32>
    %min3A_2166 = arith.minimumf %add3A_2162, %add3A_2165 : vector<10x128xf32>
    %max3A_2167 = arith.constant 0.000000e+00 : f32
    %max3A_2168 = vector.broadcast %max3A_2167 : f32 to vector<10x128xf32>
    %max3A_2169 = arith.maximumf %min3A_2166, %max3A_2168 : vector<10x128xf32>
    %get3A_2170 = arith.constant 0 : index
    %get3A_2171 = arith.constant 8832 : index
    %get3A_2172 = vector.load %arg1[%get3A_2170, %get3A_2171] : memref<10x16384xf32, #tpu.memory_space<vmem>>, vector<10x128xf32>
    %log3A_2173 = math.log %get3A_2172 : vector<10x128xf32>
    %log3A_2174 = arith.constant 2.000000e+00 : f32
    %log3A_2175 = math.log %log3A_2174 : f32
    %div3A_2176 = vector.broadcast %log3A_2175 : f32 to vector<10x128xf32>
    %div3A_2177 = arith.divf %log3A_2173, %div3A_2176 : vector<10x128xf32>
    %sub3A_2178 = arith.constant 1.000000e+00 : f32
    %sub3A_2179 = vector.broadcast %sub3A_2178 : f32 to vector<10x128xf32>
    %sub3A_2180 = arith.subf %sub3A_2179, %get3A_2172 : vector<10x128xf32>
    %log3A_2181 = math.log %sub3A_2180 : vector<10x128xf32>
    %log3A_2182 = arith.constant 2.000000e+00 : f32
    %log3A_2183 = math.log %log3A_2182 : f32
    %div3A_2184 = vector.broadcast %log3A_2183 : f32 to vector<10x128xf32>
    %div3A_2185 = arith.divf %log3A_2181, %div3A_2184 : vector<10x128xf32>
    %sub3A_2186 = arith.subf %div3A_2177, %div3A_2185 : vector<10x128xf32>
    %mul3A_2187 = arith.mulf %max3A_2169, %sub3A_2186 : vector<10x128xf32>
    %add3A_2188 = arith.addf %div3A_2185, %mul3A_2187 : vector<10x128xf32>
    %add3A_2189 = arith.addf %add3A_2065, %add3A_2188 : vector<10x128xf32>
    %slice3A_2190 = vector.extract_strided_slice %min3A_18 {offsets = [70, 0], sizes = [1, 128], strides = [1, 1]} : vector<128x128xf32> to vector<1x128xf32>
    %mul3A_2191 = vector.broadcast %slice3A_2190 : vector<1x128xf32> to vector<10x128xf32>
    %mul3A_2192 = arith.mulf %get3A_3, %mul3A_2191 : vector<10x128xf32>
    %add3A_2193 = arith.addf %mul3A_2192, %get3A_6 : vector<10x128xf32>
    %mul3A_2194 = vector.broadcast %slice3A_2190 : vector<1x128xf32> to vector<10x128xf32>
    %mul3A_2195 = arith.mulf %get3A_9, %mul3A_2194 : vector<10x128xf32>
    %add3A_2196 = arith.addf %mul3A_2195, %get3A_12 : vector<10x128xf32>
    %min3A_2197 = arith.minimumf %add3A_2193, %add3A_2196 : vector<10x128xf32>
    %max3A_2198 = arith.constant 0.000000e+00 : f32
    %max3A_2199 = vector.broadcast %max3A_2198 : f32 to vector<10x128xf32>
    %max3A_2200 = arith.maximumf %min3A_2197, %max3A_2199 : vector<10x128xf32>
    %get3A_2201 = arith.constant 0 : index
    %get3A_2202 = arith.constant 8960 : index
    %get3A_2203 = vector.load %arg1[%get3A_2201, %get3A_2202] : memref<10x16384xf32, #tpu.memory_space<vmem>>, vector<10x128xf32>
    %log3A_2204 = math.log %get3A_2203 : vector<10x128xf32>
    %log3A_2205 = arith.constant 2.000000e+00 : f32
    %log3A_2206 = math.log %log3A_2205 : f32
    %div3A_2207 = vector.broadcast %log3A_2206 : f32 to vector<10x128xf32>
    %div3A_2208 = arith.divf %log3A_2204, %div3A_2207 : vector<10x128xf32>
    %sub3A_2209 = arith.constant 1.000000e+00 : f32
    %sub3A_2210 = vector.broadcast %sub3A_2209 : f32 to vector<10x128xf32>
    %sub3A_2211 = arith.subf %sub3A_2210, %get3A_2203 : vector<10x128xf32>
    %log3A_2212 = math.log %sub3A_2211 : vector<10x128xf32>
    %log3A_2213 = arith.constant 2.000000e+00 : f32
    %log3A_2214 = math.log %log3A_2213 : f32
    %div3A_2215 = vector.broadcast %log3A_2214 : f32 to vector<10x128xf32>
    %div3A_2216 = arith.divf %log3A_2212, %div3A_2215 : vector<10x128xf32>
    %sub3A_2217 = arith.subf %div3A_2208, %div3A_2216 : vector<10x128xf32>
    %mul3A_2218 = arith.mulf %max3A_2200, %sub3A_2217 : vector<10x128xf32>
    %add3A_2219 = arith.addf %div3A_2216, %mul3A_2218 : vector<10x128xf32>
    %add3A_2220 = arith.addf %add3A_2096, %add3A_2219 : vector<10x128xf32>
    %slice3A_2221 = vector.extract_strided_slice %min3A_18 {offsets = [71, 0], sizes = [1, 128], strides = [1, 1]} : vector<128x128xf32> to vector<1x128xf32>
    %mul3A_2222 = vector.broadcast %slice3A_2221 : vector<1x128xf32> to vector<10x128xf32>
    %mul3A_2223 = arith.mulf %get3A_3, %mul3A_2222 : vector<10x128xf32>
    %add3A_2224 = arith.addf %mul3A_2223, %get3A_6 : vector<10x128xf32>
    %mul3A_2225 = vector.broadcast %slice3A_2221 : vector<1x128xf32> to vector<10x128xf32>
    %mul3A_2226 = arith.mulf %get3A_9, %mul3A_2225 : vector<10x128xf32>
    %add3A_2227 = arith.addf %mul3A_2226, %get3A_12 : vector<10x128xf32>
    %min3A_2228 = arith.minimumf %add3A_2224, %add3A_2227 : vector<10x128xf32>
    %max3A_2229 = arith.constant 0.000000e+00 : f32
    %max3A_2230 = vector.broadcast %max3A_2229 : f32 to vector<10x128xf32>
    %max3A_2231 = arith.maximumf %min3A_2228, %max3A_2230 : vector<10x128xf32>
    %get3A_2232 = arith.constant 0 : index
    %get3A_2233 = arith.constant 9088 : index
    %get3A_2234 = vector.load %arg1[%get3A_2232, %get3A_2233] : memref<10x16384xf32, #tpu.memory_space<vmem>>, vector<10x128xf32>
    %log3A_2235 = math.log %get3A_2234 : vector<10x128xf32>
    %log3A_2236 = arith.constant 2.000000e+00 : f32
    %log3A_2237 = math.log %log3A_2236 : f32
    %div3A_2238 = vector.broadcast %log3A_2237 : f32 to vector<10x128xf32>
    %div3A_2239 = arith.divf %log3A_2235, %div3A_2238 : vector<10x128xf32>
    %sub3A_2240 = arith.constant 1.000000e+00 : f32
    %sub3A_2241 = vector.broadcast %sub3A_2240 : f32 to vector<10x128xf32>
    %sub3A_2242 = arith.subf %sub3A_2241, %get3A_2234 : vector<10x128xf32>
    %log3A_2243 = math.log %sub3A_2242 : vector<10x128xf32>
    %log3A_2244 = arith.constant 2.000000e+00 : f32
    %log3A_2245 = math.log %log3A_2244 : f32
    %div3A_2246 = vector.broadcast %log3A_2245 : f32 to vector<10x128xf32>
    %div3A_2247 = arith.divf %log3A_2243, %div3A_2246 : vector<10x128xf32>
    %sub3A_2248 = arith.subf %div3A_2239, %div3A_2247 : vector<10x128xf32>
    %mul3A_2249 = arith.mulf %max3A_2231, %sub3A_2248 : vector<10x128xf32>
    %add3A_2250 = arith.addf %div3A_2247, %mul3A_2249 : vector<10x128xf32>
    %add3A_2251 = arith.addf %add3A_2127, %add3A_2250 : vector<10x128xf32>
    %slice3A_2252 = vector.extract_strided_slice %min3A_18 {offsets = [72, 0], sizes = [1, 128], strides = [1, 1]} : vector<128x128xf32> to vector<1x128xf32>
    %mul3A_2253 = vector.broadcast %slice3A_2252 : vector<1x128xf32> to vector<10x128xf32>
    %mul3A_2254 = arith.mulf %get3A_3, %mul3A_2253 : vector<10x128xf32>
    %add3A_2255 = arith.addf %mul3A_2254, %get3A_6 : vector<10x128xf32>
    %mul3A_2256 = vector.broadcast %slice3A_2252 : vector<1x128xf32> to vector<10x128xf32>
    %mul3A_2257 = arith.mulf %get3A_9, %mul3A_2256 : vector<10x128xf32>
    %add3A_2258 = arith.addf %mul3A_2257, %get3A_12 : vector<10x128xf32>
    %min3A_2259 = arith.minimumf %add3A_2255, %add3A_2258 : vector<10x128xf32>
    %max3A_2260 = arith.constant 0.000000e+00 : f32
    %max3A_2261 = vector.broadcast %max3A_2260 : f32 to vector<10x128xf32>
    %max3A_2262 = arith.maximumf %min3A_2259, %max3A_2261 : vector<10x128xf32>
    %get3A_2263 = arith.constant 0 : index
    %get3A_2264 = arith.constant 9216 : index
    %get3A_2265 = vector.load %arg1[%get3A_2263, %get3A_2264] : memref<10x16384xf32, #tpu.memory_space<vmem>>, vector<10x128xf32>
    %log3A_2266 = math.log %get3A_2265 : vector<10x128xf32>
    %log3A_2267 = arith.constant 2.000000e+00 : f32
    %log3A_2268 = math.log %log3A_2267 : f32
    %div3A_2269 = vector.broadcast %log3A_2268 : f32 to vector<10x128xf32>
    %div3A_2270 = arith.divf %log3A_2266, %div3A_2269 : vector<10x128xf32>
    %sub3A_2271 = arith.constant 1.000000e+00 : f32
    %sub3A_2272 = vector.broadcast %sub3A_2271 : f32 to vector<10x128xf32>
    %sub3A_2273 = arith.subf %sub3A_2272, %get3A_2265 : vector<10x128xf32>
    %log3A_2274 = math.log %sub3A_2273 : vector<10x128xf32>
    %log3A_2275 = arith.constant 2.000000e+00 : f32
    %log3A_2276 = math.log %log3A_2275 : f32
    %div3A_2277 = vector.broadcast %log3A_2276 : f32 to vector<10x128xf32>
    %div3A_2278 = arith.divf %log3A_2274, %div3A_2277 : vector<10x128xf32>
    %sub3A_2279 = arith.subf %div3A_2270, %div3A_2278 : vector<10x128xf32>
    %mul3A_2280 = arith.mulf %max3A_2262, %sub3A_2279 : vector<10x128xf32>
    %add3A_2281 = arith.addf %div3A_2278, %mul3A_2280 : vector<10x128xf32>
    %add3A_2282 = arith.addf %add3A_2158, %add3A_2281 : vector<10x128xf32>
    %slice3A_2283 = vector.extract_strided_slice %min3A_18 {offsets = [73, 0], sizes = [1, 128], strides = [1, 1]} : vector<128x128xf32> to vector<1x128xf32>
    %mul3A_2284 = vector.broadcast %slice3A_2283 : vector<1x128xf32> to vector<10x128xf32>
    %mul3A_2285 = arith.mulf %get3A_3, %mul3A_2284 : vector<10x128xf32>
    %add3A_2286 = arith.addf %mul3A_2285, %get3A_6 : vector<10x128xf32>
    %mul3A_2287 = vector.broadcast %slice3A_2283 : vector<1x128xf32> to vector<10x128xf32>
    %mul3A_2288 = arith.mulf %get3A_9, %mul3A_2287 : vector<10x128xf32>
    %add3A_2289 = arith.addf %mul3A_2288, %get3A_12 : vector<10x128xf32>
    %min3A_2290 = arith.minimumf %add3A_2286, %add3A_2289 : vector<10x128xf32>
    %max3A_2291 = arith.constant 0.000000e+00 : f32
    %max3A_2292 = vector.broadcast %max3A_2291 : f32 to vector<10x128xf32>
    %max3A_2293 = arith.maximumf %min3A_2290, %max3A_2292 : vector<10x128xf32>
    %get3A_2294 = arith.constant 0 : index
    %get3A_2295 = arith.constant 9344 : index
    %get3A_2296 = vector.load %arg1[%get3A_2294, %get3A_2295] : memref<10x16384xf32, #tpu.memory_space<vmem>>, vector<10x128xf32>
    %log3A_2297 = math.log %get3A_2296 : vector<10x128xf32>
    %log3A_2298 = arith.constant 2.000000e+00 : f32
    %log3A_2299 = math.log %log3A_2298 : f32
    %div3A_2300 = vector.broadcast %log3A_2299 : f32 to vector<10x128xf32>
    %div3A_2301 = arith.divf %log3A_2297, %div3A_2300 : vector<10x128xf32>
    %sub3A_2302 = arith.constant 1.000000e+00 : f32
    %sub3A_2303 = vector.broadcast %sub3A_2302 : f32 to vector<10x128xf32>
    %sub3A_2304 = arith.subf %sub3A_2303, %get3A_2296 : vector<10x128xf32>
    %log3A_2305 = math.log %sub3A_2304 : vector<10x128xf32>
    %log3A_2306 = arith.constant 2.000000e+00 : f32
    %log3A_2307 = math.log %log3A_2306 : f32
    %div3A_2308 = vector.broadcast %log3A_2307 : f32 to vector<10x128xf32>
    %div3A_2309 = arith.divf %log3A_2305, %div3A_2308 : vector<10x128xf32>
    %sub3A_2310 = arith.subf %div3A_2301, %div3A_2309 : vector<10x128xf32>
    %mul3A_2311 = arith.mulf %max3A_2293, %sub3A_2310 : vector<10x128xf32>
    %add3A_2312 = arith.addf %div3A_2309, %mul3A_2311 : vector<10x128xf32>
    %add3A_2313 = arith.addf %add3A_2189, %add3A_2312 : vector<10x128xf32>
    %slice3A_2314 = vector.extract_strided_slice %min3A_18 {offsets = [74, 0], sizes = [1, 128], strides = [1, 1]} : vector<128x128xf32> to vector<1x128xf32>
    %mul3A_2315 = vector.broadcast %slice3A_2314 : vector<1x128xf32> to vector<10x128xf32>
    %mul3A_2316 = arith.mulf %get3A_3, %mul3A_2315 : vector<10x128xf32>
    %add3A_2317 = arith.addf %mul3A_2316, %get3A_6 : vector<10x128xf32>
    %mul3A_2318 = vector.broadcast %slice3A_2314 : vector<1x128xf32> to vector<10x128xf32>
    %mul3A_2319 = arith.mulf %get3A_9, %mul3A_2318 : vector<10x128xf32>
    %add3A_2320 = arith.addf %mul3A_2319, %get3A_12 : vector<10x128xf32>
    %min3A_2321 = arith.minimumf %add3A_2317, %add3A_2320 : vector<10x128xf32>
    %max3A_2322 = arith.constant 0.000000e+00 : f32
    %max3A_2323 = vector.broadcast %max3A_2322 : f32 to vector<10x128xf32>
    %max3A_2324 = arith.maximumf %min3A_2321, %max3A_2323 : vector<10x128xf32>
    %get3A_2325 = arith.constant 0 : index
    %get3A_2326 = arith.constant 9472 : index
    %get3A_2327 = vector.load %arg1[%get3A_2325, %get3A_2326] : memref<10x16384xf32, #tpu.memory_space<vmem>>, vector<10x128xf32>
    %log3A_2328 = math.log %get3A_2327 : vector<10x128xf32>
    %log3A_2329 = arith.constant 2.000000e+00 : f32
    %log3A_2330 = math.log %log3A_2329 : f32
    %div3A_2331 = vector.broadcast %log3A_2330 : f32 to vector<10x128xf32>
    %div3A_2332 = arith.divf %log3A_2328, %div3A_2331 : vector<10x128xf32>
    %sub3A_2333 = arith.constant 1.000000e+00 : f32
    %sub3A_2334 = vector.broadcast %sub3A_2333 : f32 to vector<10x128xf32>
    %sub3A_2335 = arith.subf %sub3A_2334, %get3A_2327 : vector<10x128xf32>
    %log3A_2336 = math.log %sub3A_2335 : vector<10x128xf32>
    %log3A_2337 = arith.constant 2.000000e+00 : f32
    %log3A_2338 = math.log %log3A_2337 : f32
    %div3A_2339 = vector.broadcast %log3A_2338 : f32 to vector<10x128xf32>
    %div3A_2340 = arith.divf %log3A_2336, %div3A_2339 : vector<10x128xf32>
    %sub3A_2341 = arith.subf %div3A_2332, %div3A_2340 : vector<10x128xf32>
    %mul3A_2342 = arith.mulf %max3A_2324, %sub3A_2341 : vector<10x128xf32>
    %add3A_2343 = arith.addf %div3A_2340, %mul3A_2342 : vector<10x128xf32>
    %add3A_2344 = arith.addf %add3A_2220, %add3A_2343 : vector<10x128xf32>
    %slice3A_2345 = vector.extract_strided_slice %min3A_18 {offsets = [75, 0], sizes = [1, 128], strides = [1, 1]} : vector<128x128xf32> to vector<1x128xf32>
    %mul3A_2346 = vector.broadcast %slice3A_2345 : vector<1x128xf32> to vector<10x128xf32>
    %mul3A_2347 = arith.mulf %get3A_3, %mul3A_2346 : vector<10x128xf32>
    %add3A_2348 = arith.addf %mul3A_2347, %get3A_6 : vector<10x128xf32>
    %mul3A_2349 = vector.broadcast %slice3A_2345 : vector<1x128xf32> to vector<10x128xf32>
    %mul3A_2350 = arith.mulf %get3A_9, %mul3A_2349 : vector<10x128xf32>
    %add3A_2351 = arith.addf %mul3A_2350, %get3A_12 : vector<10x128xf32>
    %min3A_2352 = arith.minimumf %add3A_2348, %add3A_2351 : vector<10x128xf32>
    %max3A_2353 = arith.constant 0.000000e+00 : f32
    %max3A_2354 = vector.broadcast %max3A_2353 : f32 to vector<10x128xf32>
    %max3A_2355 = arith.maximumf %min3A_2352, %max3A_2354 : vector<10x128xf32>
    %get3A_2356 = arith.constant 0 : index
    %get3A_2357 = arith.constant 9600 : index
    %get3A_2358 = vector.load %arg1[%get3A_2356, %get3A_2357] : memref<10x16384xf32, #tpu.memory_space<vmem>>, vector<10x128xf32>
    %log3A_2359 = math.log %get3A_2358 : vector<10x128xf32>
    %log3A_2360 = arith.constant 2.000000e+00 : f32
    %log3A_2361 = math.log %log3A_2360 : f32
    %div3A_2362 = vector.broadcast %log3A_2361 : f32 to vector<10x128xf32>
    %div3A_2363 = arith.divf %log3A_2359, %div3A_2362 : vector<10x128xf32>
    %sub3A_2364 = arith.constant 1.000000e+00 : f32
    %sub3A_2365 = vector.broadcast %sub3A_2364 : f32 to vector<10x128xf32>
    %sub3A_2366 = arith.subf %sub3A_2365, %get3A_2358 : vector<10x128xf32>
    %log3A_2367 = math.log %sub3A_2366 : vector<10x128xf32>
    %log3A_2368 = arith.constant 2.000000e+00 : f32
    %log3A_2369 = math.log %log3A_2368 : f32
    %div3A_2370 = vector.broadcast %log3A_2369 : f32 to vector<10x128xf32>
    %div3A_2371 = arith.divf %log3A_2367, %div3A_2370 : vector<10x128xf32>
    %sub3A_2372 = arith.subf %div3A_2363, %div3A_2371 : vector<10x128xf32>
    %mul3A_2373 = arith.mulf %max3A_2355, %sub3A_2372 : vector<10x128xf32>
    %add3A_2374 = arith.addf %div3A_2371, %mul3A_2373 : vector<10x128xf32>
    %add3A_2375 = arith.addf %add3A_2251, %add3A_2374 : vector<10x128xf32>
    %slice3A_2376 = vector.extract_strided_slice %min3A_18 {offsets = [76, 0], sizes = [1, 128], strides = [1, 1]} : vector<128x128xf32> to vector<1x128xf32>
    %mul3A_2377 = vector.broadcast %slice3A_2376 : vector<1x128xf32> to vector<10x128xf32>
    %mul3A_2378 = arith.mulf %get3A_3, %mul3A_2377 : vector<10x128xf32>
    %add3A_2379 = arith.addf %mul3A_2378, %get3A_6 : vector<10x128xf32>
    %mul3A_2380 = vector.broadcast %slice3A_2376 : vector<1x128xf32> to vector<10x128xf32>
    %mul3A_2381 = arith.mulf %get3A_9, %mul3A_2380 : vector<10x128xf32>
    %add3A_2382 = arith.addf %mul3A_2381, %get3A_12 : vector<10x128xf32>
    %min3A_2383 = arith.minimumf %add3A_2379, %add3A_2382 : vector<10x128xf32>
    %max3A_2384 = arith.constant 0.000000e+00 : f32
    %max3A_2385 = vector.broadcast %max3A_2384 : f32 to vector<10x128xf32>
    %max3A_2386 = arith.maximumf %min3A_2383, %max3A_2385 : vector<10x128xf32>
    %get3A_2387 = arith.constant 0 : index
    %get3A_2388 = arith.constant 9728 : index
    %get3A_2389 = vector.load %arg1[%get3A_2387, %get3A_2388] : memref<10x16384xf32, #tpu.memory_space<vmem>>, vector<10x128xf32>
    %log3A_2390 = math.log %get3A_2389 : vector<10x128xf32>
    %log3A_2391 = arith.constant 2.000000e+00 : f32
    %log3A_2392 = math.log %log3A_2391 : f32
    %div3A_2393 = vector.broadcast %log3A_2392 : f32 to vector<10x128xf32>
    %div3A_2394 = arith.divf %log3A_2390, %div3A_2393 : vector<10x128xf32>
    %sub3A_2395 = arith.constant 1.000000e+00 : f32
    %sub3A_2396 = vector.broadcast %sub3A_2395 : f32 to vector<10x128xf32>
    %sub3A_2397 = arith.subf %sub3A_2396, %get3A_2389 : vector<10x128xf32>
    %log3A_2398 = math.log %sub3A_2397 : vector<10x128xf32>
    %log3A_2399 = arith.constant 2.000000e+00 : f32
    %log3A_2400 = math.log %log3A_2399 : f32
    %div3A_2401 = vector.broadcast %log3A_2400 : f32 to vector<10x128xf32>
    %div3A_2402 = arith.divf %log3A_2398, %div3A_2401 : vector<10x128xf32>
    %sub3A_2403 = arith.subf %div3A_2394, %div3A_2402 : vector<10x128xf32>
    %mul3A_2404 = arith.mulf %max3A_2386, %sub3A_2403 : vector<10x128xf32>
    %add3A_2405 = arith.addf %div3A_2402, %mul3A_2404 : vector<10x128xf32>
    %add3A_2406 = arith.addf %add3A_2282, %add3A_2405 : vector<10x128xf32>
    %slice3A_2407 = vector.extract_strided_slice %min3A_18 {offsets = [77, 0], sizes = [1, 128], strides = [1, 1]} : vector<128x128xf32> to vector<1x128xf32>
    %mul3A_2408 = vector.broadcast %slice3A_2407 : vector<1x128xf32> to vector<10x128xf32>
    %mul3A_2409 = arith.mulf %get3A_3, %mul3A_2408 : vector<10x128xf32>
    %add3A_2410 = arith.addf %mul3A_2409, %get3A_6 : vector<10x128xf32>
    %mul3A_2411 = vector.broadcast %slice3A_2407 : vector<1x128xf32> to vector<10x128xf32>
    %mul3A_2412 = arith.mulf %get3A_9, %mul3A_2411 : vector<10x128xf32>
    %add3A_2413 = arith.addf %mul3A_2412, %get3A_12 : vector<10x128xf32>
    %min3A_2414 = arith.minimumf %add3A_2410, %add3A_2413 : vector<10x128xf32>
    %max3A_2415 = arith.constant 0.000000e+00 : f32
    %max3A_2416 = vector.broadcast %max3A_2415 : f32 to vector<10x128xf32>
    %max3A_2417 = arith.maximumf %min3A_2414, %max3A_2416 : vector<10x128xf32>
    %get3A_2418 = arith.constant 0 : index
    %get3A_2419 = arith.constant 9856 : index
    %get3A_2420 = vector.load %arg1[%get3A_2418, %get3A_2419] : memref<10x16384xf32, #tpu.memory_space<vmem>>, vector<10x128xf32>
    %log3A_2421 = math.log %get3A_2420 : vector<10x128xf32>
    %log3A_2422 = arith.constant 2.000000e+00 : f32
    %log3A_2423 = math.log %log3A_2422 : f32
    %div3A_2424 = vector.broadcast %log3A_2423 : f32 to vector<10x128xf32>
    %div3A_2425 = arith.divf %log3A_2421, %div3A_2424 : vector<10x128xf32>
    %sub3A_2426 = arith.constant 1.000000e+00 : f32
    %sub3A_2427 = vector.broadcast %sub3A_2426 : f32 to vector<10x128xf32>
    %sub3A_2428 = arith.subf %sub3A_2427, %get3A_2420 : vector<10x128xf32>
    %log3A_2429 = math.log %sub3A_2428 : vector<10x128xf32>
    %log3A_2430 = arith.constant 2.000000e+00 : f32
    %log3A_2431 = math.log %log3A_2430 : f32
    %div3A_2432 = vector.broadcast %log3A_2431 : f32 to vector<10x128xf32>
    %div3A_2433 = arith.divf %log3A_2429, %div3A_2432 : vector<10x128xf32>
    %sub3A_2434 = arith.subf %div3A_2425, %div3A_2433 : vector<10x128xf32>
    %mul3A_2435 = arith.mulf %max3A_2417, %sub3A_2434 : vector<10x128xf32>
    %add3A_2436 = arith.addf %div3A_2433, %mul3A_2435 : vector<10x128xf32>
    %add3A_2437 = arith.addf %add3A_2313, %add3A_2436 : vector<10x128xf32>
    %slice3A_2438 = vector.extract_strided_slice %min3A_18 {offsets = [78, 0], sizes = [1, 128], strides = [1, 1]} : vector<128x128xf32> to vector<1x128xf32>
    %mul3A_2439 = vector.broadcast %slice3A_2438 : vector<1x128xf32> to vector<10x128xf32>
    %mul3A_2440 = arith.mulf %get3A_3, %mul3A_2439 : vector<10x128xf32>
    %add3A_2441 = arith.addf %mul3A_2440, %get3A_6 : vector<10x128xf32>
    %mul3A_2442 = vector.broadcast %slice3A_2438 : vector<1x128xf32> to vector<10x128xf32>
    %mul3A_2443 = arith.mulf %get3A_9, %mul3A_2442 : vector<10x128xf32>
    %add3A_2444 = arith.addf %mul3A_2443, %get3A_12 : vector<10x128xf32>
    %min3A_2445 = arith.minimumf %add3A_2441, %add3A_2444 : vector<10x128xf32>
    %max3A_2446 = arith.constant 0.000000e+00 : f32
    %max3A_2447 = vector.broadcast %max3A_2446 : f32 to vector<10x128xf32>
    %max3A_2448 = arith.maximumf %min3A_2445, %max3A_2447 : vector<10x128xf32>
    %get3A_2449 = arith.constant 0 : index
    %get3A_2450 = arith.constant 9984 : index
    %get3A_2451 = vector.load %arg1[%get3A_2449, %get3A_2450] : memref<10x16384xf32, #tpu.memory_space<vmem>>, vector<10x128xf32>
    %log3A_2452 = math.log %get3A_2451 : vector<10x128xf32>
    %log3A_2453 = arith.constant 2.000000e+00 : f32
    %log3A_2454 = math.log %log3A_2453 : f32
    %div3A_2455 = vector.broadcast %log3A_2454 : f32 to vector<10x128xf32>
    %div3A_2456 = arith.divf %log3A_2452, %div3A_2455 : vector<10x128xf32>
    %sub3A_2457 = arith.constant 1.000000e+00 : f32
    %sub3A_2458 = vector.broadcast %sub3A_2457 : f32 to vector<10x128xf32>
    %sub3A_2459 = arith.subf %sub3A_2458, %get3A_2451 : vector<10x128xf32>
    %log3A_2460 = math.log %sub3A_2459 : vector<10x128xf32>
    %log3A_2461 = arith.constant 2.000000e+00 : f32
    %log3A_2462 = math.log %log3A_2461 : f32
    %div3A_2463 = vector.broadcast %log3A_2462 : f32 to vector<10x128xf32>
    %div3A_2464 = arith.divf %log3A_2460, %div3A_2463 : vector<10x128xf32>
    %sub3A_2465 = arith.subf %div3A_2456, %div3A_2464 : vector<10x128xf32>
    %mul3A_2466 = arith.mulf %max3A_2448, %sub3A_2465 : vector<10x128xf32>
    %add3A_2467 = arith.addf %div3A_2464, %mul3A_2466 : vector<10x128xf32>
    %add3A_2468 = arith.addf %add3A_2344, %add3A_2467 : vector<10x128xf32>
    %slice3A_2469 = vector.extract_strided_slice %min3A_18 {offsets = [79, 0], sizes = [1, 128], strides = [1, 1]} : vector<128x128xf32> to vector<1x128xf32>
    %mul3A_2470 = vector.broadcast %slice3A_2469 : vector<1x128xf32> to vector<10x128xf32>
    %mul3A_2471 = arith.mulf %get3A_3, %mul3A_2470 : vector<10x128xf32>
    %add3A_2472 = arith.addf %mul3A_2471, %get3A_6 : vector<10x128xf32>
    %mul3A_2473 = vector.broadcast %slice3A_2469 : vector<1x128xf32> to vector<10x128xf32>
    %mul3A_2474 = arith.mulf %get3A_9, %mul3A_2473 : vector<10x128xf32>
    %add3A_2475 = arith.addf %mul3A_2474, %get3A_12 : vector<10x128xf32>
    %min3A_2476 = arith.minimumf %add3A_2472, %add3A_2475 : vector<10x128xf32>
    %max3A_2477 = arith.constant 0.000000e+00 : f32
    %max3A_2478 = vector.broadcast %max3A_2477 : f32 to vector<10x128xf32>
    %max3A_2479 = arith.maximumf %min3A_2476, %max3A_2478 : vector<10x128xf32>
    %get3A_2480 = arith.constant 0 : index
    %get3A_2481 = arith.constant 10112 : index
    %get3A_2482 = vector.load %arg1[%get3A_2480, %get3A_2481] : memref<10x16384xf32, #tpu.memory_space<vmem>>, vector<10x128xf32>
    %log3A_2483 = math.log %get3A_2482 : vector<10x128xf32>
    %log3A_2484 = arith.constant 2.000000e+00 : f32
    %log3A_2485 = math.log %log3A_2484 : f32
    %div3A_2486 = vector.broadcast %log3A_2485 : f32 to vector<10x128xf32>
    %div3A_2487 = arith.divf %log3A_2483, %div3A_2486 : vector<10x128xf32>
    %sub3A_2488 = arith.constant 1.000000e+00 : f32
    %sub3A_2489 = vector.broadcast %sub3A_2488 : f32 to vector<10x128xf32>
    %sub3A_2490 = arith.subf %sub3A_2489, %get3A_2482 : vector<10x128xf32>
    %log3A_2491 = math.log %sub3A_2490 : vector<10x128xf32>
    %log3A_2492 = arith.constant 2.000000e+00 : f32
    %log3A_2493 = math.log %log3A_2492 : f32
    %div3A_2494 = vector.broadcast %log3A_2493 : f32 to vector<10x128xf32>
    %div3A_2495 = arith.divf %log3A_2491, %div3A_2494 : vector<10x128xf32>
    %sub3A_2496 = arith.subf %div3A_2487, %div3A_2495 : vector<10x128xf32>
    %mul3A_2497 = arith.mulf %max3A_2479, %sub3A_2496 : vector<10x128xf32>
    %add3A_2498 = arith.addf %div3A_2495, %mul3A_2497 : vector<10x128xf32>
    %add3A_2499 = arith.addf %add3A_2375, %add3A_2498 : vector<10x128xf32>
    %slice3A_2500 = vector.extract_strided_slice %min3A_18 {offsets = [80, 0], sizes = [1, 128], strides = [1, 1]} : vector<128x128xf32> to vector<1x128xf32>
    %mul3A_2501 = vector.broadcast %slice3A_2500 : vector<1x128xf32> to vector<10x128xf32>
    %mul3A_2502 = arith.mulf %get3A_3, %mul3A_2501 : vector<10x128xf32>
    %add3A_2503 = arith.addf %mul3A_2502, %get3A_6 : vector<10x128xf32>
    %mul3A_2504 = vector.broadcast %slice3A_2500 : vector<1x128xf32> to vector<10x128xf32>
    %mul3A_2505 = arith.mulf %get3A_9, %mul3A_2504 : vector<10x128xf32>
    %add3A_2506 = arith.addf %mul3A_2505, %get3A_12 : vector<10x128xf32>
    %min3A_2507 = arith.minimumf %add3A_2503, %add3A_2506 : vector<10x128xf32>
    %max3A_2508 = arith.constant 0.000000e+00 : f32
    %max3A_2509 = vector.broadcast %max3A_2508 : f32 to vector<10x128xf32>
    %max3A_2510 = arith.maximumf %min3A_2507, %max3A_2509 : vector<10x128xf32>
    %get3A_2511 = arith.constant 0 : index
    %get3A_2512 = arith.constant 10240 : index
    %get3A_2513 = vector.load %arg1[%get3A_2511, %get3A_2512] : memref<10x16384xf32, #tpu.memory_space<vmem>>, vector<10x128xf32>
    %log3A_2514 = math.log %get3A_2513 : vector<10x128xf32>
    %log3A_2515 = arith.constant 2.000000e+00 : f32
    %log3A_2516 = math.log %log3A_2515 : f32
    %div3A_2517 = vector.broadcast %log3A_2516 : f32 to vector<10x128xf32>
    %div3A_2518 = arith.divf %log3A_2514, %div3A_2517 : vector<10x128xf32>
    %sub3A_2519 = arith.constant 1.000000e+00 : f32
    %sub3A_2520 = vector.broadcast %sub3A_2519 : f32 to vector<10x128xf32>
    %sub3A_2521 = arith.subf %sub3A_2520, %get3A_2513 : vector<10x128xf32>
    %log3A_2522 = math.log %sub3A_2521 : vector<10x128xf32>
    %log3A_2523 = arith.constant 2.000000e+00 : f32
    %log3A_2524 = math.log %log3A_2523 : f32
    %div3A_2525 = vector.broadcast %log3A_2524 : f32 to vector<10x128xf32>
    %div3A_2526 = arith.divf %log3A_2522, %div3A_2525 : vector<10x128xf32>
    %sub3A_2527 = arith.subf %div3A_2518, %div3A_2526 : vector<10x128xf32>
    %mul3A_2528 = arith.mulf %max3A_2510, %sub3A_2527 : vector<10x128xf32>
    %add3A_2529 = arith.addf %div3A_2526, %mul3A_2528 : vector<10x128xf32>
    %add3A_2530 = arith.addf %add3A_2406, %add3A_2529 : vector<10x128xf32>
    %slice3A_2531 = vector.extract_strided_slice %min3A_18 {offsets = [81, 0], sizes = [1, 128], strides = [1, 1]} : vector<128x128xf32> to vector<1x128xf32>
    %mul3A_2532 = vector.broadcast %slice3A_2531 : vector<1x128xf32> to vector<10x128xf32>
    %mul3A_2533 = arith.mulf %get3A_3, %mul3A_2532 : vector<10x128xf32>
    %add3A_2534 = arith.addf %mul3A_2533, %get3A_6 : vector<10x128xf32>
    %mul3A_2535 = vector.broadcast %slice3A_2531 : vector<1x128xf32> to vector<10x128xf32>
    %mul3A_2536 = arith.mulf %get3A_9, %mul3A_2535 : vector<10x128xf32>
    %add3A_2537 = arith.addf %mul3A_2536, %get3A_12 : vector<10x128xf32>
    %min3A_2538 = arith.minimumf %add3A_2534, %add3A_2537 : vector<10x128xf32>
    %max3A_2539 = arith.constant 0.000000e+00 : f32
    %max3A_2540 = vector.broadcast %max3A_2539 : f32 to vector<10x128xf32>
    %max3A_2541 = arith.maximumf %min3A_2538, %max3A_2540 : vector<10x128xf32>
    %get3A_2542 = arith.constant 0 : index
    %get3A_2543 = arith.constant 10368 : index
    %get3A_2544 = vector.load %arg1[%get3A_2542, %get3A_2543] : memref<10x16384xf32, #tpu.memory_space<vmem>>, vector<10x128xf32>
    %log3A_2545 = math.log %get3A_2544 : vector<10x128xf32>
    %log3A_2546 = arith.constant 2.000000e+00 : f32
    %log3A_2547 = math.log %log3A_2546 : f32
    %div3A_2548 = vector.broadcast %log3A_2547 : f32 to vector<10x128xf32>
    %div3A_2549 = arith.divf %log3A_2545, %div3A_2548 : vector<10x128xf32>
    %sub3A_2550 = arith.constant 1.000000e+00 : f32
    %sub3A_2551 = vector.broadcast %sub3A_2550 : f32 to vector<10x128xf32>
    %sub3A_2552 = arith.subf %sub3A_2551, %get3A_2544 : vector<10x128xf32>
    %log3A_2553 = math.log %sub3A_2552 : vector<10x128xf32>
    %log3A_2554 = arith.constant 2.000000e+00 : f32
    %log3A_2555 = math.log %log3A_2554 : f32
    %div3A_2556 = vector.broadcast %log3A_2555 : f32 to vector<10x128xf32>
    %div3A_2557 = arith.divf %log3A_2553, %div3A_2556 : vector<10x128xf32>
    %sub3A_2558 = arith.subf %div3A_2549, %div3A_2557 : vector<10x128xf32>
    %mul3A_2559 = arith.mulf %max3A_2541, %sub3A_2558 : vector<10x128xf32>
    %add3A_2560 = arith.addf %div3A_2557, %mul3A_2559 : vector<10x128xf32>
    %add3A_2561 = arith.addf %add3A_2437, %add3A_2560 : vector<10x128xf32>
    %slice3A_2562 = vector.extract_strided_slice %min3A_18 {offsets = [82, 0], sizes = [1, 128], strides = [1, 1]} : vector<128x128xf32> to vector<1x128xf32>
    %mul3A_2563 = vector.broadcast %slice3A_2562 : vector<1x128xf32> to vector<10x128xf32>
    %mul3A_2564 = arith.mulf %get3A_3, %mul3A_2563 : vector<10x128xf32>
    %add3A_2565 = arith.addf %mul3A_2564, %get3A_6 : vector<10x128xf32>
    %mul3A_2566 = vector.broadcast %slice3A_2562 : vector<1x128xf32> to vector<10x128xf32>
    %mul3A_2567 = arith.mulf %get3A_9, %mul3A_2566 : vector<10x128xf32>
    %add3A_2568 = arith.addf %mul3A_2567, %get3A_12 : vector<10x128xf32>
    %min3A_2569 = arith.minimumf %add3A_2565, %add3A_2568 : vector<10x128xf32>
    %max3A_2570 = arith.constant 0.000000e+00 : f32
    %max3A_2571 = vector.broadcast %max3A_2570 : f32 to vector<10x128xf32>
    %max3A_2572 = arith.maximumf %min3A_2569, %max3A_2571 : vector<10x128xf32>
    %get3A_2573 = arith.constant 0 : index
    %get3A_2574 = arith.constant 10496 : index
    %get3A_2575 = vector.load %arg1[%get3A_2573, %get3A_2574] : memref<10x16384xf32, #tpu.memory_space<vmem>>, vector<10x128xf32>
    %log3A_2576 = math.log %get3A_2575 : vector<10x128xf32>
    %log3A_2577 = arith.constant 2.000000e+00 : f32
    %log3A_2578 = math.log %log3A_2577 : f32
    %div3A_2579 = vector.broadcast %log3A_2578 : f32 to vector<10x128xf32>
    %div3A_2580 = arith.divf %log3A_2576, %div3A_2579 : vector<10x128xf32>
    %sub3A_2581 = arith.constant 1.000000e+00 : f32
    %sub3A_2582 = vector.broadcast %sub3A_2581 : f32 to vector<10x128xf32>
    %sub3A_2583 = arith.subf %sub3A_2582, %get3A_2575 : vector<10x128xf32>
    %log3A_2584 = math.log %sub3A_2583 : vector<10x128xf32>
    %log3A_2585 = arith.constant 2.000000e+00 : f32
    %log3A_2586 = math.log %log3A_2585 : f32
    %div3A_2587 = vector.broadcast %log3A_2586 : f32 to vector<10x128xf32>
    %div3A_2588 = arith.divf %log3A_2584, %div3A_2587 : vector<10x128xf32>
    %sub3A_2589 = arith.subf %div3A_2580, %div3A_2588 : vector<10x128xf32>
    %mul3A_2590 = arith.mulf %max3A_2572, %sub3A_2589 : vector<10x128xf32>
    %add3A_2591 = arith.addf %div3A_2588, %mul3A_2590 : vector<10x128xf32>
    %add3A_2592 = arith.addf %add3A_2468, %add3A_2591 : vector<10x128xf32>
    %slice3A_2593 = vector.extract_strided_slice %min3A_18 {offsets = [83, 0], sizes = [1, 128], strides = [1, 1]} : vector<128x128xf32> to vector<1x128xf32>
    %mul3A_2594 = vector.broadcast %slice3A_2593 : vector<1x128xf32> to vector<10x128xf32>
    %mul3A_2595 = arith.mulf %get3A_3, %mul3A_2594 : vector<10x128xf32>
    %add3A_2596 = arith.addf %mul3A_2595, %get3A_6 : vector<10x128xf32>
    %mul3A_2597 = vector.broadcast %slice3A_2593 : vector<1x128xf32> to vector<10x128xf32>
    %mul3A_2598 = arith.mulf %get3A_9, %mul3A_2597 : vector<10x128xf32>
    %add3A_2599 = arith.addf %mul3A_2598, %get3A_12 : vector<10x128xf32>
    %min3A_2600 = arith.minimumf %add3A_2596, %add3A_2599 : vector<10x128xf32>
    %max3A_2601 = arith.constant 0.000000e+00 : f32
    %max3A_2602 = vector.broadcast %max3A_2601 : f32 to vector<10x128xf32>
    %max3A_2603 = arith.maximumf %min3A_2600, %max3A_2602 : vector<10x128xf32>
    %get3A_2604 = arith.constant 0 : index
    %get3A_2605 = arith.constant 10624 : index
    %get3A_2606 = vector.load %arg1[%get3A_2604, %get3A_2605] : memref<10x16384xf32, #tpu.memory_space<vmem>>, vector<10x128xf32>
    %log3A_2607 = math.log %get3A_2606 : vector<10x128xf32>
    %log3A_2608 = arith.constant 2.000000e+00 : f32
    %log3A_2609 = math.log %log3A_2608 : f32
    %div3A_2610 = vector.broadcast %log3A_2609 : f32 to vector<10x128xf32>
    %div3A_2611 = arith.divf %log3A_2607, %div3A_2610 : vector<10x128xf32>
    %sub3A_2612 = arith.constant 1.000000e+00 : f32
    %sub3A_2613 = vector.broadcast %sub3A_2612 : f32 to vector<10x128xf32>
    %sub3A_2614 = arith.subf %sub3A_2613, %get3A_2606 : vector<10x128xf32>
    %log3A_2615 = math.log %sub3A_2614 : vector<10x128xf32>
    %log3A_2616 = arith.constant 2.000000e+00 : f32
    %log3A_2617 = math.log %log3A_2616 : f32
    %div3A_2618 = vector.broadcast %log3A_2617 : f32 to vector<10x128xf32>
    %div3A_2619 = arith.divf %log3A_2615, %div3A_2618 : vector<10x128xf32>
    %sub3A_2620 = arith.subf %div3A_2611, %div3A_2619 : vector<10x128xf32>
    %mul3A_2621 = arith.mulf %max3A_2603, %sub3A_2620 : vector<10x128xf32>
    %add3A_2622 = arith.addf %div3A_2619, %mul3A_2621 : vector<10x128xf32>
    %add3A_2623 = arith.addf %add3A_2499, %add3A_2622 : vector<10x128xf32>
    %slice3A_2624 = vector.extract_strided_slice %min3A_18 {offsets = [84, 0], sizes = [1, 128], strides = [1, 1]} : vector<128x128xf32> to vector<1x128xf32>
    %mul3A_2625 = vector.broadcast %slice3A_2624 : vector<1x128xf32> to vector<10x128xf32>
    %mul3A_2626 = arith.mulf %get3A_3, %mul3A_2625 : vector<10x128xf32>
    %add3A_2627 = arith.addf %mul3A_2626, %get3A_6 : vector<10x128xf32>
    %mul3A_2628 = vector.broadcast %slice3A_2624 : vector<1x128xf32> to vector<10x128xf32>
    %mul3A_2629 = arith.mulf %get3A_9, %mul3A_2628 : vector<10x128xf32>
    %add3A_2630 = arith.addf %mul3A_2629, %get3A_12 : vector<10x128xf32>
    %min3A_2631 = arith.minimumf %add3A_2627, %add3A_2630 : vector<10x128xf32>
    %max3A_2632 = arith.constant 0.000000e+00 : f32
    %max3A_2633 = vector.broadcast %max3A_2632 : f32 to vector<10x128xf32>
    %max3A_2634 = arith.maximumf %min3A_2631, %max3A_2633 : vector<10x128xf32>
    %get3A_2635 = arith.constant 0 : index
    %get3A_2636 = arith.constant 10752 : index
    %get3A_2637 = vector.load %arg1[%get3A_2635, %get3A_2636] : memref<10x16384xf32, #tpu.memory_space<vmem>>, vector<10x128xf32>
    %log3A_2638 = math.log %get3A_2637 : vector<10x128xf32>
    %log3A_2639 = arith.constant 2.000000e+00 : f32
    %log3A_2640 = math.log %log3A_2639 : f32
    %div3A_2641 = vector.broadcast %log3A_2640 : f32 to vector<10x128xf32>
    %div3A_2642 = arith.divf %log3A_2638, %div3A_2641 : vector<10x128xf32>
    %sub3A_2643 = arith.constant 1.000000e+00 : f32
    %sub3A_2644 = vector.broadcast %sub3A_2643 : f32 to vector<10x128xf32>
    %sub3A_2645 = arith.subf %sub3A_2644, %get3A_2637 : vector<10x128xf32>
    %log3A_2646 = math.log %sub3A_2645 : vector<10x128xf32>
    %log3A_2647 = arith.constant 2.000000e+00 : f32
    %log3A_2648 = math.log %log3A_2647 : f32
    %div3A_2649 = vector.broadcast %log3A_2648 : f32 to vector<10x128xf32>
    %div3A_2650 = arith.divf %log3A_2646, %div3A_2649 : vector<10x128xf32>
    %sub3A_2651 = arith.subf %div3A_2642, %div3A_2650 : vector<10x128xf32>
    %mul3A_2652 = arith.mulf %max3A_2634, %sub3A_2651 : vector<10x128xf32>
    %add3A_2653 = arith.addf %div3A_2650, %mul3A_2652 : vector<10x128xf32>
    %add3A_2654 = arith.addf %add3A_2530, %add3A_2653 : vector<10x128xf32>
    %slice3A_2655 = vector.extract_strided_slice %min3A_18 {offsets = [85, 0], sizes = [1, 128], strides = [1, 1]} : vector<128x128xf32> to vector<1x128xf32>
    %mul3A_2656 = vector.broadcast %slice3A_2655 : vector<1x128xf32> to vector<10x128xf32>
    %mul3A_2657 = arith.mulf %get3A_3, %mul3A_2656 : vector<10x128xf32>
    %add3A_2658 = arith.addf %mul3A_2657, %get3A_6 : vector<10x128xf32>
    %mul3A_2659 = vector.broadcast %slice3A_2655 : vector<1x128xf32> to vector<10x128xf32>
    %mul3A_2660 = arith.mulf %get3A_9, %mul3A_2659 : vector<10x128xf32>
    %add3A_2661 = arith.addf %mul3A_2660, %get3A_12 : vector<10x128xf32>
    %min3A_2662 = arith.minimumf %add3A_2658, %add3A_2661 : vector<10x128xf32>
    %max3A_2663 = arith.constant 0.000000e+00 : f32
    %max3A_2664 = vector.broadcast %max3A_2663 : f32 to vector<10x128xf32>
    %max3A_2665 = arith.maximumf %min3A_2662, %max3A_2664 : vector<10x128xf32>
    %get3A_2666 = arith.constant 0 : index
    %get3A_2667 = arith.constant 10880 : index
    %get3A_2668 = vector.load %arg1[%get3A_2666, %get3A_2667] : memref<10x16384xf32, #tpu.memory_space<vmem>>, vector<10x128xf32>
    %log3A_2669 = math.log %get3A_2668 : vector<10x128xf32>
    %log3A_2670 = arith.constant 2.000000e+00 : f32
    %log3A_2671 = math.log %log3A_2670 : f32
    %div3A_2672 = vector.broadcast %log3A_2671 : f32 to vector<10x128xf32>
    %div3A_2673 = arith.divf %log3A_2669, %div3A_2672 : vector<10x128xf32>
    %sub3A_2674 = arith.constant 1.000000e+00 : f32
    %sub3A_2675 = vector.broadcast %sub3A_2674 : f32 to vector<10x128xf32>
    %sub3A_2676 = arith.subf %sub3A_2675, %get3A_2668 : vector<10x128xf32>
    %log3A_2677 = math.log %sub3A_2676 : vector<10x128xf32>
    %log3A_2678 = arith.constant 2.000000e+00 : f32
    %log3A_2679 = math.log %log3A_2678 : f32
    %div3A_2680 = vector.broadcast %log3A_2679 : f32 to vector<10x128xf32>
    %div3A_2681 = arith.divf %log3A_2677, %div3A_2680 : vector<10x128xf32>
    %sub3A_2682 = arith.subf %div3A_2673, %div3A_2681 : vector<10x128xf32>
    %mul3A_2683 = arith.mulf %max3A_2665, %sub3A_2682 : vector<10x128xf32>
    %add3A_2684 = arith.addf %div3A_2681, %mul3A_2683 : vector<10x128xf32>
    %add3A_2685 = arith.addf %add3A_2561, %add3A_2684 : vector<10x128xf32>
    %slice3A_2686 = vector.extract_strided_slice %min3A_18 {offsets = [86, 0], sizes = [1, 128], strides = [1, 1]} : vector<128x128xf32> to vector<1x128xf32>
    %mul3A_2687 = vector.broadcast %slice3A_2686 : vector<1x128xf32> to vector<10x128xf32>
    %mul3A_2688 = arith.mulf %get3A_3, %mul3A_2687 : vector<10x128xf32>
    %add3A_2689 = arith.addf %mul3A_2688, %get3A_6 : vector<10x128xf32>
    %mul3A_2690 = vector.broadcast %slice3A_2686 : vector<1x128xf32> to vector<10x128xf32>
    %mul3A_2691 = arith.mulf %get3A_9, %mul3A_2690 : vector<10x128xf32>
    %add3A_2692 = arith.addf %mul3A_2691, %get3A_12 : vector<10x128xf32>
    %min3A_2693 = arith.minimumf %add3A_2689, %add3A_2692 : vector<10x128xf32>
    %max3A_2694 = arith.constant 0.000000e+00 : f32
    %max3A_2695 = vector.broadcast %max3A_2694 : f32 to vector<10x128xf32>
    %max3A_2696 = arith.maximumf %min3A_2693, %max3A_2695 : vector<10x128xf32>
    %get3A_2697 = arith.constant 0 : index
    %get3A_2698 = arith.constant 11008 : index
    %get3A_2699 = vector.load %arg1[%get3A_2697, %get3A_2698] : memref<10x16384xf32, #tpu.memory_space<vmem>>, vector<10x128xf32>
    %log3A_2700 = math.log %get3A_2699 : vector<10x128xf32>
    %log3A_2701 = arith.constant 2.000000e+00 : f32
    %log3A_2702 = math.log %log3A_2701 : f32
    %div3A_2703 = vector.broadcast %log3A_2702 : f32 to vector<10x128xf32>
    %div3A_2704 = arith.divf %log3A_2700, %div3A_2703 : vector<10x128xf32>
    %sub3A_2705 = arith.constant 1.000000e+00 : f32
    %sub3A_2706 = vector.broadcast %sub3A_2705 : f32 to vector<10x128xf32>
    %sub3A_2707 = arith.subf %sub3A_2706, %get3A_2699 : vector<10x128xf32>
    %log3A_2708 = math.log %sub3A_2707 : vector<10x128xf32>
    %log3A_2709 = arith.constant 2.000000e+00 : f32
    %log3A_2710 = math.log %log3A_2709 : f32
    %div3A_2711 = vector.broadcast %log3A_2710 : f32 to vector<10x128xf32>
    %div3A_2712 = arith.divf %log3A_2708, %div3A_2711 : vector<10x128xf32>
    %sub3A_2713 = arith.subf %div3A_2704, %div3A_2712 : vector<10x128xf32>
    %mul3A_2714 = arith.mulf %max3A_2696, %sub3A_2713 : vector<10x128xf32>
    %add3A_2715 = arith.addf %div3A_2712, %mul3A_2714 : vector<10x128xf32>
    %add3A_2716 = arith.addf %add3A_2592, %add3A_2715 : vector<10x128xf32>
    %slice3A_2717 = vector.extract_strided_slice %min3A_18 {offsets = [87, 0], sizes = [1, 128], strides = [1, 1]} : vector<128x128xf32> to vector<1x128xf32>
    %mul3A_2718 = vector.broadcast %slice3A_2717 : vector<1x128xf32> to vector<10x128xf32>
    %mul3A_2719 = arith.mulf %get3A_3, %mul3A_2718 : vector<10x128xf32>
    %add3A_2720 = arith.addf %mul3A_2719, %get3A_6 : vector<10x128xf32>
    %mul3A_2721 = vector.broadcast %slice3A_2717 : vector<1x128xf32> to vector<10x128xf32>
    %mul3A_2722 = arith.mulf %get3A_9, %mul3A_2721 : vector<10x128xf32>
    %add3A_2723 = arith.addf %mul3A_2722, %get3A_12 : vector<10x128xf32>
    %min3A_2724 = arith.minimumf %add3A_2720, %add3A_2723 : vector<10x128xf32>
    %max3A_2725 = arith.constant 0.000000e+00 : f32
    %max3A_2726 = vector.broadcast %max3A_2725 : f32 to vector<10x128xf32>
    %max3A_2727 = arith.maximumf %min3A_2724, %max3A_2726 : vector<10x128xf32>
    %get3A_2728 = arith.constant 0 : index
    %get3A_2729 = arith.constant 11136 : index
    %get3A_2730 = vector.load %arg1[%get3A_2728, %get3A_2729] : memref<10x16384xf32, #tpu.memory_space<vmem>>, vector<10x128xf32>
    %log3A_2731 = math.log %get3A_2730 : vector<10x128xf32>
    %log3A_2732 = arith.constant 2.000000e+00 : f32
    %log3A_2733 = math.log %log3A_2732 : f32
    %div3A_2734 = vector.broadcast %log3A_2733 : f32 to vector<10x128xf32>
    %div3A_2735 = arith.divf %log3A_2731, %div3A_2734 : vector<10x128xf32>
    %sub3A_2736 = arith.constant 1.000000e+00 : f32
    %sub3A_2737 = vector.broadcast %sub3A_2736 : f32 to vector<10x128xf32>
    %sub3A_2738 = arith.subf %sub3A_2737, %get3A_2730 : vector<10x128xf32>
    %log3A_2739 = math.log %sub3A_2738 : vector<10x128xf32>
    %log3A_2740 = arith.constant 2.000000e+00 : f32
    %log3A_2741 = math.log %log3A_2740 : f32
    %div3A_2742 = vector.broadcast %log3A_2741 : f32 to vector<10x128xf32>
    %div3A_2743 = arith.divf %log3A_2739, %div3A_2742 : vector<10x128xf32>
    %sub3A_2744 = arith.subf %div3A_2735, %div3A_2743 : vector<10x128xf32>
    %mul3A_2745 = arith.mulf %max3A_2727, %sub3A_2744 : vector<10x128xf32>
    %add3A_2746 = arith.addf %div3A_2743, %mul3A_2745 : vector<10x128xf32>
    %add3A_2747 = arith.addf %add3A_2623, %add3A_2746 : vector<10x128xf32>
    %slice3A_2748 = vector.extract_strided_slice %min3A_18 {offsets = [88, 0], sizes = [1, 128], strides = [1, 1]} : vector<128x128xf32> to vector<1x128xf32>
    %mul3A_2749 = vector.broadcast %slice3A_2748 : vector<1x128xf32> to vector<10x128xf32>
    %mul3A_2750 = arith.mulf %get3A_3, %mul3A_2749 : vector<10x128xf32>
    %add3A_2751 = arith.addf %mul3A_2750, %get3A_6 : vector<10x128xf32>
    %mul3A_2752 = vector.broadcast %slice3A_2748 : vector<1x128xf32> to vector<10x128xf32>
    %mul3A_2753 = arith.mulf %get3A_9, %mul3A_2752 : vector<10x128xf32>
    %add3A_2754 = arith.addf %mul3A_2753, %get3A_12 : vector<10x128xf32>
    %min3A_2755 = arith.minimumf %add3A_2751, %add3A_2754 : vector<10x128xf32>
    %max3A_2756 = arith.constant 0.000000e+00 : f32
    %max3A_2757 = vector.broadcast %max3A_2756 : f32 to vector<10x128xf32>
    %max3A_2758 = arith.maximumf %min3A_2755, %max3A_2757 : vector<10x128xf32>
    %get3A_2759 = arith.constant 0 : index
    %get3A_2760 = arith.constant 11264 : index
    %get3A_2761 = vector.load %arg1[%get3A_2759, %get3A_2760] : memref<10x16384xf32, #tpu.memory_space<vmem>>, vector<10x128xf32>
    %log3A_2762 = math.log %get3A_2761 : vector<10x128xf32>
    %log3A_2763 = arith.constant 2.000000e+00 : f32
    %log3A_2764 = math.log %log3A_2763 : f32
    %div3A_2765 = vector.broadcast %log3A_2764 : f32 to vector<10x128xf32>
    %div3A_2766 = arith.divf %log3A_2762, %div3A_2765 : vector<10x128xf32>
    %sub3A_2767 = arith.constant 1.000000e+00 : f32
    %sub3A_2768 = vector.broadcast %sub3A_2767 : f32 to vector<10x128xf32>
    %sub3A_2769 = arith.subf %sub3A_2768, %get3A_2761 : vector<10x128xf32>
    %log3A_2770 = math.log %sub3A_2769 : vector<10x128xf32>
    %log3A_2771 = arith.constant 2.000000e+00 : f32
    %log3A_2772 = math.log %log3A_2771 : f32
    %div3A_2773 = vector.broadcast %log3A_2772 : f32 to vector<10x128xf32>
    %div3A_2774 = arith.divf %log3A_2770, %div3A_2773 : vector<10x128xf32>
    %sub3A_2775 = arith.subf %div3A_2766, %div3A_2774 : vector<10x128xf32>
    %mul3A_2776 = arith.mulf %max3A_2758, %sub3A_2775 : vector<10x128xf32>
    %add3A_2777 = arith.addf %div3A_2774, %mul3A_2776 : vector<10x128xf32>
    %add3A_2778 = arith.addf %add3A_2654, %add3A_2777 : vector<10x128xf32>
    %slice3A_2779 = vector.extract_strided_slice %min3A_18 {offsets = [89, 0], sizes = [1, 128], strides = [1, 1]} : vector<128x128xf32> to vector<1x128xf32>
    %mul3A_2780 = vector.broadcast %slice3A_2779 : vector<1x128xf32> to vector<10x128xf32>
    %mul3A_2781 = arith.mulf %get3A_3, %mul3A_2780 : vector<10x128xf32>
    %add3A_2782 = arith.addf %mul3A_2781, %get3A_6 : vector<10x128xf32>
    %mul3A_2783 = vector.broadcast %slice3A_2779 : vector<1x128xf32> to vector<10x128xf32>
    %mul3A_2784 = arith.mulf %get3A_9, %mul3A_2783 : vector<10x128xf32>
    %add3A_2785 = arith.addf %mul3A_2784, %get3A_12 : vector<10x128xf32>
    %min3A_2786 = arith.minimumf %add3A_2782, %add3A_2785 : vector<10x128xf32>
    %max3A_2787 = arith.constant 0.000000e+00 : f32
    %max3A_2788 = vector.broadcast %max3A_2787 : f32 to vector<10x128xf32>
    %max3A_2789 = arith.maximumf %min3A_2786, %max3A_2788 : vector<10x128xf32>
    %get3A_2790 = arith.constant 0 : index
    %get3A_2791 = arith.constant 11392 : index
    %get3A_2792 = vector.load %arg1[%get3A_2790, %get3A_2791] : memref<10x16384xf32, #tpu.memory_space<vmem>>, vector<10x128xf32>
    %log3A_2793 = math.log %get3A_2792 : vector<10x128xf32>
    %log3A_2794 = arith.constant 2.000000e+00 : f32
    %log3A_2795 = math.log %log3A_2794 : f32
    %div3A_2796 = vector.broadcast %log3A_2795 : f32 to vector<10x128xf32>
    %div3A_2797 = arith.divf %log3A_2793, %div3A_2796 : vector<10x128xf32>
    %sub3A_2798 = arith.constant 1.000000e+00 : f32
    %sub3A_2799 = vector.broadcast %sub3A_2798 : f32 to vector<10x128xf32>
    %sub3A_2800 = arith.subf %sub3A_2799, %get3A_2792 : vector<10x128xf32>
    %log3A_2801 = math.log %sub3A_2800 : vector<10x128xf32>
    %log3A_2802 = arith.constant 2.000000e+00 : f32
    %log3A_2803 = math.log %log3A_2802 : f32
    %div3A_2804 = vector.broadcast %log3A_2803 : f32 to vector<10x128xf32>
    %div3A_2805 = arith.divf %log3A_2801, %div3A_2804 : vector<10x128xf32>
    %sub3A_2806 = arith.subf %div3A_2797, %div3A_2805 : vector<10x128xf32>
    %mul3A_2807 = arith.mulf %max3A_2789, %sub3A_2806 : vector<10x128xf32>
    %add3A_2808 = arith.addf %div3A_2805, %mul3A_2807 : vector<10x128xf32>
    %add3A_2809 = arith.addf %add3A_2685, %add3A_2808 : vector<10x128xf32>
    %slice3A_2810 = vector.extract_strided_slice %min3A_18 {offsets = [90, 0], sizes = [1, 128], strides = [1, 1]} : vector<128x128xf32> to vector<1x128xf32>
    %mul3A_2811 = vector.broadcast %slice3A_2810 : vector<1x128xf32> to vector<10x128xf32>
    %mul3A_2812 = arith.mulf %get3A_3, %mul3A_2811 : vector<10x128xf32>
    %add3A_2813 = arith.addf %mul3A_2812, %get3A_6 : vector<10x128xf32>
    %mul3A_2814 = vector.broadcast %slice3A_2810 : vector<1x128xf32> to vector<10x128xf32>
    %mul3A_2815 = arith.mulf %get3A_9, %mul3A_2814 : vector<10x128xf32>
    %add3A_2816 = arith.addf %mul3A_2815, %get3A_12 : vector<10x128xf32>
    %min3A_2817 = arith.minimumf %add3A_2813, %add3A_2816 : vector<10x128xf32>
    %max3A_2818 = arith.constant 0.000000e+00 : f32
    %max3A_2819 = vector.broadcast %max3A_2818 : f32 to vector<10x128xf32>
    %max3A_2820 = arith.maximumf %min3A_2817, %max3A_2819 : vector<10x128xf32>
    %get3A_2821 = arith.constant 0 : index
    %get3A_2822 = arith.constant 11520 : index
    %get3A_2823 = vector.load %arg1[%get3A_2821, %get3A_2822] : memref<10x16384xf32, #tpu.memory_space<vmem>>, vector<10x128xf32>
    %log3A_2824 = math.log %get3A_2823 : vector<10x128xf32>
    %log3A_2825 = arith.constant 2.000000e+00 : f32
    %log3A_2826 = math.log %log3A_2825 : f32
    %div3A_2827 = vector.broadcast %log3A_2826 : f32 to vector<10x128xf32>
    %div3A_2828 = arith.divf %log3A_2824, %div3A_2827 : vector<10x128xf32>
    %sub3A_2829 = arith.constant 1.000000e+00 : f32
    %sub3A_2830 = vector.broadcast %sub3A_2829 : f32 to vector<10x128xf32>
    %sub3A_2831 = arith.subf %sub3A_2830, %get3A_2823 : vector<10x128xf32>
    %log3A_2832 = math.log %sub3A_2831 : vector<10x128xf32>
    %log3A_2833 = arith.constant 2.000000e+00 : f32
    %log3A_2834 = math.log %log3A_2833 : f32
    %div3A_2835 = vector.broadcast %log3A_2834 : f32 to vector<10x128xf32>
    %div3A_2836 = arith.divf %log3A_2832, %div3A_2835 : vector<10x128xf32>
    %sub3A_2837 = arith.subf %div3A_2828, %div3A_2836 : vector<10x128xf32>
    %mul3A_2838 = arith.mulf %max3A_2820, %sub3A_2837 : vector<10x128xf32>
    %add3A_2839 = arith.addf %div3A_2836, %mul3A_2838 : vector<10x128xf32>
    %add3A_2840 = arith.addf %add3A_2716, %add3A_2839 : vector<10x128xf32>
    %slice3A_2841 = vector.extract_strided_slice %min3A_18 {offsets = [91, 0], sizes = [1, 128], strides = [1, 1]} : vector<128x128xf32> to vector<1x128xf32>
    %mul3A_2842 = vector.broadcast %slice3A_2841 : vector<1x128xf32> to vector<10x128xf32>
    %mul3A_2843 = arith.mulf %get3A_3, %mul3A_2842 : vector<10x128xf32>
    %add3A_2844 = arith.addf %mul3A_2843, %get3A_6 : vector<10x128xf32>
    %mul3A_2845 = vector.broadcast %slice3A_2841 : vector<1x128xf32> to vector<10x128xf32>
    %mul3A_2846 = arith.mulf %get3A_9, %mul3A_2845 : vector<10x128xf32>
    %add3A_2847 = arith.addf %mul3A_2846, %get3A_12 : vector<10x128xf32>
    %min3A_2848 = arith.minimumf %add3A_2844, %add3A_2847 : vector<10x128xf32>
    %max3A_2849 = arith.constant 0.000000e+00 : f32
    %max3A_2850 = vector.broadcast %max3A_2849 : f32 to vector<10x128xf32>
    %max3A_2851 = arith.maximumf %min3A_2848, %max3A_2850 : vector<10x128xf32>
    %get3A_2852 = arith.constant 0 : index
    %get3A_2853 = arith.constant 11648 : index
    %get3A_2854 = vector.load %arg1[%get3A_2852, %get3A_2853] : memref<10x16384xf32, #tpu.memory_space<vmem>>, vector<10x128xf32>
    %log3A_2855 = math.log %get3A_2854 : vector<10x128xf32>
    %log3A_2856 = arith.constant 2.000000e+00 : f32
    %log3A_2857 = math.log %log3A_2856 : f32
    %div3A_2858 = vector.broadcast %log3A_2857 : f32 to vector<10x128xf32>
    %div3A_2859 = arith.divf %log3A_2855, %div3A_2858 : vector<10x128xf32>
    %sub3A_2860 = arith.constant 1.000000e+00 : f32
    %sub3A_2861 = vector.broadcast %sub3A_2860 : f32 to vector<10x128xf32>
    %sub3A_2862 = arith.subf %sub3A_2861, %get3A_2854 : vector<10x128xf32>
    %log3A_2863 = math.log %sub3A_2862 : vector<10x128xf32>
    %log3A_2864 = arith.constant 2.000000e+00 : f32
    %log3A_2865 = math.log %log3A_2864 : f32
    %div3A_2866 = vector.broadcast %log3A_2865 : f32 to vector<10x128xf32>
    %div3A_2867 = arith.divf %log3A_2863, %div3A_2866 : vector<10x128xf32>
    %sub3A_2868 = arith.subf %div3A_2859, %div3A_2867 : vector<10x128xf32>
    %mul3A_2869 = arith.mulf %max3A_2851, %sub3A_2868 : vector<10x128xf32>
    %add3A_2870 = arith.addf %div3A_2867, %mul3A_2869 : vector<10x128xf32>
    %add3A_2871 = arith.addf %add3A_2747, %add3A_2870 : vector<10x128xf32>
    %slice3A_2872 = vector.extract_strided_slice %min3A_18 {offsets = [92, 0], sizes = [1, 128], strides = [1, 1]} : vector<128x128xf32> to vector<1x128xf32>
    %mul3A_2873 = vector.broadcast %slice3A_2872 : vector<1x128xf32> to vector<10x128xf32>
    %mul3A_2874 = arith.mulf %get3A_3, %mul3A_2873 : vector<10x128xf32>
    %add3A_2875 = arith.addf %mul3A_2874, %get3A_6 : vector<10x128xf32>
    %mul3A_2876 = vector.broadcast %slice3A_2872 : vector<1x128xf32> to vector<10x128xf32>
    %mul3A_2877 = arith.mulf %get3A_9, %mul3A_2876 : vector<10x128xf32>
    %add3A_2878 = arith.addf %mul3A_2877, %get3A_12 : vector<10x128xf32>
    %min3A_2879 = arith.minimumf %add3A_2875, %add3A_2878 : vector<10x128xf32>
    %max3A_2880 = arith.constant 0.000000e+00 : f32
    %max3A_2881 = vector.broadcast %max3A_2880 : f32 to vector<10x128xf32>
    %max3A_2882 = arith.maximumf %min3A_2879, %max3A_2881 : vector<10x128xf32>
    %get3A_2883 = arith.constant 0 : index
    %get3A_2884 = arith.constant 11776 : index
    %get3A_2885 = vector.load %arg1[%get3A_2883, %get3A_2884] : memref<10x16384xf32, #tpu.memory_space<vmem>>, vector<10x128xf32>
    %log3A_2886 = math.log %get3A_2885 : vector<10x128xf32>
    %log3A_2887 = arith.constant 2.000000e+00 : f32
    %log3A_2888 = math.log %log3A_2887 : f32
    %div3A_2889 = vector.broadcast %log3A_2888 : f32 to vector<10x128xf32>
    %div3A_2890 = arith.divf %log3A_2886, %div3A_2889 : vector<10x128xf32>
    %sub3A_2891 = arith.constant 1.000000e+00 : f32
    %sub3A_2892 = vector.broadcast %sub3A_2891 : f32 to vector<10x128xf32>
    %sub3A_2893 = arith.subf %sub3A_2892, %get3A_2885 : vector<10x128xf32>
    %log3A_2894 = math.log %sub3A_2893 : vector<10x128xf32>
    %log3A_2895 = arith.constant 2.000000e+00 : f32
    %log3A_2896 = math.log %log3A_2895 : f32
    %div3A_2897 = vector.broadcast %log3A_2896 : f32 to vector<10x128xf32>
    %div3A_2898 = arith.divf %log3A_2894, %div3A_2897 : vector<10x128xf32>
    %sub3A_2899 = arith.subf %div3A_2890, %div3A_2898 : vector<10x128xf32>
    %mul3A_2900 = arith.mulf %max3A_2882, %sub3A_2899 : vector<10x128xf32>
    %add3A_2901 = arith.addf %div3A_2898, %mul3A_2900 : vector<10x128xf32>
    %add3A_2902 = arith.addf %add3A_2778, %add3A_2901 : vector<10x128xf32>
    %slice3A_2903 = vector.extract_strided_slice %min3A_18 {offsets = [93, 0], sizes = [1, 128], strides = [1, 1]} : vector<128x128xf32> to vector<1x128xf32>
    %mul3A_2904 = vector.broadcast %slice3A_2903 : vector<1x128xf32> to vector<10x128xf32>
    %mul3A_2905 = arith.mulf %get3A_3, %mul3A_2904 : vector<10x128xf32>
    %add3A_2906 = arith.addf %mul3A_2905, %get3A_6 : vector<10x128xf32>
    %mul3A_2907 = vector.broadcast %slice3A_2903 : vector<1x128xf32> to vector<10x128xf32>
    %mul3A_2908 = arith.mulf %get3A_9, %mul3A_2907 : vector<10x128xf32>
    %add3A_2909 = arith.addf %mul3A_2908, %get3A_12 : vector<10x128xf32>
    %min3A_2910 = arith.minimumf %add3A_2906, %add3A_2909 : vector<10x128xf32>
    %max3A_2911 = arith.constant 0.000000e+00 : f32
    %max3A_2912 = vector.broadcast %max3A_2911 : f32 to vector<10x128xf32>
    %max3A_2913 = arith.maximumf %min3A_2910, %max3A_2912 : vector<10x128xf32>
    %get3A_2914 = arith.constant 0 : index
    %get3A_2915 = arith.constant 11904 : index
    %get3A_2916 = vector.load %arg1[%get3A_2914, %get3A_2915] : memref<10x16384xf32, #tpu.memory_space<vmem>>, vector<10x128xf32>
    %log3A_2917 = math.log %get3A_2916 : vector<10x128xf32>
    %log3A_2918 = arith.constant 2.000000e+00 : f32
    %log3A_2919 = math.log %log3A_2918 : f32
    %div3A_2920 = vector.broadcast %log3A_2919 : f32 to vector<10x128xf32>
    %div3A_2921 = arith.divf %log3A_2917, %div3A_2920 : vector<10x128xf32>
    %sub3A_2922 = arith.constant 1.000000e+00 : f32
    %sub3A_2923 = vector.broadcast %sub3A_2922 : f32 to vector<10x128xf32>
    %sub3A_2924 = arith.subf %sub3A_2923, %get3A_2916 : vector<10x128xf32>
    %log3A_2925 = math.log %sub3A_2924 : vector<10x128xf32>
    %log3A_2926 = arith.constant 2.000000e+00 : f32
    %log3A_2927 = math.log %log3A_2926 : f32
    %div3A_2928 = vector.broadcast %log3A_2927 : f32 to vector<10x128xf32>
    %div3A_2929 = arith.divf %log3A_2925, %div3A_2928 : vector<10x128xf32>
    %sub3A_2930 = arith.subf %div3A_2921, %div3A_2929 : vector<10x128xf32>
    %mul3A_2931 = arith.mulf %max3A_2913, %sub3A_2930 : vector<10x128xf32>
    %add3A_2932 = arith.addf %div3A_2929, %mul3A_2931 : vector<10x128xf32>
    %add3A_2933 = arith.addf %add3A_2809, %add3A_2932 : vector<10x128xf32>
    %slice3A_2934 = vector.extract_strided_slice %min3A_18 {offsets = [94, 0], sizes = [1, 128], strides = [1, 1]} : vector<128x128xf32> to vector<1x128xf32>
    %mul3A_2935 = vector.broadcast %slice3A_2934 : vector<1x128xf32> to vector<10x128xf32>
    %mul3A_2936 = arith.mulf %get3A_3, %mul3A_2935 : vector<10x128xf32>
    %add3A_2937 = arith.addf %mul3A_2936, %get3A_6 : vector<10x128xf32>
    %mul3A_2938 = vector.broadcast %slice3A_2934 : vector<1x128xf32> to vector<10x128xf32>
    %mul3A_2939 = arith.mulf %get3A_9, %mul3A_2938 : vector<10x128xf32>
    %add3A_2940 = arith.addf %mul3A_2939, %get3A_12 : vector<10x128xf32>
    %min3A_2941 = arith.minimumf %add3A_2937, %add3A_2940 : vector<10x128xf32>
    %max3A_2942 = arith.constant 0.000000e+00 : f32
    %max3A_2943 = vector.broadcast %max3A_2942 : f32 to vector<10x128xf32>
    %max3A_2944 = arith.maximumf %min3A_2941, %max3A_2943 : vector<10x128xf32>
    %get3A_2945 = arith.constant 0 : index
    %get3A_2946 = arith.constant 12032 : index
    %get3A_2947 = vector.load %arg1[%get3A_2945, %get3A_2946] : memref<10x16384xf32, #tpu.memory_space<vmem>>, vector<10x128xf32>
    %log3A_2948 = math.log %get3A_2947 : vector<10x128xf32>
    %log3A_2949 = arith.constant 2.000000e+00 : f32
    %log3A_2950 = math.log %log3A_2949 : f32
    %div3A_2951 = vector.broadcast %log3A_2950 : f32 to vector<10x128xf32>
    %div3A_2952 = arith.divf %log3A_2948, %div3A_2951 : vector<10x128xf32>
    %sub3A_2953 = arith.constant 1.000000e+00 : f32
    %sub3A_2954 = vector.broadcast %sub3A_2953 : f32 to vector<10x128xf32>
    %sub3A_2955 = arith.subf %sub3A_2954, %get3A_2947 : vector<10x128xf32>
    %log3A_2956 = math.log %sub3A_2955 : vector<10x128xf32>
    %log3A_2957 = arith.constant 2.000000e+00 : f32
    %log3A_2958 = math.log %log3A_2957 : f32
    %div3A_2959 = vector.broadcast %log3A_2958 : f32 to vector<10x128xf32>
    %div3A_2960 = arith.divf %log3A_2956, %div3A_2959 : vector<10x128xf32>
    %sub3A_2961 = arith.subf %div3A_2952, %div3A_2960 : vector<10x128xf32>
    %mul3A_2962 = arith.mulf %max3A_2944, %sub3A_2961 : vector<10x128xf32>
    %add3A_2963 = arith.addf %div3A_2960, %mul3A_2962 : vector<10x128xf32>
    %add3A_2964 = arith.addf %add3A_2840, %add3A_2963 : vector<10x128xf32>
    %slice3A_2965 = vector.extract_strided_slice %min3A_18 {offsets = [95, 0], sizes = [1, 128], strides = [1, 1]} : vector<128x128xf32> to vector<1x128xf32>
    %mul3A_2966 = vector.broadcast %slice3A_2965 : vector<1x128xf32> to vector<10x128xf32>
    %mul3A_2967 = arith.mulf %get3A_3, %mul3A_2966 : vector<10x128xf32>
    %add3A_2968 = arith.addf %mul3A_2967, %get3A_6 : vector<10x128xf32>
    %mul3A_2969 = vector.broadcast %slice3A_2965 : vector<1x128xf32> to vector<10x128xf32>
    %mul3A_2970 = arith.mulf %get3A_9, %mul3A_2969 : vector<10x128xf32>
    %add3A_2971 = arith.addf %mul3A_2970, %get3A_12 : vector<10x128xf32>
    %min3A_2972 = arith.minimumf %add3A_2968, %add3A_2971 : vector<10x128xf32>
    %max3A_2973 = arith.constant 0.000000e+00 : f32
    %max3A_2974 = vector.broadcast %max3A_2973 : f32 to vector<10x128xf32>
    %max3A_2975 = arith.maximumf %min3A_2972, %max3A_2974 : vector<10x128xf32>
    %get3A_2976 = arith.constant 0 : index
    %get3A_2977 = arith.constant 12160 : index
    %get3A_2978 = vector.load %arg1[%get3A_2976, %get3A_2977] : memref<10x16384xf32, #tpu.memory_space<vmem>>, vector<10x128xf32>
    %log3A_2979 = math.log %get3A_2978 : vector<10x128xf32>
    %log3A_2980 = arith.constant 2.000000e+00 : f32
    %log3A_2981 = math.log %log3A_2980 : f32
    %div3A_2982 = vector.broadcast %log3A_2981 : f32 to vector<10x128xf32>
    %div3A_2983 = arith.divf %log3A_2979, %div3A_2982 : vector<10x128xf32>
    %sub3A_2984 = arith.constant 1.000000e+00 : f32
    %sub3A_2985 = vector.broadcast %sub3A_2984 : f32 to vector<10x128xf32>
    %sub3A_2986 = arith.subf %sub3A_2985, %get3A_2978 : vector<10x128xf32>
    %log3A_2987 = math.log %sub3A_2986 : vector<10x128xf32>
    %log3A_2988 = arith.constant 2.000000e+00 : f32
    %log3A_2989 = math.log %log3A_2988 : f32
    %div3A_2990 = vector.broadcast %log3A_2989 : f32 to vector<10x128xf32>
    %div3A_2991 = arith.divf %log3A_2987, %div3A_2990 : vector<10x128xf32>
    %sub3A_2992 = arith.subf %div3A_2983, %div3A_2991 : vector<10x128xf32>
    %mul3A_2993 = arith.mulf %max3A_2975, %sub3A_2992 : vector<10x128xf32>
    %add3A_2994 = arith.addf %div3A_2991, %mul3A_2993 : vector<10x128xf32>
    %add3A_2995 = arith.addf %add3A_2871, %add3A_2994 : vector<10x128xf32>
    %slice3A_2996 = vector.extract_strided_slice %min3A_18 {offsets = [96, 0], sizes = [1, 128], strides = [1, 1]} : vector<128x128xf32> to vector<1x128xf32>
    %mul3A_2997 = vector.broadcast %slice3A_2996 : vector<1x128xf32> to vector<10x128xf32>
    %mul3A_2998 = arith.mulf %get3A_3, %mul3A_2997 : vector<10x128xf32>
    %add3A_2999 = arith.addf %mul3A_2998, %get3A_6 : vector<10x128xf32>
    %mul3A_3000 = vector.broadcast %slice3A_2996 : vector<1x128xf32> to vector<10x128xf32>
    %mul3A_3001 = arith.mulf %get3A_9, %mul3A_3000 : vector<10x128xf32>
    %add3A_3002 = arith.addf %mul3A_3001, %get3A_12 : vector<10x128xf32>
    %min3A_3003 = arith.minimumf %add3A_2999, %add3A_3002 : vector<10x128xf32>
    %max3A_3004 = arith.constant 0.000000e+00 : f32
    %max3A_3005 = vector.broadcast %max3A_3004 : f32 to vector<10x128xf32>
    %max3A_3006 = arith.maximumf %min3A_3003, %max3A_3005 : vector<10x128xf32>
    %get3A_3007 = arith.constant 0 : index
    %get3A_3008 = arith.constant 12288 : index
    %get3A_3009 = vector.load %arg1[%get3A_3007, %get3A_3008] : memref<10x16384xf32, #tpu.memory_space<vmem>>, vector<10x128xf32>
    %log3A_3010 = math.log %get3A_3009 : vector<10x128xf32>
    %log3A_3011 = arith.constant 2.000000e+00 : f32
    %log3A_3012 = math.log %log3A_3011 : f32
    %div3A_3013 = vector.broadcast %log3A_3012 : f32 to vector<10x128xf32>
    %div3A_3014 = arith.divf %log3A_3010, %div3A_3013 : vector<10x128xf32>
    %sub3A_3015 = arith.constant 1.000000e+00 : f32
    %sub3A_3016 = vector.broadcast %sub3A_3015 : f32 to vector<10x128xf32>
    %sub3A_3017 = arith.subf %sub3A_3016, %get3A_3009 : vector<10x128xf32>
    %log3A_3018 = math.log %sub3A_3017 : vector<10x128xf32>
    %log3A_3019 = arith.constant 2.000000e+00 : f32
    %log3A_3020 = math.log %log3A_3019 : f32
    %div3A_3021 = vector.broadcast %log3A_3020 : f32 to vector<10x128xf32>
    %div3A_3022 = arith.divf %log3A_3018, %div3A_3021 : vector<10x128xf32>
    %sub3A_3023 = arith.subf %div3A_3014, %div3A_3022 : vector<10x128xf32>
    %mul3A_3024 = arith.mulf %max3A_3006, %sub3A_3023 : vector<10x128xf32>
    %add3A_3025 = arith.addf %div3A_3022, %mul3A_3024 : vector<10x128xf32>
    %add3A_3026 = arith.addf %add3A_2902, %add3A_3025 : vector<10x128xf32>
    %slice3A_3027 = vector.extract_strided_slice %min3A_18 {offsets = [97, 0], sizes = [1, 128], strides = [1, 1]} : vector<128x128xf32> to vector<1x128xf32>
    %mul3A_3028 = vector.broadcast %slice3A_3027 : vector<1x128xf32> to vector<10x128xf32>
    %mul3A_3029 = arith.mulf %get3A_3, %mul3A_3028 : vector<10x128xf32>
    %add3A_3030 = arith.addf %mul3A_3029, %get3A_6 : vector<10x128xf32>
    %mul3A_3031 = vector.broadcast %slice3A_3027 : vector<1x128xf32> to vector<10x128xf32>
    %mul3A_3032 = arith.mulf %get3A_9, %mul3A_3031 : vector<10x128xf32>
    %add3A_3033 = arith.addf %mul3A_3032, %get3A_12 : vector<10x128xf32>
    %min3A_3034 = arith.minimumf %add3A_3030, %add3A_3033 : vector<10x128xf32>
    %max3A_3035 = arith.constant 0.000000e+00 : f32
    %max3A_3036 = vector.broadcast %max3A_3035 : f32 to vector<10x128xf32>
    %max3A_3037 = arith.maximumf %min3A_3034, %max3A_3036 : vector<10x128xf32>
    %get3A_3038 = arith.constant 0 : index
    %get3A_3039 = arith.constant 12416 : index
    %get3A_3040 = vector.load %arg1[%get3A_3038, %get3A_3039] : memref<10x16384xf32, #tpu.memory_space<vmem>>, vector<10x128xf32>
    %log3A_3041 = math.log %get3A_3040 : vector<10x128xf32>
    %log3A_3042 = arith.constant 2.000000e+00 : f32
    %log3A_3043 = math.log %log3A_3042 : f32
    %div3A_3044 = vector.broadcast %log3A_3043 : f32 to vector<10x128xf32>
    %div3A_3045 = arith.divf %log3A_3041, %div3A_3044 : vector<10x128xf32>
    %sub3A_3046 = arith.constant 1.000000e+00 : f32
    %sub3A_3047 = vector.broadcast %sub3A_3046 : f32 to vector<10x128xf32>
    %sub3A_3048 = arith.subf %sub3A_3047, %get3A_3040 : vector<10x128xf32>
    %log3A_3049 = math.log %sub3A_3048 : vector<10x128xf32>
    %log3A_3050 = arith.constant 2.000000e+00 : f32
    %log3A_3051 = math.log %log3A_3050 : f32
    %div3A_3052 = vector.broadcast %log3A_3051 : f32 to vector<10x128xf32>
    %div3A_3053 = arith.divf %log3A_3049, %div3A_3052 : vector<10x128xf32>
    %sub3A_3054 = arith.subf %div3A_3045, %div3A_3053 : vector<10x128xf32>
    %mul3A_3055 = arith.mulf %max3A_3037, %sub3A_3054 : vector<10x128xf32>
    %add3A_3056 = arith.addf %div3A_3053, %mul3A_3055 : vector<10x128xf32>
    %add3A_3057 = arith.addf %add3A_2933, %add3A_3056 : vector<10x128xf32>
    %slice3A_3058 = vector.extract_strided_slice %min3A_18 {offsets = [98, 0], sizes = [1, 128], strides = [1, 1]} : vector<128x128xf32> to vector<1x128xf32>
    %mul3A_3059 = vector.broadcast %slice3A_3058 : vector<1x128xf32> to vector<10x128xf32>
    %mul3A_3060 = arith.mulf %get3A_3, %mul3A_3059 : vector<10x128xf32>
    %add3A_3061 = arith.addf %mul3A_3060, %get3A_6 : vector<10x128xf32>
    %mul3A_3062 = vector.broadcast %slice3A_3058 : vector<1x128xf32> to vector<10x128xf32>
    %mul3A_3063 = arith.mulf %get3A_9, %mul3A_3062 : vector<10x128xf32>
    %add3A_3064 = arith.addf %mul3A_3063, %get3A_12 : vector<10x128xf32>
    %min3A_3065 = arith.minimumf %add3A_3061, %add3A_3064 : vector<10x128xf32>
    %max3A_3066 = arith.constant 0.000000e+00 : f32
    %max3A_3067 = vector.broadcast %max3A_3066 : f32 to vector<10x128xf32>
    %max3A_3068 = arith.maximumf %min3A_3065, %max3A_3067 : vector<10x128xf32>
    %get3A_3069 = arith.constant 0 : index
    %get3A_3070 = arith.constant 12544 : index
    %get3A_3071 = vector.load %arg1[%get3A_3069, %get3A_3070] : memref<10x16384xf32, #tpu.memory_space<vmem>>, vector<10x128xf32>
    %log3A_3072 = math.log %get3A_3071 : vector<10x128xf32>
    %log3A_3073 = arith.constant 2.000000e+00 : f32
    %log3A_3074 = math.log %log3A_3073 : f32
    %div3A_3075 = vector.broadcast %log3A_3074 : f32 to vector<10x128xf32>
    %div3A_3076 = arith.divf %log3A_3072, %div3A_3075 : vector<10x128xf32>
    %sub3A_3077 = arith.constant 1.000000e+00 : f32
    %sub3A_3078 = vector.broadcast %sub3A_3077 : f32 to vector<10x128xf32>
    %sub3A_3079 = arith.subf %sub3A_3078, %get3A_3071 : vector<10x128xf32>
    %log3A_3080 = math.log %sub3A_3079 : vector<10x128xf32>
    %log3A_3081 = arith.constant 2.000000e+00 : f32
    %log3A_3082 = math.log %log3A_3081 : f32
    %div3A_3083 = vector.broadcast %log3A_3082 : f32 to vector<10x128xf32>
    %div3A_3084 = arith.divf %log3A_3080, %div3A_3083 : vector<10x128xf32>
    %sub3A_3085 = arith.subf %div3A_3076, %div3A_3084 : vector<10x128xf32>
    %mul3A_3086 = arith.mulf %max3A_3068, %sub3A_3085 : vector<10x128xf32>
    %add3A_3087 = arith.addf %div3A_3084, %mul3A_3086 : vector<10x128xf32>
    %add3A_3088 = arith.addf %add3A_2964, %add3A_3087 : vector<10x128xf32>
    %slice3A_3089 = vector.extract_strided_slice %min3A_18 {offsets = [99, 0], sizes = [1, 128], strides = [1, 1]} : vector<128x128xf32> to vector<1x128xf32>
    %mul3A_3090 = vector.broadcast %slice3A_3089 : vector<1x128xf32> to vector<10x128xf32>
    %mul3A_3091 = arith.mulf %get3A_3, %mul3A_3090 : vector<10x128xf32>
    %add3A_3092 = arith.addf %mul3A_3091, %get3A_6 : vector<10x128xf32>
    %mul3A_3093 = vector.broadcast %slice3A_3089 : vector<1x128xf32> to vector<10x128xf32>
    %mul3A_3094 = arith.mulf %get3A_9, %mul3A_3093 : vector<10x128xf32>
    %add3A_3095 = arith.addf %mul3A_3094, %get3A_12 : vector<10x128xf32>
    %min3A_3096 = arith.minimumf %add3A_3092, %add3A_3095 : vector<10x128xf32>
    %max3A_3097 = arith.constant 0.000000e+00 : f32
    %max3A_3098 = vector.broadcast %max3A_3097 : f32 to vector<10x128xf32>
    %max3A_3099 = arith.maximumf %min3A_3096, %max3A_3098 : vector<10x128xf32>
    %get3A_3100 = arith.constant 0 : index
    %get3A_3101 = arith.constant 12672 : index
    %get3A_3102 = vector.load %arg1[%get3A_3100, %get3A_3101] : memref<10x16384xf32, #tpu.memory_space<vmem>>, vector<10x128xf32>
    %log3A_3103 = math.log %get3A_3102 : vector<10x128xf32>
    %log3A_3104 = arith.constant 2.000000e+00 : f32
    %log3A_3105 = math.log %log3A_3104 : f32
    %div3A_3106 = vector.broadcast %log3A_3105 : f32 to vector<10x128xf32>
    %div3A_3107 = arith.divf %log3A_3103, %div3A_3106 : vector<10x128xf32>
    %sub3A_3108 = arith.constant 1.000000e+00 : f32
    %sub3A_3109 = vector.broadcast %sub3A_3108 : f32 to vector<10x128xf32>
    %sub3A_3110 = arith.subf %sub3A_3109, %get3A_3102 : vector<10x128xf32>
    %log3A_3111 = math.log %sub3A_3110 : vector<10x128xf32>
    %log3A_3112 = arith.constant 2.000000e+00 : f32
    %log3A_3113 = math.log %log3A_3112 : f32
    %div3A_3114 = vector.broadcast %log3A_3113 : f32 to vector<10x128xf32>
    %div3A_3115 = arith.divf %log3A_3111, %div3A_3114 : vector<10x128xf32>
    %sub3A_3116 = arith.subf %div3A_3107, %div3A_3115 : vector<10x128xf32>
    %mul3A_3117 = arith.mulf %max3A_3099, %sub3A_3116 : vector<10x128xf32>
    %add3A_3118 = arith.addf %div3A_3115, %mul3A_3117 : vector<10x128xf32>
    %add3A_3119 = arith.addf %add3A_2995, %add3A_3118 : vector<10x128xf32>
    %slice3A_3120 = vector.extract_strided_slice %min3A_18 {offsets = [100, 0], sizes = [1, 128], strides = [1, 1]} : vector<128x128xf32> to vector<1x128xf32>
    %mul3A_3121 = vector.broadcast %slice3A_3120 : vector<1x128xf32> to vector<10x128xf32>
    %mul3A_3122 = arith.mulf %get3A_3, %mul3A_3121 : vector<10x128xf32>
    %add3A_3123 = arith.addf %mul3A_3122, %get3A_6 : vector<10x128xf32>
    %mul3A_3124 = vector.broadcast %slice3A_3120 : vector<1x128xf32> to vector<10x128xf32>
    %mul3A_3125 = arith.mulf %get3A_9, %mul3A_3124 : vector<10x128xf32>
    %add3A_3126 = arith.addf %mul3A_3125, %get3A_12 : vector<10x128xf32>
    %min3A_3127 = arith.minimumf %add3A_3123, %add3A_3126 : vector<10x128xf32>
    %max3A_3128 = arith.constant 0.000000e+00 : f32
    %max3A_3129 = vector.broadcast %max3A_3128 : f32 to vector<10x128xf32>
    %max3A_3130 = arith.maximumf %min3A_3127, %max3A_3129 : vector<10x128xf32>
    %get3A_3131 = arith.constant 0 : index
    %get3A_3132 = arith.constant 12800 : index
    %get3A_3133 = vector.load %arg1[%get3A_3131, %get3A_3132] : memref<10x16384xf32, #tpu.memory_space<vmem>>, vector<10x128xf32>
    %log3A_3134 = math.log %get3A_3133 : vector<10x128xf32>
    %log3A_3135 = arith.constant 2.000000e+00 : f32
    %log3A_3136 = math.log %log3A_3135 : f32
    %div3A_3137 = vector.broadcast %log3A_3136 : f32 to vector<10x128xf32>
    %div3A_3138 = arith.divf %log3A_3134, %div3A_3137 : vector<10x128xf32>
    %sub3A_3139 = arith.constant 1.000000e+00 : f32
    %sub3A_3140 = vector.broadcast %sub3A_3139 : f32 to vector<10x128xf32>
    %sub3A_3141 = arith.subf %sub3A_3140, %get3A_3133 : vector<10x128xf32>
    %log3A_3142 = math.log %sub3A_3141 : vector<10x128xf32>
    %log3A_3143 = arith.constant 2.000000e+00 : f32
    %log3A_3144 = math.log %log3A_3143 : f32
    %div3A_3145 = vector.broadcast %log3A_3144 : f32 to vector<10x128xf32>
    %div3A_3146 = arith.divf %log3A_3142, %div3A_3145 : vector<10x128xf32>
    %sub3A_3147 = arith.subf %div3A_3138, %div3A_3146 : vector<10x128xf32>
    %mul3A_3148 = arith.mulf %max3A_3130, %sub3A_3147 : vector<10x128xf32>
    %add3A_3149 = arith.addf %div3A_3146, %mul3A_3148 : vector<10x128xf32>
    %add3A_3150 = arith.addf %add3A_3026, %add3A_3149 : vector<10x128xf32>
    %slice3A_3151 = vector.extract_strided_slice %min3A_18 {offsets = [101, 0], sizes = [1, 128], strides = [1, 1]} : vector<128x128xf32> to vector<1x128xf32>
    %mul3A_3152 = vector.broadcast %slice3A_3151 : vector<1x128xf32> to vector<10x128xf32>
    %mul3A_3153 = arith.mulf %get3A_3, %mul3A_3152 : vector<10x128xf32>
    %add3A_3154 = arith.addf %mul3A_3153, %get3A_6 : vector<10x128xf32>
    %mul3A_3155 = vector.broadcast %slice3A_3151 : vector<1x128xf32> to vector<10x128xf32>
    %mul3A_3156 = arith.mulf %get3A_9, %mul3A_3155 : vector<10x128xf32>
    %add3A_3157 = arith.addf %mul3A_3156, %get3A_12 : vector<10x128xf32>
    %min3A_3158 = arith.minimumf %add3A_3154, %add3A_3157 : vector<10x128xf32>
    %max3A_3159 = arith.constant 0.000000e+00 : f32
    %max3A_3160 = vector.broadcast %max3A_3159 : f32 to vector<10x128xf32>
    %max3A_3161 = arith.maximumf %min3A_3158, %max3A_3160 : vector<10x128xf32>
    %get3A_3162 = arith.constant 0 : index
    %get3A_3163 = arith.constant 12928 : index
    %get3A_3164 = vector.load %arg1[%get3A_3162, %get3A_3163] : memref<10x16384xf32, #tpu.memory_space<vmem>>, vector<10x128xf32>
    %log3A_3165 = math.log %get3A_3164 : vector<10x128xf32>
    %log3A_3166 = arith.constant 2.000000e+00 : f32
    %log3A_3167 = math.log %log3A_3166 : f32
    %div3A_3168 = vector.broadcast %log3A_3167 : f32 to vector<10x128xf32>
    %div3A_3169 = arith.divf %log3A_3165, %div3A_3168 : vector<10x128xf32>
    %sub3A_3170 = arith.constant 1.000000e+00 : f32
    %sub3A_3171 = vector.broadcast %sub3A_3170 : f32 to vector<10x128xf32>
    %sub3A_3172 = arith.subf %sub3A_3171, %get3A_3164 : vector<10x128xf32>
    %log3A_3173 = math.log %sub3A_3172 : vector<10x128xf32>
    %log3A_3174 = arith.constant 2.000000e+00 : f32
    %log3A_3175 = math.log %log3A_3174 : f32
    %div3A_3176 = vector.broadcast %log3A_3175 : f32 to vector<10x128xf32>
    %div3A_3177 = arith.divf %log3A_3173, %div3A_3176 : vector<10x128xf32>
    %sub3A_3178 = arith.subf %div3A_3169, %div3A_3177 : vector<10x128xf32>
    %mul3A_3179 = arith.mulf %max3A_3161, %sub3A_3178 : vector<10x128xf32>
    %add3A_3180 = arith.addf %div3A_3177, %mul3A_3179 : vector<10x128xf32>
    %add3A_3181 = arith.addf %add3A_3057, %add3A_3180 : vector<10x128xf32>
    %slice3A_3182 = vector.extract_strided_slice %min3A_18 {offsets = [102, 0], sizes = [1, 128], strides = [1, 1]} : vector<128x128xf32> to vector<1x128xf32>
    %mul3A_3183 = vector.broadcast %slice3A_3182 : vector<1x128xf32> to vector<10x128xf32>
    %mul3A_3184 = arith.mulf %get3A_3, %mul3A_3183 : vector<10x128xf32>
    %add3A_3185 = arith.addf %mul3A_3184, %get3A_6 : vector<10x128xf32>
    %mul3A_3186 = vector.broadcast %slice3A_3182 : vector<1x128xf32> to vector<10x128xf32>
    %mul3A_3187 = arith.mulf %get3A_9, %mul3A_3186 : vector<10x128xf32>
    %add3A_3188 = arith.addf %mul3A_3187, %get3A_12 : vector<10x128xf32>
    %min3A_3189 = arith.minimumf %add3A_3185, %add3A_3188 : vector<10x128xf32>
    %max3A_3190 = arith.constant 0.000000e+00 : f32
    %max3A_3191 = vector.broadcast %max3A_3190 : f32 to vector<10x128xf32>
    %max3A_3192 = arith.maximumf %min3A_3189, %max3A_3191 : vector<10x128xf32>
    %get3A_3193 = arith.constant 0 : index
    %get3A_3194 = arith.constant 13056 : index
    %get3A_3195 = vector.load %arg1[%get3A_3193, %get3A_3194] : memref<10x16384xf32, #tpu.memory_space<vmem>>, vector<10x128xf32>
    %log3A_3196 = math.log %get3A_3195 : vector<10x128xf32>
    %log3A_3197 = arith.constant 2.000000e+00 : f32
    %log3A_3198 = math.log %log3A_3197 : f32
    %div3A_3199 = vector.broadcast %log3A_3198 : f32 to vector<10x128xf32>
    %div3A_3200 = arith.divf %log3A_3196, %div3A_3199 : vector<10x128xf32>
    %sub3A_3201 = arith.constant 1.000000e+00 : f32
    %sub3A_3202 = vector.broadcast %sub3A_3201 : f32 to vector<10x128xf32>
    %sub3A_3203 = arith.subf %sub3A_3202, %get3A_3195 : vector<10x128xf32>
    %log3A_3204 = math.log %sub3A_3203 : vector<10x128xf32>
    %log3A_3205 = arith.constant 2.000000e+00 : f32
    %log3A_3206 = math.log %log3A_3205 : f32
    %div3A_3207 = vector.broadcast %log3A_3206 : f32 to vector<10x128xf32>
    %div3A_3208 = arith.divf %log3A_3204, %div3A_3207 : vector<10x128xf32>
    %sub3A_3209 = arith.subf %div3A_3200, %div3A_3208 : vector<10x128xf32>
    %mul3A_3210 = arith.mulf %max3A_3192, %sub3A_3209 : vector<10x128xf32>
    %add3A_3211 = arith.addf %div3A_3208, %mul3A_3210 : vector<10x128xf32>
    %add3A_3212 = arith.addf %add3A_3088, %add3A_3211 : vector<10x128xf32>
    %slice3A_3213 = vector.extract_strided_slice %min3A_18 {offsets = [103, 0], sizes = [1, 128], strides = [1, 1]} : vector<128x128xf32> to vector<1x128xf32>
    %mul3A_3214 = vector.broadcast %slice3A_3213 : vector<1x128xf32> to vector<10x128xf32>
    %mul3A_3215 = arith.mulf %get3A_3, %mul3A_3214 : vector<10x128xf32>
    %add3A_3216 = arith.addf %mul3A_3215, %get3A_6 : vector<10x128xf32>
    %mul3A_3217 = vector.broadcast %slice3A_3213 : vector<1x128xf32> to vector<10x128xf32>
    %mul3A_3218 = arith.mulf %get3A_9, %mul3A_3217 : vector<10x128xf32>
    %add3A_3219 = arith.addf %mul3A_3218, %get3A_12 : vector<10x128xf32>
    %min3A_3220 = arith.minimumf %add3A_3216, %add3A_3219 : vector<10x128xf32>
    %max3A_3221 = arith.constant 0.000000e+00 : f32
    %max3A_3222 = vector.broadcast %max3A_3221 : f32 to vector<10x128xf32>
    %max3A_3223 = arith.maximumf %min3A_3220, %max3A_3222 : vector<10x128xf32>
    %get3A_3224 = arith.constant 0 : index
    %get3A_3225 = arith.constant 13184 : index
    %get3A_3226 = vector.load %arg1[%get3A_3224, %get3A_3225] : memref<10x16384xf32, #tpu.memory_space<vmem>>, vector<10x128xf32>
    %log3A_3227 = math.log %get3A_3226 : vector<10x128xf32>
    %log3A_3228 = arith.constant 2.000000e+00 : f32
    %log3A_3229 = math.log %log3A_3228 : f32
    %div3A_3230 = vector.broadcast %log3A_3229 : f32 to vector<10x128xf32>
    %div3A_3231 = arith.divf %log3A_3227, %div3A_3230 : vector<10x128xf32>
    %sub3A_3232 = arith.constant 1.000000e+00 : f32
    %sub3A_3233 = vector.broadcast %sub3A_3232 : f32 to vector<10x128xf32>
    %sub3A_3234 = arith.subf %sub3A_3233, %get3A_3226 : vector<10x128xf32>
    %log3A_3235 = math.log %sub3A_3234 : vector<10x128xf32>
    %log3A_3236 = arith.constant 2.000000e+00 : f32
    %log3A_3237 = math.log %log3A_3236 : f32
    %div3A_3238 = vector.broadcast %log3A_3237 : f32 to vector<10x128xf32>
    %div3A_3239 = arith.divf %log3A_3235, %div3A_3238 : vector<10x128xf32>
    %sub3A_3240 = arith.subf %div3A_3231, %div3A_3239 : vector<10x128xf32>
    %mul3A_3241 = arith.mulf %max3A_3223, %sub3A_3240 : vector<10x128xf32>
    %add3A_3242 = arith.addf %div3A_3239, %mul3A_3241 : vector<10x128xf32>
    %add3A_3243 = arith.addf %add3A_3119, %add3A_3242 : vector<10x128xf32>
    %slice3A_3244 = vector.extract_strided_slice %min3A_18 {offsets = [104, 0], sizes = [1, 128], strides = [1, 1]} : vector<128x128xf32> to vector<1x128xf32>
    %mul3A_3245 = vector.broadcast %slice3A_3244 : vector<1x128xf32> to vector<10x128xf32>
    %mul3A_3246 = arith.mulf %get3A_3, %mul3A_3245 : vector<10x128xf32>
    %add3A_3247 = arith.addf %mul3A_3246, %get3A_6 : vector<10x128xf32>
    %mul3A_3248 = vector.broadcast %slice3A_3244 : vector<1x128xf32> to vector<10x128xf32>
    %mul3A_3249 = arith.mulf %get3A_9, %mul3A_3248 : vector<10x128xf32>
    %add3A_3250 = arith.addf %mul3A_3249, %get3A_12 : vector<10x128xf32>
    %min3A_3251 = arith.minimumf %add3A_3247, %add3A_3250 : vector<10x128xf32>
    %max3A_3252 = arith.constant 0.000000e+00 : f32
    %max3A_3253 = vector.broadcast %max3A_3252 : f32 to vector<10x128xf32>
    %max3A_3254 = arith.maximumf %min3A_3251, %max3A_3253 : vector<10x128xf32>
    %get3A_3255 = arith.constant 0 : index
    %get3A_3256 = arith.constant 13312 : index
    %get3A_3257 = vector.load %arg1[%get3A_3255, %get3A_3256] : memref<10x16384xf32, #tpu.memory_space<vmem>>, vector<10x128xf32>
    %log3A_3258 = math.log %get3A_3257 : vector<10x128xf32>
    %log3A_3259 = arith.constant 2.000000e+00 : f32
    %log3A_3260 = math.log %log3A_3259 : f32
    %div3A_3261 = vector.broadcast %log3A_3260 : f32 to vector<10x128xf32>
    %div3A_3262 = arith.divf %log3A_3258, %div3A_3261 : vector<10x128xf32>
    %sub3A_3263 = arith.constant 1.000000e+00 : f32
    %sub3A_3264 = vector.broadcast %sub3A_3263 : f32 to vector<10x128xf32>
    %sub3A_3265 = arith.subf %sub3A_3264, %get3A_3257 : vector<10x128xf32>
    %log3A_3266 = math.log %sub3A_3265 : vector<10x128xf32>
    %log3A_3267 = arith.constant 2.000000e+00 : f32
    %log3A_3268 = math.log %log3A_3267 : f32
    %div3A_3269 = vector.broadcast %log3A_3268 : f32 to vector<10x128xf32>
    %div3A_3270 = arith.divf %log3A_3266, %div3A_3269 : vector<10x128xf32>
    %sub3A_3271 = arith.subf %div3A_3262, %div3A_3270 : vector<10x128xf32>
    %mul3A_3272 = arith.mulf %max3A_3254, %sub3A_3271 : vector<10x128xf32>
    %add3A_3273 = arith.addf %div3A_3270, %mul3A_3272 : vector<10x128xf32>
    %add3A_3274 = arith.addf %add3A_3150, %add3A_3273 : vector<10x128xf32>
    %slice3A_3275 = vector.extract_strided_slice %min3A_18 {offsets = [105, 0], sizes = [1, 128], strides = [1, 1]} : vector<128x128xf32> to vector<1x128xf32>
    %mul3A_3276 = vector.broadcast %slice3A_3275 : vector<1x128xf32> to vector<10x128xf32>
    %mul3A_3277 = arith.mulf %get3A_3, %mul3A_3276 : vector<10x128xf32>
    %add3A_3278 = arith.addf %mul3A_3277, %get3A_6 : vector<10x128xf32>
    %mul3A_3279 = vector.broadcast %slice3A_3275 : vector<1x128xf32> to vector<10x128xf32>
    %mul3A_3280 = arith.mulf %get3A_9, %mul3A_3279 : vector<10x128xf32>
    %add3A_3281 = arith.addf %mul3A_3280, %get3A_12 : vector<10x128xf32>
    %min3A_3282 = arith.minimumf %add3A_3278, %add3A_3281 : vector<10x128xf32>
    %max3A_3283 = arith.constant 0.000000e+00 : f32
    %max3A_3284 = vector.broadcast %max3A_3283 : f32 to vector<10x128xf32>
    %max3A_3285 = arith.maximumf %min3A_3282, %max3A_3284 : vector<10x128xf32>
    %get3A_3286 = arith.constant 0 : index
    %get3A_3287 = arith.constant 13440 : index
    %get3A_3288 = vector.load %arg1[%get3A_3286, %get3A_3287] : memref<10x16384xf32, #tpu.memory_space<vmem>>, vector<10x128xf32>
    %log3A_3289 = math.log %get3A_3288 : vector<10x128xf32>
    %log3A_3290 = arith.constant 2.000000e+00 : f32
    %log3A_3291 = math.log %log3A_3290 : f32
    %div3A_3292 = vector.broadcast %log3A_3291 : f32 to vector<10x128xf32>
    %div3A_3293 = arith.divf %log3A_3289, %div3A_3292 : vector<10x128xf32>
    %sub3A_3294 = arith.constant 1.000000e+00 : f32
    %sub3A_3295 = vector.broadcast %sub3A_3294 : f32 to vector<10x128xf32>
    %sub3A_3296 = arith.subf %sub3A_3295, %get3A_3288 : vector<10x128xf32>
    %log3A_3297 = math.log %sub3A_3296 : vector<10x128xf32>
    %log3A_3298 = arith.constant 2.000000e+00 : f32
    %log3A_3299 = math.log %log3A_3298 : f32
    %div3A_3300 = vector.broadcast %log3A_3299 : f32 to vector<10x128xf32>
    %div3A_3301 = arith.divf %log3A_3297, %div3A_3300 : vector<10x128xf32>
    %sub3A_3302 = arith.subf %div3A_3293, %div3A_3301 : vector<10x128xf32>
    %mul3A_3303 = arith.mulf %max3A_3285, %sub3A_3302 : vector<10x128xf32>
    %add3A_3304 = arith.addf %div3A_3301, %mul3A_3303 : vector<10x128xf32>
    %add3A_3305 = arith.addf %add3A_3181, %add3A_3304 : vector<10x128xf32>
    %slice3A_3306 = vector.extract_strided_slice %min3A_18 {offsets = [106, 0], sizes = [1, 128], strides = [1, 1]} : vector<128x128xf32> to vector<1x128xf32>
    %mul3A_3307 = vector.broadcast %slice3A_3306 : vector<1x128xf32> to vector<10x128xf32>
    %mul3A_3308 = arith.mulf %get3A_3, %mul3A_3307 : vector<10x128xf32>
    %add3A_3309 = arith.addf %mul3A_3308, %get3A_6 : vector<10x128xf32>
    %mul3A_3310 = vector.broadcast %slice3A_3306 : vector<1x128xf32> to vector<10x128xf32>
    %mul3A_3311 = arith.mulf %get3A_9, %mul3A_3310 : vector<10x128xf32>
    %add3A_3312 = arith.addf %mul3A_3311, %get3A_12 : vector<10x128xf32>
    %min3A_3313 = arith.minimumf %add3A_3309, %add3A_3312 : vector<10x128xf32>
    %max3A_3314 = arith.constant 0.000000e+00 : f32
    %max3A_3315 = vector.broadcast %max3A_3314 : f32 to vector<10x128xf32>
    %max3A_3316 = arith.maximumf %min3A_3313, %max3A_3315 : vector<10x128xf32>
    %get3A_3317 = arith.constant 0 : index
    %get3A_3318 = arith.constant 13568 : index
    %get3A_3319 = vector.load %arg1[%get3A_3317, %get3A_3318] : memref<10x16384xf32, #tpu.memory_space<vmem>>, vector<10x128xf32>
    %log3A_3320 = math.log %get3A_3319 : vector<10x128xf32>
    %log3A_3321 = arith.constant 2.000000e+00 : f32
    %log3A_3322 = math.log %log3A_3321 : f32
    %div3A_3323 = vector.broadcast %log3A_3322 : f32 to vector<10x128xf32>
    %div3A_3324 = arith.divf %log3A_3320, %div3A_3323 : vector<10x128xf32>
    %sub3A_3325 = arith.constant 1.000000e+00 : f32
    %sub3A_3326 = vector.broadcast %sub3A_3325 : f32 to vector<10x128xf32>
    %sub3A_3327 = arith.subf %sub3A_3326, %get3A_3319 : vector<10x128xf32>
    %log3A_3328 = math.log %sub3A_3327 : vector<10x128xf32>
    %log3A_3329 = arith.constant 2.000000e+00 : f32
    %log3A_3330 = math.log %log3A_3329 : f32
    %div3A_3331 = vector.broadcast %log3A_3330 : f32 to vector<10x128xf32>
    %div3A_3332 = arith.divf %log3A_3328, %div3A_3331 : vector<10x128xf32>
    %sub3A_3333 = arith.subf %div3A_3324, %div3A_3332 : vector<10x128xf32>
    %mul3A_3334 = arith.mulf %max3A_3316, %sub3A_3333 : vector<10x128xf32>
    %add3A_3335 = arith.addf %div3A_3332, %mul3A_3334 : vector<10x128xf32>
    %add3A_3336 = arith.addf %add3A_3212, %add3A_3335 : vector<10x128xf32>
    %slice3A_3337 = vector.extract_strided_slice %min3A_18 {offsets = [107, 0], sizes = [1, 128], strides = [1, 1]} : vector<128x128xf32> to vector<1x128xf32>
    %mul3A_3338 = vector.broadcast %slice3A_3337 : vector<1x128xf32> to vector<10x128xf32>
    %mul3A_3339 = arith.mulf %get3A_3, %mul3A_3338 : vector<10x128xf32>
    %add3A_3340 = arith.addf %mul3A_3339, %get3A_6 : vector<10x128xf32>
    %mul3A_3341 = vector.broadcast %slice3A_3337 : vector<1x128xf32> to vector<10x128xf32>
    %mul3A_3342 = arith.mulf %get3A_9, %mul3A_3341 : vector<10x128xf32>
    %add3A_3343 = arith.addf %mul3A_3342, %get3A_12 : vector<10x128xf32>
    %min3A_3344 = arith.minimumf %add3A_3340, %add3A_3343 : vector<10x128xf32>
    %max3A_3345 = arith.constant 0.000000e+00 : f32
    %max3A_3346 = vector.broadcast %max3A_3345 : f32 to vector<10x128xf32>
    %max3A_3347 = arith.maximumf %min3A_3344, %max3A_3346 : vector<10x128xf32>
    %get3A_3348 = arith.constant 0 : index
    %get3A_3349 = arith.constant 13696 : index
    %get3A_3350 = vector.load %arg1[%get3A_3348, %get3A_3349] : memref<10x16384xf32, #tpu.memory_space<vmem>>, vector<10x128xf32>
    %log3A_3351 = math.log %get3A_3350 : vector<10x128xf32>
    %log3A_3352 = arith.constant 2.000000e+00 : f32
    %log3A_3353 = math.log %log3A_3352 : f32
    %div3A_3354 = vector.broadcast %log3A_3353 : f32 to vector<10x128xf32>
    %div3A_3355 = arith.divf %log3A_3351, %div3A_3354 : vector<10x128xf32>
    %sub3A_3356 = arith.constant 1.000000e+00 : f32
    %sub3A_3357 = vector.broadcast %sub3A_3356 : f32 to vector<10x128xf32>
    %sub3A_3358 = arith.subf %sub3A_3357, %get3A_3350 : vector<10x128xf32>
    %log3A_3359 = math.log %sub3A_3358 : vector<10x128xf32>
    %log3A_3360 = arith.constant 2.000000e+00 : f32
    %log3A_3361 = math.log %log3A_3360 : f32
    %div3A_3362 = vector.broadcast %log3A_3361 : f32 to vector<10x128xf32>
    %div3A_3363 = arith.divf %log3A_3359, %div3A_3362 : vector<10x128xf32>
    %sub3A_3364 = arith.subf %div3A_3355, %div3A_3363 : vector<10x128xf32>
    %mul3A_3365 = arith.mulf %max3A_3347, %sub3A_3364 : vector<10x128xf32>
    %add3A_3366 = arith.addf %div3A_3363, %mul3A_3365 : vector<10x128xf32>
    %add3A_3367 = arith.addf %add3A_3243, %add3A_3366 : vector<10x128xf32>
    %slice3A_3368 = vector.extract_strided_slice %min3A_18 {offsets = [108, 0], sizes = [1, 128], strides = [1, 1]} : vector<128x128xf32> to vector<1x128xf32>
    %mul3A_3369 = vector.broadcast %slice3A_3368 : vector<1x128xf32> to vector<10x128xf32>
    %mul3A_3370 = arith.mulf %get3A_3, %mul3A_3369 : vector<10x128xf32>
    %add3A_3371 = arith.addf %mul3A_3370, %get3A_6 : vector<10x128xf32>
    %mul3A_3372 = vector.broadcast %slice3A_3368 : vector<1x128xf32> to vector<10x128xf32>
    %mul3A_3373 = arith.mulf %get3A_9, %mul3A_3372 : vector<10x128xf32>
    %add3A_3374 = arith.addf %mul3A_3373, %get3A_12 : vector<10x128xf32>
    %min3A_3375 = arith.minimumf %add3A_3371, %add3A_3374 : vector<10x128xf32>
    %max3A_3376 = arith.constant 0.000000e+00 : f32
    %max3A_3377 = vector.broadcast %max3A_3376 : f32 to vector<10x128xf32>
    %max3A_3378 = arith.maximumf %min3A_3375, %max3A_3377 : vector<10x128xf32>
    %get3A_3379 = arith.constant 0 : index
    %get3A_3380 = arith.constant 13824 : index
    %get3A_3381 = vector.load %arg1[%get3A_3379, %get3A_3380] : memref<10x16384xf32, #tpu.memory_space<vmem>>, vector<10x128xf32>
    %log3A_3382 = math.log %get3A_3381 : vector<10x128xf32>
    %log3A_3383 = arith.constant 2.000000e+00 : f32
    %log3A_3384 = math.log %log3A_3383 : f32
    %div3A_3385 = vector.broadcast %log3A_3384 : f32 to vector<10x128xf32>
    %div3A_3386 = arith.divf %log3A_3382, %div3A_3385 : vector<10x128xf32>
    %sub3A_3387 = arith.constant 1.000000e+00 : f32
    %sub3A_3388 = vector.broadcast %sub3A_3387 : f32 to vector<10x128xf32>
    %sub3A_3389 = arith.subf %sub3A_3388, %get3A_3381 : vector<10x128xf32>
    %log3A_3390 = math.log %sub3A_3389 : vector<10x128xf32>
    %log3A_3391 = arith.constant 2.000000e+00 : f32
    %log3A_3392 = math.log %log3A_3391 : f32
    %div3A_3393 = vector.broadcast %log3A_3392 : f32 to vector<10x128xf32>
    %div3A_3394 = arith.divf %log3A_3390, %div3A_3393 : vector<10x128xf32>
    %sub3A_3395 = arith.subf %div3A_3386, %div3A_3394 : vector<10x128xf32>
    %mul3A_3396 = arith.mulf %max3A_3378, %sub3A_3395 : vector<10x128xf32>
    %add3A_3397 = arith.addf %div3A_3394, %mul3A_3396 : vector<10x128xf32>
    %add3A_3398 = arith.addf %add3A_3274, %add3A_3397 : vector<10x128xf32>
    %slice3A_3399 = vector.extract_strided_slice %min3A_18 {offsets = [109, 0], sizes = [1, 128], strides = [1, 1]} : vector<128x128xf32> to vector<1x128xf32>
    %mul3A_3400 = vector.broadcast %slice3A_3399 : vector<1x128xf32> to vector<10x128xf32>
    %mul3A_3401 = arith.mulf %get3A_3, %mul3A_3400 : vector<10x128xf32>
    %add3A_3402 = arith.addf %mul3A_3401, %get3A_6 : vector<10x128xf32>
    %mul3A_3403 = vector.broadcast %slice3A_3399 : vector<1x128xf32> to vector<10x128xf32>
    %mul3A_3404 = arith.mulf %get3A_9, %mul3A_3403 : vector<10x128xf32>
    %add3A_3405 = arith.addf %mul3A_3404, %get3A_12 : vector<10x128xf32>
    %min3A_3406 = arith.minimumf %add3A_3402, %add3A_3405 : vector<10x128xf32>
    %max3A_3407 = arith.constant 0.000000e+00 : f32
    %max3A_3408 = vector.broadcast %max3A_3407 : f32 to vector<10x128xf32>
    %max3A_3409 = arith.maximumf %min3A_3406, %max3A_3408 : vector<10x128xf32>
    %get3A_3410 = arith.constant 0 : index
    %get3A_3411 = arith.constant 13952 : index
    %get3A_3412 = vector.load %arg1[%get3A_3410, %get3A_3411] : memref<10x16384xf32, #tpu.memory_space<vmem>>, vector<10x128xf32>
    %log3A_3413 = math.log %get3A_3412 : vector<10x128xf32>
    %log3A_3414 = arith.constant 2.000000e+00 : f32
    %log3A_3415 = math.log %log3A_3414 : f32
    %div3A_3416 = vector.broadcast %log3A_3415 : f32 to vector<10x128xf32>
    %div3A_3417 = arith.divf %log3A_3413, %div3A_3416 : vector<10x128xf32>
    %sub3A_3418 = arith.constant 1.000000e+00 : f32
    %sub3A_3419 = vector.broadcast %sub3A_3418 : f32 to vector<10x128xf32>
    %sub3A_3420 = arith.subf %sub3A_3419, %get3A_3412 : vector<10x128xf32>
    %log3A_3421 = math.log %sub3A_3420 : vector<10x128xf32>
    %log3A_3422 = arith.constant 2.000000e+00 : f32
    %log3A_3423 = math.log %log3A_3422 : f32
    %div3A_3424 = vector.broadcast %log3A_3423 : f32 to vector<10x128xf32>
    %div3A_3425 = arith.divf %log3A_3421, %div3A_3424 : vector<10x128xf32>
    %sub3A_3426 = arith.subf %div3A_3417, %div3A_3425 : vector<10x128xf32>
    %mul3A_3427 = arith.mulf %max3A_3409, %sub3A_3426 : vector<10x128xf32>
    %add3A_3428 = arith.addf %div3A_3425, %mul3A_3427 : vector<10x128xf32>
    %add3A_3429 = arith.addf %add3A_3305, %add3A_3428 : vector<10x128xf32>
    %slice3A_3430 = vector.extract_strided_slice %min3A_18 {offsets = [110, 0], sizes = [1, 128], strides = [1, 1]} : vector<128x128xf32> to vector<1x128xf32>
    %mul3A_3431 = vector.broadcast %slice3A_3430 : vector<1x128xf32> to vector<10x128xf32>
    %mul3A_3432 = arith.mulf %get3A_3, %mul3A_3431 : vector<10x128xf32>
    %add3A_3433 = arith.addf %mul3A_3432, %get3A_6 : vector<10x128xf32>
    %mul3A_3434 = vector.broadcast %slice3A_3430 : vector<1x128xf32> to vector<10x128xf32>
    %mul3A_3435 = arith.mulf %get3A_9, %mul3A_3434 : vector<10x128xf32>
    %add3A_3436 = arith.addf %mul3A_3435, %get3A_12 : vector<10x128xf32>
    %min3A_3437 = arith.minimumf %add3A_3433, %add3A_3436 : vector<10x128xf32>
    %max3A_3438 = arith.constant 0.000000e+00 : f32
    %max3A_3439 = vector.broadcast %max3A_3438 : f32 to vector<10x128xf32>
    %max3A_3440 = arith.maximumf %min3A_3437, %max3A_3439 : vector<10x128xf32>
    %get3A_3441 = arith.constant 0 : index
    %get3A_3442 = arith.constant 14080 : index
    %get3A_3443 = vector.load %arg1[%get3A_3441, %get3A_3442] : memref<10x16384xf32, #tpu.memory_space<vmem>>, vector<10x128xf32>
    %log3A_3444 = math.log %get3A_3443 : vector<10x128xf32>
    %log3A_3445 = arith.constant 2.000000e+00 : f32
    %log3A_3446 = math.log %log3A_3445 : f32
    %div3A_3447 = vector.broadcast %log3A_3446 : f32 to vector<10x128xf32>
    %div3A_3448 = arith.divf %log3A_3444, %div3A_3447 : vector<10x128xf32>
    %sub3A_3449 = arith.constant 1.000000e+00 : f32
    %sub3A_3450 = vector.broadcast %sub3A_3449 : f32 to vector<10x128xf32>
    %sub3A_3451 = arith.subf %sub3A_3450, %get3A_3443 : vector<10x128xf32>
    %log3A_3452 = math.log %sub3A_3451 : vector<10x128xf32>
    %log3A_3453 = arith.constant 2.000000e+00 : f32
    %log3A_3454 = math.log %log3A_3453 : f32
    %div3A_3455 = vector.broadcast %log3A_3454 : f32 to vector<10x128xf32>
    %div3A_3456 = arith.divf %log3A_3452, %div3A_3455 : vector<10x128xf32>
    %sub3A_3457 = arith.subf %div3A_3448, %div3A_3456 : vector<10x128xf32>
    %mul3A_3458 = arith.mulf %max3A_3440, %sub3A_3457 : vector<10x128xf32>
    %add3A_3459 = arith.addf %div3A_3456, %mul3A_3458 : vector<10x128xf32>
    %add3A_3460 = arith.addf %add3A_3336, %add3A_3459 : vector<10x128xf32>
    %slice3A_3461 = vector.extract_strided_slice %min3A_18 {offsets = [111, 0], sizes = [1, 128], strides = [1, 1]} : vector<128x128xf32> to vector<1x128xf32>
    %mul3A_3462 = vector.broadcast %slice3A_3461 : vector<1x128xf32> to vector<10x128xf32>
    %mul3A_3463 = arith.mulf %get3A_3, %mul3A_3462 : vector<10x128xf32>
    %add3A_3464 = arith.addf %mul3A_3463, %get3A_6 : vector<10x128xf32>
    %mul3A_3465 = vector.broadcast %slice3A_3461 : vector<1x128xf32> to vector<10x128xf32>
    %mul3A_3466 = arith.mulf %get3A_9, %mul3A_3465 : vector<10x128xf32>
    %add3A_3467 = arith.addf %mul3A_3466, %get3A_12 : vector<10x128xf32>
    %min3A_3468 = arith.minimumf %add3A_3464, %add3A_3467 : vector<10x128xf32>
    %max3A_3469 = arith.constant 0.000000e+00 : f32
    %max3A_3470 = vector.broadcast %max3A_3469 : f32 to vector<10x128xf32>
    %max3A_3471 = arith.maximumf %min3A_3468, %max3A_3470 : vector<10x128xf32>
    %get3A_3472 = arith.constant 0 : index
    %get3A_3473 = arith.constant 14208 : index
    %get3A_3474 = vector.load %arg1[%get3A_3472, %get3A_3473] : memref<10x16384xf32, #tpu.memory_space<vmem>>, vector<10x128xf32>
    %log3A_3475 = math.log %get3A_3474 : vector<10x128xf32>
    %log3A_3476 = arith.constant 2.000000e+00 : f32
    %log3A_3477 = math.log %log3A_3476 : f32
    %div3A_3478 = vector.broadcast %log3A_3477 : f32 to vector<10x128xf32>
    %div3A_3479 = arith.divf %log3A_3475, %div3A_3478 : vector<10x128xf32>
    %sub3A_3480 = arith.constant 1.000000e+00 : f32
    %sub3A_3481 = vector.broadcast %sub3A_3480 : f32 to vector<10x128xf32>
    %sub3A_3482 = arith.subf %sub3A_3481, %get3A_3474 : vector<10x128xf32>
    %log3A_3483 = math.log %sub3A_3482 : vector<10x128xf32>
    %log3A_3484 = arith.constant 2.000000e+00 : f32
    %log3A_3485 = math.log %log3A_3484 : f32
    %div3A_3486 = vector.broadcast %log3A_3485 : f32 to vector<10x128xf32>
    %div3A_3487 = arith.divf %log3A_3483, %div3A_3486 : vector<10x128xf32>
    %sub3A_3488 = arith.subf %div3A_3479, %div3A_3487 : vector<10x128xf32>
    %mul3A_3489 = arith.mulf %max3A_3471, %sub3A_3488 : vector<10x128xf32>
    %add3A_3490 = arith.addf %div3A_3487, %mul3A_3489 : vector<10x128xf32>
    %add3A_3491 = arith.addf %add3A_3367, %add3A_3490 : vector<10x128xf32>
    %slice3A_3492 = vector.extract_strided_slice %min3A_18 {offsets = [112, 0], sizes = [1, 128], strides = [1, 1]} : vector<128x128xf32> to vector<1x128xf32>
    %mul3A_3493 = vector.broadcast %slice3A_3492 : vector<1x128xf32> to vector<10x128xf32>
    %mul3A_3494 = arith.mulf %get3A_3, %mul3A_3493 : vector<10x128xf32>
    %add3A_3495 = arith.addf %mul3A_3494, %get3A_6 : vector<10x128xf32>
    %mul3A_3496 = vector.broadcast %slice3A_3492 : vector<1x128xf32> to vector<10x128xf32>
    %mul3A_3497 = arith.mulf %get3A_9, %mul3A_3496 : vector<10x128xf32>
    %add3A_3498 = arith.addf %mul3A_3497, %get3A_12 : vector<10x128xf32>
    %min3A_3499 = arith.minimumf %add3A_3495, %add3A_3498 : vector<10x128xf32>
    %max3A_3500 = arith.constant 0.000000e+00 : f32
    %max3A_3501 = vector.broadcast %max3A_3500 : f32 to vector<10x128xf32>
    %max3A_3502 = arith.maximumf %min3A_3499, %max3A_3501 : vector<10x128xf32>
    %get3A_3503 = arith.constant 0 : index
    %get3A_3504 = arith.constant 14336 : index
    %get3A_3505 = vector.load %arg1[%get3A_3503, %get3A_3504] : memref<10x16384xf32, #tpu.memory_space<vmem>>, vector<10x128xf32>
    %log3A_3506 = math.log %get3A_3505 : vector<10x128xf32>
    %log3A_3507 = arith.constant 2.000000e+00 : f32
    %log3A_3508 = math.log %log3A_3507 : f32
    %div3A_3509 = vector.broadcast %log3A_3508 : f32 to vector<10x128xf32>
    %div3A_3510 = arith.divf %log3A_3506, %div3A_3509 : vector<10x128xf32>
    %sub3A_3511 = arith.constant 1.000000e+00 : f32
    %sub3A_3512 = vector.broadcast %sub3A_3511 : f32 to vector<10x128xf32>
    %sub3A_3513 = arith.subf %sub3A_3512, %get3A_3505 : vector<10x128xf32>
    %log3A_3514 = math.log %sub3A_3513 : vector<10x128xf32>
    %log3A_3515 = arith.constant 2.000000e+00 : f32
    %log3A_3516 = math.log %log3A_3515 : f32
    %div3A_3517 = vector.broadcast %log3A_3516 : f32 to vector<10x128xf32>
    %div3A_3518 = arith.divf %log3A_3514, %div3A_3517 : vector<10x128xf32>
    %sub3A_3519 = arith.subf %div3A_3510, %div3A_3518 : vector<10x128xf32>
    %mul3A_3520 = arith.mulf %max3A_3502, %sub3A_3519 : vector<10x128xf32>
    %add3A_3521 = arith.addf %div3A_3518, %mul3A_3520 : vector<10x128xf32>
    %add3A_3522 = arith.addf %add3A_3398, %add3A_3521 : vector<10x128xf32>
    %slice3A_3523 = vector.extract_strided_slice %min3A_18 {offsets = [113, 0], sizes = [1, 128], strides = [1, 1]} : vector<128x128xf32> to vector<1x128xf32>
    %mul3A_3524 = vector.broadcast %slice3A_3523 : vector<1x128xf32> to vector<10x128xf32>
    %mul3A_3525 = arith.mulf %get3A_3, %mul3A_3524 : vector<10x128xf32>
    %add3A_3526 = arith.addf %mul3A_3525, %get3A_6 : vector<10x128xf32>
    %mul3A_3527 = vector.broadcast %slice3A_3523 : vector<1x128xf32> to vector<10x128xf32>
    %mul3A_3528 = arith.mulf %get3A_9, %mul3A_3527 : vector<10x128xf32>
    %add3A_3529 = arith.addf %mul3A_3528, %get3A_12 : vector<10x128xf32>
    %min3A_3530 = arith.minimumf %add3A_3526, %add3A_3529 : vector<10x128xf32>
    %max3A_3531 = arith.constant 0.000000e+00 : f32
    %max3A_3532 = vector.broadcast %max3A_3531 : f32 to vector<10x128xf32>
    %max3A_3533 = arith.maximumf %min3A_3530, %max3A_3532 : vector<10x128xf32>
    %get3A_3534 = arith.constant 0 : index
    %get3A_3535 = arith.constant 14464 : index
    %get3A_3536 = vector.load %arg1[%get3A_3534, %get3A_3535] : memref<10x16384xf32, #tpu.memory_space<vmem>>, vector<10x128xf32>
    %log3A_3537 = math.log %get3A_3536 : vector<10x128xf32>
    %log3A_3538 = arith.constant 2.000000e+00 : f32
    %log3A_3539 = math.log %log3A_3538 : f32
    %div3A_3540 = vector.broadcast %log3A_3539 : f32 to vector<10x128xf32>
    %div3A_3541 = arith.divf %log3A_3537, %div3A_3540 : vector<10x128xf32>
    %sub3A_3542 = arith.constant 1.000000e+00 : f32
    %sub3A_3543 = vector.broadcast %sub3A_3542 : f32 to vector<10x128xf32>
    %sub3A_3544 = arith.subf %sub3A_3543, %get3A_3536 : vector<10x128xf32>
    %log3A_3545 = math.log %sub3A_3544 : vector<10x128xf32>
    %log3A_3546 = arith.constant 2.000000e+00 : f32
    %log3A_3547 = math.log %log3A_3546 : f32
    %div3A_3548 = vector.broadcast %log3A_3547 : f32 to vector<10x128xf32>
    %div3A_3549 = arith.divf %log3A_3545, %div3A_3548 : vector<10x128xf32>
    %sub3A_3550 = arith.subf %div3A_3541, %div3A_3549 : vector<10x128xf32>
    %mul3A_3551 = arith.mulf %max3A_3533, %sub3A_3550 : vector<10x128xf32>
    %add3A_3552 = arith.addf %div3A_3549, %mul3A_3551 : vector<10x128xf32>
    %add3A_3553 = arith.addf %add3A_3429, %add3A_3552 : vector<10x128xf32>
    %slice3A_3554 = vector.extract_strided_slice %min3A_18 {offsets = [114, 0], sizes = [1, 128], strides = [1, 1]} : vector<128x128xf32> to vector<1x128xf32>
    %mul3A_3555 = vector.broadcast %slice3A_3554 : vector<1x128xf32> to vector<10x128xf32>
    %mul3A_3556 = arith.mulf %get3A_3, %mul3A_3555 : vector<10x128xf32>
    %add3A_3557 = arith.addf %mul3A_3556, %get3A_6 : vector<10x128xf32>
    %mul3A_3558 = vector.broadcast %slice3A_3554 : vector<1x128xf32> to vector<10x128xf32>
    %mul3A_3559 = arith.mulf %get3A_9, %mul3A_3558 : vector<10x128xf32>
    %add3A_3560 = arith.addf %mul3A_3559, %get3A_12 : vector<10x128xf32>
    %min3A_3561 = arith.minimumf %add3A_3557, %add3A_3560 : vector<10x128xf32>
    %max3A_3562 = arith.constant 0.000000e+00 : f32
    %max3A_3563 = vector.broadcast %max3A_3562 : f32 to vector<10x128xf32>
    %max3A_3564 = arith.maximumf %min3A_3561, %max3A_3563 : vector<10x128xf32>
    %get3A_3565 = arith.constant 0 : index
    %get3A_3566 = arith.constant 14592 : index
    %get3A_3567 = vector.load %arg1[%get3A_3565, %get3A_3566] : memref<10x16384xf32, #tpu.memory_space<vmem>>, vector<10x128xf32>
    %log3A_3568 = math.log %get3A_3567 : vector<10x128xf32>
    %log3A_3569 = arith.constant 2.000000e+00 : f32
    %log3A_3570 = math.log %log3A_3569 : f32
    %div3A_3571 = vector.broadcast %log3A_3570 : f32 to vector<10x128xf32>
    %div3A_3572 = arith.divf %log3A_3568, %div3A_3571 : vector<10x128xf32>
    %sub3A_3573 = arith.constant 1.000000e+00 : f32
    %sub3A_3574 = vector.broadcast %sub3A_3573 : f32 to vector<10x128xf32>
    %sub3A_3575 = arith.subf %sub3A_3574, %get3A_3567 : vector<10x128xf32>
    %log3A_3576 = math.log %sub3A_3575 : vector<10x128xf32>
    %log3A_3577 = arith.constant 2.000000e+00 : f32
    %log3A_3578 = math.log %log3A_3577 : f32
    %div3A_3579 = vector.broadcast %log3A_3578 : f32 to vector<10x128xf32>
    %div3A_3580 = arith.divf %log3A_3576, %div3A_3579 : vector<10x128xf32>
    %sub3A_3581 = arith.subf %div3A_3572, %div3A_3580 : vector<10x128xf32>
    %mul3A_3582 = arith.mulf %max3A_3564, %sub3A_3581 : vector<10x128xf32>
    %add3A_3583 = arith.addf %div3A_3580, %mul3A_3582 : vector<10x128xf32>
    %add3A_3584 = arith.addf %add3A_3460, %add3A_3583 : vector<10x128xf32>
    %slice3A_3585 = vector.extract_strided_slice %min3A_18 {offsets = [115, 0], sizes = [1, 128], strides = [1, 1]} : vector<128x128xf32> to vector<1x128xf32>
    %mul3A_3586 = vector.broadcast %slice3A_3585 : vector<1x128xf32> to vector<10x128xf32>
    %mul3A_3587 = arith.mulf %get3A_3, %mul3A_3586 : vector<10x128xf32>
    %add3A_3588 = arith.addf %mul3A_3587, %get3A_6 : vector<10x128xf32>
    %mul3A_3589 = vector.broadcast %slice3A_3585 : vector<1x128xf32> to vector<10x128xf32>
    %mul3A_3590 = arith.mulf %get3A_9, %mul3A_3589 : vector<10x128xf32>
    %add3A_3591 = arith.addf %mul3A_3590, %get3A_12 : vector<10x128xf32>
    %min3A_3592 = arith.minimumf %add3A_3588, %add3A_3591 : vector<10x128xf32>
    %max3A_3593 = arith.constant 0.000000e+00 : f32
    %max3A_3594 = vector.broadcast %max3A_3593 : f32 to vector<10x128xf32>
    %max3A_3595 = arith.maximumf %min3A_3592, %max3A_3594 : vector<10x128xf32>
    %get3A_3596 = arith.constant 0 : index
    %get3A_3597 = arith.constant 14720 : index
    %get3A_3598 = vector.load %arg1[%get3A_3596, %get3A_3597] : memref<10x16384xf32, #tpu.memory_space<vmem>>, vector<10x128xf32>
    %log3A_3599 = math.log %get3A_3598 : vector<10x128xf32>
    %log3A_3600 = arith.constant 2.000000e+00 : f32
    %log3A_3601 = math.log %log3A_3600 : f32
    %div3A_3602 = vector.broadcast %log3A_3601 : f32 to vector<10x128xf32>
    %div3A_3603 = arith.divf %log3A_3599, %div3A_3602 : vector<10x128xf32>
    %sub3A_3604 = arith.constant 1.000000e+00 : f32
    %sub3A_3605 = vector.broadcast %sub3A_3604 : f32 to vector<10x128xf32>
    %sub3A_3606 = arith.subf %sub3A_3605, %get3A_3598 : vector<10x128xf32>
    %log3A_3607 = math.log %sub3A_3606 : vector<10x128xf32>
    %log3A_3608 = arith.constant 2.000000e+00 : f32
    %log3A_3609 = math.log %log3A_3608 : f32
    %div3A_3610 = vector.broadcast %log3A_3609 : f32 to vector<10x128xf32>
    %div3A_3611 = arith.divf %log3A_3607, %div3A_3610 : vector<10x128xf32>
    %sub3A_3612 = arith.subf %div3A_3603, %div3A_3611 : vector<10x128xf32>
    %mul3A_3613 = arith.mulf %max3A_3595, %sub3A_3612 : vector<10x128xf32>
    %add3A_3614 = arith.addf %div3A_3611, %mul3A_3613 : vector<10x128xf32>
    %add3A_3615 = arith.addf %add3A_3491, %add3A_3614 : vector<10x128xf32>
    %slice3A_3616 = vector.extract_strided_slice %min3A_18 {offsets = [116, 0], sizes = [1, 128], strides = [1, 1]} : vector<128x128xf32> to vector<1x128xf32>
    %mul3A_3617 = vector.broadcast %slice3A_3616 : vector<1x128xf32> to vector<10x128xf32>
    %mul3A_3618 = arith.mulf %get3A_3, %mul3A_3617 : vector<10x128xf32>
    %add3A_3619 = arith.addf %mul3A_3618, %get3A_6 : vector<10x128xf32>
    %mul3A_3620 = vector.broadcast %slice3A_3616 : vector<1x128xf32> to vector<10x128xf32>
    %mul3A_3621 = arith.mulf %get3A_9, %mul3A_3620 : vector<10x128xf32>
    %add3A_3622 = arith.addf %mul3A_3621, %get3A_12 : vector<10x128xf32>
    %min3A_3623 = arith.minimumf %add3A_3619, %add3A_3622 : vector<10x128xf32>
    %max3A_3624 = arith.constant 0.000000e+00 : f32
    %max3A_3625 = vector.broadcast %max3A_3624 : f32 to vector<10x128xf32>
    %max3A_3626 = arith.maximumf %min3A_3623, %max3A_3625 : vector<10x128xf32>
    %get3A_3627 = arith.constant 0 : index
    %get3A_3628 = arith.constant 14848 : index
    %get3A_3629 = vector.load %arg1[%get3A_3627, %get3A_3628] : memref<10x16384xf32, #tpu.memory_space<vmem>>, vector<10x128xf32>
    %log3A_3630 = math.log %get3A_3629 : vector<10x128xf32>
    %log3A_3631 = arith.constant 2.000000e+00 : f32
    %log3A_3632 = math.log %log3A_3631 : f32
    %div3A_3633 = vector.broadcast %log3A_3632 : f32 to vector<10x128xf32>
    %div3A_3634 = arith.divf %log3A_3630, %div3A_3633 : vector<10x128xf32>
    %sub3A_3635 = arith.constant 1.000000e+00 : f32
    %sub3A_3636 = vector.broadcast %sub3A_3635 : f32 to vector<10x128xf32>
    %sub3A_3637 = arith.subf %sub3A_3636, %get3A_3629 : vector<10x128xf32>
    %log3A_3638 = math.log %sub3A_3637 : vector<10x128xf32>
    %log3A_3639 = arith.constant 2.000000e+00 : f32
    %log3A_3640 = math.log %log3A_3639 : f32
    %div3A_3641 = vector.broadcast %log3A_3640 : f32 to vector<10x128xf32>
    %div3A_3642 = arith.divf %log3A_3638, %div3A_3641 : vector<10x128xf32>
    %sub3A_3643 = arith.subf %div3A_3634, %div3A_3642 : vector<10x128xf32>
    %mul3A_3644 = arith.mulf %max3A_3626, %sub3A_3643 : vector<10x128xf32>
    %add3A_3645 = arith.addf %div3A_3642, %mul3A_3644 : vector<10x128xf32>
    %add3A_3646 = arith.addf %add3A_3522, %add3A_3645 : vector<10x128xf32>
    %slice3A_3647 = vector.extract_strided_slice %min3A_18 {offsets = [117, 0], sizes = [1, 128], strides = [1, 1]} : vector<128x128xf32> to vector<1x128xf32>
    %mul3A_3648 = vector.broadcast %slice3A_3647 : vector<1x128xf32> to vector<10x128xf32>
    %mul3A_3649 = arith.mulf %get3A_3, %mul3A_3648 : vector<10x128xf32>
    %add3A_3650 = arith.addf %mul3A_3649, %get3A_6 : vector<10x128xf32>
    %mul3A_3651 = vector.broadcast %slice3A_3647 : vector<1x128xf32> to vector<10x128xf32>
    %mul3A_3652 = arith.mulf %get3A_9, %mul3A_3651 : vector<10x128xf32>
    %add3A_3653 = arith.addf %mul3A_3652, %get3A_12 : vector<10x128xf32>
    %min3A_3654 = arith.minimumf %add3A_3650, %add3A_3653 : vector<10x128xf32>
    %max3A_3655 = arith.constant 0.000000e+00 : f32
    %max3A_3656 = vector.broadcast %max3A_3655 : f32 to vector<10x128xf32>
    %max3A_3657 = arith.maximumf %min3A_3654, %max3A_3656 : vector<10x128xf32>
    %get3A_3658 = arith.constant 0 : index
    %get3A_3659 = arith.constant 14976 : index
    %get3A_3660 = vector.load %arg1[%get3A_3658, %get3A_3659] : memref<10x16384xf32, #tpu.memory_space<vmem>>, vector<10x128xf32>
    %log3A_3661 = math.log %get3A_3660 : vector<10x128xf32>
    %log3A_3662 = arith.constant 2.000000e+00 : f32
    %log3A_3663 = math.log %log3A_3662 : f32
    %div3A_3664 = vector.broadcast %log3A_3663 : f32 to vector<10x128xf32>
    %div3A_3665 = arith.divf %log3A_3661, %div3A_3664 : vector<10x128xf32>
    %sub3A_3666 = arith.constant 1.000000e+00 : f32
    %sub3A_3667 = vector.broadcast %sub3A_3666 : f32 to vector<10x128xf32>
    %sub3A_3668 = arith.subf %sub3A_3667, %get3A_3660 : vector<10x128xf32>
    %log3A_3669 = math.log %sub3A_3668 : vector<10x128xf32>
    %log3A_3670 = arith.constant 2.000000e+00 : f32
    %log3A_3671 = math.log %log3A_3670 : f32
    %div3A_3672 = vector.broadcast %log3A_3671 : f32 to vector<10x128xf32>
    %div3A_3673 = arith.divf %log3A_3669, %div3A_3672 : vector<10x128xf32>
    %sub3A_3674 = arith.subf %div3A_3665, %div3A_3673 : vector<10x128xf32>
    %mul3A_3675 = arith.mulf %max3A_3657, %sub3A_3674 : vector<10x128xf32>
    %add3A_3676 = arith.addf %div3A_3673, %mul3A_3675 : vector<10x128xf32>
    %add3A_3677 = arith.addf %add3A_3553, %add3A_3676 : vector<10x128xf32>
    %slice3A_3678 = vector.extract_strided_slice %min3A_18 {offsets = [118, 0], sizes = [1, 128], strides = [1, 1]} : vector<128x128xf32> to vector<1x128xf32>
    %mul3A_3679 = vector.broadcast %slice3A_3678 : vector<1x128xf32> to vector<10x128xf32>
    %mul3A_3680 = arith.mulf %get3A_3, %mul3A_3679 : vector<10x128xf32>
    %add3A_3681 = arith.addf %mul3A_3680, %get3A_6 : vector<10x128xf32>
    %mul3A_3682 = vector.broadcast %slice3A_3678 : vector<1x128xf32> to vector<10x128xf32>
    %mul3A_3683 = arith.mulf %get3A_9, %mul3A_3682 : vector<10x128xf32>
    %add3A_3684 = arith.addf %mul3A_3683, %get3A_12 : vector<10x128xf32>
    %min3A_3685 = arith.minimumf %add3A_3681, %add3A_3684 : vector<10x128xf32>
    %max3A_3686 = arith.constant 0.000000e+00 : f32
    %max3A_3687 = vector.broadcast %max3A_3686 : f32 to vector<10x128xf32>
    %max3A_3688 = arith.maximumf %min3A_3685, %max3A_3687 : vector<10x128xf32>
    %get3A_3689 = arith.constant 0 : index
    %get3A_3690 = arith.constant 15104 : index
    %get3A_3691 = vector.load %arg1[%get3A_3689, %get3A_3690] : memref<10x16384xf32, #tpu.memory_space<vmem>>, vector<10x128xf32>
    %log3A_3692 = math.log %get3A_3691 : vector<10x128xf32>
    %log3A_3693 = arith.constant 2.000000e+00 : f32
    %log3A_3694 = math.log %log3A_3693 : f32
    %div3A_3695 = vector.broadcast %log3A_3694 : f32 to vector<10x128xf32>
    %div3A_3696 = arith.divf %log3A_3692, %div3A_3695 : vector<10x128xf32>
    %sub3A_3697 = arith.constant 1.000000e+00 : f32
    %sub3A_3698 = vector.broadcast %sub3A_3697 : f32 to vector<10x128xf32>
    %sub3A_3699 = arith.subf %sub3A_3698, %get3A_3691 : vector<10x128xf32>
    %log3A_3700 = math.log %sub3A_3699 : vector<10x128xf32>
    %log3A_3701 = arith.constant 2.000000e+00 : f32
    %log3A_3702 = math.log %log3A_3701 : f32
    %div3A_3703 = vector.broadcast %log3A_3702 : f32 to vector<10x128xf32>
    %div3A_3704 = arith.divf %log3A_3700, %div3A_3703 : vector<10x128xf32>
    %sub3A_3705 = arith.subf %div3A_3696, %div3A_3704 : vector<10x128xf32>
    %mul3A_3706 = arith.mulf %max3A_3688, %sub3A_3705 : vector<10x128xf32>
    %add3A_3707 = arith.addf %div3A_3704, %mul3A_3706 : vector<10x128xf32>
    %add3A_3708 = arith.addf %add3A_3584, %add3A_3707 : vector<10x128xf32>
    %slice3A_3709 = vector.extract_strided_slice %min3A_18 {offsets = [119, 0], sizes = [1, 128], strides = [1, 1]} : vector<128x128xf32> to vector<1x128xf32>
    %mul3A_3710 = vector.broadcast %slice3A_3709 : vector<1x128xf32> to vector<10x128xf32>
    %mul3A_3711 = arith.mulf %get3A_3, %mul3A_3710 : vector<10x128xf32>
    %add3A_3712 = arith.addf %mul3A_3711, %get3A_6 : vector<10x128xf32>
    %mul3A_3713 = vector.broadcast %slice3A_3709 : vector<1x128xf32> to vector<10x128xf32>
    %mul3A_3714 = arith.mulf %get3A_9, %mul3A_3713 : vector<10x128xf32>
    %add3A_3715 = arith.addf %mul3A_3714, %get3A_12 : vector<10x128xf32>
    %min3A_3716 = arith.minimumf %add3A_3712, %add3A_3715 : vector<10x128xf32>
    %max3A_3717 = arith.constant 0.000000e+00 : f32
    %max3A_3718 = vector.broadcast %max3A_3717 : f32 to vector<10x128xf32>
    %max3A_3719 = arith.maximumf %min3A_3716, %max3A_3718 : vector<10x128xf32>
    %get3A_3720 = arith.constant 0 : index
    %get3A_3721 = arith.constant 15232 : index
    %get3A_3722 = vector.load %arg1[%get3A_3720, %get3A_3721] : memref<10x16384xf32, #tpu.memory_space<vmem>>, vector<10x128xf32>
    %log3A_3723 = math.log %get3A_3722 : vector<10x128xf32>
    %log3A_3724 = arith.constant 2.000000e+00 : f32
    %log3A_3725 = math.log %log3A_3724 : f32
    %div3A_3726 = vector.broadcast %log3A_3725 : f32 to vector<10x128xf32>
    %div3A_3727 = arith.divf %log3A_3723, %div3A_3726 : vector<10x128xf32>
    %sub3A_3728 = arith.constant 1.000000e+00 : f32
    %sub3A_3729 = vector.broadcast %sub3A_3728 : f32 to vector<10x128xf32>
    %sub3A_3730 = arith.subf %sub3A_3729, %get3A_3722 : vector<10x128xf32>
    %log3A_3731 = math.log %sub3A_3730 : vector<10x128xf32>
    %log3A_3732 = arith.constant 2.000000e+00 : f32
    %log3A_3733 = math.log %log3A_3732 : f32
    %div3A_3734 = vector.broadcast %log3A_3733 : f32 to vector<10x128xf32>
    %div3A_3735 = arith.divf %log3A_3731, %div3A_3734 : vector<10x128xf32>
    %sub3A_3736 = arith.subf %div3A_3727, %div3A_3735 : vector<10x128xf32>
    %mul3A_3737 = arith.mulf %max3A_3719, %sub3A_3736 : vector<10x128xf32>
    %add3A_3738 = arith.addf %div3A_3735, %mul3A_3737 : vector<10x128xf32>
    %add3A_3739 = arith.addf %add3A_3615, %add3A_3738 : vector<10x128xf32>
    %slice3A_3740 = vector.extract_strided_slice %min3A_18 {offsets = [120, 0], sizes = [1, 128], strides = [1, 1]} : vector<128x128xf32> to vector<1x128xf32>
    %mul3A_3741 = vector.broadcast %slice3A_3740 : vector<1x128xf32> to vector<10x128xf32>
    %mul3A_3742 = arith.mulf %get3A_3, %mul3A_3741 : vector<10x128xf32>
    %add3A_3743 = arith.addf %mul3A_3742, %get3A_6 : vector<10x128xf32>
    %mul3A_3744 = vector.broadcast %slice3A_3740 : vector<1x128xf32> to vector<10x128xf32>
    %mul3A_3745 = arith.mulf %get3A_9, %mul3A_3744 : vector<10x128xf32>
    %add3A_3746 = arith.addf %mul3A_3745, %get3A_12 : vector<10x128xf32>
    %min3A_3747 = arith.minimumf %add3A_3743, %add3A_3746 : vector<10x128xf32>
    %max3A_3748 = arith.constant 0.000000e+00 : f32
    %max3A_3749 = vector.broadcast %max3A_3748 : f32 to vector<10x128xf32>
    %max3A_3750 = arith.maximumf %min3A_3747, %max3A_3749 : vector<10x128xf32>
    %get3A_3751 = arith.constant 0 : index
    %get3A_3752 = arith.constant 15360 : index
    %get3A_3753 = vector.load %arg1[%get3A_3751, %get3A_3752] : memref<10x16384xf32, #tpu.memory_space<vmem>>, vector<10x128xf32>
    %log3A_3754 = math.log %get3A_3753 : vector<10x128xf32>
    %log3A_3755 = arith.constant 2.000000e+00 : f32
    %log3A_3756 = math.log %log3A_3755 : f32
    %div3A_3757 = vector.broadcast %log3A_3756 : f32 to vector<10x128xf32>
    %div3A_3758 = arith.divf %log3A_3754, %div3A_3757 : vector<10x128xf32>
    %sub3A_3759 = arith.constant 1.000000e+00 : f32
    %sub3A_3760 = vector.broadcast %sub3A_3759 : f32 to vector<10x128xf32>
    %sub3A_3761 = arith.subf %sub3A_3760, %get3A_3753 : vector<10x128xf32>
    %log3A_3762 = math.log %sub3A_3761 : vector<10x128xf32>
    %log3A_3763 = arith.constant 2.000000e+00 : f32
    %log3A_3764 = math.log %log3A_3763 : f32
    %div3A_3765 = vector.broadcast %log3A_3764 : f32 to vector<10x128xf32>
    %div3A_3766 = arith.divf %log3A_3762, %div3A_3765 : vector<10x128xf32>
    %sub3A_3767 = arith.subf %div3A_3758, %div3A_3766 : vector<10x128xf32>
    %mul3A_3768 = arith.mulf %max3A_3750, %sub3A_3767 : vector<10x128xf32>
    %add3A_3769 = arith.addf %div3A_3766, %mul3A_3768 : vector<10x128xf32>
    %add3A_3770 = arith.addf %add3A_3646, %add3A_3769 : vector<10x128xf32>
    %slice3A_3771 = vector.extract_strided_slice %min3A_18 {offsets = [121, 0], sizes = [1, 128], strides = [1, 1]} : vector<128x128xf32> to vector<1x128xf32>
    %mul3A_3772 = vector.broadcast %slice3A_3771 : vector<1x128xf32> to vector<10x128xf32>
    %mul3A_3773 = arith.mulf %get3A_3, %mul3A_3772 : vector<10x128xf32>
    %add3A_3774 = arith.addf %mul3A_3773, %get3A_6 : vector<10x128xf32>
    %mul3A_3775 = vector.broadcast %slice3A_3771 : vector<1x128xf32> to vector<10x128xf32>
    %mul3A_3776 = arith.mulf %get3A_9, %mul3A_3775 : vector<10x128xf32>
    %add3A_3777 = arith.addf %mul3A_3776, %get3A_12 : vector<10x128xf32>
    %min3A_3778 = arith.minimumf %add3A_3774, %add3A_3777 : vector<10x128xf32>
    %max3A_3779 = arith.constant 0.000000e+00 : f32
    %max3A_3780 = vector.broadcast %max3A_3779 : f32 to vector<10x128xf32>
    %max3A_3781 = arith.maximumf %min3A_3778, %max3A_3780 : vector<10x128xf32>
    %get3A_3782 = arith.constant 0 : index
    %get3A_3783 = arith.constant 15488 : index
    %get3A_3784 = vector.load %arg1[%get3A_3782, %get3A_3783] : memref<10x16384xf32, #tpu.memory_space<vmem>>, vector<10x128xf32>
    %log3A_3785 = math.log %get3A_3784 : vector<10x128xf32>
    %log3A_3786 = arith.constant 2.000000e+00 : f32
    %log3A_3787 = math.log %log3A_3786 : f32
    %div3A_3788 = vector.broadcast %log3A_3787 : f32 to vector<10x128xf32>
    %div3A_3789 = arith.divf %log3A_3785, %div3A_3788 : vector<10x128xf32>
    %sub3A_3790 = arith.constant 1.000000e+00 : f32
    %sub3A_3791 = vector.broadcast %sub3A_3790 : f32 to vector<10x128xf32>
    %sub3A_3792 = arith.subf %sub3A_3791, %get3A_3784 : vector<10x128xf32>
    %log3A_3793 = math.log %sub3A_3792 : vector<10x128xf32>
    %log3A_3794 = arith.constant 2.000000e+00 : f32
    %log3A_3795 = math.log %log3A_3794 : f32
    %div3A_3796 = vector.broadcast %log3A_3795 : f32 to vector<10x128xf32>
    %div3A_3797 = arith.divf %log3A_3793, %div3A_3796 : vector<10x128xf32>
    %sub3A_3798 = arith.subf %div3A_3789, %div3A_3797 : vector<10x128xf32>
    %mul3A_3799 = arith.mulf %max3A_3781, %sub3A_3798 : vector<10x128xf32>
    %add3A_3800 = arith.addf %div3A_3797, %mul3A_3799 : vector<10x128xf32>
    %add3A_3801 = arith.addf %add3A_3677, %add3A_3800 : vector<10x128xf32>
    %slice3A_3802 = vector.extract_strided_slice %min3A_18 {offsets = [122, 0], sizes = [1, 128], strides = [1, 1]} : vector<128x128xf32> to vector<1x128xf32>
    %mul3A_3803 = vector.broadcast %slice3A_3802 : vector<1x128xf32> to vector<10x128xf32>
    %mul3A_3804 = arith.mulf %get3A_3, %mul3A_3803 : vector<10x128xf32>
    %add3A_3805 = arith.addf %mul3A_3804, %get3A_6 : vector<10x128xf32>
    %mul3A_3806 = vector.broadcast %slice3A_3802 : vector<1x128xf32> to vector<10x128xf32>
    %mul3A_3807 = arith.mulf %get3A_9, %mul3A_3806 : vector<10x128xf32>
    %add3A_3808 = arith.addf %mul3A_3807, %get3A_12 : vector<10x128xf32>
    %min3A_3809 = arith.minimumf %add3A_3805, %add3A_3808 : vector<10x128xf32>
    %max3A_3810 = arith.constant 0.000000e+00 : f32
    %max3A_3811 = vector.broadcast %max3A_3810 : f32 to vector<10x128xf32>
    %max3A_3812 = arith.maximumf %min3A_3809, %max3A_3811 : vector<10x128xf32>
    %get3A_3813 = arith.constant 0 : index
    %get3A_3814 = arith.constant 15616 : index
    %get3A_3815 = vector.load %arg1[%get3A_3813, %get3A_3814] : memref<10x16384xf32, #tpu.memory_space<vmem>>, vector<10x128xf32>
    %log3A_3816 = math.log %get3A_3815 : vector<10x128xf32>
    %log3A_3817 = arith.constant 2.000000e+00 : f32
    %log3A_3818 = math.log %log3A_3817 : f32
    %div3A_3819 = vector.broadcast %log3A_3818 : f32 to vector<10x128xf32>
    %div3A_3820 = arith.divf %log3A_3816, %div3A_3819 : vector<10x128xf32>
    %sub3A_3821 = arith.constant 1.000000e+00 : f32
    %sub3A_3822 = vector.broadcast %sub3A_3821 : f32 to vector<10x128xf32>
    %sub3A_3823 = arith.subf %sub3A_3822, %get3A_3815 : vector<10x128xf32>
    %log3A_3824 = math.log %sub3A_3823 : vector<10x128xf32>
    %log3A_3825 = arith.constant 2.000000e+00 : f32
    %log3A_3826 = math.log %log3A_3825 : f32
    %div3A_3827 = vector.broadcast %log3A_3826 : f32 to vector<10x128xf32>
    %div3A_3828 = arith.divf %log3A_3824, %div3A_3827 : vector<10x128xf32>
    %sub3A_3829 = arith.subf %div3A_3820, %div3A_3828 : vector<10x128xf32>
    %mul3A_3830 = arith.mulf %max3A_3812, %sub3A_3829 : vector<10x128xf32>
    %add3A_3831 = arith.addf %div3A_3828, %mul3A_3830 : vector<10x128xf32>
    %add3A_3832 = arith.addf %add3A_3708, %add3A_3831 : vector<10x128xf32>
    %slice3A_3833 = vector.extract_strided_slice %min3A_18 {offsets = [123, 0], sizes = [1, 128], strides = [1, 1]} : vector<128x128xf32> to vector<1x128xf32>
    %mul3A_3834 = vector.broadcast %slice3A_3833 : vector<1x128xf32> to vector<10x128xf32>
    %mul3A_3835 = arith.mulf %get3A_3, %mul3A_3834 : vector<10x128xf32>
    %add3A_3836 = arith.addf %mul3A_3835, %get3A_6 : vector<10x128xf32>
    %mul3A_3837 = vector.broadcast %slice3A_3833 : vector<1x128xf32> to vector<10x128xf32>
    %mul3A_3838 = arith.mulf %get3A_9, %mul3A_3837 : vector<10x128xf32>
    %add3A_3839 = arith.addf %mul3A_3838, %get3A_12 : vector<10x128xf32>
    %min3A_3840 = arith.minimumf %add3A_3836, %add3A_3839 : vector<10x128xf32>
    %max3A_3841 = arith.constant 0.000000e+00 : f32
    %max3A_3842 = vector.broadcast %max3A_3841 : f32 to vector<10x128xf32>
    %max3A_3843 = arith.maximumf %min3A_3840, %max3A_3842 : vector<10x128xf32>
    %get3A_3844 = arith.constant 0 : index
    %get3A_3845 = arith.constant 15744 : index
    %get3A_3846 = vector.load %arg1[%get3A_3844, %get3A_3845] : memref<10x16384xf32, #tpu.memory_space<vmem>>, vector<10x128xf32>
    %log3A_3847 = math.log %get3A_3846 : vector<10x128xf32>
    %log3A_3848 = arith.constant 2.000000e+00 : f32
    %log3A_3849 = math.log %log3A_3848 : f32
    %div3A_3850 = vector.broadcast %log3A_3849 : f32 to vector<10x128xf32>
    %div3A_3851 = arith.divf %log3A_3847, %div3A_3850 : vector<10x128xf32>
    %sub3A_3852 = arith.constant 1.000000e+00 : f32
    %sub3A_3853 = vector.broadcast %sub3A_3852 : f32 to vector<10x128xf32>
    %sub3A_3854 = arith.subf %sub3A_3853, %get3A_3846 : vector<10x128xf32>
    %log3A_3855 = math.log %sub3A_3854 : vector<10x128xf32>
    %log3A_3856 = arith.constant 2.000000e+00 : f32
    %log3A_3857 = math.log %log3A_3856 : f32
    %div3A_3858 = vector.broadcast %log3A_3857 : f32 to vector<10x128xf32>
    %div3A_3859 = arith.divf %log3A_3855, %div3A_3858 : vector<10x128xf32>
    %sub3A_3860 = arith.subf %div3A_3851, %div3A_3859 : vector<10x128xf32>
    %mul3A_3861 = arith.mulf %max3A_3843, %sub3A_3860 : vector<10x128xf32>
    %add3A_3862 = arith.addf %div3A_3859, %mul3A_3861 : vector<10x128xf32>
    %add3A_3863 = arith.addf %add3A_3739, %add3A_3862 : vector<10x128xf32>
    %slice3A_3864 = vector.extract_strided_slice %min3A_18 {offsets = [124, 0], sizes = [1, 128], strides = [1, 1]} : vector<128x128xf32> to vector<1x128xf32>
    %mul3A_3865 = vector.broadcast %slice3A_3864 : vector<1x128xf32> to vector<10x128xf32>
    %mul3A_3866 = arith.mulf %get3A_3, %mul3A_3865 : vector<10x128xf32>
    %add3A_3867 = arith.addf %mul3A_3866, %get3A_6 : vector<10x128xf32>
    %mul3A_3868 = vector.broadcast %slice3A_3864 : vector<1x128xf32> to vector<10x128xf32>
    %mul3A_3869 = arith.mulf %get3A_9, %mul3A_3868 : vector<10x128xf32>
    %add3A_3870 = arith.addf %mul3A_3869, %get3A_12 : vector<10x128xf32>
    %min3A_3871 = arith.minimumf %add3A_3867, %add3A_3870 : vector<10x128xf32>
    %max3A_3872 = arith.constant 0.000000e+00 : f32
    %max3A_3873 = vector.broadcast %max3A_3872 : f32 to vector<10x128xf32>
    %max3A_3874 = arith.maximumf %min3A_3871, %max3A_3873 : vector<10x128xf32>
    %get3A_3875 = arith.constant 0 : index
    %get3A_3876 = arith.constant 15872 : index
    %get3A_3877 = vector.load %arg1[%get3A_3875, %get3A_3876] : memref<10x16384xf32, #tpu.memory_space<vmem>>, vector<10x128xf32>
    %log3A_3878 = math.log %get3A_3877 : vector<10x128xf32>
    %log3A_3879 = arith.constant 2.000000e+00 : f32
    %log3A_3880 = math.log %log3A_3879 : f32
    %div3A_3881 = vector.broadcast %log3A_3880 : f32 to vector<10x128xf32>
    %div3A_3882 = arith.divf %log3A_3878, %div3A_3881 : vector<10x128xf32>
    %sub3A_3883 = arith.constant 1.000000e+00 : f32
    %sub3A_3884 = vector.broadcast %sub3A_3883 : f32 to vector<10x128xf32>
    %sub3A_3885 = arith.subf %sub3A_3884, %get3A_3877 : vector<10x128xf32>
    %log3A_3886 = math.log %sub3A_3885 : vector<10x128xf32>
    %log3A_3887 = arith.constant 2.000000e+00 : f32
    %log3A_3888 = math.log %log3A_3887 : f32
    %div3A_3889 = vector.broadcast %log3A_3888 : f32 to vector<10x128xf32>
    %div3A_3890 = arith.divf %log3A_3886, %div3A_3889 : vector<10x128xf32>
    %sub3A_3891 = arith.subf %div3A_3882, %div3A_3890 : vector<10x128xf32>
    %mul3A_3892 = arith.mulf %max3A_3874, %sub3A_3891 : vector<10x128xf32>
    %add3A_3893 = arith.addf %div3A_3890, %mul3A_3892 : vector<10x128xf32>
    %add3A_3894 = arith.addf %add3A_3770, %add3A_3893 : vector<10x128xf32>
    %slice3A_3895 = vector.extract_strided_slice %min3A_18 {offsets = [125, 0], sizes = [1, 128], strides = [1, 1]} : vector<128x128xf32> to vector<1x128xf32>
    %mul3A_3896 = vector.broadcast %slice3A_3895 : vector<1x128xf32> to vector<10x128xf32>
    %mul3A_3897 = arith.mulf %get3A_3, %mul3A_3896 : vector<10x128xf32>
    %add3A_3898 = arith.addf %mul3A_3897, %get3A_6 : vector<10x128xf32>
    %mul3A_3899 = vector.broadcast %slice3A_3895 : vector<1x128xf32> to vector<10x128xf32>
    %mul3A_3900 = arith.mulf %get3A_9, %mul3A_3899 : vector<10x128xf32>
    %add3A_3901 = arith.addf %mul3A_3900, %get3A_12 : vector<10x128xf32>
    %min3A_3902 = arith.minimumf %add3A_3898, %add3A_3901 : vector<10x128xf32>
    %max3A_3903 = arith.constant 0.000000e+00 : f32
    %max3A_3904 = vector.broadcast %max3A_3903 : f32 to vector<10x128xf32>
    %max3A_3905 = arith.maximumf %min3A_3902, %max3A_3904 : vector<10x128xf32>
    %get3A_3906 = arith.constant 0 : index
    %get3A_3907 = arith.constant 16000 : index
    %get3A_3908 = vector.load %arg1[%get3A_3906, %get3A_3907] : memref<10x16384xf32, #tpu.memory_space<vmem>>, vector<10x128xf32>
    %log3A_3909 = math.log %get3A_3908 : vector<10x128xf32>
    %log3A_3910 = arith.constant 2.000000e+00 : f32
    %log3A_3911 = math.log %log3A_3910 : f32
    %div3A_3912 = vector.broadcast %log3A_3911 : f32 to vector<10x128xf32>
    %div3A_3913 = arith.divf %log3A_3909, %div3A_3912 : vector<10x128xf32>
    %sub3A_3914 = arith.constant 1.000000e+00 : f32
    %sub3A_3915 = vector.broadcast %sub3A_3914 : f32 to vector<10x128xf32>
    %sub3A_3916 = arith.subf %sub3A_3915, %get3A_3908 : vector<10x128xf32>
    %log3A_3917 = math.log %sub3A_3916 : vector<10x128xf32>
    %log3A_3918 = arith.constant 2.000000e+00 : f32
    %log3A_3919 = math.log %log3A_3918 : f32
    %div3A_3920 = vector.broadcast %log3A_3919 : f32 to vector<10x128xf32>
    %div3A_3921 = arith.divf %log3A_3917, %div3A_3920 : vector<10x128xf32>
    %sub3A_3922 = arith.subf %div3A_3913, %div3A_3921 : vector<10x128xf32>
    %mul3A_3923 = arith.mulf %max3A_3905, %sub3A_3922 : vector<10x128xf32>
    %add3A_3924 = arith.addf %div3A_3921, %mul3A_3923 : vector<10x128xf32>
    %add3A_3925 = arith.addf %add3A_3801, %add3A_3924 : vector<10x128xf32>
    %slice3A_3926 = vector.extract_strided_slice %min3A_18 {offsets = [126, 0], sizes = [1, 128], strides = [1, 1]} : vector<128x128xf32> to vector<1x128xf32>
    %mul3A_3927 = vector.broadcast %slice3A_3926 : vector<1x128xf32> to vector<10x128xf32>
    %mul3A_3928 = arith.mulf %get3A_3, %mul3A_3927 : vector<10x128xf32>
    %add3A_3929 = arith.addf %mul3A_3928, %get3A_6 : vector<10x128xf32>
    %mul3A_3930 = vector.broadcast %slice3A_3926 : vector<1x128xf32> to vector<10x128xf32>
    %mul3A_3931 = arith.mulf %get3A_9, %mul3A_3930 : vector<10x128xf32>
    %add3A_3932 = arith.addf %mul3A_3931, %get3A_12 : vector<10x128xf32>
    %min3A_3933 = arith.minimumf %add3A_3929, %add3A_3932 : vector<10x128xf32>
    %max3A_3934 = arith.constant 0.000000e+00 : f32
    %max3A_3935 = vector.broadcast %max3A_3934 : f32 to vector<10x128xf32>
    %max3A_3936 = arith.maximumf %min3A_3933, %max3A_3935 : vector<10x128xf32>
    %get3A_3937 = arith.constant 0 : index
    %get3A_3938 = arith.constant 16128 : index
    %get3A_3939 = vector.load %arg1[%get3A_3937, %get3A_3938] : memref<10x16384xf32, #tpu.memory_space<vmem>>, vector<10x128xf32>
    %log3A_3940 = math.log %get3A_3939 : vector<10x128xf32>
    %log3A_3941 = arith.constant 2.000000e+00 : f32
    %log3A_3942 = math.log %log3A_3941 : f32
    %div3A_3943 = vector.broadcast %log3A_3942 : f32 to vector<10x128xf32>
    %div3A_3944 = arith.divf %log3A_3940, %div3A_3943 : vector<10x128xf32>
    %sub3A_3945 = arith.constant 1.000000e+00 : f32
    %sub3A_3946 = vector.broadcast %sub3A_3945 : f32 to vector<10x128xf32>
    %sub3A_3947 = arith.subf %sub3A_3946, %get3A_3939 : vector<10x128xf32>
    %log3A_3948 = math.log %sub3A_3947 : vector<10x128xf32>
    %log3A_3949 = arith.constant 2.000000e+00 : f32
    %log3A_3950 = math.log %log3A_3949 : f32
    %div3A_3951 = vector.broadcast %log3A_3950 : f32 to vector<10x128xf32>
    %div3A_3952 = arith.divf %log3A_3948, %div3A_3951 : vector<10x128xf32>
    %sub3A_3953 = arith.subf %div3A_3944, %div3A_3952 : vector<10x128xf32>
    %mul3A_3954 = arith.mulf %max3A_3936, %sub3A_3953 : vector<10x128xf32>
    %add3A_3955 = arith.addf %div3A_3952, %mul3A_3954 : vector<10x128xf32>
    %add3A_3956 = arith.addf %add3A_3832, %add3A_3955 : vector<10x128xf32>
    %slice3A_3957 = vector.extract_strided_slice %min3A_18 {offsets = [127, 0], sizes = [1, 128], strides = [1, 1]} : vector<128x128xf32> to vector<1x128xf32>
    %mul3A_3958 = vector.broadcast %slice3A_3957 : vector<1x128xf32> to vector<10x128xf32>
    %mul3A_3959 = arith.mulf %get3A_3, %mul3A_3958 : vector<10x128xf32>
    %add3A_3960 = arith.addf %mul3A_3959, %get3A_6 : vector<10x128xf32>
    %mul3A_3961 = vector.broadcast %slice3A_3957 : vector<1x128xf32> to vector<10x128xf32>
    %mul3A_3962 = arith.mulf %get3A_9, %mul3A_3961 : vector<10x128xf32>
    %add3A_3963 = arith.addf %mul3A_3962, %get3A_12 : vector<10x128xf32>
    %min3A_3964 = arith.minimumf %add3A_3960, %add3A_3963 : vector<10x128xf32>
    %max3A_3965 = arith.constant 0.000000e+00 : f32
    %max3A_3966 = vector.broadcast %max3A_3965 : f32 to vector<10x128xf32>
    %max3A_3967 = arith.maximumf %min3A_3964, %max3A_3966 : vector<10x128xf32>
    %get3A_3968 = arith.constant 0 : index
    %get3A_3969 = arith.constant 16256 : index
    %get3A_3970 = vector.load %arg1[%get3A_3968, %get3A_3969] : memref<10x16384xf32, #tpu.memory_space<vmem>>, vector<10x128xf32>
    %log3A_3971 = math.log %get3A_3970 : vector<10x128xf32>
    %log3A_3972 = arith.constant 2.000000e+00 : f32
    %log3A_3973 = math.log %log3A_3972 : f32
    %div3A_3974 = vector.broadcast %log3A_3973 : f32 to vector<10x128xf32>
    %div3A_3975 = arith.divf %log3A_3971, %div3A_3974 : vector<10x128xf32>
    %sub3A_3976 = arith.constant 1.000000e+00 : f32
    %sub3A_3977 = vector.broadcast %sub3A_3976 : f32 to vector<10x128xf32>
    %sub3A_3978 = arith.subf %sub3A_3977, %get3A_3970 : vector<10x128xf32>
    %log3A_3979 = math.log %sub3A_3978 : vector<10x128xf32>
    %log3A_3980 = arith.constant 2.000000e+00 : f32
    %log3A_3981 = math.log %log3A_3980 : f32
    %div3A_3982 = vector.broadcast %log3A_3981 : f32 to vector<10x128xf32>
    %div3A_3983 = arith.divf %log3A_3979, %div3A_3982 : vector<10x128xf32>
    %sub3A_3984 = arith.subf %div3A_3975, %div3A_3983 : vector<10x128xf32>
    %mul3A_3985 = arith.mulf %max3A_3967, %sub3A_3984 : vector<10x128xf32>
    %add3A_3986 = arith.addf %div3A_3983, %mul3A_3985 : vector<10x128xf32>
    %add3A_3987 = arith.addf %add3A_3863, %add3A_3986 : vector<10x128xf32>
    %get3A_3988 = arith.constant 0 : index
    %get3A_3989 = arith.constant 0 : index
    %get3A_3990 = vector.load %arg8[%get3A_3988, %get3A_3989] : memref<10x128xf32, #tpu.memory_space<vmem>>, vector<10x128xf32>
    %add3A_3991 = arith.addf %add3A_3894, %add3A_3925 : vector<10x128xf32>
    %add3A_3992 = arith.addf %add3A_3956, %add3A_3987 : vector<10x128xf32>
    %add3A_3993 = arith.addf %add3A_3991, %add3A_3992 : vector<10x128xf32>
    %add3A_3994 = arith.addf %get3A_3990, %add3A_3993 : vector<10x128xf32>
    %swap3A = arith.constant 0 : index
    %swap3A_3995 = arith.constant 0 : index
    %swap3A_3996 = vector.load %arg8[%swap3A, %swap3A_3995] : memref<10x128xf32, #tpu.memory_space<vmem>>, vector<10x128xf32>
    tpu.vector_store %arg8[%swap3A, %swap3A_3995], %add3A_3994 {strides = array<i32>} : memref<10x128xf32, #tpu.memory_space<vmem>>, vector<10x128xf32>,
    %eq3A_3997 = arith.constant 52 : i32
    %eq3A_3998 = arith.cmpi eq, %arg0, %eq3A_3997 : i32
    %convert_element_type3A_3999 = arith.extui %eq3A_3998 : i1 to i32
    %cond3A_4000 = arith.constant 0 : i32
    %cond3A_4001 = arith.cmpi ne, %convert_element_type3A_3999, %cond3A_4000 : i32
    scf.if %cond3A_4001 {
      %get3A_4002 = arith.constant 0 : index
      %get3A_4003 = arith.constant 0 : index
      %get3A_4004 = vector.load %arg8[%get3A_4002, %get3A_4003] : memref<10x128xf32, #tpu.memory_space<vmem>>, vector<10x128xf32>
      %reduce_sum3A = vector.shape_cast %get3A_4004 : vector<10x128xf32> to vector<1x10x128xf32>
      %reduce_sum3A_4005 = arith.constant dense<0.000000e+00> : vector<1xf32>
      %reduce_sum3A_4006 = vector.multi_reduction <add>, %reduce_sum3A, %reduce_sum3A_4005 [1, 2] : vector<1x10x128xf32> to vector<1xf32>
      %reduce_sum3A_4007 = vector.shape_cast %reduce_sum3A_4006 : vector<1xf32> to vector<1x1x1xf32>
      %reduce_sum3A_4008 = vector.extract %reduce_sum3A_4007[0, 0, 0] : f32 from vector<1x1x1xf32>
      %swap3A_4009 = arith.constant 0 : index
      %swap3A_4010 = arith.constant 0 : index
      %swap3A_4011 = memref.load %arg7[%swap3A_4009, %swap3A_4010] : memref<1x1xf32, #tpu.memory_space<smem>>
      memref.store %reduce_sum3A_4008, %arg7[%swap3A_4009, %swap3A_4010] : memref<1x1xf32, #tpu.memory_space<smem>>
    } else {
    }
    return
  }
  func.func @transform_0(%arg0: i32) -> (i32, i32) {
    %c0_i32 = arith.constant 0 : i32
    %c0_i32_0 = arith.constant 0 : i32
    return %c0_i32, %arg0 : i32, i32
  }
  func.func @transform_1(%arg0: i32) -> (i32, i32) {
    %c0_i32 = arith.constant 0 : i32
    %c0_i32_0 = arith.constant 0 : i32
    return %arg0, %c0_i32 : i32, i32
  }
  func.func @transform_2(%arg0: i32) -> (i32, i32) {
    %c0_i32 = arith.constant 0 : i32
    %c0_i32_0 = arith.constant 0 : i32
    %c0_i32_1 = arith.constant 0 : i32
    return %c0_i32, %c0_i32_0 : i32, i32
  }
  func.func @transform_3(%arg0: i32) -> (i32, i32) {
    %c0_i32 = arith.constant 0 : i32
    %c0_i32_0 = arith.constant 0 : i32
    %c0_i32_1 = arith.constant 0 : i32
    return %c0_i32, %c0_i32_0 : i32, i32
  }
  func.func @transform_4(%arg0: i32) -> (i32, i32) {
    %c0_i32 = arith.constant 0 : i32
    %c0_i32_0 = arith.constant 0 : i32
    %c0_i32_1 = arith.constant 0 : i32
    return %c0_i32, %c0_i32_0 : i32, i32
  }
  func.func @transform_5(%arg0: i32) -> (i32, i32) {
    %c0_i32 = arith.constant 0 : i32
    %c0_i32_0 = arith.constant 0 : i32
    %c0_i32_1 = arith.constant 0 : i32
    return %c0_i32, %c0_i32_0 : i32, i32
  }
  func.func @transform_6(%arg0: i32) -> (i32, i32) {
    %c0_i32 = arith.constant 0 : i32
    %c0_i32_0 = arith.constant 0 : i32
    %c0_i32_1 = arith.constant 0 : i32
    return %c0_i32, %c0_i32_0 : i32, i32
  }
}

</mosaic_0001>

<sc_bundles>
// kernel: kernel.4.cloned.1.call-start
scs
__scs_entry_jumppad:
0x0: {  	(pc) =	sbr.rel $0x88, $3  }
0x1: {  	(tag) =	ssettag $0x0;
	lr =	simm.s32 $0x1  }
0x2: {  	[smem:$0x3F9F] =	sst lr;
	_ =	strace $0xD0000000  }
0x3: {  	_ = 	snop  }
0x4: {  	_ = 	snop  }
0x5: {  	_ = 	snop  }
0x6: {  	_ = 	snop  }
0x7: {  	_ = 	snop  }
__scs_overlays_trampoline_lowered:
0x8: {  	[smem:$0x3FAE] =	sst s0  }
0x9: {  	[smem:$0x3FAF] =	sst s1  }
0xa: {  	[smem:$0x3FB0] =	sst s2  }
0xb: {  	[smem:$0x3FB1] =	sst s3  }
0xc: {  	[smem:$0x3FB2] =	sst s4  }
0xd: {  	[smem:$0x3FB3] =	sst s5  }
0xe: {  	[smem:$0x3FB4] =	sst s6  }
0xf: {  	[smem:$0x3FB5] =	sst s7  }
0x10: {  	[smem:$0x3FB6] =	sst s8  }
0x11: {  	[smem:$0x3FB7] =	sst s9;
	s0 =	simm.s32 @!p0 $0x0  }
0x12: {  	s1 =	sld [smem:$0x3F9D];
	s0 =	simm.s32 @p0 $0x1  }
0x13: {  	[smem:$0x3FB8] =	sst s0;
	s0 =	simm.s32 @!p1 $0x0  }
0x14: {  	s2 =	sld [smem:$0x3F9C];
	s0 =	simm.s32 @p1 $0x1  }
0x15: {  	[smem:$0x3FB9] =	sst s0;
	s0 =	simm.s32 @!p2 $0x0  }
0x16: {  	s3 =	sld [smem:$0x3FDB];
	s0 =	simm.s32 @p2 $0x1  }
0x17: {  	s4 =	simm.s32 $0x1BF5;
	[smem:$0x3FBB] =	sst s0  }
0x18: {  	s0 =	sld [smem:$0x3F9E];
	_ =	swait.ge [sflag:s4], $0x0  }
0x19: {  	s7 =	sld [smem:$0x3F9F]  }
0x1a: {  	s8 =	sadd.s32 $0xFFFFE003, lr  }
0x1b: {  	s9 =	sadd.s32 $0xFFFFFEF7, lr;
	s5 =	simm.s32 $0xFFFFFFFF;
	p2 =	slt.u32 s8, $0xFFFFF086  }
0x1c: {  	p1 =	slt.u32 s9, $0xF7A;
	s5 =	simm.s32 @!p2 $0x0  }
0x1d: {  	s5 =	simm.s32 @p1 $0x1;
	p0 =	seq.s32 s7, s2  }
0x1e: {  	s7 =	smul.u32 @!p0 $0xF7A, s2;
	p2 =	seq.s32 @!p0 s5, $0x0  }
0x1f: {  	s9 =	smul.u32 $0xF7A, s1;
	s8 =	simm.s32 @!p0 $0x1BF5;
	p2 =	por !p2, p0  }
0x20: {  	[sflag:s8] =	ssyncset.s32 @!p0 $0xFFFFF086;
	s6 =	sadd.s32 @!p0 s3, s7;
	s7 =	simm.s32 @!p0 $0x108  }
0x21: {  	s3 =	sadd.s32 s3, s9;
	s6 =	sadd.s32 @!p0 $0x88, s6;
	s7 =	simm.s32 @p2 $0x1082  }
0x22: {  	[simem:s7], [sflag:s8] =	dma.local @!p0 [hbm:s6], $0xF7A  }
0x23: {  	s9 =	sor.u32 $0xD0000000, s2;
	s6 =	simm.s32 $0x108;
	_ =	swait.ge @!p0 [sflag:s8], $0x0  }
0x24: {  	s3 =	sadd.s32 $0x88, s3;
	s6 =	simm.s32 @!p1 $0x1082;
	[sflag:s4] =	ssyncset.s32 $0xFFFFF086  }
0x25: {  	[simem:s6], [sflag:s4] =	dma.local [hbm:s3], $0xF7A  }
0x26: {  	[smem:$0x3F9F] =	sst s1;
	(tag) =	ssettag s2;
	_ =	strace s9  }
0x27: {  	s1 =	sld [smem:$0x3FAF]  }
0x28: {  	s2 =	sld [smem:$0x3FB0]  }
0x29: {  	s4 =	sld [smem:$0x3FB2]  }
0x2a: {  	p0 =	seq.s32 s5, $0x0;
	s5 =	sld [smem:$0x3FB3]  }
0x2b: {  	s6 =	sld [smem:$0x3FB4]  }
0x2c: {  	s7 =	sld [smem:$0x3FB5]  }
0x2d: {  	s3 =	simm.s32 $0x108;
	s8 =	sld [smem:$0x3FB6]  }
0x2e: {  	s3 =	simm.s32 @!p0 $0x1082;
	s9 =	sld [smem:$0x3FB7]  }
0x2f: {  	lr =	sadd.s32 s0, s3;
	s0 =	sld [smem:$0x3FAE]  }
0x30: {  	s3 =	sld [smem:$0x3FB1]  }
0x31: {  	[smem:$0x3FBA] =	sst s10  }
0x32: {  	s10 =	sld [smem:$0x3FB8];
	_ =	sdelay $0x3  }
0x33: {  	p0 =	seq.s32 s10, $0x1;
	s10 =	sld [smem:$0x3FBA];
	_ =	sdelay $0x3  }
0x34: {  	[smem:$0x3FBA] =	sst s10  }
0x35: {  	s10 =	sld [smem:$0x3FB9];
	_ =	sdelay $0x3  }
0x36: {  	p1 =	seq.s32 s10, $0x1;
	s10 =	sld [smem:$0x3FBA];
	_ =	sdelay $0x3  }
0x37: {  	[smem:$0x3FBA] =	sst s10  }
0x38: {  	s10 =	sld [smem:$0x3FBB]  }
0x39: {  	_ = 	snop;
	(pc) =	sbr.ind lr, $3  }
0x3a: {  	_ = 	snop  }
0x3b: {  	_ = 	snop  }
0x3c: {  	p2 =	seq.s32 s10, $0x1;
	s10 =	sld [smem:$0x3FBA]  }
0x3d: {  	_ =	shalt  }
0x3e: {  	_ =	shalt  }
0x3f: {  	_ =	shalt  }
0x40: {  	_ =	shalt  }
0x41: {  	_ =	shalt  }
0x42: {  	_ =	shalt  }
0x43: {  	_ =	shalt  }
0x44: {  	_ =	shalt  }
0x45: {  	_ =	shalt  }
0x46: {  	_ =	shalt  }
0x47: {  	_ =	shalt  }
0x48: {  	_ =	shalt  }
0x49: {  	_ =	shalt  }
0x4a: {  	_ =	shalt  }
0x4b: {  	_ =	shalt  }
0x4c: {  	_ =	shalt  }
0x4d: {  	_ =	shalt  }
0x4e: {  	_ =	shalt  }
0x4f: {  	_ =	shalt  }
0x50: {  	_ =	shalt  }
0x51: {  	_ =	shalt  }
0x52: {  	_ =	shalt  }
0x53: {  	_ =	shalt  }
0x54: {  	_ =	shalt  }
0x55: {  	_ =	shalt  }
0x56: {  	_ =	shalt  }
0x57: {  	_ =	shalt  }
0x58: {  	_ =	shalt  }
0x59: {  	_ =	shalt  }
0x5a: {  	_ =	shalt  }
0x5b: {  	_ =	shalt  }
0x5c: {  	_ =	shalt  }
0x5d: {  	_ =	shalt  }
0x5e: {  	_ =	shalt  }
0x5f: {  	_ =	shalt  }
0x60: {  	_ =	shalt  }
0x61: {  	_ =	shalt  }
0x62: {  	_ =	shalt  }
0x63: {  	_ =	shalt  }
0x64: {  	_ =	shalt  }
0x65: {  	_ =	shalt  }
0x66: {  	_ =	shalt  }
0x67: {  	_ =	shalt  }
0x68: {  	_ =	shalt  }
0x69: {  	_ =	shalt  }
0x6a: {  	_ =	shalt  }
0x6b: {  	_ =	shalt  }
0x6c: {  	_ =	shalt  }
0x6d: {  	_ =	shalt  }
0x6e: {  	_ =	shalt  }
0x6f: {  	_ =	shalt  }
0x70: {  	_ =	shalt  }
0x71: {  	_ =	shalt  }
0x72: {  	_ =	shalt  }
0x73: {  	_ =	shalt  }
0x74: {  	_ =	shalt  }
0x75: {  	_ =	shalt  }
0x76: {  	_ =	shalt  }
0x77: {  	_ =	shalt  }
0x78: {  	_ =	shalt  }
0x79: {  	_ =	shalt  }
0x7a: {  	_ =	shalt  }
0x7b: {  	_ =	shalt  }
0x7c: {  	_ =	shalt  }
0x7d: {  	_ =	shalt  }
0x7e: {  	_ =	shalt  }
0x7f: {  	_ =	shalt  }
0x80: {  	_ =	shalt  }
0x81: {  	_ =	shalt  }
0x82: {  	_ =	shalt  }
0x83: {  	_ =	shalt  }
0x84: {  	_ =	shalt  }
0x85: {  	_ =	shalt  }
0x86: {  	_ =	shalt  }
0x87: {  	_ =	shalt  }
.Lfunc_end0:
.L_simem_size_0:
called_computation_lowered:
.L_overlay_start_0:
0x88: {  	s2 =	sld [smem:$0x3FD9]  }
0x89: {  	s3 =	sld [smem:$0x3FFE];
	_ =	sdelay $0x1  }
0x8a: {  	s1 =	srdreg.scid  }
0x8b: {  	s0 =	sand.u32 $0x1, s1  }
0x8c: {  	s17 =	sshll.u32 s0, $0xA;
	s2 =	sadd.s32 s3, s2  }
0x8d: {  	s2 =	sadd.s32 s2, s17  }
0x8e: {  	[smem:$0x3FC6] =	sst s2  }
0x8f: {  	_ = 	snop  }
0x90: {  	s2 =	sld [smem:$0x3FC9]  }
0x91: {  	s18 =	sld [smem:$0x3FC8];
	(tm) =	ssettm $0x1  }
0x92: {  	s4 =	sld [smem:$0x3FFB];
	_ =	sdelay $0x3  }
0x93: {  	_ =	strace s4  }
0x94: {  	s4 =	sld [smem:$0x3FFC];
	_ =	sdelay $0x3  }
0x95: {  	_ =	strace s4  }
0x96: {  	s4 =	sld [smem:$0x3FFD];
	_ =	sdelay $0x3  }
0x97: {  	_ =	strace s4  }
0x98: {  	_ =	strace $0x8FFFFFFF  }
0x99: {  	s19 =	sld [smem:$0x3FDB];
	_ =	sdelay $0x1  }
0x9a: {  	s5 =	simm.s32 $_scs_section_size  }
0x9b: {  	s6 =	simm.s32 $_size__tile_overlayer_lowered;
	s7 =	simm.s32 $_tile_overlayer_lowered  }
0x9c: {  	s22 =	simm.s32 $0x1BFF;
	s21 =	sshll.u32 s7, $0x1;
	s4 =	sadd.s32 s5, s19  }
0x9d: {  	s8 =	simm.s32 $0x0;
	s20 =	sshll.u32 s6, $0x1;
	s6 =	sadd.s32 s21, s4  }
0x9e: {  	[timem:s8], [sflag:s22] =	dma.local [hbm:s6], s20  }
0x9f: {  	_ =	swait.ge [sflag:s22], s20  }
0xa0: {  	s5 =	ssub.s32 $0x0, s20;
	[sflag:s22] =	ssyncset.done $0x0  }
0xa1: {  	[sflag:s22] =	ssyncadd.s32 s5;
	_ =	sdelay $0x1  }
0xa2: {  	s23 =	simm.s32 $0x1B8B  }
0xa3: {  	_ =	swait.ge [sflag:s23], $0x1  }
0xa4: {  	[sflag:s23] =	ssyncset.done $0x0  }
0xa5: {  	s25 =	simm.s32 $0x1B8E;
	s24 =	sld [smem:$0x3FFE];
	[sflag:s23] =	ssyncadd.s32 $0xFFFFFFFF  }
0xa6: {  	s26 =	simm.s32 $execute0_lowered;
	[smem:$0x3FD2] =	sst s25  }
0xa7: {  	s6 =	sshll.u32 s26, $0x1;
	_ =	strace $0x80000046;
	[dreg:$0x1] =	wrdreg $0xFFFFFFFF  }
0xa8: {  	s28 =	simm.s32 $_size_execute0_lowered;
	s4 =	sadd.s32 s4, s6;
	[dreg:$0x0] =	wrdreg $0x0  }
0xa9: {  	s6 =	sshll.u32 s28, $0x1;
	[dreg:$0x2] =	wrdreg s4  }
0xaa: {  	[dreg:$0x3] =	wrdreg s6  }
0xab: {  	[dreg:$0x4] =	wrdreg $0xC0  }
0xac: {  	_ =	task [dreg:s8], $0x5FFFF  }
0xad: {  	[dreg:$0x1] =	wrdreg $0xFFFFFFFF  }
0xae: {  	[dreg:$0x0] =	wrdreg $0x60  }
0xaf: {  	[dreg:$0x2] =	wrdreg s2  }
0xb0: {  	[dreg:$0x3] =	wrdreg s18  }
0xb1: {  	[dreg:$0x4] =	wrdreg s24  }
0xb2: {  	[dreg:$0x5] =	wrdreg $0x9  }
0xb3: {  	_ =	task.clear_ibuf [dreg:s8], $0x6FFFF;
	_ =	strace $0x90000046  }
0xb4: {  	s29 =	simm.s32 $0x9;
	_ =	strace $0x80000048  }
0xb5: {  	_ =	swait.ge [sflag:s29], $0x1  }
0xb6: {  	[sflag:s29] =	ssyncadd.s32 $0xFFFFFFFF  }
0xb7: {  	_ =	strace $0x90000048  }
0xb8: {  	_ =	sfence  }
0xb9: {  	s30 =	sld [smem:$0x0];
	_ =	sdelay $0x2  }
0xba: {  	s31 =	sshll.u32 s1, $0xD;
	s1 =	sshrl.u32 s1, $0x2  }
0xbb: {  	s3 =	sand.u32 $0x4000, s31;
	s1 =	sadd.s32 s1, s30  }
0xbc: {  	s0 =	sor.u32 s3, s0;
	s1 =	sshll.u32 s1, $0x11  }
0xbd: {  	s0 =	sor.u32 s1, s0  }
0xbe: {  	s0 =	sadd.s32 $0x8F2B, s0  }
0xbf: {  	[sflag:s0] =	ssyncadd.remote.s32 $0x1  }
0xc0: {  	_ =	sfence.sel $0xFFFF  }
0xc1: {  	[dreg:$0x0] =	wrdreg $0xFFFFFFFF;
	(pc) =	sbr.abs _section_cstart, $3  }
0xc2: {  	[dreg:$0x1] =	wrdreg $0xFFFFFFFF  }
0xc3: {  	_ =	task.clear_ibuf [dreg:s8], $0x2FFFF;
	_ =	strace $0x9FFFFFFF  }
0xc4: {  	(tm) =	ssettm $0x7FFFFFFF  }
0xc5: {  	_ =	shalt  }
tec
execute0_lowered:
.L_overlay_start_1:
0x0: {  	(tag) =	ssettag $0x1  }
0x1: {  	s5 =	rddreg [dreg:$0x0]  }
0x2: {  	s3 =	rddreg [dreg:$0x1];
	s1 =	srdreg.scid  }
0x3: {  	s0 =	stileid.u32;
	s4 =	rddreg [dreg:$0x2]  }
0x4: {  	s2 =	simm.s32 $0x0;
	s11 =	simm.s32 $0xB000;
	s12 =	simm.s32 $0xF200  }
0x5: {  	s6 =	sand.u32 $0x1, s1;
	s7 =	sshll.u32 s0, $0x1;
	s1 =	rddreg [dreg:$0x3]  }
0x6: {  	s13 =	simm.s32 $0x0;
	[smem:$0x7FF] =	sst s2;
	s7 =	sor.u32 s6, s7  }
0x7: {  	s6 =	ssub.s32 $0x2, s6;
	s8 =	smul.u32 $0x1600, s7;
	s7 =	sshll.u32 s7, $0x4  }
0x8: {  	_ =	strace $0x80000047;
	s9 =	sshrl.u32 s6, $0x1;
	s7 =	sadd.s32 s7, s4  }
0x9: {  	s9 =	ssub.s32 s6, s9;
	s10 =	sadd.s32 $0xD4000, s8;
	s6 =	sadd.s32 $0xA00, s7  }
0xa: {  	s7 =	smax.u32 s9, $0x1;
	s9 =	simm.s32 $0x100;
	s31 =	sshrl.u32 s10, $0x3  }
0xb: {  	s4 =	sadd.s32 s5, s10;
	s5 =	sadd.s32 s8, s5;
	s8 =	simm.s32 $0x1  }
0xc: {  	s10 =	simm.s32 $0x400;
	s3 =	sadd.s32 s3, s31;
	s5 =	sadd.s32 $0x1D4000, s5  }
.LBB2_1:
0xd: {  	s14 =	simm.s32 $0xDC00  }
0xe: {  	[tilespmem:s14], [sflag:$0x1] =	stream.linear.gather [hbm4b:s3+s2], $0x1600, $0x38;
	[tilespmem:$0xF280] =	vst v63  }
0xf: {  	_ =	swait.ge [sflag:s8], $0x1600  }
0x10: {  	[sflag:s8] =	ssyncset.done $0x0  }
0x11: {  	[sflag:s8] =	ssyncadd.s32 $0xFFFFEA00  }
0x12: {  	[tilespmem:s2], [sflag:$0x1] =	stream.linear.gather [hbm4b:s4+s2], $0xB000, $0x38;
	[tilespmem:$0xF280] =	vst v63  }
0x13: {  	_ =	swait.ge [sflag:s8], $0xB000  }
0x14: {  	[sflag:s8] =	ssyncset.done $0x0  }
0x15: {  	[sflag:s8] =	ssyncadd.s32 $0xFFFF5000  }
0x16: {  	[tilespmem:s11], [sflag:$0x1] =	stream.strided.gather [hbm4b:s5+s9], $0x2C00, s10, s9, $0x38;
	[tilespmem:$0xF280] =	vst v63  }
0x17: {  	_ =	swait.ge [sflag:s8], $0x2C00  }
0x18: {  	[sflag:s8] =	ssyncset.done $0x0  }
0x19: {  	s15 =	sand.u32 $0x70, s2;
	s16 =	simm.s32 $0x0;
	[sflag:s8] =	ssyncadd.s32 $0xFFFFD400  }
0x1a: {  	s16 =	sor.u32 s15, s16;
	v0 =	vld [tilespmem:s14+$0x0]  }
0x1b: {  	s17 =	simm.s32 $0x0;
	v1 =	vld [tilespmem:s16+$0xB080]  }
0x1c: {  	s15 =	sor.u32 s15, s17;
	v2 =	vld [tilespmem:s16+$0xB000]  }
0x1d: {  	v3 =	vld [tilespmem:s15+$0x380]  }
0x1e: {  	v4 =	vld [tilespmem:s15+$0x300]  }
0x1f: {  	v5 =	vld [tilespmem:s15+$0x280]  }
0x20: {  	v6 =	vld [tilespmem:s15+$0x200]  }
0x21: {  	v7 =	vld [tilespmem:s15+$0x180]  }
0x22: {  	v8 =	vld [tilespmem:s15+$0x100]  }
0x23: {  	v9 =	vld [tilespmem:s15+$0x80]  }
0x24: {  	v11 =	vld [tilespmem:s15+$0x0]  }
0x25: {  	v52 =	vimm.f32 $0.0e+00;
	v10 =	vmax.f32 v0, $9.599999780e-01;
	v12 =	vshra.s32 v1, $0x17  }
0x26: {  	v13 =	vshra.s32 v2, $0x17;
	v14 =	vshra.s32 v3, $0x17;
	v15 =	vshra.s32 v4, $0x17  }
0x27: {  	v16 =	vshra.s32 v6, $0x17;
	v17 =	vshra.s32 v5, $0x17;
	v18 =	vshra.s32 v8, $0x17  }
0x28: {  	v19 =	vshra.s32 v7, $0x17;
	v20 =	vand.u32 $0x7FFFFF, v1;
	v21 =	vshra.s32 v9, $0x17  }
0x29: {  	v22 =	vshra.s32 v11, $0x17;
	v23 =	vand.u32 $0x7FFFFF, v2;
	v1 =	vsub.f32 $1.000000000e+00, v1  }
0x2a: {  	v24 =	vand.u32 $0x7FFFFF, v3;
	v25 =	vsub.f32 $1.000000000e+00, v2;
	v53 =	vand.u32 $0x7FFFFF, v4  }
0x2b: {  	v27 =	vsub.f32 $1.000000000e+00, v3;
	v54 =	vand.u32 $0x7FFFFF, v5;
	v29 =	vsub.f32 $1.000000000e+00, v4  }
0x2c: {  	v55 =	vand.u32 $0x7FFFFF, v6;
	v31 =	vsub.f32 $1.000000000e+00, v5;
	v57 =	vand.u32 $0x7FFFFF, v7  }
0x2d: {  	v33 =	vsub.f32 $1.000000000e+00, v6;
	v58 =	vand.u32 $0x7FFFFF, v8;
	v35 =	vsub.f32 $1.000000000e+00, v7  }
0x2e: {  	v60 =	vand.u32 $0x7FFFFF, v9;
	v37 =	vsub.f32 $1.000000000e+00, v8;
	v8 =	vand.u32 $0x7FFFFF, v11  }
0x2f: {  	v43 =	vsub.f32 $1.000000000e+00, v9;
	v46 =	vsub.f32 $1.000000000e+00, v11;
	v10 =	vmin.f32 v10, $1.920000000e+02  }
0x30: {  	v11 =	vadd.s32 $0xFFFFFF81, v13;
	v9 =	vadd.s32 $0xFFFFFF81, v12;
	v12 =	vadd.s32 $0xFFFFFF81, v16  }
0x31: {  	v47 =	vadd.s32 $0xFFFFFF81, v17;
	v48 =	vadd.s32 $0xFFFFFF81, v15;
	v18 =	vadd.s32 $0xFFFFFF81, v18  }
0x32: {  	v19 =	vadd.s32 $0xFFFFFF81, v19;
	v49 =	vor.u32 $0x3F800000, v20;
	v20 =	vadd.s32 $0xFFFFFF81, v22  }
0x33: {  	v21 =	vadd.s32 $0xFFFFFF81, v21;
	v41 =	vor.u32 $0x3F800000, v23;
	v50 =	vor.u32 $0x3F800000, v54  }
0x34: {  	v39 =	vor.u32 $0x3F800000, v53;
	v40 =	vor.u32 $0x3F800000, v24;
	v26 =	vmul.f32 $-1.041666630e+00, v10  }
0x35: {  	v16 =	vor.u32 $0x3F800000, v57;
	v28 =	vmul.f32 $-7.812500000e-01, v10;
	v30 =	vmul.f32 $-6.250000000e-01, v10  }
0x36: {  	v17 =	vor.u32 $0x3F800000, v55;
	v59 =	vmul.f32 $-2.083333280e-01, v10;
	v34 =	vmul.f32 $-1.041666640e-01, v10  }
0x37: {  	v13 =	vor.u32 $0x3F800000, v8;
	v36 =	vmul.f32 $-3.472222390e-02, v10;
	v42 =	vmul.f32 $-6.250000000e-02, v10  }
0x38: {  	v15 =	vor.u32 $0x3F800000, v60;
	v44 =	vmul.f32 $-1.041666700e-02, v10;
	v45 =	vmul.f32 $-3.125000000e-02, v10  }
0x39: {  	v10 =	vadd.s32 $0xFFFFFF81, v14;
	v14 =	vor.u32 $0x3F800000, v58;
	v61 =	vcvt.s32.f32 v9  }
0x3a: {  	v11 =	vcvt.s32.f32 v11;
	v22 =	vshra.s32 v1, $0x17;
	v63 =	vcvt.s32.f32 v48  }
0x3b: {  	v23 =	vshra.s32 v27, $0x17;
	v24 =	vshra.s32 v25, $0x17;
	v4 =	vcvt.s32.f32 v12  }
0x3c: {  	v5 =	vshra.s32 v29, $0x17;
	v6 =	vcvt.s32.f32 v19;
	v19 =	vshra.s32 v33, $0x17  }
0x3d: {  	v7 =	vshra.s32 v31, $0x17;
	v60 =	vcvt.s32.f32 v18;
	v18 =	vshra.s32 v35, $0x17  }
0x3e: {  	v57 =	vmul.f32 $7.915383570e-02, v49;
	v51 =	vmul.f32 $7.915383570e-02, v41;
	v32 =	vshra.s32 v43, $0x17  }
0x3f: {  	[tilespmem:$0x1FF60] =	vst v52;
	v52 =	vand.u32 $0x7FFFFF, v1;
	v54 =	vmul.f32 $7.915383570e-02, v40;
	v55 =	vmul.f32 $7.915383570e-02, v39  }
0x40: {  	v53 =	vshra.s32 v46, $0x17;
	v56 =	vmul.f32 $7.915383570e-02, v50;
	v58 =	vmul.f32 $7.915383570e-02, v17  }
0x41: {  	v25 =	vand.u32 $0x7FFFFF, v25;
	v2 =	vmul.f32 $7.915383570e-02, v15;
	v0 =	vmul.f32 $7.915383570e-02, v13  }
0x42: {  	v43 =	vand.u32 $0x7FFFFF, v43;
	v46 =	vand.u32 $0x7FFFFF, v46;
	v62 =	vcvt.s32.f32 v10  }
0x43: {  	v10 =	vcvt.s32.f32 v47;
	v23 =	vadd.s32 $0xFFFFFF81, v23;
	v24 =	vadd.s32 $0xFFFFFF81, v24  }
0x44: {  	v22 =	vadd.s32 $0xFFFFFF81, v22;
	v38 =	vadd.s32 $0xFFFFFF81, v19;
	v48 =	vadd.s32 $0xFFFFFF81, v7  }
0x45: {  	v47 =	vadd.s32 $0xFFFFFF81, v5;
	v19 =	vadd.s32 $0xFFFFFF81, v32;
	[tilespmem:$0x1FF70] =	vst v61;
	v61 =	vcvt.s32.f32 v21  }
0x46: {  	[tilespmem:$0x1FF90] =	vst v63;
	v21 =	vshra.s32 v37, $0x17;
	v63 =	vadd.f32 $2.000000000e+00, v26;
	v26 =	vand.u32 $0x7FFFFF, v27  }
0x47: {  	v12 =	vadd.f32 $2.500000000e+00, v28;
	v27 =	vand.u32 $0x7FFFFF, v29;
	v28 =	vand.u32 $0x7FFFFF, v31  }
0x48: {  	[tilespmem:$0x1FFC0] =	vst v60;
	v1 =	vadd.f32 $2.000000000e+00, v59;
	v60 =	vmul.f32 $7.915383570e-02, v16;
	v42 =	vadd.f32 $4.000000000e+00, v42  }
0x49: {  	v29 =	vand.u32 $0x7FFFFF, v33;
	v44 =	vadd.f32 $2.000000000e+00, v44;
	v45 =	vadd.f32 $3.000000000e+00, v45  }
0x4a: {  	[tilespmem:$0x1FFA0] =	vst v4;
	v59 =	vmul.f32 $7.915383570e-02, v14;
	v3 =	vsub.f32 $6.288414590e-01, v51;
	v4 =	vsub.f32 $6.288414590e-01, v57  }
0x4b: {  	[tilespmem:$0x1FFB0] =	vst v6;
	v31 =	vand.u32 $0x7FFFFF, v37;
	v5 =	vsub.f32 $6.288414590e-01, v54;
	v6 =	vsub.f32 $6.288414590e-01, v56  }
0x4c: {  	v7 =	vsub.f32 $6.288414590e-01, v55;
	v54 =	vsub.f32 $6.288414590e-01, v58;
	[tilespmem:$0x1FF80] =	vst v62;
	v62 =	vcvt.s32.f32 v20  }
0x4d: {  	v20 =	vadd.s32 $0xFFFFFF81, v21;
	v21 =	vadd.s32 $0xFFFFFF81, v18;
	v18 =	vadd.s32 $0xFFFFFF81, v53  }
0x4e: {  	v32 =	vor.u32 $0x3F800000, v28;
	v37 =	vor.u32 $0x3F800000, v26;
	v33 =	vor.u32 $0x3F800000, v29  }
0x4f: {  	v29 =	vor.u32 $0x3F800000, v31;
	v26 =	vcvt.s32.f32 v24;
	v24 =	vcvt.s32.f32 v47;
	[tilespmem:$0x1FFD0] =	vst v61  }
0x50: {  	[tilespmem:$0x1FFF0] =	vst v63;
	v61 =	vadd.f32 $2.000000000e+00, v34;
	v63 =	vadd.f32 $1.666666630e+00, v36;
	v36 =	vor.u32 $0x3F800000, v25  }
0x51: {  	v34 =	vor.u32 $0x3F800000, v27;
	v27 =	vcvt.s32.f32 v22;
	v25 =	vcvt.s32.f32 v23  }
0x52: {  	v31 =	vor.u32 $0x3F800000, v46;
	v23 =	vcvt.s32.f32 v48;
	v21 =	vcvt.s32.f32 v21  }
0x53: {  	v22 =	vcvt.s32.f32 v38;
	v20 =	vcvt.s32.f32 v20;
	v44 =	vmax.f32 v44, $0.0e+00  }
0x54: {  	v45 =	vmax.f32 v45, $0.0e+00;
	v53 =	vmul.f32 $7.915383570e-02, v37;
	v55 =	vmul.f32 $7.915383570e-02, v32  }
0x55: {  	v42 =	vmax.f32 v42, $0.0e+00;
	v38 =	vmul.f32 v41, v3;
	v51 =	vmul.f32 v50, v6  }
0x56: {  	v6 =	vmax.f32 v1, $0.0e+00;
	[tilespmem:$0x1FFE0] =	vst v62;
	v62 =	vadd.f32 $3.000000000e+00, v30;
	v30 =	vand.u32 $0x7FFFFF, v35  }
0x57: {  	v35 =	vor.u32 $0x3F800000, v52;
	v47 =	vmul.f32 $7.915383570e-02, v36;
	v44 =	vmin.f32 v44, $1.000000000e+00  }
0x58: {  	v45 =	vmin.f32 v45, $1.000000000e+00;
	v42 =	vmin.f32 v42, $1.000000000e+00;
	v56 =	vmul.f32 $7.915383570e-02, v34  }
0x59: {  	v52 =	vmul.f32 v39, v7;
	v28 =	vor.u32 $0x3F800000, v30;
	v30 =	vor.u32 $0x3F800000, v43  }
0x5a: {  	v44 =	vadd.f32 v45, v44;
	v48 =	vmul.f32 $7.915383570e-02, v35;
	v57 =	vmax.f32 v63, $0.0e+00  }
0x5b: {  	v43 =	vmul.f32 v49, v4;
	v61 =	vmax.f32 v61, $0.0e+00;
	v38 =	vadd.f32 $-2.081128600e+00, v38  }
0x5c: {  	v4 =	vmul.f32 v40, v5;
	v51 =	vadd.f32 $-2.081128600e+00, v51;
	v55 =	vsub.f32 $6.288414590e-01, v55  }
0x5d: {  	v58 =	vmin.f32 v57, $1.000000000e+00;
	v63 =	vmin.f32 v61, $1.000000000e+00;
	v57 =	vsub.f32 $6.288414590e-01, v60  }
0x5e: {  	v5 =	vadd.f32 $-2.081128600e+00, v52;
	v60 =	vsub.f32 $6.288414590e-01, v2;
	v2 =	vmul.f32 $7.915383570e-02, v29  }
0x5f: {  	v61 =	vmul.f32 $7.915383570e-02, v30;
	v47 =	vsub.f32 $6.288414590e-01, v47;
	v42 =	vadd.f32 v44, v42  }
0x60: {  	v43 =	vadd.f32 $-2.081128600e+00, v43;
	v44 =	vadd.f32 $-2.081128600e+00, v4;
	v38 =	vmul.f32 v41, v38  }
0x61: {  	v51 =	vmul.f32 v50, v51;
	v4 =	vmul.f32 $7.915383570e-02, v31;
	v48 =	vsub.f32 $6.288414590e-01, v48  }
0x62: {  	v55 =	vmul.f32 v32, v55;
	v7 =	vmul.f32 v39, v5;
	v5 =	vsub.f32 $6.288414590e-01, v53  }
0x63: {  	v2 =	vsub.f32 $6.288414590e-01, v2;
	v47 =	vmul.f32 v36, v47;
	v42 =	vadd.f32 v42, v58  }
0x64: {  	v3 =	vmul.f32 v49, v43;
	v43 =	vmax.f32 v62, $0.0e+00;
	v38 =	vadd.f32 $4.028450490e+00, v38  }
0x65: {  	v44 =	vmul.f32 v40, v44;
	v58 =	vsub.f32 $6.288414590e-01, v59;
	v55 =	vadd.f32 $-2.081128600e+00, v55  }
0x66: {  	v48 =	vmul.f32 v35, v48;
	v1 =	vadd.f32 $4.028450490e+00, v7;
	v47 =	vadd.f32 $-2.081128600e+00, v47  }
0x67: {  	v52 =	vmul.f32 v37, v5;
	v45 =	vadd.f32 v42, v63;
	v42 =	vadd.f32 $4.028450490e+00, v3  }
0x68: {  	v3 =	vadd.f32 $4.028450490e+00, v51;
	v51 =	vsub.f32 $6.288414590e-01, v0;
	v0 =	vmul.f32 v16, v57  }
0x69: {  	v43 =	vmin.f32 v43, $1.000000000e+00;
	v39 =	vmul.f32 v39, v1;
	v1 =	vmul.f32 v14, v58  }
0x6a: {  	v7 =	vsub.f32 $6.288414590e-01, v56;
	v58 =	vmul.f32 v29, v2;
	v47 =	vmul.f32 v36, v47  }
0x6b: {  	v44 =	vadd.f32 $4.028450490e+00, v44;
	v46 =	vmul.f32 v49, v42;
	v49 =	vmul.f32 $7.915383570e-02, v33  }
0x6c: {  	v48 =	vadd.f32 $-2.081128600e+00, v48;
	v42 =	vmul.f32 v41, v38;
	v41 =	vmul.f32 $7.915383570e-02, v28  }
0x6d: {  	v52 =	vadd.f32 $-2.081128600e+00, v52;
	v40 =	vmul.f32 v40, v44;
	v38 =	vmul.f32 v50, v3  }
0x6e: {  	v44 =	vmin.f32 v6, $1.000000000e+00;
	v6 =	vmul.f32 v17, v54;
	v50 =	vsub.f32 $6.288414590e-01, v4  }
0x6f: {  	v3 =	vmul.f32 v15, v60;
	v51 =	vmul.f32 v13, v51;
	v4 =	vsub.f32 $6.288414590e-01, v61  }
0x70: {  	v54 =	vmul.f32 v34, v7;
	v56 =	vadd.f32 $-2.081128600e+00, v0;
	v57 =	vadd.f32 $-2.081128600e+00, v1  }
0x71: {  	v48 =	vmul.f32 v35, v48;
	v7 =	vadd.f32 $-2.081128600e+00, v58;
	v49 =	vsub.f32 $6.288414590e-01, v49  }
0x72: {  	v52 =	vmul.f32 v37, v52;
	v41 =	vsub.f32 $6.288414590e-01, v41;
	v53 =	vadd.f32 $-2.081128600e+00, v6  }
0x73: {  	v59 =	vadd.f32 $-2.081128600e+00, v3;
	v51 =	vadd.f32 $-2.081128600e+00, v51;
	v60 =	vmul.f32 v30, v4  }
0x74: {  	v50 =	vmul.f32 v31, v50;
	v54 =	vadd.f32 $-2.081128600e+00, v54;
	v5 =	vmul.f32 v16, v56  }
0x75: {  	v6 =	vmul.f32 v14, v57;
	v52 =	vadd.f32 $4.028450490e+00, v52;
	v49 =	vmul.f32 v33, v49  }
0x76: {  	v41 =	vmul.f32 v28, v41;
	v53 =	vmul.f32 v17, v53;
	v0 =	vadd.f32 $-2.081128600e+00, v50  }
0x77: {  	v1 =	vmul.f32 v15, v59;
	v2 =	vadd.f32 $-2.081128600e+00, v60;
	v57 =	vadd.f32 $4.028450490e+00, v5  }
0x78: {  	v5 =	vmul.f32 v32, v55;
	v55 =	vadd.f32 $4.028450490e+00, v48;
	v58 =	vadd.f32 $4.028450490e+00, v6  }
0x79: {  	v51 =	vmul.f32 v13, v51;
	v49 =	vadd.f32 $-2.081128600e+00, v49;
	v41 =	vadd.f32 $-2.081128600e+00, v41  }
0x7a: {  	v7 =	vmul.f32 v29, v7;
	v56 =	vadd.f32 $4.028450490e+00, v53;
	v53 =	vadd.f32 $4.028450490e+00, v1  }
0x7b: {  	v3 =	vmul.f32 v34, v54;
	v54 =	vadd.f32 $4.028450490e+00, v51;
	v51 =	vadd.f32 $4.028450490e+00, v47  }
0x7c: {  	v50 =	vadd.f32 $4.028450490e+00, v5;
	v4 =	vmul.f32 v33, v49;
	v6 =	vmul.f32 v28, v41  }
0x7d: {  	v60 =	vmul.f32 v31, v0;
	v49 =	vadd.f32 $4.028450490e+00, v3;
	v41 =	vadd.f32 $4.028450490e+00, v7  }
0x7e: {  	s15 =	simm.s32 $0x1;
	s16 =	simm.s32 $0x0;
	v59 =	vmul.f32 v30, v2;
	v47 =	vadd.f32 $4.028450490e+00, v4;
	v48 =	vadd.f32 $4.028450490e+00, v6  }
.LBB2_2:
0x7f: {  	v17 =	vmul.f32 v17, v56;
	v15 =	vmul.f32 v15, v53;
	v60 =	vadd.f32 $4.028450490e+00, v60  }
0x80: {  	v13 =	vmul.f32 v13, v54;
	v59 =	vadd.f32 $4.028450490e+00, v59;
	v44 =	vadd.f32 v45, v44  }
0x81: {  	v16 =	vmul.f32 v16, v57;
	v56 =	vadd.f32 $-2.496805910e+00, v46;
	v40 =	vadd.f32 $-2.496805910e+00, v40  }
0x82: {  	v14 =	vmul.f32 v14, v58;
	v42 =	vadd.f32 $-2.496805910e+00, v42;
	v38 =	vadd.f32 $-2.496805910e+00, v38  }
0x83: {  	v39 =	vadd.f32 $-2.496805910e+00, v39;
	v35 =	vmul.f32 v35, v55;
	v17 =	vadd.f32 $-2.496805910e+00, v17  }
0x84: {  	v0 =	vld [tilespmem:$0x1FF70];
	v36 =	vmul.f32 v36, v51;
	v15 =	vadd.f32 $-2.496805910e+00, v15;
	v13 =	vadd.f32 $-2.496805910e+00, v13  }
0x85: {  	v61 =	vld [tilespmem:$0x1FF90];
	v37 =	vmul.f32 v37, v52;
	v16 =	vadd.f32 $-2.496805910e+00, v16;
	v14 =	vadd.f32 $-2.496805910e+00, v14  }
0x86: {  	v33 =	vmul.f32 v33, v47;
	v43 =	vadd.f32 v44, v43;
	v42 =	vadd.f32 v11, v42  }
0x87: {  	v57 =	vld [tilespmem:$0x1FF80];
	v28 =	vmul.f32 v28, v48;
	v7 =	vadd.f32 $-2.496805910e+00, v35;
	v8 =	vadd.f32 $-2.496805910e+00, v36  }
0x88: {  	v32 =	vmul.f32 v32, v50;
	v45 =	vld [tilespmem:$0x1FFD0];
	v63 =	vadd.f32 v10, v38;
	v10 =	vadd.f32 $-2.496805910e+00, v37  }
0x89: {  	v46 =	vld [tilespmem:$0x1FFE0];
	v11 =	vmul.f32 v34, v49;
	v4 =	vadd.f32 $-2.496805910e+00, v33;
	v5 =	vadd.f32 $-2.496805910e+00, v28  }
0x8a: {  	v9 =	vadd.f32 v0, v56;
	v62 =	vadd.f32 v61, v39  }
0x8b: {  	v2 =	vadd.f32 $-2.496805910e+00, v11;
	v11 =	vmul.f32 v29, v41;
	v29 =	vadd.f32 $-2.496805910e+00, v32  }
0x8c: {  	v47 =	vadd.f32 v27, v7;
	v21 =	vadd.f32 v21, v5  }
0x8d: {  	v3 =	vmul.f32 v30, v59;
	v44 =	vld [tilespmem:$0x1FFC0];
	v22 =	vadd.f32 v22, v4;
	v58 =	vadd.f32 v57, v40  }
0x8e: {  	v30 =	vmul.f32 v31, v60;
	v15 =	vadd.f32 v45, v15;
	v28 =	vadd.f32 v46, v13  }
0x8f: {  	v12 =	vmax.f32 v12, $0.0e+00;
	s17 =	sshrl.u32 s15, $0x3;
	s16 =	sadd.s32 $0x10, s16;
	v13 =	vadd.f32 v25, v10;
	v6 =	vadd.f32 $-2.496805910e+00, v11  }
0x90: {  	v53 =	vld [tilespmem:$0x1FFF0];
	s18 =	sand.u32 $0x70, s16;
	s19 =	sshll.u32 s17, $0x8;
	v11 =	vmin.f32 v12, $1.000000000e+00;
	v12 =	vadd.f32 $-2.496805910e+00, v30;
	v30 =	vadd.f32 $-2.496805910e+00, v3  }
0x91: {  	s19 =	sor.u32 s18, s19;
	v41 =	vld [tilespmem:$0x1FFB0];
	v23 =	vadd.f32 v23, v29;
	v24 =	vadd.f32 v24, v2  }
0x92: {  	v19 =	vcvt.s32.f32 v19;
	v54 =	vld [tilespmem:s19+$0xB080];
	v9 =	vsub.f32 v9, v47;
	v14 =	vadd.f32 v44, v14  }
0x93: {  	v18 =	vcvt.s32.f32 v18;
	v40 =	vld [tilespmem:$0x1FFA0];
	v31 =	vadd.f32 v43, v11;
	v11 =	vadd.f32 v26, v8  }
0x94: {  	s14 =	sadd.s32 $0x10, s14;
	v29 =	vsub.f32 v58, v13;
	v20 =	vadd.f32 v20, v6  }
0x95: {  	v27 =	vld [tilespmem:s14+$0x0];
	v1 =	vmax.f32 v53, $0.0e+00;
	v18 =	vadd.f32 v18, v12;
	v19 =	vadd.f32 v19, v30  }
0x96: {  	v1 =	vmin.f32 v1, $1.000000000e+00;
	v57 =	vsub.f32 v63, v23;
	v16 =	vadd.f32 v41, v16  }
0x97: {  	v10 =	vld [tilespmem:s19+$0xB000];
	v25 =	vadd.f32 v31, v1;
	v26 =	vsub.f32 v42, v11  }
0x98: {  	v2 =	vshra.s32 v54, $0x17;
	v31 =	vsub.f32 v62, v24;
	v17 =	vadd.f32 v40, v17  }
0x99: {  	v2 =	vadd.s32 $0xFFFFFF81, v2;
	v28 =	vsub.f32 v28, v18;
	v15 =	vsub.f32 v15, v19  }
0x9a: {  	s17 =	sshll.u32 s17, $0xA;
	v55 =	vmax.f32 v27, $9.599999780e-01;
	v14 =	vsub.f32 v14, v20;
	v27 =	vadd.f32 $-9.000000000e+00, v25  }
0x9b: {  	s17 =	sor.u32 s18, s17;
	v1 =	vmin.f32 v55, $1.920000000e+02;
	v30 =	vadd.f32 $-8.000000000e+00, v25;
	v56 =	vadd.f32 $-7.000000000e+00, v25  }
0x9c: {  	v8 =	vld [tilespmem:s17+$0x380];
	v4 =	vshra.s32 v10, $0x17;
	v58 =	vadd.f32 $-6.000000000e+00, v25;
	v60 =	vadd.f32 $-5.000000000e+00, v25  }
0x9d: {  	v12 =	vld [tilespmem:s17+$0x300];
	v61 =	vand.u32 $0x7FFFFFFF, v25;
	v62 =	vadd.f32 $-1.000000000e+00, v25;
	v16 =	vsub.f32 v16, v21  }
0x9e: {  	v48 =	vadd.f32 $-4.000000000e+00, v25;
	v49 =	vadd.f32 $-2.000000000e+00, v25;
	v33 =	vmul.f32 $-2.083333280e-01, v1  }
0x9f: {  	v25 =	vadd.f32 $-3.000000000e+00, v25;
	v34 =	vmul.f32 $-1.041666640e-01, v1;
	v43 =	vmul.f32 $-6.250000000e-02, v1  }
0xa0: {  	v45 =	vmul.f32 $-1.041666700e-02, v1;
	v46 =	vmul.f32 $-3.125000000e-02, v1;
	v4 =	vadd.s32 $0xFFFFFF81, v4  }
0xa1: {  	v59 =	vshra.s32 v8, $0x17;
	v17 =	vsub.f32 v17, v22;
	v36 =	vsub.f32 $1.000000000e+00, v61  }
0xa2: {  	v53 =	vand.u32 $0x7FFFFF, v8;
	v61 =	vcvt.s32.f32 v2;
	v63 =	vshra.s32 v12, $0x17  }
0xa3: {  	v37 =	vand.u32 $0x7FFFFFFF, v62;
	v50 =	vand.u32 $0x7FFFFFFF, v49;
	v25 =	vand.u32 $0x7FFFFFFF, v25  }
0xa4: {  	v51 =	vand.u32 $0x7FFFFFFF, v48;
	v41 =	vor.u32 $0x3F800000, v53;
	v43 =	vadd.f32 $4.000000000e+00, v43  }
0xa5: {  	v45 =	vadd.f32 $2.000000000e+00, v45;
	v46 =	vadd.f32 $3.000000000e+00, v46;
	v36 =	vmax.f32 v36, $0.0e+00  }
0xa6: {  	v37 =	vsub.f32 $1.000000000e+00, v37;
	v25 =	vsub.f32 $1.000000000e+00, v25;
	v6 =	vadd.s32 $0xFFFFFF81, v63  }
0xa7: {  	v52 =	vld [tilespmem:$0x1FF60];
	v28 =	vmul.f32 v36, v28;
	v36 =	vsub.f32 $1.000000000e+00, v50;
	v63 =	vcvt.s32.f32 v6  }
0xa8: {  	v45 =	vmax.f32 v45, $0.0e+00;
	v46 =	vmax.f32 v46, $0.0e+00;
	v37 =	vmax.f32 v37, $0.0e+00  }
0xa9: {  	v45 =	vmin.f32 v45, $1.000000000e+00;
	v46 =	vmin.f32 v46, $1.000000000e+00;
	v18 =	vadd.f32 v28, v18  }
0xaa: {  	v15 =	vmul.f32 v37, v15;
	v28 =	vmax.f32 v36, $0.0e+00;
	v36 =	vmul.f32 $-3.472222390e-02, v1  }
0xab: {  	v45 =	vadd.f32 v46, v45;
	v14 =	vmul.f32 v14, v28;
	v28 =	vsub.f32 $1.000000000e+00, v8  }
0xac: {  	v0 =	vadd.f32 v18, v52;
	v15 =	vadd.f32 v15, v19;
	v18 =	vmax.f32 v25, $0.0e+00  }
0xad: {  	v19 =	vsub.f32 $1.000000000e+00, v51;
	v25 =	vand.u32 $0x7FFFFFFF, v60;
	v14 =	vadd.f32 v14, v20  }
0xae: {  	v44 =	vshra.s32 v28, $0x17;
	v0 =	vadd.f32 v15, v0;
	v15 =	vmul.f32 v16, v18  }
0xaf: {  	v16 =	vmax.f32 v19, $0.0e+00;
	v18 =	vsub.f32 $1.000000000e+00, v25;
	v25 =	vsub.f32 $1.000000000e+00, v54  }
0xb0: {  	v19 =	vand.u32 $0x7FFFFFFF, v58;
	v0 =	vadd.f32 v0, v14;
	v14 =	vadd.f32 v15, v21  }
0xb1: {  	v15 =	vmul.f32 v17, v16;
	v16 =	vmax.f32 v18, $0.0e+00;
	v17 =	vsub.f32 $1.000000000e+00, v19  }
0xb2: {  	v18 =	vand.u32 $0x7FFFFFFF, v56;
	v19 =	vand.u32 $0x7FFFFFFF, v30;
	v21 =	vand.u32 $0x7FFFFFFF, v27  }
0xb3: {  	v27 =	vmul.f32 $-1.041666630e+00, v1;
	v30 =	vsub.f32 $1.000000000e+00, v12;
	v18 =	vsub.f32 $1.000000000e+00, v18  }
0xb4: {  	v37 =	vshra.s32 v25, $0x17;
	v19 =	vsub.f32 $1.000000000e+00, v19;
	v21 =	vsub.f32 $1.000000000e+00, v21  }
0xb5: {  	v25 =	vand.u32 $0x7FFFFF, v25;
	v0 =	vadd.f32 v0, v14;
	v14 =	vadd.f32 v15, v22  }
0xb6: {  	v15 =	vmul.f32 v57, v16;
	v17 =	vmax.f32 v17, $0.0e+00;
	v57 =	vadd.s32 $0xFFFFFF81, v59  }
0xb7: {  	[tilespmem:$0x1FF90] =	vst v63;
	v63 =	vadd.f32 $2.000000000e+00, v27;
	v27 =	vand.u32 $0x7FFFFF, v28;
	v28 =	vand.u32 $0x7FFFFF, v30  }
0xb8: {  	v18 =	vmax.f32 v18, $0.0e+00;
	v19 =	vmax.f32 v19, $0.0e+00;
	v21 =	vmax.f32 v21, $0.0e+00  }
0xb9: {  	v20 =	vld [tilespmem:s17+$0x200];
	v62 =	vcvt.s32.f32 v57;
	v0 =	vadd.f32 v0, v14;
	v14 =	vadd.f32 v15, v23  }
0xba: {  	v16 =	vld [tilespmem:s17+$0x280];
	v15 =	vmul.f32 v31, v17;
	v9 =	vmul.f32 v9, v21;
	v21 =	vand.u32 $0x7FFFFF, v54  }
0xbb: {  	v54 =	vand.u32 $0x7FFFFF, v12;
	v31 =	vmul.f32 $-6.250000000e-01, v1;
	[tilespmem:$0x1FFF0] =	vst v63;
	v63 =	vadd.f32 $1.666666630e+00, v36  }
0xbc: {  	v22 =	vld [tilespmem:s17+$0x100];
	v40 =	vor.u32 $0x3F800000, v21;
	v39 =	vor.u32 $0x3F800000, v54;
	v54 =	vmul.f32 $7.915383570e-02, v41  }
0xbd: {  	v23 =	vld [tilespmem:s17+$0x0];
	v0 =	vadd.f32 v0, v14;
	v14 =	vadd.f32 v15, v24;
	v15 =	vmul.f32 v29, v18  }
0xbe: {  	v17 =	vld [tilespmem:s17+$0x180];
	v3 =	vadd.f32 v9, v47;
	v29 =	vmul.f32 $-7.812500000e-01, v1;
	v51 =	vmul.f32 $7.915383570e-02, v40  }
0xbf: {  	v57 =	vadd.f32 $3.000000000e+00, v31;
	v8 =	vand.u32 $0x7FFFFF, v16;
	v32 =	vsub.f32 $1.000000000e+00, v16  }
0xc0: {  	v0 =	vadd.f32 v0, v14;
	v13 =	vadd.f32 v15, v13;
	v14 =	vmul.f32 v26, v19  }
0xc1: {  	v15 =	vshra.s32 v20, $0x17;
	v19 =	vshra.s32 v16, $0x17;
	v26 =	vsub.f32 $1.000000000e+00, v10  }
0xc2: {  	v16 =	vand.u32 $0x7FFFFF, v22;
	v38 =	vor.u32 $0x3F800000, v8;
	v9 =	vshra.s32 v23, $0x17  }
0xc3: {  	v18 =	vld [tilespmem:s17+$0x80];
	v12 =	vand.u32 $0x7FFFFF, v17;
	v35 =	vsub.f32 $1.000000000e+00, v17;
	v56 =	vand.u32 $0x7FFFFF, v23  }
0xc4: {  	v23 =	vsub.f32 $1.000000000e+00, v23;
	v58 =	vadd.s32 $0xFFFFFF81, v15;
	v19 =	vadd.s32 $0xFFFFFF81, v19  }
0xc5: {  	v7 =	vshra.s32 v32, $0x17;
	v0 =	vadd.f32 v0, v13;
	v11 =	vadd.f32 v14, v11  }
0xc6: {  	v13 =	vshra.s32 v22, $0x17;
	v14 =	vshra.s32 v17, $0x17;
	v22 =	vsub.f32 $1.000000000e+00, v22  }
0xc7: {  	v21 =	vadd.s32 $0xFFFFFF81, v9;
	v49 =	vshra.s32 v26, $0x17;
	v26 =	vand.u32 $0x7FFFFF, v26  }
0xc8: {  	v50 =	vadd.s32 $0xFFFFFF81, v7;
	v24 =	vshra.s32 v18, $0x17;
	v55 =	vand.u32 $0x7FFFFF, v18  }
0xc9: {  	v18 =	vsub.f32 $1.000000000e+00, v18;
	v59 =	vadd.s32 $0xFFFFFF81, v13;
	v60 =	vadd.s32 $0xFFFFFF81, v14  }
0xca: {  	v14 =	vor.u32 $0x3F800000, v16;
	v16 =	vor.u32 $0x3F800000, v12;
	v13 =	vor.u32 $0x3F800000, v56  }
0xcb: {  	[tilespmem:$0x1FF80] =	vst v62;
	v47 =	vshra.s32 v35, $0x17;
	v62 =	vcvt.s32.f32 v21;
	v53 =	vshra.s32 v23, $0x17  }
0xcc: {  	v12 =	vadd.f32 $2.500000000e+00, v29;
	v56 =	vmul.f32 $7.915383570e-02, v38;
	v29 =	vand.u32 $0x7FFFFF, v32  }
0xcd: {  	v2 =	vand.u32 $0x7FFFFF, v23;
	v23 =	vadd.s32 $0xFFFFFF81, v44;
	v44 =	vadd.s32 $0xFFFFFF81, v49  }
0xce: {  	v49 =	vadd.s32 $0xFFFFFF81, v37;
	v36 =	vor.u32 $0x3F800000, v26;
	v37 =	vor.u32 $0x3F800000, v27  }
0xcf: {  	v0 =	vadd.f32 v0, v11;
	v11 =	vand.u32 $0x7FFFFF, v10;
	v10 =	vand.u32 $0x7FFFFF, v20  }
0xd0: {  	v20 =	vsub.f32 $1.000000000e+00, v20;
	v24 =	vadd.s32 $0xFFFFFF81, v24;
	v5 =	vcvt.s32.f32 v60  }
0xd1: {  	v15 =	vor.u32 $0x3F800000, v55;
	v60 =	vcvt.s32.f32 v59;
	v55 =	vmul.f32 $7.915383570e-02, v39  }
0xd2: {  	v59 =	vadd.f32 $2.000000000e+00, v33;
	v1 =	vmul.f32 $7.915383570e-02, v13;
	v47 =	vadd.s32 $0xFFFFFF81, v47  }
0xd3: {  	v32 =	vor.u32 $0x3F800000, v29;
	v27 =	vcvt.s32.f32 v49;
	v26 =	vcvt.s32.f32 v44  }
0xd4: {  	v42 =	vor.u32 $0x3F800000, v11;
	v17 =	vor.u32 $0x3F800000, v10;
	v11 =	vcvt.s32.f32 v4  }
0xd5: {  	v4 =	vcvt.s32.f32 v58;
	v10 =	vcvt.s32.f32 v19;
	v19 =	vshra.s32 v30, $0x17  }
0xd6: {  	[tilespmem:$0x1FF70] =	vst v61;
	v61 =	vcvt.s32.f32 v24;
	v24 =	vshra.s32 v22, $0x17;
	v21 =	vshra.s32 v18, $0x17  }
0xd7: {  	[tilespmem:$0x1FFE0] =	vst v62;
	v62 =	vmul.f32 $7.915383570e-02, v14;
	v30 =	vand.u32 $0x7FFFFF, v35;
	v22 =	vand.u32 $0x7FFFFF, v22  }
0xd8: {  	v31 =	vand.u32 $0x7FFFFF, v18;
	v35 =	vor.u32 $0x3F800000, v25;
	v18 =	vadd.s32 $0xFFFFFF81, v53  }
0xd9: {  	v25 =	vcvt.s32.f32 v23;
	v23 =	vcvt.s32.f32 v50;
	v49 =	vsub.f32 $6.288414590e-01, v56  }
0xda: {  	v53 =	vmul.f32 $7.915383570e-02, v32;
	v0 =	vadd.f32 v0, v3;
	v52 =	vmul.f32 $7.915383570e-02, v42  }
0xdb: {  	v6 =	vshra.s32 v20, $0x17;
	[tilespmem:$0x1FFC0] =	vst v60;
	v58 =	vmul.f32 $7.915383570e-02, v17;
	v60 =	vmul.f32 $7.915383570e-02, v16  }
0xdc: {  	v20 =	vand.u32 $0x7FFFFF, v20;
	v3 =	vadd.s32 $0xFFFFFF81, v19;
	v19 =	vadd.s32 $0xFFFFFF81, v21  }
0xdd: {  	v29 =	vor.u32 $0x3F800000, v22;
	v21 =	vcvt.s32.f32 v47;
	v47 =	vmul.f32 $7.915383570e-02, v36  }
0xde: {  	[tilespmem:$0x1FFB0] =	vst v5;
	v50 =	vsub.f32 $6.288414590e-01, v55;
	v55 =	vmax.f32 v57, $0.0e+00;
	v44 =	vmax.f32 v59, $0.0e+00  }
0xdf: {  	v1 =	vsub.f32 $6.288414590e-01, v1;
	v5 =	vmax.f32 v43, $0.0e+00;
	[tilespmem:$0x1FFD0] =	vst v61;
	v61 =	vadd.f32 $2.000000000e+00, v34  }
0xe0: {  	[tilespmem:$0x1FFA0] =	vst v4;
	v48 =	vadd.s32 $0xFFFFFF81, v6;
	v4 =	vadd.s32 $0xFFFFFF81, v24;
	v34 =	vor.u32 $0x3F800000, v28  }
0xe1: {  	v28 =	vor.u32 $0x3F800000, v30;
	v33 =	vor.u32 $0x3F800000, v20;
	v30 =	vor.u32 $0x3F800000, v31  }
0xe2: {  	v24 =	vcvt.s32.f32 v3;
	v31 =	vor.u32 $0x3F800000, v2;
	v3 =	vsub.f32 $6.288414590e-01, v51  }
0xe3: {  	v51 =	vmul.f32 $7.915383570e-02, v37;
	v44 =	vmin.f32 v44, $1.000000000e+00;
	v43 =	vmin.f32 v55, $1.000000000e+00  }
0xe4: {  	v5 =	vmin.f32 v5, $1.000000000e+00;
	v49 =	vmul.f32 v38, v49;
	[tilespmem:$0x1FF60] =	vst v0;
	v0 =	vmul.f32 $7.915383570e-02, v15  }
0xe5: {  	v53 =	vsub.f32 $6.288414590e-01, v53;
	v22 =	vcvt.s32.f32 v48;
	v20 =	vcvt.s32.f32 v4  }
0xe6: {  	v2 =	vsub.f32 $6.288414590e-01, v52;
	v4 =	vsub.f32 $6.288414590e-01, v54;
	v48 =	vmul.f32 $7.915383570e-02, v35  }
0xe7: {  	v52 =	vsub.f32 $6.288414590e-01, v58;
	v54 =	vmul.f32 $7.915383570e-02, v34;
	v56 =	vsub.f32 $6.288414590e-01, v60  }
0xe8: {  	v57 =	vmul.f32 $7.915383570e-02, v33;
	v58 =	vsub.f32 $6.288414590e-01, v62;
	v59 =	vmul.f32 $7.915383570e-02, v28  }
0xe9: {  	v62 =	vmax.f32 v63, $0.0e+00;
	v63 =	vmul.f32 $7.915383570e-02, v30;
	v6 =	vmul.f32 $7.915383570e-02, v31  }
0xea: {  	v50 =	vmul.f32 v39, v50;
	v47 =	vsub.f32 $6.288414590e-01, v47;
	v1 =	vmul.f32 v13, v1  }
0xeb: {  	v5 =	vadd.f32 v45, v5;
	v60 =	vmax.f32 v61, $0.0e+00;
	v61 =	vmul.f32 $7.915383570e-02, v29  }
0xec: {  	v55 =	vmin.f32 v62, $1.000000000e+00;
	v3 =	vmul.f32 v40, v3;
	v51 =	vsub.f32 $6.288414590e-01, v51  }
0xed: {  	v49 =	vadd.f32 $-2.081128600e+00, v49;
	v53 =	vmul.f32 v32, v53;
	v0 =	vsub.f32 $6.288414590e-01, v0  }
0xee: {  	v60 =	vmin.f32 v60, $1.000000000e+00;
	v4 =	vmul.f32 v41, v4;
	v2 =	vmul.f32 v42, v2  }
0xef: {  	v48 =	vsub.f32 $6.288414590e-01, v48;
	v52 =	vmul.f32 v17, v52;
	v54 =	vsub.f32 $6.288414590e-01, v54  }
0xf0: {  	v56 =	vmul.f32 v16, v56;
	v57 =	vsub.f32 $6.288414590e-01, v57;
	v59 =	vsub.f32 $6.288414590e-01, v59  }
0xf1: {  	v58 =	vmul.f32 v14, v58;
	v6 =	vsub.f32 $6.288414590e-01, v6;
	v62 =	vsub.f32 $6.288414590e-01, v63  }
0xf2: {  	v47 =	vmul.f32 v36, v47;
	v1 =	vadd.f32 $-2.081128600e+00, v1;
	v5 =	vadd.f32 v5, v55  }
0xf3: {  	v61 =	vsub.f32 $6.288414590e-01, v61;
	v3 =	vadd.f32 $-2.081128600e+00, v3;
	v49 =	vmul.f32 v38, v49  }
0xf4: {  	v53 =	vadd.f32 $-2.081128600e+00, v53;
	v0 =	vmul.f32 v15, v0;
	v4 =	vadd.f32 $-2.081128600e+00, v4  }
0xf5: {  	v46 =	vmul.f32 v35, v48;
	v48 =	vadd.f32 $-2.081128600e+00, v50;
	v50 =	vmul.f32 v37, v51  }
0xf6: {  	v51 =	vadd.f32 $-2.081128600e+00, v52;
	v52 =	vmul.f32 v34, v54;
	v54 =	vadd.f32 $-2.081128600e+00, v56  }
0xf7: {  	v56 =	vmul.f32 v33, v57;
	v57 =	vadd.f32 $-2.081128600e+00, v58;
	v58 =	vmul.f32 v28, v59  }
0xf8: {  	v2 =	vadd.f32 $-2.081128600e+00, v2;
	v59 =	vmul.f32 v30, v62;
	v6 =	vmul.f32 v31, v6  }
0xf9: {  	v47 =	vadd.f32 $-2.081128600e+00, v47;
	v1 =	vmul.f32 v13, v1;
	v61 =	vmul.f32 v29, v61  }
0xfa: {  	v3 =	vmul.f32 v40, v3;
	v8 =	vadd.f32 $4.028450490e+00, v49;
	v9 =	vmul.f32 v32, v53  }
0xfb: {  	v0 =	vadd.f32 $-2.081128600e+00, v0;
	v4 =	vmul.f32 v41, v4;
	v2 =	vmul.f32 v42, v2  }
0xfc: {  	v45 =	vadd.f32 $-2.081128600e+00, v46;
	v46 =	vmul.f32 v39, v48;
	v48 =	vadd.f32 $-2.081128600e+00, v50  }
0xfd: {  	v50 =	vmul.f32 v17, v51;
	v51 =	vadd.f32 $-2.081128600e+00, v52;
	v52 =	vmul.f32 v16, v54  }
0xfe: {  	v54 =	vadd.f32 $-2.081128600e+00, v56;
	v62 =	vmul.f32 v14, v57;
	v63 =	vadd.f32 $-2.081128600e+00, v58  }
0xff: {  	v6 =	vadd.f32 $-2.081128600e+00, v6;
	v59 =	vadd.f32 $-2.081128600e+00, v59;
	v47 =	vmul.f32 v36, v47  }
0x100: {  	v61 =	vadd.f32 $-2.081128600e+00, v61;
	v3 =	vadd.f32 $4.028450490e+00, v3;
	v38 =	vmul.f32 v38, v8  }
0x101: {  	v0 =	vmul.f32 v15, v0;
	v4 =	vadd.f32 $4.028450490e+00, v4;
	v2 =	vadd.f32 $4.028450490e+00, v2  }
0x102: {  	v55 =	vmul.f32 v35, v45;
	v7 =	vadd.f32 $4.028450490e+00, v46;
	v48 =	vmul.f32 v37, v48  }
0x103: {  	v56 =	vadd.f32 $4.028450490e+00, v50;
	v49 =	vmul.f32 v34, v51;
	v57 =	vadd.f32 $4.028450490e+00, v52  }
0x104: {  	v50 =	vmul.f32 v33, v54;
	v58 =	vadd.f32 $4.028450490e+00, v62;
	v54 =	vadd.f32 $4.028450490e+00, v1  }
0x105: {  	p0 =	sne.s32 s15, $0x15F;
	v59 =	vmul.f32 v30, v59;
	v45 =	vadd.f32 v5, v60;
	v60 =	vmul.f32 v31, v6  }
.Ltmp0:
0x106: {  	v51 =	vadd.f32 $4.028450490e+00, v47;
	v1 =	vmul.f32 v29, v61;
	v46 =	vmul.f32 v40, v3;
	(pc) =	sbr.rel @p0 .LBB2_2-.Ltmp0, $4  }
0x107: {  	v53 =	vadd.f32 $4.028450490e+00, v0;
	v0 =	vmul.f32 v28, v63;
	v55 =	vadd.f32 $4.028450490e+00, v55  }
0x108: {  	v42 =	vmul.f32 v42, v2;
	v49 =	vadd.f32 $4.028450490e+00, v49;
	v52 =	vadd.f32 $4.028450490e+00, v48  }
0x109: {  	v40 =	vmul.f32 v41, v4;
	v47 =	vadd.f32 $4.028450490e+00, v50;
	v50 =	vadd.f32 $4.028450490e+00, v9  }
0x10a: {  	s15 =	sadd.s32 $0x1, s15;
	v39 =	vmul.f32 v39, v7;
	v41 =	vadd.f32 $4.028450490e+00, v1;
	v48 =	vadd.f32 $4.028450490e+00, v0  }
0x10b: {  	v0 =	vadd.f32 $4.028450490e+00, v60  }
0x10c: {  	v1 =	vadd.f32 $4.028450490e+00, v59;
	v2 =	vmul.f32 v17, v56;
	v3 =	vadd.f32 v45, v44  }
0x10d: {  	v4 =	vmul.f32 v16, v57;
	v5 =	vadd.f32 $-2.496805910e+00, v46;
	v6 =	vmul.f32 v14, v58  }
0x10e: {  	v7 =	vadd.f32 $-2.496805910e+00, v40;
	v8 =	vadd.f32 $-2.496805910e+00, v42;
	v9 =	vmul.f32 v15, v53  }
0x10f: {  	v61 =	vadd.f32 $-2.496805910e+00, v38;
	v13 =	vmul.f32 v13, v54;
	v63 =	vmul.f32 v35, v55  }
0x110: {  	v38 =	vmul.f32 v36, v51;
	v42 =	vmul.f32 v34, v49;
	v62 =	vadd.f32 $-2.496805910e+00, v39  }
0x111: {  	v32 =	vmul.f32 v32, v50;
	v4 =	vadd.f32 $-2.496805910e+00, v4;
	v2 =	vadd.f32 $-2.496805910e+00, v2  }
0x112: {  	v33 =	vmul.f32 v33, v47;
	v9 =	vadd.f32 $-2.496805910e+00, v9;
	v6 =	vadd.f32 $-2.496805910e+00, v6  }
0x113: {  	v39 =	vmul.f32 v37, v52;
	v3 =	vadd.f32 v3, v43;
	v13 =	vadd.f32 $-2.496805910e+00, v13  }
0x114: {  	v28 =	vmul.f32 v28, v48;
	v8 =	vadd.f32 v11, v8;
	v16 =	vadd.f32 $-2.496805910e+00, v63  }
0x115: {  	v40 =	vld [tilespmem:$0x1FF70];
	v29 =	vmul.f32 v29, v41;
	v17 =	vadd.f32 $-2.496805910e+00, v38;
	v10 =	vadd.f32 v10, v61  }
0x116: {  	v44 =	vld [tilespmem:$0x1FF90];
	v11 =	vadd.f32 $-2.496805910e+00, v42;
	v32 =	vadd.f32 $-2.496805910e+00, v32;
	v1 =	vmul.f32 v30, v1  }
0x117: {  	v46 =	vld [tilespmem:$0x1FFA0];
	v49 =	vadd.f32 $-2.496805910e+00, v33;
	v0 =	vmul.f32 v31, v0;
	v45 =	vadd.f32 $-2.496805910e+00, v39  }
0x118: {  	v47 =	vld [tilespmem:$0x1FFB0];
	v12 =	vmax.f32 v12, $0.0e+00;
	v28 =	vadd.f32 $-2.496805910e+00, v28;
	v29 =	vadd.f32 $-2.496805910e+00, v29  }
0x119: {  	v50 =	vld [tilespmem:$0x1FFD0];
	v12 =	vmin.f32 v12, $1.000000000e+00;
	v0 =	vadd.f32 $-2.496805910e+00, v0;
	v1 =	vadd.f32 $-2.496805910e+00, v1  }
0x11a: {  	v51 =	vld [tilespmem:$0x1FFE0];
	v3 =	vadd.f32 v3, v12;
	v16 =	vadd.f32 v27, v16  }
0x11b: {  	v17 =	vadd.f32 v26, v17;
	v23 =	vadd.f32 v23, v32  }
0x11c: {  	v48 =	vld [tilespmem:$0x1FFC0];
	v11 =	vadd.f32 v24, v11;
	v22 =	vadd.f32 v22, v49  }
0x11d: {  	v53 =	vld [tilespmem:$0x1FFF0];
	v5 =	vadd.f32 v40, v5;
	v15 =	vadd.f32 v44, v62  }
0x11e: {  	v2 =	vadd.f32 v46, v2;
	v4 =	vadd.f32 v47, v4  }
0x11f: {  	v18 =	vcvt.s32.f32 v18;
	v43 =	vld [tilespmem:$0x1FF80];
	v9 =	vadd.f32 v50, v9;
	v13 =	vadd.f32 v51, v13  }
0x120: {  	v52 =	vcvt.s32.f32 v19;
	v14 =	vadd.f32 v25, v45;
	v21 =	vadd.f32 v21, v28  }
0x121: {  	v54 =	vadd.f32 v20, v29;
	v6 =	vadd.f32 v48, v6  }
0x122: {  	v19 =	vmax.f32 v53, $0.0e+00;
	v0 =	vadd.f32 v18, v0;
	v1 =	vadd.f32 v52, v1  }
0x123: {  	v19 =	vmin.f32 v19, $1.000000000e+00;
	v8 =	vsub.f32 v8, v17;
	v10 =	vsub.f32 v10, v23  }
0x124: {  	v7 =	vadd.f32 v43, v7;
	v3 =	vadd.f32 v3, v19  }
0x125: {  	v15 =	vsub.f32 v15, v11;
	v2 =	vsub.f32 v2, v22  }
0x126: {  	v4 =	vsub.f32 v4, v21;
	v13 =	vsub.f32 v13, v0  }
0x127: {  	v9 =	vsub.f32 v9, v1;
	v6 =	vsub.f32 v6, v54  }
0x128: {  	v55 =	vadd.f32 $-9.000000000e+00, v3;
	v56 =	vadd.f32 $-8.000000000e+00, v3  }
0x129: {  	v57 =	vadd.f32 $-7.000000000e+00, v3;
	v60 =	vand.u32 $0x7FFFFFFF, v3;
	v61 =	vadd.f32 $-1.000000000e+00, v3  }
0x12a: {  	v58 =	vadd.f32 $-6.000000000e+00, v3;
	v26 =	vsub.f32 $1.000000000e+00, v60  }
0x12b: {  	v59 =	vadd.f32 $-5.000000000e+00, v3;
	v63 =	vadd.f32 $-2.000000000e+00, v3;
	v27 =	vand.u32 $0x7FFFFFFF, v61  }
0x12c: {  	v33 =	vld [tilespmem:$0x1FF60];
	v62 =	vadd.f32 $-4.000000000e+00, v3;
	v26 =	vmax.f32 v26, $0.0e+00;
	v27 =	vsub.f32 $1.000000000e+00, v27  }
0x12d: {  	v3 =	vadd.f32 $-3.000000000e+00, v3;
	v30 =	vand.u32 $0x7FFFFFFF, v63;
	v13 =	vmul.f32 v26, v13  }
0x12e: {  	v7 =	vsub.f32 v7, v14;
	v26 =	vsub.f32 $1.000000000e+00, v30;
	v27 =	vmax.f32 v27, $0.0e+00  }
0x12f: {  	v3 =	vand.u32 $0x7FFFFFFF, v3;
	v0 =	vadd.f32 v13, v0;
	v9 =	vmul.f32 v27, v9  }
0x130: {  	v32 =	vand.u32 $0x7FFFFFFF, v62;
	v3 =	vsub.f32 $1.000000000e+00, v3;
	v31 =	vmax.f32 v26, $0.0e+00  }
0x131: {  	v6 =	vmul.f32 v6, v31;
	v0 =	vadd.f32 v0, v33;
	v1 =	vadd.f32 v9, v1  }
0x132: {  	v35 =	vand.u32 $0x7FFFFFFF, v59;
	v34 =	vsub.f32 $1.000000000e+00, v32;
	v3 =	vmax.f32 v3, $0.0e+00  }
0x133: {  	v3 =	vmul.f32 v4, v3;
	v36 =	vadd.f32 v6, v54;
	v0 =	vadd.f32 v1, v0  }
0x134: {  	v39 =	vand.u32 $0x7FFFFFFF, v58;
	v38 =	vsub.f32 $1.000000000e+00, v35;
	v37 =	vmax.f32 v34, $0.0e+00  }
0x135: {  	v2 =	vmul.f32 v2, v37;
	v40 =	vadd.f32 v3, v21;
	v0 =	vadd.f32 v0, v36  }
0x136: {  	v43 =	vand.u32 $0x7FFFFFFF, v57;
	v42 =	vsub.f32 $1.000000000e+00, v39;
	v41 =	vmax.f32 v38, $0.0e+00  }
0x137: {  	v45 =	vmul.f32 v10, v41;
	v44 =	vadd.f32 v2, v22;
	v0 =	vadd.f32 v0, v40  }
0x138: {  	v48 =	vand.u32 $0x7FFFFFFF, v56;
	v47 =	vsub.f32 $1.000000000e+00, v43;
	v46 =	vmax.f32 v42, $0.0e+00  }
0x139: {  	v50 =	vmul.f32 v15, v46;
	v49 =	vadd.f32 v45, v23;
	v0 =	vadd.f32 v0, v44  }
0x13a: {  	v53 =	vand.u32 $0x7FFFFFFF, v55;
	v52 =	vsub.f32 $1.000000000e+00, v48;
	v51 =	vmax.f32 v47, $0.0e+00  }
0x13b: {  	v55 =	vmul.f32 v7, v51;
	v54 =	vadd.f32 v50, v11;
	v0 =	vadd.f32 v0, v49  }
0x13c: {  	v5 =	vsub.f32 v5, v16;
	v57 =	vsub.f32 $1.000000000e+00, v53;
	v56 =	vmax.f32 v52, $0.0e+00  }
0x13d: {  	v59 =	vmul.f32 v8, v56;
	v58 =	vadd.f32 v55, v14;
	v0 =	vadd.f32 v0, v54  }
0x13e: {  	v60 =	vmax.f32 v57, $0.0e+00  }
0x13f: {  	v62 =	vmul.f32 v5, v60;
	v61 =	vadd.f32 v59, v17;
	v0 =	vadd.f32 v0, v58;
	_ =	sdelay $0x1  }
0x140: {  	v63 =	vadd.f32 v62, v16;
	v0 =	vadd.f32 v0, v61;
	_ =	sdelay $0x1  }
0x141: {  	s13 =	sadd.s32 $0x1, s13;
	v0 =	vadd.f32 v0, v63  }
0x142: {  	p0 =	sne.s32 s13, s7  }
.Ltmp1:
0x143: {  	[tilespmem:$0xF200] =	vst v0;
	(pc) =	sbr.rel @p0 .LBB2_1-.Ltmp1, $4  }
0x144: {  	[hbm4b:s6+s2] =	stream.linear.scatter [tilespmem:s12], [sflag:$0x1], $0x80, $0x38;
	[tilespmem:$0xF280] =	vst v63  }
0x145: {  	_ =	swait.ge [sflag:s8], $0x80  }
0x146: {  	[sflag:s8] =	ssyncset.done $0x0  }
0x147: {  	[sflag:s8] =	ssyncadd.s32 $0xFFFFFF80  }
0x148: {  	_ =	sfence.sel $0x180000  }
0x149: {  	[bflag:$0x0] =	sbarrier.arrive $0xFFFF  }
0x14a: {  	p0 =	sne.s32 s0, $0x0;
	_ =	strace $0x90000047  }
0x14b: {  	s0 =	sadd.s32 @!p0 $0x100000, s1;
	[bflag:$0x2] =	sbarrier.arrive $0xFFFF  }
0x14c: {  	[sflag:s0] =	ssyncadd.tile.s32 @!p0 $0x1;
	_ =	shalt  }
.Lfunc_end2:
_tile_overlayer_lowered:
.L_overlay_start_2:
0x14d: {  	(tag) =	ssettag $0x2  }
0x14e: {  	s0 =	rddreg [dreg:$0x0];
	s2 =	stileid.u32  }
0x14f: {  	s1 =	rddreg [dreg:$0x1];
	p0 =	sne.s32 s2, $0x0  }
0x150: {  	s3 =	rddreg [dreg:$0x2];
	[bflag:$0x3] =	sbarrier.arrive $0xFFFF;
	s2 =	simm.s32 @!p0 $0x1C01  }
0x151: {  	[timem:s3], [sflag:s2] =	dma.local @!p0 [hbm:s0], s1  }
0x152: {  	s0 =	simm.s32 @!p0 $0x1  }
0x153: {  	_ =	swait.ge @!p0 [sflag:s0], s1  }
0x154: {  	s1 =	ssub.s32 @!p0 $0x0, s1;
	[sflag:s0] =	ssyncset.done @!p0 $0x0  }
0x155: {  	[sflag:s0] =	ssyncadd.s32 @!p0 s1  }
0x156: {  	[bflag:$0x3] =	sbarrier.arrive $0xFFFF  }
0x157: {  	_ =	shalt  }

</sc_bundles>
